<compile_context>
chip_gen: v7x
topology: tpu7x:2x2x1
jax: 0.10.2.dev20260603
libtpu: 0.0.44.dev20260713+nightly
codegen_flags: <defaults>
</compile_context>

<pallas_src>
import functools

import jax
import jax.numpy as jnp
from jax import lax
from jax.experimental import pallas as pl
from jax.experimental.pallas import tpu as pltpu
from jax.experimental.pallas import tpu_sc as plsc

N_NODES = 10000
N_EDGES = 320000
HIDDEN = 128

NC = 2
NS = 16
NW = NC * NS
CHUNK = 80
NCHUNK = 125
EPW = CHUNK * NCHUNK
RPT = 632
RPT_LAST = N_NODES - 15 * RPT
NBUF = 3
LEAD = 2


def _sc_aggregate(x, edges):
    mesh = plsc.VectorSubcoreMesh(core_axis_name="c", subcore_axis_name="s")

    @functools.partial(
        pl.kernel,
        mesh=mesh,
        out_type=jax.ShapeDtypeStruct((NC, N_NODES, HIDDEN), jnp.float32),
        scratch_types=[
            pltpu.VMEM_SHARED((N_NODES, HIDDEN), jnp.float32),
            pltpu.VMEM((EPW,), jnp.int32),
            pltpu.VMEM((EPW,), jnp.int32),
            pltpu.VMEM((NBUF, CHUNK, HIDDEN), jnp.float32),
            pltpu.SemaphoreType.DMA((NBUF,)),
            pltpu.SemaphoreType.DMA((NBUF,)),
            pltpu.SemaphoreType.DMA,
            pltpu.SemaphoreType.DMA,
        ],
    )
    def k(x_hbm, e_hbm, out_hbm, acc, src_v, dst_v, rows_v,
          gsem, ssem, isem, esem):
        c = lax.axis_index("c")
        s = lax.axis_index("s")
        wid = s * NC + c
        pltpu.async_copy(e_hbm.at[pl.ds(wid * EPW, EPW)], src_v, esem)
        pltpu.async_copy(e_hbm.at[pl.ds(N_EDGES + wid * EPW, EPW)],
                         dst_v, esem)
        @pl.when(jnp.logical_and(c == 0, s < NS - 1))
        def _():
            pltpu.async_copy(x_hbm.at[pl.ds(s * RPT, RPT)],
                             acc.at[pl.ds(s * RPT, RPT)], isem)
        @pl.when(jnp.logical_and(c == 0, s == NS - 1))
        def _():
            pltpu.async_copy(x_hbm.at[pl.ds((NS - 1) * RPT, RPT_LAST)],
                             acc.at[pl.ds((NS - 1) * RPT, RPT_LAST)], isem)
        @pl.when(c == 1)
        def _():
            z = rows_v.at[0]
            def zbody(r, carry):
                for q in range(HIDDEN // 16):
                    z[r, pl.ds(q * 16, 16)] = jnp.zeros((16,), jnp.float32)
                return carry
            lax.fori_loop(0, CHUNK, zbody, 0)
            @pl.when(s < NS - 1)
            def _():
                for kk in range(RPT // CHUNK):
                    pltpu.sync_copy(z, acc.at[pl.ds(s * RPT + kk * CHUNK,
                                                    CHUNK)])
                pltpu.sync_copy(
                    z.at[pl.ds(0, RPT % CHUNK)],
                    acc.at[pl.ds(s * RPT + (RPT // CHUNK) * CHUNK,
                                 RPT % CHUNK)])
            @pl.when(s == NS - 1)
            def _():
                for kk in range(RPT_LAST // CHUNK):
                    pltpu.sync_copy(
                        z, acc.at[pl.ds((NS - 1) * RPT + kk * CHUNK, CHUNK)])
                pltpu.sync_copy(
                    z.at[pl.ds(0, RPT_LAST % CHUNK)],
                    acc.at[pl.ds((NS - 1) * RPT + (RPT_LAST // CHUNK) * CHUNK,
                                 RPT_LAST % CHUNK)])
        pltpu.make_async_copy(e_hbm.at[pl.ds(wid * EPW, EPW)],
                              src_v, esem).wait()
        pltpu.make_async_copy(e_hbm.at[pl.ds(N_EDGES + wid * EPW, EPW)],
                              dst_v, esem).wait()

        GSUB = 2
        GPART = CHUNK // GSUB

        def start_gather(j, b):
            for i in range(GSUB):
                pltpu.async_copy(
                    x_hbm.at[src_v.at[pl.ds(j * CHUNK + i * GPART, GPART)]],
                    rows_v.at[b].at[pl.ds(i * GPART, GPART)], gsem.at[b])

        def wait_gather(j, b):
            for i in range(GSUB):
                pltpu.make_async_copy(
                    x_hbm.at[src_v.at[pl.ds(j * CHUNK + i * GPART, GPART)]],
                    rows_v.at[b].at[pl.ds(i * GPART, GPART)], gsem.at[b]).wait()

        def start_scatter(j, b):
            for i in range(CHUNK // 16):
                idx = dst_v[pl.ds(j * CHUNK + i * 16, 16)]
                pltpu.async_copy(rows_v.at[b].at[pl.ds(i * 16, 16)],
                                 acc.at[idx], ssem.at[b], add=True)

        def wait_scatter(j, b):
            for i in range(CHUNK // 16):
                idx = dst_v[pl.ds(j * CHUNK + i * 16, 16)]
                pltpu.make_async_copy(rows_v.at[b].at[pl.ds(i * 16, 16)],
                                      acc.at[idx], ssem.at[b]).wait()

        for b in range(LEAD + 1):
            start_gather(b, b)
        @pl.when(jnp.logical_and(c == 0, s < NS - 1))
        def _():
            pltpu.make_async_copy(x_hbm.at[pl.ds(s * RPT, RPT)],
                                  acc.at[pl.ds(s * RPT, RPT)], isem).wait()
        @pl.when(jnp.logical_and(c == 0, s == NS - 1))
        def _():
            pltpu.make_async_copy(
                x_hbm.at[pl.ds((NS - 1) * RPT, RPT_LAST)],
                acc.at[pl.ds((NS - 1) * RPT, RPT_LAST)], isem).wait()
        plsc.subcore_barrier()
        wait_gather(0, 0)
        start_scatter(0, 0)

        def body(g, carry):
            for b in range(NBUF):
                j = g * NBUF + b
                wait_scatter(j - NBUF, b)
                start_gather(j, b)
                jq = j - LEAD
                bq = (b + NBUF - LEAD) % NBUF
                wait_gather(jq, bq)
                start_scatter(jq, bq)
            return carry

        G = (NCHUNK - LEAD) // NBUF
        lax.fori_loop(1, G, body, 0)
        for j in range(G * NBUF, NCHUNK):
            b = j % NBUF
            wait_scatter(j - NBUF, b)
            start_gather(j, b)
            jq = j - LEAD
            wait_gather(jq, jq % NBUF)
            start_scatter(jq, jq % NBUF)
        for jq in range(NCHUNK, NCHUNK + LEAD):
            wait_gather(jq - LEAD, (jq - LEAD) % NBUF)
            start_scatter(jq - LEAD, (jq - LEAD) % NBUF)
        for jt in range(NCHUNK - NBUF, NCHUNK):
            wait_scatter(jt, jt % NBUF)
        plsc.subcore_barrier()
        @pl.when(s < NS - 1)
        def _():
            pltpu.sync_copy(acc.at[pl.ds(s * RPT, RPT)],
                            out_hbm.at[c].at[pl.ds(s * RPT, RPT)])
        @pl.when(s == NS - 1)
        def _():
            pltpu.sync_copy(acc.at[pl.ds((NS - 1) * RPT, RPT_LAST)],
                            out_hbm.at[c].at[pl.ds((NS - 1) * RPT, RPT_LAST)])

    return k(x, edges)


def _tc_dense(partials, W, b, gamma, beta):
    def body(p_ref, w_ref, b_ref, g_ref, be_ref, o_ref):
        h = p_ref[0] + p_ref[1]
        h = jnp.dot(h, w_ref[...], preferred_element_type=jnp.float32)
        h = h + b_ref[...]
        mean = jnp.mean(h, axis=0, keepdims=True)
        var = jnp.mean((h - mean) * (h - mean), axis=0, keepdims=True)
        h = (h - mean) * lax.rsqrt(var + 1e-5) * g_ref[...] + be_ref[...]
        o_ref[...] = jnp.maximum(h, 0.0)

    return pl.pallas_call(
        body,
        out_shape=jax.ShapeDtypeStruct((N_NODES, HIDDEN), jnp.float32),
    )(partials, W, b.reshape(1, HIDDEN), gamma.reshape(1, HIDDEN),
      beta.reshape(1, HIDDEN))


def kernel(x, edge_index, batch, W, b, gamma, beta):
    del batch
    edges = edge_index.astype(jnp.int32).reshape(2 * N_EDGES)
    partials = _sc_aggregate(x, edges)
    return _tc_dense(partials, W, b, gamma, beta)

# --- scband reference (transcript-rebuilt; emitter-appended) ---
"""Pipeline reference for scband-base-model-58171037057288 (READ-ONLY COPY).

The authoritative reference and input builder live on the scoring server;
editing this copy changes nothing except your own understanding.
"""

import jax, jax.numpy as jnp
import numpy as np

N_NODES = 10000
N_EDGES = 320000
HIDDEN = 128

def setup_inputs(seed: int = 0) -> dict:
    key = jax.random.key(seed)
    k1, k2, k3, k4 = jax.random.split(key, 4)
    x = jax.random.normal(k1, (N_NODES, HIDDEN), dtype=jnp.float32)
    edge_index = jax.random.randint(k2, (2, N_EDGES), 0, N_NODES, dtype=jnp.int64)
    batch = jnp.zeros((N_NODES,), dtype=jnp.int64)
    # GINConv nn = Linear(128,128) -> BatchNorm1d(128) -> ReLU -> Dropout(0.0)
    W = jax.random.normal(k3, (HIDDEN, HIDDEN), dtype=jnp.float32) * (1.0 / np.sqrt(HIDDEN))
    b = jax.random.normal(k4, (HIDDEN,), dtype=jnp.float32) * 0.01
    gamma = jnp.ones((HIDDEN,), dtype=jnp.float32)
    beta = jnp.zeros((HIDDEN,), dtype=jnp.float32)
    return {"x": x, "edge_index": edge_index, "batch": batch, "W": W, "b": b, "gamma": gamma, "beta": beta}

def reference(x, edge_index, batch, W, b, gamma, beta):
    # GINConv (eps=0, train_eps=False): h_i = nn((1+eps)*x_i + sum_{j->i} x_j)
    src = edge_index[0]
    dst = edge_index[1]
    msgs = jnp.take(x, src, axis=0)                      # gather [E, d]
    agg = jax.ops.segment_sum(msgs, dst, num_segments=N_NODES)  # scatter-add
    h = x + agg
    # Linear
    h = h @ W + b
    # BatchNorm1d (training-mode batch statistics, biased variance, eps=1e-5)
    mean = jnp.mean(h, axis=0)
    var = jnp.var(h, axis=0)
    h = (h - mean) / jnp.sqrt(var + 1e-5) * gamma + beta
    # ReLU; Dropout(p=0.0) is identity
    h = jax.nn.relu(h)
    return h

if __name__ == "__main__":
    import jax
    _d = setup_inputs()
    print(jax.jit(kernel)(*tuple(_d.values())))

</pallas_src>

<mosaic_0001>
#map = affine_map<(d0, d1) -> (0, 0)>
#map1 = affine_map<(d0, d1) -> (0)>
#map2 = affine_map<(d0, d1) -> (0, 0, 0)>
module attributes {stable_mosaic.version = 14 : i64} {
  func.func @k(%arg0: i32, %arg1: i32, %arg2: memref<10000x128xf32, #tpu.memory_space<hbm>>, %arg3: memref<640000xi32, #tpu.memory_space<hbm>>, %arg4: memref<2x10000x128xf32, #tpu.memory_space<hbm>>, %arg5: memref<10000x128xf32, #tpu.memory_space<vmem_shared>>, %arg6: memref<10000xi32, #tpu.memory_space<vmem>>, %arg7: memref<10000xi32, #tpu.memory_space<vmem>>, %arg8: memref<3x80x128xf32, #tpu.memory_space<vmem>>, %arg9: memref<3x!tpu.dma_semaphore, #tpu.memory_space<semaphore_mem>>, %arg10: memref<3x!tpu.dma_semaphore, #tpu.memory_space<semaphore_mem>>, %arg11: memref<!tpu.dma_semaphore, #tpu.memory_space<semaphore_mem>>, %arg12: memref<!tpu.dma_semaphore, #tpu.memory_space<semaphore_mem>>) attributes {dimension_semantics = [#tpu.dimension_semantics<core_parallel>, #tpu.dimension_semantics<subcore_parallel>], iteration_bounds = array<i64: 2, 16>, scalar_prefetch = 0 : i64, scratch_operands = 8 : i64, tpu.core_type = #tpu.core_type<sc_vector_subcore>, window_params = [{transform_indices = #map}, {transform_indices = #map1}, {transform_indices = #map2}]} {
    %mul3A = arith.constant 2 : i32
    %mul3A_0 = arith.muli %arg1, %mul3A : i32
    %add3A = arith.addi %mul3A_0, %arg0 : i32
    %mul3A_1 = arith.constant 10000 : i32
    %mul3A_2 = arith.muli %add3A, %mul3A_1 : i32
    %dma_start3A = tpu.memref_slice %arg3[%mul3A_2] : memref<640000xi32, #tpu.memory_space<hbm>> -> memref<10000xi32, #tpu.memory_space<hbm>>
    %dma_start3A_3 = tpu.memref_slice %arg3[%mul3A_2] : memref<640000xi32, #tpu.memory_space<hbm>> -> memref<10000xi32, #tpu.memory_space<hbm>>
    tpu.enqueue_dma source(%dma_start3A_3 : memref<10000xi32, #tpu.memory_space<hbm>>) target(%arg6 : memref<10000xi32, #tpu.memory_space<vmem>>) target_semaphore(%arg12 : memref<!tpu.dma_semaphore, #tpu.memory_space<semaphore_mem>>)
    %mul3A_4 = arith.constant 10000 : i32
    %mul3A_5 = arith.muli %add3A, %mul3A_4 : i32
    %add3A_6 = arith.constant 320000 : i32
    %add3A_7 = arith.addi %add3A_6, %mul3A_5 : i32
    %dma_start3A_8 = tpu.memref_slice %arg3[%add3A_7] : memref<640000xi32, #tpu.memory_space<hbm>> -> memref<10000xi32, #tpu.memory_space<hbm>>
    %dma_start3A_9 = tpu.memref_slice %arg3[%add3A_7] : memref<640000xi32, #tpu.memory_space<hbm>> -> memref<10000xi32, #tpu.memory_space<hbm>>
    tpu.enqueue_dma source(%dma_start3A_9 : memref<10000xi32, #tpu.memory_space<hbm>>) target(%arg7 : memref<10000xi32, #tpu.memory_space<vmem>>) target_semaphore(%arg12 : memref<!tpu.dma_semaphore, #tpu.memory_space<semaphore_mem>>)
    %eq3A = arith.constant 0 : i32
    %eq3A_10 = arith.cmpi eq, %arg0, %eq3A : i32
    %lt3A = arith.constant 15 : i32
    %lt3A_11 = arith.cmpi slt, %arg1, %lt3A : i32
    %and3A = arith.andi %eq3A_10, %lt3A_11 : i1
    %convert_element_type3A = arith.extui %and3A : i1 to i32
    %cond3A = arith.constant 0 : i32
    %cond3A_12 = arith.cmpi ne, %convert_element_type3A, %cond3A : i32
    scf.if %cond3A_12 {
      %mul3A_1236 = arith.constant 632 : i32
      %mul3A_1237 = arith.muli %arg1, %mul3A_1236 : i32
      %mul3A_1238 = arith.constant 632 : i32
      %mul3A_1239 = arith.muli %arg1, %mul3A_1238 : i32
      %dma_start3A_1240 = arith.constant 0 : i32
      %dma_start3A_1241 = tpu.memref_slice %arg5[%mul3A_1239, %dma_start3A_1240] : memref<10000x128xf32, #tpu.memory_space<vmem_shared>> -> memref<632x128xf32, #tpu.memory_space<vmem_shared>>
      %dma_start3A_1242 = arith.constant 0 : i32
      %dma_start3A_1243 = tpu.memref_slice %arg2[%mul3A_1237, %dma_start3A_1242] : memref<10000x128xf32, #tpu.memory_space<hbm>> -> memref<632x128xf32, #tpu.memory_space<hbm>>
      tpu.enqueue_dma source(%dma_start3A_1243 : memref<632x128xf32, #tpu.memory_space<hbm>>) target(%dma_start3A_1241 : memref<632x128xf32, #tpu.memory_space<vmem_shared>>) target_semaphore(%arg11 : memref<!tpu.dma_semaphore, #tpu.memory_space<semaphore_mem>>)
    } else {
    }
    %eq3A_13 = arith.constant 0 : i32
    %eq3A_14 = arith.cmpi eq, %arg0, %eq3A_13 : i32
    %eq3A_15 = arith.constant 15 : i32
    %eq3A_16 = arith.cmpi eq, %arg1, %eq3A_15 : i32
    %and3A_17 = arith.andi %eq3A_14, %eq3A_16 : i1
    %convert_element_type3A_18 = arith.extui %and3A_17 : i1 to i32
    %cond3A_19 = arith.constant 0 : i32
    %cond3A_20 = arith.cmpi ne, %convert_element_type3A_18, %cond3A_19 : i32
    scf.if %cond3A_20 {
      %dma_start3A_1236 = arith.constant 9480 : i32
      %dma_start3A_1237 = arith.constant 0 : i32
      %dma_start3A_1238 = tpu.memref_slice %arg5[%dma_start3A_1236, %dma_start3A_1237] : memref<10000x128xf32, #tpu.memory_space<vmem_shared>> -> memref<520x128xf32, #tpu.memory_space<vmem_shared>>
      %dma_start3A_1239 = arith.constant 9480 : i32
      %dma_start3A_1240 = arith.constant 0 : i32
      %dma_start3A_1241 = tpu.memref_slice %arg2[%dma_start3A_1239, %dma_start3A_1240] : memref<10000x128xf32, #tpu.memory_space<hbm>> -> memref<520x128xf32, #tpu.memory_space<hbm>>
      tpu.enqueue_dma source(%dma_start3A_1241 : memref<520x128xf32, #tpu.memory_space<hbm>>) target(%dma_start3A_1238 : memref<520x128xf32, #tpu.memory_space<vmem_shared>>) target_semaphore(%arg11 : memref<!tpu.dma_semaphore, #tpu.memory_space<semaphore_mem>>)
    } else {
    }
    %eq3A_21 = arith.constant 1 : i32
    %eq3A_22 = arith.cmpi eq, %arg0, %eq3A_21 : i32
    %convert_element_type3A_23 = arith.extui %eq3A_22 : i1 to i32
    %cond3A_24 = arith.constant 0 : i32
    %cond3A_25 = arith.cmpi ne, %convert_element_type3A_23, %cond3A_24 : i32
    scf.if %cond3A_25 {
      %scan3A_1236 = arith.constant 0 : i32
      %scan3A_1237 = arith.constant 0 : i32
      %scan3A_1238 = arith.constant 0 : i32
      %scan3A_1239 = arith.constant 80 : i32
      %scan3A_1240 = arith.addi %scan3A_1238, %scan3A_1239 : i32
      %scan3A_1241 = arith.constant 1 : i32
      scf.for %scan3A_1255 = %scan3A_1238 to %scan3A_1240 step %scan3A_1241  : i32 {
        %broadcast_in_dim3A = arith.constant 0.000000e+00 : f32
        %broadcast_in_dim3A_1256 = vector.broadcast %broadcast_in_dim3A : f32 to vector<16xf32>
        %swap3A = arith.constant 0 : i32
        %swap3A_1257 = arith.constant 0 : i32
        %swap3A_1258 = tpu.memref_slice %arg8[%scan3A_1237, %swap3A, %swap3A_1257] : memref<3x80x128xf32, #tpu.memory_space<vmem>> -> memref<1x80x128xf32, #tpu.memory_space<vmem>>
        %swap3A_1259 = tpu.memref_squeeze %swap3A_1258 : memref<1x80x128xf32, #tpu.memory_space<vmem>> -> memref<80x128xf32, #tpu.memory_space<vmem>>
        %swap3A_1260 = arith.index_cast %scan3A_1255 : i32 to index
        %swap3A_1261 = arith.constant 0 : index
        %swap3A_1262 = tpu.vector_load %swap3A_1259[%swap3A_1260, %swap3A_1261] {strides = array<i32>} : memref<80x128xf32, #tpu.memory_space<vmem>>, vector<1x16xf32>,
        %swap3A_1263 = vector.shape_cast %swap3A_1262 : vector<1x16xf32> to vector<16xf32>
        %swap3A_1264 = vector.shape_cast %broadcast_in_dim3A_1256 : vector<16xf32> to vector<1x16xf32>
        tpu.vector_store %swap3A_1259[%swap3A_1260, %swap3A_1261], %swap3A_1264 {strides = array<i32>} : memref<80x128xf32, #tpu.memory_space<vmem>>, vector<1x16xf32>,
        %broadcast_in_dim3A_1265 = arith.constant 0.000000e+00 : f32
        %broadcast_in_dim3A_1266 = vector.broadcast %broadcast_in_dim3A_1265 : f32 to vector<16xf32>
        %swap3A_1267 = arith.constant 0 : i32
        %swap3A_1268 = arith.constant 0 : i32
        %swap3A_1269 = tpu.memref_slice %arg8[%scan3A_1237, %swap3A_1267, %swap3A_1268] : memref<3x80x128xf32, #tpu.memory_space<vmem>> -> memref<1x80x128xf32, #tpu.memory_space<vmem>>
        %swap3A_1270 = tpu.memref_squeeze %swap3A_1269 : memref<1x80x128xf32, #tpu.memory_space<vmem>> -> memref<80x128xf32, #tpu.memory_space<vmem>>
        %swap3A_1271 = arith.index_cast %scan3A_1255 : i32 to index
        %swap3A_1272 = arith.constant 16 : index
        %swap3A_1273 = tpu.vector_load %swap3A_1270[%swap3A_1271, %swap3A_1272] {strides = array<i32>} : memref<80x128xf32, #tpu.memory_space<vmem>>, vector<1x16xf32>,
        %swap3A_1274 = vector.shape_cast %swap3A_1273 : vector<1x16xf32> to vector<16xf32>
        %swap3A_1275 = vector.shape_cast %broadcast_in_dim3A_1266 : vector<16xf32> to vector<1x16xf32>
        tpu.vector_store %swap3A_1270[%swap3A_1271, %swap3A_1272], %swap3A_1275 {strides = array<i32>} : memref<80x128xf32, #tpu.memory_space<vmem>>, vector<1x16xf32>,
        %broadcast_in_dim3A_1276 = arith.constant 0.000000e+00 : f32
        %broadcast_in_dim3A_1277 = vector.broadcast %broadcast_in_dim3A_1276 : f32 to vector<16xf32>
        %swap3A_1278 = arith.constant 0 : i32
        %swap3A_1279 = arith.constant 0 : i32
        %swap3A_1280 = tpu.memref_slice %arg8[%scan3A_1237, %swap3A_1278, %swap3A_1279] : memref<3x80x128xf32, #tpu.memory_space<vmem>> -> memref<1x80x128xf32, #tpu.memory_space<vmem>>
        %swap3A_1281 = tpu.memref_squeeze %swap3A_1280 : memref<1x80x128xf32, #tpu.memory_space<vmem>> -> memref<80x128xf32, #tpu.memory_space<vmem>>
        %swap3A_1282 = arith.index_cast %scan3A_1255 : i32 to index
        %swap3A_1283 = arith.constant 32 : index
        %swap3A_1284 = tpu.vector_load %swap3A_1281[%swap3A_1282, %swap3A_1283] {strides = array<i32>} : memref<80x128xf32, #tpu.memory_space<vmem>>, vector<1x16xf32>,
        %swap3A_1285 = vector.shape_cast %swap3A_1284 : vector<1x16xf32> to vector<16xf32>
        %swap3A_1286 = vector.shape_cast %broadcast_in_dim3A_1277 : vector<16xf32> to vector<1x16xf32>
        tpu.vector_store %swap3A_1281[%swap3A_1282, %swap3A_1283], %swap3A_1286 {strides = array<i32>} : memref<80x128xf32, #tpu.memory_space<vmem>>, vector<1x16xf32>,
        %broadcast_in_dim3A_1287 = arith.constant 0.000000e+00 : f32
        %broadcast_in_dim3A_1288 = vector.broadcast %broadcast_in_dim3A_1287 : f32 to vector<16xf32>
        %swap3A_1289 = arith.constant 0 : i32
        %swap3A_1290 = arith.constant 0 : i32
        %swap3A_1291 = tpu.memref_slice %arg8[%scan3A_1237, %swap3A_1289, %swap3A_1290] : memref<3x80x128xf32, #tpu.memory_space<vmem>> -> memref<1x80x128xf32, #tpu.memory_space<vmem>>
        %swap3A_1292 = tpu.memref_squeeze %swap3A_1291 : memref<1x80x128xf32, #tpu.memory_space<vmem>> -> memref<80x128xf32, #tpu.memory_space<vmem>>
        %swap3A_1293 = arith.index_cast %scan3A_1255 : i32 to index
        %swap3A_1294 = arith.constant 48 : index
        %swap3A_1295 = tpu.vector_load %swap3A_1292[%swap3A_1293, %swap3A_1294] {strides = array<i32>} : memref<80x128xf32, #tpu.memory_space<vmem>>, vector<1x16xf32>,
        %swap3A_1296 = vector.shape_cast %swap3A_1295 : vector<1x16xf32> to vector<16xf32>
        %swap3A_1297 = vector.shape_cast %broadcast_in_dim3A_1288 : vector<16xf32> to vector<1x16xf32>
        tpu.vector_store %swap3A_1292[%swap3A_1293, %swap3A_1294], %swap3A_1297 {strides = array<i32>} : memref<80x128xf32, #tpu.memory_space<vmem>>, vector<1x16xf32>,
        %broadcast_in_dim3A_1298 = arith.constant 0.000000e+00 : f32
        %broadcast_in_dim3A_1299 = vector.broadcast %broadcast_in_dim3A_1298 : f32 to vector<16xf32>
        %swap3A_1300 = arith.constant 0 : i32
        %swap3A_1301 = arith.constant 0 : i32
        %swap3A_1302 = tpu.memref_slice %arg8[%scan3A_1237, %swap3A_1300, %swap3A_1301] : memref<3x80x128xf32, #tpu.memory_space<vmem>> -> memref<1x80x128xf32, #tpu.memory_space<vmem>>
        %swap3A_1303 = tpu.memref_squeeze %swap3A_1302 : memref<1x80x128xf32, #tpu.memory_space<vmem>> -> memref<80x128xf32, #tpu.memory_space<vmem>>
        %swap3A_1304 = arith.index_cast %scan3A_1255 : i32 to index
        %swap3A_1305 = arith.constant 64 : index
        %swap3A_1306 = tpu.vector_load %swap3A_1303[%swap3A_1304, %swap3A_1305] {strides = array<i32>} : memref<80x128xf32, #tpu.memory_space<vmem>>, vector<1x16xf32>,
        %swap3A_1307 = vector.shape_cast %swap3A_1306 : vector<1x16xf32> to vector<16xf32>
        %swap3A_1308 = vector.shape_cast %broadcast_in_dim3A_1299 : vector<16xf32> to vector<1x16xf32>
        tpu.vector_store %swap3A_1303[%swap3A_1304, %swap3A_1305], %swap3A_1308 {strides = array<i32>} : memref<80x128xf32, #tpu.memory_space<vmem>>, vector<1x16xf32>,
        %broadcast_in_dim3A_1309 = arith.constant 0.000000e+00 : f32
        %broadcast_in_dim3A_1310 = vector.broadcast %broadcast_in_dim3A_1309 : f32 to vector<16xf32>
        %swap3A_1311 = arith.constant 0 : i32
        %swap3A_1312 = arith.constant 0 : i32
        %swap3A_1313 = tpu.memref_slice %arg8[%scan3A_1237, %swap3A_1311, %swap3A_1312] : memref<3x80x128xf32, #tpu.memory_space<vmem>> -> memref<1x80x128xf32, #tpu.memory_space<vmem>>
        %swap3A_1314 = tpu.memref_squeeze %swap3A_1313 : memref<1x80x128xf32, #tpu.memory_space<vmem>> -> memref<80x128xf32, #tpu.memory_space<vmem>>
        %swap3A_1315 = arith.index_cast %scan3A_1255 : i32 to index
        %swap3A_1316 = arith.constant 80 : index
        %swap3A_1317 = tpu.vector_load %swap3A_1314[%swap3A_1315, %swap3A_1316] {strides = array<i32>} : memref<80x128xf32, #tpu.memory_space<vmem>>, vector<1x16xf32>,
        %swap3A_1318 = vector.shape_cast %swap3A_1317 : vector<1x16xf32> to vector<16xf32>
        %swap3A_1319 = vector.shape_cast %broadcast_in_dim3A_1310 : vector<16xf32> to vector<1x16xf32>
        tpu.vector_store %swap3A_1314[%swap3A_1315, %swap3A_1316], %swap3A_1319 {strides = array<i32>} : memref<80x128xf32, #tpu.memory_space<vmem>>, vector<1x16xf32>,
        %broadcast_in_dim3A_1320 = arith.constant 0.000000e+00 : f32
        %broadcast_in_dim3A_1321 = vector.broadcast %broadcast_in_dim3A_1320 : f32 to vector<16xf32>
        %swap3A_1322 = arith.constant 0 : i32
        %swap3A_1323 = arith.constant 0 : i32
        %swap3A_1324 = tpu.memref_slice %arg8[%scan3A_1237, %swap3A_1322, %swap3A_1323] : memref<3x80x128xf32, #tpu.memory_space<vmem>> -> memref<1x80x128xf32, #tpu.memory_space<vmem>>
        %swap3A_1325 = tpu.memref_squeeze %swap3A_1324 : memref<1x80x128xf32, #tpu.memory_space<vmem>> -> memref<80x128xf32, #tpu.memory_space<vmem>>
        %swap3A_1326 = arith.index_cast %scan3A_1255 : i32 to index
        %swap3A_1327 = arith.constant 96 : index
        %swap3A_1328 = tpu.vector_load %swap3A_1325[%swap3A_1326, %swap3A_1327] {strides = array<i32>} : memref<80x128xf32, #tpu.memory_space<vmem>>, vector<1x16xf32>,
        %swap3A_1329 = vector.shape_cast %swap3A_1328 : vector<1x16xf32> to vector<16xf32>
        %swap3A_1330 = vector.shape_cast %broadcast_in_dim3A_1321 : vector<16xf32> to vector<1x16xf32>
        tpu.vector_store %swap3A_1325[%swap3A_1326, %swap3A_1327], %swap3A_1330 {strides = array<i32>} : memref<80x128xf32, #tpu.memory_space<vmem>>, vector<1x16xf32>,
        %broadcast_in_dim3A_1331 = arith.constant 0.000000e+00 : f32
        %broadcast_in_dim3A_1332 = vector.broadcast %broadcast_in_dim3A_1331 : f32 to vector<16xf32>
        %swap3A_1333 = arith.constant 0 : i32
        %swap3A_1334 = arith.constant 0 : i32
        %swap3A_1335 = tpu.memref_slice %arg8[%scan3A_1237, %swap3A_1333, %swap3A_1334] : memref<3x80x128xf32, #tpu.memory_space<vmem>> -> memref<1x80x128xf32, #tpu.memory_space<vmem>>
        %swap3A_1336 = tpu.memref_squeeze %swap3A_1335 : memref<1x80x128xf32, #tpu.memory_space<vmem>> -> memref<80x128xf32, #tpu.memory_space<vmem>>
        %swap3A_1337 = arith.index_cast %scan3A_1255 : i32 to index
        %swap3A_1338 = arith.constant 112 : index
        %swap3A_1339 = tpu.vector_load %swap3A_1336[%swap3A_1337, %swap3A_1338] {strides = array<i32>} : memref<80x128xf32, #tpu.memory_space<vmem>>, vector<1x16xf32>,
        %swap3A_1340 = vector.shape_cast %swap3A_1339 : vector<1x16xf32> to vector<16xf32>
        %swap3A_1341 = vector.shape_cast %broadcast_in_dim3A_1332 : vector<16xf32> to vector<1x16xf32>
        tpu.vector_store %swap3A_1336[%swap3A_1337, %swap3A_1338], %swap3A_1341 {strides = array<i32>} : memref<80x128xf32, #tpu.memory_space<vmem>>, vector<1x16xf32>,
      }
      %scan3A_1242 = arith.constant 80 : i32
      %lt3A_1243 = arith.constant 15 : i32
      %lt3A_1244 = arith.cmpi slt, %arg1, %lt3A_1243 : i32
      %convert_element_type3A_1245 = arith.extui %lt3A_1244 : i1 to i32
      %cond3A_1246 = arith.constant 0 : i32
      %cond3A_1247 = arith.constant 0 : i32
      %cond3A_1248 = arith.cmpi ne, %convert_element_type3A_1245, %cond3A_1247 : i32
      scf.if %cond3A_1248 {
        %mul3A_1255 = arith.constant 632 : i32
        %mul3A_1256 = arith.muli %arg1, %mul3A_1255 : i32
        %add3A_1257 = arith.constant 0 : i32
        %add3A_1258 = arith.addi %mul3A_1256, %add3A_1257 : i32
        "tpu.region"() ({
          %run_scoped3A = tpu.sem_alloc : memref<!tpu.dma_semaphore, #tpu.memory_space<semaphore_mem>>
          %dma_start3A_1287 = arith.constant 0 : i32
          %dma_start3A_1288 = arith.constant 0 : i32
          %dma_start3A_1289 = tpu.memref_slice %arg8[%cond3A_1246, %dma_start3A_1287, %dma_start3A_1288] : memref<3x80x128xf32, #tpu.memory_space<vmem>> -> memref<1x80x128xf32, #tpu.memory_space<vmem>>
          %dma_start3A_1290 = tpu.memref_squeeze %dma_start3A_1289 : memref<1x80x128xf32, #tpu.memory_space<vmem>> -> memref<80x128xf32, #tpu.memory_space<vmem>>
          %dma_start3A_1291 = arith.constant 0 : i32
          %dma_start3A_1292 = tpu.memref_slice %arg5[%add3A_1258, %dma_start3A_1291] : memref<10000x128xf32, #tpu.memory_space<vmem_shared>> -> memref<80x128xf32, #tpu.memory_space<vmem_shared>>
          %dma_start3A_1293 = arith.constant 0 : i32
          %dma_start3A_1294 = tpu.memref_slice %arg5[%add3A_1258, %dma_start3A_1293] : memref<10000x128xf32, #tpu.memory_space<vmem_shared>> -> memref<80x128xf32, #tpu.memory_space<vmem_shared>>
          %dma_start3A_1295 = arith.constant 0 : i32
          %dma_start3A_1296 = arith.constant 0 : i32
          %dma_start3A_1297 = tpu.memref_slice %arg8[%cond3A_1246, %dma_start3A_1295, %dma_start3A_1296] : memref<3x80x128xf32, #tpu.memory_space<vmem>> -> memref<1x80x128xf32, #tpu.memory_space<vmem>>
          %dma_start3A_1298 = tpu.memref_squeeze %dma_start3A_1297 : memref<1x80x128xf32, #tpu.memory_space<vmem>> -> memref<80x128xf32, #tpu.memory_space<vmem>>
          tpu.enqueue_dma source(%dma_start3A_1298 : memref<80x128xf32, #tpu.memory_space<vmem>>) target(%dma_start3A_1294 : memref<80x128xf32, #tpu.memory_space<vmem_shared>>) target_semaphore(%run_scoped3A : memref<!tpu.dma_semaphore, #tpu.memory_space<semaphore_mem>>)
          %dma_wait3A_1299 = arith.constant 0 : i32
          %dma_wait3A_1300 = arith.constant 0 : i32
          %dma_wait3A_1301 = tpu.memref_slice %arg8[%cond3A_1246, %dma_wait3A_1299, %dma_wait3A_1300] : memref<3x80x128xf32, #tpu.memory_space<vmem>> -> memref<1x80x128xf32, #tpu.memory_space<vmem>>
          %dma_wait3A_1302 = tpu.memref_squeeze %dma_wait3A_1301 : memref<1x80x128xf32, #tpu.memory_space<vmem>> -> memref<80x128xf32, #tpu.memory_space<vmem>>
          %dma_wait3A_1303 = arith.constant 0 : i32
          %dma_wait3A_1304 = tpu.memref_slice %arg5[%add3A_1258, %dma_wait3A_1303] : memref<10000x128xf32, #tpu.memory_space<vmem_shared>> -> memref<80x128xf32, #tpu.memory_space<vmem_shared>>
          %dma_wait3A_1305 = arith.constant 0 : i32
          %dma_wait3A_1306 = tpu.memref_slice %arg5[%add3A_1258, %dma_wait3A_1305] : memref<10000x128xf32, #tpu.memory_space<vmem_shared>> -> memref<80x128xf32, #tpu.memory_space<vmem_shared>>
          %dma_wait3A_1307 = arith.constant 0 : i32
          %dma_wait3A_1308 = arith.constant 0 : i32
          %dma_wait3A_1309 = tpu.memref_slice %arg8[%cond3A_1246, %dma_wait3A_1307, %dma_wait3A_1308] : memref<3x80x128xf32, #tpu.memory_space<vmem>> -> memref<1x80x128xf32, #tpu.memory_space<vmem>>
          %dma_wait3A_1310 = tpu.memref_squeeze %dma_wait3A_1309 : memref<1x80x128xf32, #tpu.memory_space<vmem>> -> memref<80x128xf32, #tpu.memory_space<vmem>>
          tpu.wait_dma2 semaphore(%run_scoped3A : memref<!tpu.dma_semaphore, #tpu.memory_space<semaphore_mem>>) src(%dma_wait3A_1310 : memref<80x128xf32, #tpu.memory_space<vmem>>) dst(%dma_wait3A_1306 : memref<80x128xf32, #tpu.memory_space<vmem_shared>>)
          tpu.yield
        }) : () -> ()
        %mul3A_1259 = arith.constant 632 : i32
        %mul3A_1260 = arith.muli %arg1, %mul3A_1259 : i32
        %add3A_1261 = arith.constant 80 : i32
        %add3A_1262 = arith.addi %mul3A_1260, %add3A_1261 : i32
        "tpu.region"() ({
          %run_scoped3A = tpu.sem_alloc : memref<!tpu.dma_semaphore, #tpu.memory_space<semaphore_mem>>
          %dma_start3A_1287 = arith.constant 0 : i32
          %dma_start3A_1288 = arith.constant 0 : i32
          %dma_start3A_1289 = tpu.memref_slice %arg8[%cond3A_1246, %dma_start3A_1287, %dma_start3A_1288] : memref<3x80x128xf32, #tpu.memory_space<vmem>> -> memref<1x80x128xf32, #tpu.memory_space<vmem>>
          %dma_start3A_1290 = tpu.memref_squeeze %dma_start3A_1289 : memref<1x80x128xf32, #tpu.memory_space<vmem>> -> memref<80x128xf32, #tpu.memory_space<vmem>>
          %dma_start3A_1291 = arith.constant 0 : i32
          %dma_start3A_1292 = tpu.memref_slice %arg5[%add3A_1262, %dma_start3A_1291] : memref<10000x128xf32, #tpu.memory_space<vmem_shared>> -> memref<80x128xf32, #tpu.memory_space<vmem_shared>>
          %dma_start3A_1293 = arith.constant 0 : i32
          %dma_start3A_1294 = tpu.memref_slice %arg5[%add3A_1262, %dma_start3A_1293] : memref<10000x128xf32, #tpu.memory_space<vmem_shared>> -> memref<80x128xf32, #tpu.memory_space<vmem_shared>>
          %dma_start3A_1295 = arith.constant 0 : i32
          %dma_start3A_1296 = arith.constant 0 : i32
          %dma_start3A_1297 = tpu.memref_slice %arg8[%cond3A_1246, %dma_start3A_1295, %dma_start3A_1296] : memref<3x80x128xf32, #tpu.memory_space<vmem>> -> memref<1x80x128xf32, #tpu.memory_space<vmem>>
          %dma_start3A_1298 = tpu.memref_squeeze %dma_start3A_1297 : memref<1x80x128xf32, #tpu.memory_space<vmem>> -> memref<80x128xf32, #tpu.memory_space<vmem>>
          tpu.enqueue_dma source(%dma_start3A_1298 : memref<80x128xf32, #tpu.memory_space<vmem>>) target(%dma_start3A_1294 : memref<80x128xf32, #tpu.memory_space<vmem_shared>>) target_semaphore(%run_scoped3A : memref<!tpu.dma_semaphore, #tpu.memory_space<semaphore_mem>>)
          %dma_wait3A_1299 = arith.constant 0 : i32
          %dma_wait3A_1300 = arith.constant 0 : i32
          %dma_wait3A_1301 = tpu.memref_slice %arg8[%cond3A_1246, %dma_wait3A_1299, %dma_wait3A_1300] : memref<3x80x128xf32, #tpu.memory_space<vmem>> -> memref<1x80x128xf32, #tpu.memory_space<vmem>>
          %dma_wait3A_1302 = tpu.memref_squeeze %dma_wait3A_1301 : memref<1x80x128xf32, #tpu.memory_space<vmem>> -> memref<80x128xf32, #tpu.memory_space<vmem>>
          %dma_wait3A_1303 = arith.constant 0 : i32
          %dma_wait3A_1304 = tpu.memref_slice %arg5[%add3A_1262, %dma_wait3A_1303] : memref<10000x128xf32, #tpu.memory_space<vmem_shared>> -> memref<80x128xf32, #tpu.memory_space<vmem_shared>>
          %dma_wait3A_1305 = arith.constant 0 : i32
          %dma_wait3A_1306 = tpu.memref_slice %arg5[%add3A_1262, %dma_wait3A_1305] : memref<10000x128xf32, #tpu.memory_space<vmem_shared>> -> memref<80x128xf32, #tpu.memory_space<vmem_shared>>
          %dma_wait3A_1307 = arith.constant 0 : i32
          %dma_wait3A_1308 = arith.constant 0 : i32
          %dma_wait3A_1309 = tpu.memref_slice %arg8[%cond3A_1246, %dma_wait3A_1307, %dma_wait3A_1308] : memref<3x80x128xf32, #tpu.memory_space<vmem>> -> memref<1x80x128xf32, #tpu.memory_space<vmem>>
          %dma_wait3A_1310 = tpu.memref_squeeze %dma_wait3A_1309 : memref<1x80x128xf32, #tpu.memory_space<vmem>> -> memref<80x128xf32, #tpu.memory_space<vmem>>
          tpu.wait_dma2 semaphore(%run_scoped3A : memref<!tpu.dma_semaphore, #tpu.memory_space<semaphore_mem>>) src(%dma_wait3A_1310 : memref<80x128xf32, #tpu.memory_space<vmem>>) dst(%dma_wait3A_1306 : memref<80x128xf32, #tpu.memory_space<vmem_shared>>)
          tpu.yield
        }) : () -> ()
        %mul3A_1263 = arith.constant 632 : i32
        %mul3A_1264 = arith.muli %arg1, %mul3A_1263 : i32
        %add3A_1265 = arith.constant 160 : i32
        %add3A_1266 = arith.addi %mul3A_1264, %add3A_1265 : i32
        "tpu.region"() ({
          %run_scoped3A = tpu.sem_alloc : memref<!tpu.dma_semaphore, #tpu.memory_space<semaphore_mem>>
          %dma_start3A_1287 = arith.constant 0 : i32
          %dma_start3A_1288 = arith.constant 0 : i32
          %dma_start3A_1289 = tpu.memref_slice %arg8[%cond3A_1246, %dma_start3A_1287, %dma_start3A_1288] : memref<3x80x128xf32, #tpu.memory_space<vmem>> -> memref<1x80x128xf32, #tpu.memory_space<vmem>>
          %dma_start3A_1290 = tpu.memref_squeeze %dma_start3A_1289 : memref<1x80x128xf32, #tpu.memory_space<vmem>> -> memref<80x128xf32, #tpu.memory_space<vmem>>
          %dma_start3A_1291 = arith.constant 0 : i32
          %dma_start3A_1292 = tpu.memref_slice %arg5[%add3A_1266, %dma_start3A_1291] : memref<10000x128xf32, #tpu.memory_space<vmem_shared>> -> memref<80x128xf32, #tpu.memory_space<vmem_shared>>
          %dma_start3A_1293 = arith.constant 0 : i32
          %dma_start3A_1294 = tpu.memref_slice %arg5[%add3A_1266, %dma_start3A_1293] : memref<10000x128xf32, #tpu.memory_space<vmem_shared>> -> memref<80x128xf32, #tpu.memory_space<vmem_shared>>
          %dma_start3A_1295 = arith.constant 0 : i32
          %dma_start3A_1296 = arith.constant 0 : i32
          %dma_start3A_1297 = tpu.memref_slice %arg8[%cond3A_1246, %dma_start3A_1295, %dma_start3A_1296] : memref<3x80x128xf32, #tpu.memory_space<vmem>> -> memref<1x80x128xf32, #tpu.memory_space<vmem>>
          %dma_start3A_1298 = tpu.memref_squeeze %dma_start3A_1297 : memref<1x80x128xf32, #tpu.memory_space<vmem>> -> memref<80x128xf32, #tpu.memory_space<vmem>>
          tpu.enqueue_dma source(%dma_start3A_1298 : memref<80x128xf32, #tpu.memory_space<vmem>>) target(%dma_start3A_1294 : memref<80x128xf32, #tpu.memory_space<vmem_shared>>) target_semaphore(%run_scoped3A : memref<!tpu.dma_semaphore, #tpu.memory_space<semaphore_mem>>)
          %dma_wait3A_1299 = arith.constant 0 : i32
          %dma_wait3A_1300 = arith.constant 0 : i32
          %dma_wait3A_1301 = tpu.memref_slice %arg8[%cond3A_1246, %dma_wait3A_1299, %dma_wait3A_1300] : memref<3x80x128xf32, #tpu.memory_space<vmem>> -> memref<1x80x128xf32, #tpu.memory_space<vmem>>
          %dma_wait3A_1302 = tpu.memref_squeeze %dma_wait3A_1301 : memref<1x80x128xf32, #tpu.memory_space<vmem>> -> memref<80x128xf32, #tpu.memory_space<vmem>>
          %dma_wait3A_1303 = arith.constant 0 : i32
          %dma_wait3A_1304 = tpu.memref_slice %arg5[%add3A_1266, %dma_wait3A_1303] : memref<10000x128xf32, #tpu.memory_space<vmem_shared>> -> memref<80x128xf32, #tpu.memory_space<vmem_shared>>
          %dma_wait3A_1305 = arith.constant 0 : i32
          %dma_wait3A_1306 = tpu.memref_slice %arg5[%add3A_1266, %dma_wait3A_1305] : memref<10000x128xf32, #tpu.memory_space<vmem_shared>> -> memref<80x128xf32, #tpu.memory_space<vmem_shared>>
          %dma_wait3A_1307 = arith.constant 0 : i32
          %dma_wait3A_1308 = arith.constant 0 : i32
          %dma_wait3A_1309 = tpu.memref_slice %arg8[%cond3A_1246, %dma_wait3A_1307, %dma_wait3A_1308] : memref<3x80x128xf32, #tpu.memory_space<vmem>> -> memref<1x80x128xf32, #tpu.memory_space<vmem>>
          %dma_wait3A_1310 = tpu.memref_squeeze %dma_wait3A_1309 : memref<1x80x128xf32, #tpu.memory_space<vmem>> -> memref<80x128xf32, #tpu.memory_space<vmem>>
          tpu.wait_dma2 semaphore(%run_scoped3A : memref<!tpu.dma_semaphore, #tpu.memory_space<semaphore_mem>>) src(%dma_wait3A_1310 : memref<80x128xf32, #tpu.memory_space<vmem>>) dst(%dma_wait3A_1306 : memref<80x128xf32, #tpu.memory_space<vmem_shared>>)
          tpu.yield
        }) : () -> ()
        %mul3A_1267 = arith.constant 632 : i32
        %mul3A_1268 = arith.muli %arg1, %mul3A_1267 : i32
        %add3A_1269 = arith.constant 240 : i32
        %add3A_1270 = arith.addi %mul3A_1268, %add3A_1269 : i32
        "tpu.region"() ({
          %run_scoped3A = tpu.sem_alloc : memref<!tpu.dma_semaphore, #tpu.memory_space<semaphore_mem>>
          %dma_start3A_1287 = arith.constant 0 : i32
          %dma_start3A_1288 = arith.constant 0 : i32
          %dma_start3A_1289 = tpu.memref_slice %arg8[%cond3A_1246, %dma_start3A_1287, %dma_start3A_1288] : memref<3x80x128xf32, #tpu.memory_space<vmem>> -> memref<1x80x128xf32, #tpu.memory_space<vmem>>
          %dma_start3A_1290 = tpu.memref_squeeze %dma_start3A_1289 : memref<1x80x128xf32, #tpu.memory_space<vmem>> -> memref<80x128xf32, #tpu.memory_space<vmem>>
          %dma_start3A_1291 = arith.constant 0 : i32
          %dma_start3A_1292 = tpu.memref_slice %arg5[%add3A_1270, %dma_start3A_1291] : memref<10000x128xf32, #tpu.memory_space<vmem_shared>> -> memref<80x128xf32, #tpu.memory_space<vmem_shared>>
          %dma_start3A_1293 = arith.constant 0 : i32
          %dma_start3A_1294 = tpu.memref_slice %arg5[%add3A_1270, %dma_start3A_1293] : memref<10000x128xf32, #tpu.memory_space<vmem_shared>> -> memref<80x128xf32, #tpu.memory_space<vmem_shared>>
          %dma_start3A_1295 = arith.constant 0 : i32
          %dma_start3A_1296 = arith.constant 0 : i32
          %dma_start3A_1297 = tpu.memref_slice %arg8[%cond3A_1246, %dma_start3A_1295, %dma_start3A_1296] : memref<3x80x128xf32, #tpu.memory_space<vmem>> -> memref<1x80x128xf32, #tpu.memory_space<vmem>>
          %dma_start3A_1298 = tpu.memref_squeeze %dma_start3A_1297 : memref<1x80x128xf32, #tpu.memory_space<vmem>> -> memref<80x128xf32, #tpu.memory_space<vmem>>
          tpu.enqueue_dma source(%dma_start3A_1298 : memref<80x128xf32, #tpu.memory_space<vmem>>) target(%dma_start3A_1294 : memref<80x128xf32, #tpu.memory_space<vmem_shared>>) target_semaphore(%run_scoped3A : memref<!tpu.dma_semaphore, #tpu.memory_space<semaphore_mem>>)
          %dma_wait3A_1299 = arith.constant 0 : i32
          %dma_wait3A_1300 = arith.constant 0 : i32
          %dma_wait3A_1301 = tpu.memref_slice %arg8[%cond3A_1246, %dma_wait3A_1299, %dma_wait3A_1300] : memref<3x80x128xf32, #tpu.memory_space<vmem>> -> memref<1x80x128xf32, #tpu.memory_space<vmem>>
          %dma_wait3A_1302 = tpu.memref_squeeze %dma_wait3A_1301 : memref<1x80x128xf32, #tpu.memory_space<vmem>> -> memref<80x128xf32, #tpu.memory_space<vmem>>
          %dma_wait3A_1303 = arith.constant 0 : i32
          %dma_wait3A_1304 = tpu.memref_slice %arg5[%add3A_1270, %dma_wait3A_1303] : memref<10000x128xf32, #tpu.memory_space<vmem_shared>> -> memref<80x128xf32, #tpu.memory_space<vmem_shared>>
          %dma_wait3A_1305 = arith.constant 0 : i32
          %dma_wait3A_1306 = tpu.memref_slice %arg5[%add3A_1270, %dma_wait3A_1305] : memref<10000x128xf32, #tpu.memory_space<vmem_shared>> -> memref<80x128xf32, #tpu.memory_space<vmem_shared>>
          %dma_wait3A_1307 = arith.constant 0 : i32
          %dma_wait3A_1308 = arith.constant 0 : i32
          %dma_wait3A_1309 = tpu.memref_slice %arg8[%cond3A_1246, %dma_wait3A_1307, %dma_wait3A_1308] : memref<3x80x128xf32, #tpu.memory_space<vmem>> -> memref<1x80x128xf32, #tpu.memory_space<vmem>>
          %dma_wait3A_1310 = tpu.memref_squeeze %dma_wait3A_1309 : memref<1x80x128xf32, #tpu.memory_space<vmem>> -> memref<80x128xf32, #tpu.memory_space<vmem>>
          tpu.wait_dma2 semaphore(%run_scoped3A : memref<!tpu.dma_semaphore, #tpu.memory_space<semaphore_mem>>) src(%dma_wait3A_1310 : memref<80x128xf32, #tpu.memory_space<vmem>>) dst(%dma_wait3A_1306 : memref<80x128xf32, #tpu.memory_space<vmem_shared>>)
          tpu.yield
        }) : () -> ()
        %mul3A_1271 = arith.constant 632 : i32
        %mul3A_1272 = arith.muli %arg1, %mul3A_1271 : i32
        %add3A_1273 = arith.constant 320 : i32
        %add3A_1274 = arith.addi %mul3A_1272, %add3A_1273 : i32
        "tpu.region"() ({
          %run_scoped3A = tpu.sem_alloc : memref<!tpu.dma_semaphore, #tpu.memory_space<semaphore_mem>>
          %dma_start3A_1287 = arith.constant 0 : i32
          %dma_start3A_1288 = arith.constant 0 : i32
          %dma_start3A_1289 = tpu.memref_slice %arg8[%cond3A_1246, %dma_start3A_1287, %dma_start3A_1288] : memref<3x80x128xf32, #tpu.memory_space<vmem>> -> memref<1x80x128xf32, #tpu.memory_space<vmem>>
          %dma_start3A_1290 = tpu.memref_squeeze %dma_start3A_1289 : memref<1x80x128xf32, #tpu.memory_space<vmem>> -> memref<80x128xf32, #tpu.memory_space<vmem>>
          %dma_start3A_1291 = arith.constant 0 : i32
          %dma_start3A_1292 = tpu.memref_slice %arg5[%add3A_1274, %dma_start3A_1291] : memref<10000x128xf32, #tpu.memory_space<vmem_shared>> -> memref<80x128xf32, #tpu.memory_space<vmem_shared>>
          %dma_start3A_1293 = arith.constant 0 : i32
          %dma_start3A_1294 = tpu.memref_slice %arg5[%add3A_1274, %dma_start3A_1293] : memref<10000x128xf32, #tpu.memory_space<vmem_shared>> -> memref<80x128xf32, #tpu.memory_space<vmem_shared>>
          %dma_start3A_1295 = arith.constant 0 : i32
          %dma_start3A_1296 = arith.constant 0 : i32
          %dma_start3A_1297 = tpu.memref_slice %arg8[%cond3A_1246, %dma_start3A_1295, %dma_start3A_1296] : memref<3x80x128xf32, #tpu.memory_space<vmem>> -> memref<1x80x128xf32, #tpu.memory_space<vmem>>
          %dma_start3A_1298 = tpu.memref_squeeze %dma_start3A_1297 : memref<1x80x128xf32, #tpu.memory_space<vmem>> -> memref<80x128xf32, #tpu.memory_space<vmem>>
          tpu.enqueue_dma source(%dma_start3A_1298 : memref<80x128xf32, #tpu.memory_space<vmem>>) target(%dma_start3A_1294 : memref<80x128xf32, #tpu.memory_space<vmem_shared>>) target_semaphore(%run_scoped3A : memref<!tpu.dma_semaphore, #tpu.memory_space<semaphore_mem>>)
          %dma_wait3A_1299 = arith.constant 0 : i32
          %dma_wait3A_1300 = arith.constant 0 : i32
          %dma_wait3A_1301 = tpu.memref_slice %arg8[%cond3A_1246, %dma_wait3A_1299, %dma_wait3A_1300] : memref<3x80x128xf32, #tpu.memory_space<vmem>> -> memref<1x80x128xf32, #tpu.memory_space<vmem>>
          %dma_wait3A_1302 = tpu.memref_squeeze %dma_wait3A_1301 : memref<1x80x128xf32, #tpu.memory_space<vmem>> -> memref<80x128xf32, #tpu.memory_space<vmem>>
          %dma_wait3A_1303 = arith.constant 0 : i32
          %dma_wait3A_1304 = tpu.memref_slice %arg5[%add3A_1274, %dma_wait3A_1303] : memref<10000x128xf32, #tpu.memory_space<vmem_shared>> -> memref<80x128xf32, #tpu.memory_space<vmem_shared>>
          %dma_wait3A_1305 = arith.constant 0 : i32
          %dma_wait3A_1306 = tpu.memref_slice %arg5[%add3A_1274, %dma_wait3A_1305] : memref<10000x128xf32, #tpu.memory_space<vmem_shared>> -> memref<80x128xf32, #tpu.memory_space<vmem_shared>>
          %dma_wait3A_1307 = arith.constant 0 : i32
          %dma_wait3A_1308 = arith.constant 0 : i32
          %dma_wait3A_1309 = tpu.memref_slice %arg8[%cond3A_1246, %dma_wait3A_1307, %dma_wait3A_1308] : memref<3x80x128xf32, #tpu.memory_space<vmem>> -> memref<1x80x128xf32, #tpu.memory_space<vmem>>
          %dma_wait3A_1310 = tpu.memref_squeeze %dma_wait3A_1309 : memref<1x80x128xf32, #tpu.memory_space<vmem>> -> memref<80x128xf32, #tpu.memory_space<vmem>>
          tpu.wait_dma2 semaphore(%run_scoped3A : memref<!tpu.dma_semaphore, #tpu.memory_space<semaphore_mem>>) src(%dma_wait3A_1310 : memref<80x128xf32, #tpu.memory_space<vmem>>) dst(%dma_wait3A_1306 : memref<80x128xf32, #tpu.memory_space<vmem_shared>>)
          tpu.yield
        }) : () -> ()
        %mul3A_1275 = arith.constant 632 : i32
        %mul3A_1276 = arith.muli %arg1, %mul3A_1275 : i32
        %add3A_1277 = arith.constant 400 : i32
        %add3A_1278 = arith.addi %mul3A_1276, %add3A_1277 : i32
        "tpu.region"() ({
          %run_scoped3A = tpu.sem_alloc : memref<!tpu.dma_semaphore, #tpu.memory_space<semaphore_mem>>
          %dma_start3A_1287 = arith.constant 0 : i32
          %dma_start3A_1288 = arith.constant 0 : i32
          %dma_start3A_1289 = tpu.memref_slice %arg8[%cond3A_1246, %dma_start3A_1287, %dma_start3A_1288] : memref<3x80x128xf32, #tpu.memory_space<vmem>> -> memref<1x80x128xf32, #tpu.memory_space<vmem>>
          %dma_start3A_1290 = tpu.memref_squeeze %dma_start3A_1289 : memref<1x80x128xf32, #tpu.memory_space<vmem>> -> memref<80x128xf32, #tpu.memory_space<vmem>>
          %dma_start3A_1291 = arith.constant 0 : i32
          %dma_start3A_1292 = tpu.memref_slice %arg5[%add3A_1278, %dma_start3A_1291] : memref<10000x128xf32, #tpu.memory_space<vmem_shared>> -> memref<80x128xf32, #tpu.memory_space<vmem_shared>>
          %dma_start3A_1293 = arith.constant 0 : i32
          %dma_start3A_1294 = tpu.memref_slice %arg5[%add3A_1278, %dma_start3A_1293] : memref<10000x128xf32, #tpu.memory_space<vmem_shared>> -> memref<80x128xf32, #tpu.memory_space<vmem_shared>>
          %dma_start3A_1295 = arith.constant 0 : i32
          %dma_start3A_1296 = arith.constant 0 : i32
          %dma_start3A_1297 = tpu.memref_slice %arg8[%cond3A_1246, %dma_start3A_1295, %dma_start3A_1296] : memref<3x80x128xf32, #tpu.memory_space<vmem>> -> memref<1x80x128xf32, #tpu.memory_space<vmem>>
          %dma_start3A_1298 = tpu.memref_squeeze %dma_start3A_1297 : memref<1x80x128xf32, #tpu.memory_space<vmem>> -> memref<80x128xf32, #tpu.memory_space<vmem>>
          tpu.enqueue_dma source(%dma_start3A_1298 : memref<80x128xf32, #tpu.memory_space<vmem>>) target(%dma_start3A_1294 : memref<80x128xf32, #tpu.memory_space<vmem_shared>>) target_semaphore(%run_scoped3A : memref<!tpu.dma_semaphore, #tpu.memory_space<semaphore_mem>>)
          %dma_wait3A_1299 = arith.constant 0 : i32
          %dma_wait3A_1300 = arith.constant 0 : i32
          %dma_wait3A_1301 = tpu.memref_slice %arg8[%cond3A_1246, %dma_wait3A_1299, %dma_wait3A_1300] : memref<3x80x128xf32, #tpu.memory_space<vmem>> -> memref<1x80x128xf32, #tpu.memory_space<vmem>>
          %dma_wait3A_1302 = tpu.memref_squeeze %dma_wait3A_1301 : memref<1x80x128xf32, #tpu.memory_space<vmem>> -> memref<80x128xf32, #tpu.memory_space<vmem>>
          %dma_wait3A_1303 = arith.constant 0 : i32
          %dma_wait3A_1304 = tpu.memref_slice %arg5[%add3A_1278, %dma_wait3A_1303] : memref<10000x128xf32, #tpu.memory_space<vmem_shared>> -> memref<80x128xf32, #tpu.memory_space<vmem_shared>>
          %dma_wait3A_1305 = arith.constant 0 : i32
          %dma_wait3A_1306 = tpu.memref_slice %arg5[%add3A_1278, %dma_wait3A_1305] : memref<10000x128xf32, #tpu.memory_space<vmem_shared>> -> memref<80x128xf32, #tpu.memory_space<vmem_shared>>
          %dma_wait3A_1307 = arith.constant 0 : i32
          %dma_wait3A_1308 = arith.constant 0 : i32
          %dma_wait3A_1309 = tpu.memref_slice %arg8[%cond3A_1246, %dma_wait3A_1307, %dma_wait3A_1308] : memref<3x80x128xf32, #tpu.memory_space<vmem>> -> memref<1x80x128xf32, #tpu.memory_space<vmem>>
          %dma_wait3A_1310 = tpu.memref_squeeze %dma_wait3A_1309 : memref<1x80x128xf32, #tpu.memory_space<vmem>> -> memref<80x128xf32, #tpu.memory_space<vmem>>
          tpu.wait_dma2 semaphore(%run_scoped3A : memref<!tpu.dma_semaphore, #tpu.memory_space<semaphore_mem>>) src(%dma_wait3A_1310 : memref<80x128xf32, #tpu.memory_space<vmem>>) dst(%dma_wait3A_1306 : memref<80x128xf32, #tpu.memory_space<vmem_shared>>)
          tpu.yield
        }) : () -> ()
        %mul3A_1279 = arith.constant 632 : i32
        %mul3A_1280 = arith.muli %arg1, %mul3A_1279 : i32
        %add3A_1281 = arith.constant 480 : i32
        %add3A_1282 = arith.addi %mul3A_1280, %add3A_1281 : i32
        "tpu.region"() ({
          %run_scoped3A = tpu.sem_alloc : memref<!tpu.dma_semaphore, #tpu.memory_space<semaphore_mem>>
          %dma_start3A_1287 = arith.constant 0 : i32
          %dma_start3A_1288 = arith.constant 0 : i32
          %dma_start3A_1289 = tpu.memref_slice %arg8[%cond3A_1246, %dma_start3A_1287, %dma_start3A_1288] : memref<3x80x128xf32, #tpu.memory_space<vmem>> -> memref<1x80x128xf32, #tpu.memory_space<vmem>>
          %dma_start3A_1290 = tpu.memref_squeeze %dma_start3A_1289 : memref<1x80x128xf32, #tpu.memory_space<vmem>> -> memref<80x128xf32, #tpu.memory_space<vmem>>
          %dma_start3A_1291 = arith.constant 0 : i32
          %dma_start3A_1292 = tpu.memref_slice %arg5[%add3A_1282, %dma_start3A_1291] : memref<10000x128xf32, #tpu.memory_space<vmem_shared>> -> memref<80x128xf32, #tpu.memory_space<vmem_shared>>
          %dma_start3A_1293 = arith.constant 0 : i32
          %dma_start3A_1294 = tpu.memref_slice %arg5[%add3A_1282, %dma_start3A_1293] : memref<10000x128xf32, #tpu.memory_space<vmem_shared>> -> memref<80x128xf32, #tpu.memory_space<vmem_shared>>
          %dma_start3A_1295 = arith.constant 0 : i32
          %dma_start3A_1296 = arith.constant 0 : i32
          %dma_start3A_1297 = tpu.memref_slice %arg8[%cond3A_1246, %dma_start3A_1295, %dma_start3A_1296] : memref<3x80x128xf32, #tpu.memory_space<vmem>> -> memref<1x80x128xf32, #tpu.memory_space<vmem>>
          %dma_start3A_1298 = tpu.memref_squeeze %dma_start3A_1297 : memref<1x80x128xf32, #tpu.memory_space<vmem>> -> memref<80x128xf32, #tpu.memory_space<vmem>>
          tpu.enqueue_dma source(%dma_start3A_1298 : memref<80x128xf32, #tpu.memory_space<vmem>>) target(%dma_start3A_1294 : memref<80x128xf32, #tpu.memory_space<vmem_shared>>) target_semaphore(%run_scoped3A : memref<!tpu.dma_semaphore, #tpu.memory_space<semaphore_mem>>)
          %dma_wait3A_1299 = arith.constant 0 : i32
          %dma_wait3A_1300 = arith.constant 0 : i32
          %dma_wait3A_1301 = tpu.memref_slice %arg8[%cond3A_1246, %dma_wait3A_1299, %dma_wait3A_1300] : memref<3x80x128xf32, #tpu.memory_space<vmem>> -> memref<1x80x128xf32, #tpu.memory_space<vmem>>
          %dma_wait3A_1302 = tpu.memref_squeeze %dma_wait3A_1301 : memref<1x80x128xf32, #tpu.memory_space<vmem>> -> memref<80x128xf32, #tpu.memory_space<vmem>>
          %dma_wait3A_1303 = arith.constant 0 : i32
          %dma_wait3A_1304 = tpu.memref_slice %arg5[%add3A_1282, %dma_wait3A_1303] : memref<10000x128xf32, #tpu.memory_space<vmem_shared>> -> memref<80x128xf32, #tpu.memory_space<vmem_shared>>
          %dma_wait3A_1305 = arith.constant 0 : i32
          %dma_wait3A_1306 = tpu.memref_slice %arg5[%add3A_1282, %dma_wait3A_1305] : memref<10000x128xf32, #tpu.memory_space<vmem_shared>> -> memref<80x128xf32, #tpu.memory_space<vmem_shared>>
          %dma_wait3A_1307 = arith.constant 0 : i32
          %dma_wait3A_1308 = arith.constant 0 : i32
          %dma_wait3A_1309 = tpu.memref_slice %arg8[%cond3A_1246, %dma_wait3A_1307, %dma_wait3A_1308] : memref<3x80x128xf32, #tpu.memory_space<vmem>> -> memref<1x80x128xf32, #tpu.memory_space<vmem>>
          %dma_wait3A_1310 = tpu.memref_squeeze %dma_wait3A_1309 : memref<1x80x128xf32, #tpu.memory_space<vmem>> -> memref<80x128xf32, #tpu.memory_space<vmem>>
          tpu.wait_dma2 semaphore(%run_scoped3A : memref<!tpu.dma_semaphore, #tpu.memory_space<semaphore_mem>>) src(%dma_wait3A_1310 : memref<80x128xf32, #tpu.memory_space<vmem>>) dst(%dma_wait3A_1306 : memref<80x128xf32, #tpu.memory_space<vmem_shared>>)
          tpu.yield
        }) : () -> ()
        %mul3A_1283 = arith.constant 632 : i32
        %mul3A_1284 = arith.muli %arg1, %mul3A_1283 : i32
        %add3A_1285 = arith.constant 560 : i32
        %add3A_1286 = arith.addi %mul3A_1284, %add3A_1285 : i32
        "tpu.region"() ({
          %run_scoped3A = tpu.sem_alloc : memref<!tpu.dma_semaphore, #tpu.memory_space<semaphore_mem>>
          %dma_start3A_1287 = arith.constant 0 : i32
          %dma_start3A_1288 = arith.constant 0 : i32
          %dma_start3A_1289 = tpu.memref_slice %arg8[%cond3A_1246, %dma_start3A_1287, %dma_start3A_1288] : memref<3x80x128xf32, #tpu.memory_space<vmem>> -> memref<1x80x128xf32, #tpu.memory_space<vmem>>
          %dma_start3A_1290 = tpu.memref_squeeze %dma_start3A_1289 : memref<1x80x128xf32, #tpu.memory_space<vmem>> -> memref<80x128xf32, #tpu.memory_space<vmem>>
          %dma_start3A_1291 = arith.constant 0 : i32
          %dma_start3A_1292 = arith.constant 0 : i32
          %dma_start3A_1293 = tpu.memref_slice %dma_start3A_1290[%dma_start3A_1291, %dma_start3A_1292] : memref<80x128xf32, #tpu.memory_space<vmem>> -> memref<72x128xf32, #tpu.memory_space<vmem>>
          %dma_start3A_1294 = arith.constant 0 : i32
          %dma_start3A_1295 = tpu.memref_slice %arg5[%add3A_1286, %dma_start3A_1294] : memref<10000x128xf32, #tpu.memory_space<vmem_shared>> -> memref<72x128xf32, #tpu.memory_space<vmem_shared>>
          %dma_start3A_1296 = arith.constant 0 : i32
          %dma_start3A_1297 = tpu.memref_slice %arg5[%add3A_1286, %dma_start3A_1296] : memref<10000x128xf32, #tpu.memory_space<vmem_shared>> -> memref<72x128xf32, #tpu.memory_space<vmem_shared>>
          %dma_start3A_1298 = arith.constant 0 : i32
          %dma_start3A_1299 = arith.constant 0 : i32
          %dma_start3A_1300 = tpu.memref_slice %arg8[%cond3A_1246, %dma_start3A_1298, %dma_start3A_1299] : memref<3x80x128xf32, #tpu.memory_space<vmem>> -> memref<1x80x128xf32, #tpu.memory_space<vmem>>
          %dma_start3A_1301 = tpu.memref_squeeze %dma_start3A_1300 : memref<1x80x128xf32, #tpu.memory_space<vmem>> -> memref<80x128xf32, #tpu.memory_space<vmem>>
          %dma_start3A_1302 = arith.constant 0 : i32
          %dma_start3A_1303 = arith.constant 0 : i32
          %dma_start3A_1304 = tpu.memref_slice %dma_start3A_1301[%dma_start3A_1302, %dma_start3A_1303] : memref<80x128xf32, #tpu.memory_space<vmem>> -> memref<72x128xf32, #tpu.memory_space<vmem>>
          tpu.enqueue_dma source(%dma_start3A_1304 : memref<72x128xf32, #tpu.memory_space<vmem>>) target(%dma_start3A_1297 : memref<72x128xf32, #tpu.memory_space<vmem_shared>>) target_semaphore(%run_scoped3A : memref<!tpu.dma_semaphore, #tpu.memory_space<semaphore_mem>>)
          %dma_wait3A_1305 = arith.constant 0 : i32
          %dma_wait3A_1306 = arith.constant 0 : i32
          %dma_wait3A_1307 = tpu.memref_slice %arg8[%cond3A_1246, %dma_wait3A_1305, %dma_wait3A_1306] : memref<3x80x128xf32, #tpu.memory_space<vmem>> -> memref<1x80x128xf32, #tpu.memory_space<vmem>>
          %dma_wait3A_1308 = tpu.memref_squeeze %dma_wait3A_1307 : memref<1x80x128xf32, #tpu.memory_space<vmem>> -> memref<80x128xf32, #tpu.memory_space<vmem>>
          %dma_wait3A_1309 = arith.constant 0 : i32
          %dma_wait3A_1310 = arith.constant 0 : i32
          %dma_wait3A_1311 = tpu.memref_slice %dma_wait3A_1308[%dma_wait3A_1309, %dma_wait3A_1310] : memref<80x128xf32, #tpu.memory_space<vmem>> -> memref<72x128xf32, #tpu.memory_space<vmem>>
          %dma_wait3A_1312 = arith.constant 0 : i32
          %dma_wait3A_1313 = tpu.memref_slice %arg5[%add3A_1286, %dma_wait3A_1312] : memref<10000x128xf32, #tpu.memory_space<vmem_shared>> -> memref<72x128xf32, #tpu.memory_space<vmem_shared>>
          %dma_wait3A_1314 = arith.constant 0 : i32
          %dma_wait3A_1315 = tpu.memref_slice %arg5[%add3A_1286, %dma_wait3A_1314] : memref<10000x128xf32, #tpu.memory_space<vmem_shared>> -> memref<72x128xf32, #tpu.memory_space<vmem_shared>>
          %dma_wait3A_1316 = arith.constant 0 : i32
          %dma_wait3A_1317 = arith.constant 0 : i32
          %dma_wait3A_1318 = tpu.memref_slice %arg8[%cond3A_1246, %dma_wait3A_1316, %dma_wait3A_1317] : memref<3x80x128xf32, #tpu.memory_space<vmem>> -> memref<1x80x128xf32, #tpu.memory_space<vmem>>
          %dma_wait3A_1319 = tpu.memref_squeeze %dma_wait3A_1318 : memref<1x80x128xf32, #tpu.memory_space<vmem>> -> memref<80x128xf32, #tpu.memory_space<vmem>>
          %dma_wait3A_1320 = arith.constant 0 : i32
          %dma_wait3A_1321 = arith.constant 0 : i32
          %dma_wait3A_1322 = tpu.memref_slice %dma_wait3A_1319[%dma_wait3A_1320, %dma_wait3A_1321] : memref<80x128xf32, #tpu.memory_space<vmem>> -> memref<72x128xf32, #tpu.memory_space<vmem>>
          tpu.wait_dma2 semaphore(%run_scoped3A : memref<!tpu.dma_semaphore, #tpu.memory_space<semaphore_mem>>) src(%dma_wait3A_1322 : memref<72x128xf32, #tpu.memory_space<vmem>>) dst(%dma_wait3A_1315 : memref<72x128xf32, #tpu.memory_space<vmem_shared>>)
          tpu.yield
        }) : () -> ()
      } else {
      }
      %eq3A_1249 = arith.constant 15 : i32
      %eq3A_1250 = arith.cmpi eq, %arg1, %eq3A_1249 : i32
      %convert_element_type3A_1251 = arith.extui %eq3A_1250 : i1 to i32
      %cond3A_1252 = arith.constant 0 : i32
      %cond3A_1253 = arith.constant 0 : i32
      %cond3A_1254 = arith.cmpi ne, %convert_element_type3A_1251, %cond3A_1253 : i32
      scf.if %cond3A_1254 {
        "tpu.region"() ({
          %run_scoped3A = tpu.sem_alloc : memref<!tpu.dma_semaphore, #tpu.memory_space<semaphore_mem>>
          %dma_start3A_1255 = arith.constant 0 : i32
          %dma_start3A_1256 = arith.constant 0 : i32
          %dma_start3A_1257 = tpu.memref_slice %arg8[%cond3A_1252, %dma_start3A_1255, %dma_start3A_1256] : memref<3x80x128xf32, #tpu.memory_space<vmem>> -> memref<1x80x128xf32, #tpu.memory_space<vmem>>
          %dma_start3A_1258 = tpu.memref_squeeze %dma_start3A_1257 : memref<1x80x128xf32, #tpu.memory_space<vmem>> -> memref<80x128xf32, #tpu.memory_space<vmem>>
          %dma_start3A_1259 = arith.constant 9480 : i32
          %dma_start3A_1260 = arith.constant 0 : i32
          %dma_start3A_1261 = tpu.memref_slice %arg5[%dma_start3A_1259, %dma_start3A_1260] : memref<10000x128xf32, #tpu.memory_space<vmem_shared>> -> memref<80x128xf32, #tpu.memory_space<vmem_shared>>
          %dma_start3A_1262 = arith.constant 9480 : i32
          %dma_start3A_1263 = arith.constant 0 : i32
          %dma_start3A_1264 = tpu.memref_slice %arg5[%dma_start3A_1262, %dma_start3A_1263] : memref<10000x128xf32, #tpu.memory_space<vmem_shared>> -> memref<80x128xf32, #tpu.memory_space<vmem_shared>>
          %dma_start3A_1265 = arith.constant 0 : i32
          %dma_start3A_1266 = arith.constant 0 : i32
          %dma_start3A_1267 = tpu.memref_slice %arg8[%cond3A_1252, %dma_start3A_1265, %dma_start3A_1266] : memref<3x80x128xf32, #tpu.memory_space<vmem>> -> memref<1x80x128xf32, #tpu.memory_space<vmem>>
          %dma_start3A_1268 = tpu.memref_squeeze %dma_start3A_1267 : memref<1x80x128xf32, #tpu.memory_space<vmem>> -> memref<80x128xf32, #tpu.memory_space<vmem>>
          tpu.enqueue_dma source(%dma_start3A_1268 : memref<80x128xf32, #tpu.memory_space<vmem>>) target(%dma_start3A_1264 : memref<80x128xf32, #tpu.memory_space<vmem_shared>>) target_semaphore(%run_scoped3A : memref<!tpu.dma_semaphore, #tpu.memory_space<semaphore_mem>>)
          %dma_wait3A_1269 = arith.constant 0 : i32
          %dma_wait3A_1270 = arith.constant 0 : i32
          %dma_wait3A_1271 = tpu.memref_slice %arg8[%cond3A_1252, %dma_wait3A_1269, %dma_wait3A_1270] : memref<3x80x128xf32, #tpu.memory_space<vmem>> -> memref<1x80x128xf32, #tpu.memory_space<vmem>>
          %dma_wait3A_1272 = tpu.memref_squeeze %dma_wait3A_1271 : memref<1x80x128xf32, #tpu.memory_space<vmem>> -> memref<80x128xf32, #tpu.memory_space<vmem>>
          %dma_wait3A_1273 = arith.constant 9480 : i32
          %dma_wait3A_1274 = arith.constant 0 : i32
          %dma_wait3A_1275 = tpu.memref_slice %arg5[%dma_wait3A_1273, %dma_wait3A_1274] : memref<10000x128xf32, #tpu.memory_space<vmem_shared>> -> memref<80x128xf32, #tpu.memory_space<vmem_shared>>
          %dma_wait3A_1276 = arith.constant 9480 : i32
          %dma_wait3A_1277 = arith.constant 0 : i32
          %dma_wait3A_1278 = tpu.memref_slice %arg5[%dma_wait3A_1276, %dma_wait3A_1277] : memref<10000x128xf32, #tpu.memory_space<vmem_shared>> -> memref<80x128xf32, #tpu.memory_space<vmem_shared>>
          %dma_wait3A_1279 = arith.constant 0 : i32
          %dma_wait3A_1280 = arith.constant 0 : i32
          %dma_wait3A_1281 = tpu.memref_slice %arg8[%cond3A_1252, %dma_wait3A_1279, %dma_wait3A_1280] : memref<3x80x128xf32, #tpu.memory_space<vmem>> -> memref<1x80x128xf32, #tpu.memory_space<vmem>>
          %dma_wait3A_1282 = tpu.memref_squeeze %dma_wait3A_1281 : memref<1x80x128xf32, #tpu.memory_space<vmem>> -> memref<80x128xf32, #tpu.memory_space<vmem>>
          tpu.wait_dma2 semaphore(%run_scoped3A : memref<!tpu.dma_semaphore, #tpu.memory_space<semaphore_mem>>) src(%dma_wait3A_1282 : memref<80x128xf32, #tpu.memory_space<vmem>>) dst(%dma_wait3A_1278 : memref<80x128xf32, #tpu.memory_space<vmem_shared>>)
          tpu.yield
        }) : () -> ()
        "tpu.region"() ({
          %run_scoped3A = tpu.sem_alloc : memref<!tpu.dma_semaphore, #tpu.memory_space<semaphore_mem>>
          %dma_start3A_1255 = arith.constant 0 : i32
          %dma_start3A_1256 = arith.constant 0 : i32
          %dma_start3A_1257 = tpu.memref_slice %arg8[%cond3A_1252, %dma_start3A_1255, %dma_start3A_1256] : memref<3x80x128xf32, #tpu.memory_space<vmem>> -> memref<1x80x128xf32, #tpu.memory_space<vmem>>
          %dma_start3A_1258 = tpu.memref_squeeze %dma_start3A_1257 : memref<1x80x128xf32, #tpu.memory_space<vmem>> -> memref<80x128xf32, #tpu.memory_space<vmem>>
          %dma_start3A_1259 = arith.constant 9560 : i32
          %dma_start3A_1260 = arith.constant 0 : i32
          %dma_start3A_1261 = tpu.memref_slice %arg5[%dma_start3A_1259, %dma_start3A_1260] : memref<10000x128xf32, #tpu.memory_space<vmem_shared>> -> memref<80x128xf32, #tpu.memory_space<vmem_shared>>
          %dma_start3A_1262 = arith.constant 9560 : i32
          %dma_start3A_1263 = arith.constant 0 : i32
          %dma_start3A_1264 = tpu.memref_slice %arg5[%dma_start3A_1262, %dma_start3A_1263] : memref<10000x128xf32, #tpu.memory_space<vmem_shared>> -> memref<80x128xf32, #tpu.memory_space<vmem_shared>>
          %dma_start3A_1265 = arith.constant 0 : i32
          %dma_start3A_1266 = arith.constant 0 : i32
          %dma_start3A_1267 = tpu.memref_slice %arg8[%cond3A_1252, %dma_start3A_1265, %dma_start3A_1266] : memref<3x80x128xf32, #tpu.memory_space<vmem>> -> memref<1x80x128xf32, #tpu.memory_space<vmem>>
          %dma_start3A_1268 = tpu.memref_squeeze %dma_start3A_1267 : memref<1x80x128xf32, #tpu.memory_space<vmem>> -> memref<80x128xf32, #tpu.memory_space<vmem>>
          tpu.enqueue_dma source(%dma_start3A_1268 : memref<80x128xf32, #tpu.memory_space<vmem>>) target(%dma_start3A_1264 : memref<80x128xf32, #tpu.memory_space<vmem_shared>>) target_semaphore(%run_scoped3A : memref<!tpu.dma_semaphore, #tpu.memory_space<semaphore_mem>>)
          %dma_wait3A_1269 = arith.constant 0 : i32
          %dma_wait3A_1270 = arith.constant 0 : i32
          %dma_wait3A_1271 = tpu.memref_slice %arg8[%cond3A_1252, %dma_wait3A_1269, %dma_wait3A_1270] : memref<3x80x128xf32, #tpu.memory_space<vmem>> -> memref<1x80x128xf32, #tpu.memory_space<vmem>>
          %dma_wait3A_1272 = tpu.memref_squeeze %dma_wait3A_1271 : memref<1x80x128xf32, #tpu.memory_space<vmem>> -> memref<80x128xf32, #tpu.memory_space<vmem>>
          %dma_wait3A_1273 = arith.constant 9560 : i32
          %dma_wait3A_1274 = arith.constant 0 : i32
          %dma_wait3A_1275 = tpu.memref_slice %arg5[%dma_wait3A_1273, %dma_wait3A_1274] : memref<10000x128xf32, #tpu.memory_space<vmem_shared>> -> memref<80x128xf32, #tpu.memory_space<vmem_shared>>
          %dma_wait3A_1276 = arith.constant 9560 : i32
          %dma_wait3A_1277 = arith.constant 0 : i32
          %dma_wait3A_1278 = tpu.memref_slice %arg5[%dma_wait3A_1276, %dma_wait3A_1277] : memref<10000x128xf32, #tpu.memory_space<vmem_shared>> -> memref<80x128xf32, #tpu.memory_space<vmem_shared>>
          %dma_wait3A_1279 = arith.constant 0 : i32
          %dma_wait3A_1280 = arith.constant 0 : i32
          %dma_wait3A_1281 = tpu.memref_slice %arg8[%cond3A_1252, %dma_wait3A_1279, %dma_wait3A_1280] : memref<3x80x128xf32, #tpu.memory_space<vmem>> -> memref<1x80x128xf32, #tpu.memory_space<vmem>>
          %dma_wait3A_1282 = tpu.memref_squeeze %dma_wait3A_1281 : memref<1x80x128xf32, #tpu.memory_space<vmem>> -> memref<80x128xf32, #tpu.memory_space<vmem>>
          tpu.wait_dma2 semaphore(%run_scoped3A : memref<!tpu.dma_semaphore, #tpu.memory_space<semaphore_mem>>) src(%dma_wait3A_1282 : memref<80x128xf32, #tpu.memory_space<vmem>>) dst(%dma_wait3A_1278 : memref<80x128xf32, #tpu.memory_space<vmem_shared>>)
          tpu.yield
        }) : () -> ()
        "tpu.region"() ({
          %run_scoped3A = tpu.sem_alloc : memref<!tpu.dma_semaphore, #tpu.memory_space<semaphore_mem>>
          %dma_start3A_1255 = arith.constant 0 : i32
          %dma_start3A_1256 = arith.constant 0 : i32
          %dma_start3A_1257 = tpu.memref_slice %arg8[%cond3A_1252, %dma_start3A_1255, %dma_start3A_1256] : memref<3x80x128xf32, #tpu.memory_space<vmem>> -> memref<1x80x128xf32, #tpu.memory_space<vmem>>
          %dma_start3A_1258 = tpu.memref_squeeze %dma_start3A_1257 : memref<1x80x128xf32, #tpu.memory_space<vmem>> -> memref<80x128xf32, #tpu.memory_space<vmem>>
          %dma_start3A_1259 = arith.constant 9640 : i32
          %dma_start3A_1260 = arith.constant 0 : i32
          %dma_start3A_1261 = tpu.memref_slice %arg5[%dma_start3A_1259, %dma_start3A_1260] : memref<10000x128xf32, #tpu.memory_space<vmem_shared>> -> memref<80x128xf32, #tpu.memory_space<vmem_shared>>
          %dma_start3A_1262 = arith.constant 9640 : i32
          %dma_start3A_1263 = arith.constant 0 : i32
          %dma_start3A_1264 = tpu.memref_slice %arg5[%dma_start3A_1262, %dma_start3A_1263] : memref<10000x128xf32, #tpu.memory_space<vmem_shared>> -> memref<80x128xf32, #tpu.memory_space<vmem_shared>>
          %dma_start3A_1265 = arith.constant 0 : i32
          %dma_start3A_1266 = arith.constant 0 : i32
          %dma_start3A_1267 = tpu.memref_slice %arg8[%cond3A_1252, %dma_start3A_1265, %dma_start3A_1266] : memref<3x80x128xf32, #tpu.memory_space<vmem>> -> memref<1x80x128xf32, #tpu.memory_space<vmem>>
          %dma_start3A_1268 = tpu.memref_squeeze %dma_start3A_1267 : memref<1x80x128xf32, #tpu.memory_space<vmem>> -> memref<80x128xf32, #tpu.memory_space<vmem>>
          tpu.enqueue_dma source(%dma_start3A_1268 : memref<80x128xf32, #tpu.memory_space<vmem>>) target(%dma_start3A_1264 : memref<80x128xf32, #tpu.memory_space<vmem_shared>>) target_semaphore(%run_scoped3A : memref<!tpu.dma_semaphore, #tpu.memory_space<semaphore_mem>>)
          %dma_wait3A_1269 = arith.constant 0 : i32
          %dma_wait3A_1270 = arith.constant 0 : i32
          %dma_wait3A_1271 = tpu.memref_slice %arg8[%cond3A_1252, %dma_wait3A_1269, %dma_wait3A_1270] : memref<3x80x128xf32, #tpu.memory_space<vmem>> -> memref<1x80x128xf32, #tpu.memory_space<vmem>>
          %dma_wait3A_1272 = tpu.memref_squeeze %dma_wait3A_1271 : memref<1x80x128xf32, #tpu.memory_space<vmem>> -> memref<80x128xf32, #tpu.memory_space<vmem>>
          %dma_wait3A_1273 = arith.constant 9640 : i32
          %dma_wait3A_1274 = arith.constant 0 : i32
          %dma_wait3A_1275 = tpu.memref_slice %arg5[%dma_wait3A_1273, %dma_wait3A_1274] : memref<10000x128xf32, #tpu.memory_space<vmem_shared>> -> memref<80x128xf32, #tpu.memory_space<vmem_shared>>
          %dma_wait3A_1276 = arith.constant 9640 : i32
          %dma_wait3A_1277 = arith.constant 0 : i32
          %dma_wait3A_1278 = tpu.memref_slice %arg5[%dma_wait3A_1276, %dma_wait3A_1277] : memref<10000x128xf32, #tpu.memory_space<vmem_shared>> -> memref<80x128xf32, #tpu.memory_space<vmem_shared>>
          %dma_wait3A_1279 = arith.constant 0 : i32
          %dma_wait3A_1280 = arith.constant 0 : i32
          %dma_wait3A_1281 = tpu.memref_slice %arg8[%cond3A_1252, %dma_wait3A_1279, %dma_wait3A_1280] : memref<3x80x128xf32, #tpu.memory_space<vmem>> -> memref<1x80x128xf32, #tpu.memory_space<vmem>>
          %dma_wait3A_1282 = tpu.memref_squeeze %dma_wait3A_1281 : memref<1x80x128xf32, #tpu.memory_space<vmem>> -> memref<80x128xf32, #tpu.memory_space<vmem>>
          tpu.wait_dma2 semaphore(%run_scoped3A : memref<!tpu.dma_semaphore, #tpu.memory_space<semaphore_mem>>) src(%dma_wait3A_1282 : memref<80x128xf32, #tpu.memory_space<vmem>>) dst(%dma_wait3A_1278 : memref<80x128xf32, #tpu.memory_space<vmem_shared>>)
          tpu.yield
        }) : () -> ()
        "tpu.region"() ({
          %run_scoped3A = tpu.sem_alloc : memref<!tpu.dma_semaphore, #tpu.memory_space<semaphore_mem>>
          %dma_start3A_1255 = arith.constant 0 : i32
          %dma_start3A_1256 = arith.constant 0 : i32
          %dma_start3A_1257 = tpu.memref_slice %arg8[%cond3A_1252, %dma_start3A_1255, %dma_start3A_1256] : memref<3x80x128xf32, #tpu.memory_space<vmem>> -> memref<1x80x128xf32, #tpu.memory_space<vmem>>
          %dma_start3A_1258 = tpu.memref_squeeze %dma_start3A_1257 : memref<1x80x128xf32, #tpu.memory_space<vmem>> -> memref<80x128xf32, #tpu.memory_space<vmem>>
          %dma_start3A_1259 = arith.constant 9720 : i32
          %dma_start3A_1260 = arith.constant 0 : i32
          %dma_start3A_1261 = tpu.memref_slice %arg5[%dma_start3A_1259, %dma_start3A_1260] : memref<10000x128xf32, #tpu.memory_space<vmem_shared>> -> memref<80x128xf32, #tpu.memory_space<vmem_shared>>
          %dma_start3A_1262 = arith.constant 9720 : i32
          %dma_start3A_1263 = arith.constant 0 : i32
          %dma_start3A_1264 = tpu.memref_slice %arg5[%dma_start3A_1262, %dma_start3A_1263] : memref<10000x128xf32, #tpu.memory_space<vmem_shared>> -> memref<80x128xf32, #tpu.memory_space<vmem_shared>>
          %dma_start3A_1265 = arith.constant 0 : i32
          %dma_start3A_1266 = arith.constant 0 : i32
          %dma_start3A_1267 = tpu.memref_slice %arg8[%cond3A_1252, %dma_start3A_1265, %dma_start3A_1266] : memref<3x80x128xf32, #tpu.memory_space<vmem>> -> memref<1x80x128xf32, #tpu.memory_space<vmem>>
          %dma_start3A_1268 = tpu.memref_squeeze %dma_start3A_1267 : memref<1x80x128xf32, #tpu.memory_space<vmem>> -> memref<80x128xf32, #tpu.memory_space<vmem>>
          tpu.enqueue_dma source(%dma_start3A_1268 : memref<80x128xf32, #tpu.memory_space<vmem>>) target(%dma_start3A_1264 : memref<80x128xf32, #tpu.memory_space<vmem_shared>>) target_semaphore(%run_scoped3A : memref<!tpu.dma_semaphore, #tpu.memory_space<semaphore_mem>>)
          %dma_wait3A_1269 = arith.constant 0 : i32
          %dma_wait3A_1270 = arith.constant 0 : i32
          %dma_wait3A_1271 = tpu.memref_slice %arg8[%cond3A_1252, %dma_wait3A_1269, %dma_wait3A_1270] : memref<3x80x128xf32, #tpu.memory_space<vmem>> -> memref<1x80x128xf32, #tpu.memory_space<vmem>>
          %dma_wait3A_1272 = tpu.memref_squeeze %dma_wait3A_1271 : memref<1x80x128xf32, #tpu.memory_space<vmem>> -> memref<80x128xf32, #tpu.memory_space<vmem>>
          %dma_wait3A_1273 = arith.constant 9720 : i32
          %dma_wait3A_1274 = arith.constant 0 : i32
          %dma_wait3A_1275 = tpu.memref_slice %arg5[%dma_wait3A_1273, %dma_wait3A_1274] : memref<10000x128xf32, #tpu.memory_space<vmem_shared>> -> memref<80x128xf32, #tpu.memory_space<vmem_shared>>
          %dma_wait3A_1276 = arith.constant 9720 : i32
          %dma_wait3A_1277 = arith.constant 0 : i32
          %dma_wait3A_1278 = tpu.memref_slice %arg5[%dma_wait3A_1276, %dma_wait3A_1277] : memref<10000x128xf32, #tpu.memory_space<vmem_shared>> -> memref<80x128xf32, #tpu.memory_space<vmem_shared>>
          %dma_wait3A_1279 = arith.constant 0 : i32
          %dma_wait3A_1280 = arith.constant 0 : i32
          %dma_wait3A_1281 = tpu.memref_slice %arg8[%cond3A_1252, %dma_wait3A_1279, %dma_wait3A_1280] : memref<3x80x128xf32, #tpu.memory_space<vmem>> -> memref<1x80x128xf32, #tpu.memory_space<vmem>>
          %dma_wait3A_1282 = tpu.memref_squeeze %dma_wait3A_1281 : memref<1x80x128xf32, #tpu.memory_space<vmem>> -> memref<80x128xf32, #tpu.memory_space<vmem>>
          tpu.wait_dma2 semaphore(%run_scoped3A : memref<!tpu.dma_semaphore, #tpu.memory_space<semaphore_mem>>) src(%dma_wait3A_1282 : memref<80x128xf32, #tpu.memory_space<vmem>>) dst(%dma_wait3A_1278 : memref<80x128xf32, #tpu.memory_space<vmem_shared>>)
          tpu.yield
        }) : () -> ()
        "tpu.region"() ({
          %run_scoped3A = tpu.sem_alloc : memref<!tpu.dma_semaphore, #tpu.memory_space<semaphore_mem>>
          %dma_start3A_1255 = arith.constant 0 : i32
          %dma_start3A_1256 = arith.constant 0 : i32
          %dma_start3A_1257 = tpu.memref_slice %arg8[%cond3A_1252, %dma_start3A_1255, %dma_start3A_1256] : memref<3x80x128xf32, #tpu.memory_space<vmem>> -> memref<1x80x128xf32, #tpu.memory_space<vmem>>
          %dma_start3A_1258 = tpu.memref_squeeze %dma_start3A_1257 : memref<1x80x128xf32, #tpu.memory_space<vmem>> -> memref<80x128xf32, #tpu.memory_space<vmem>>
          %dma_start3A_1259 = arith.constant 9800 : i32
          %dma_start3A_1260 = arith.constant 0 : i32
          %dma_start3A_1261 = tpu.memref_slice %arg5[%dma_start3A_1259, %dma_start3A_1260] : memref<10000x128xf32, #tpu.memory_space<vmem_shared>> -> memref<80x128xf32, #tpu.memory_space<vmem_shared>>
          %dma_start3A_1262 = arith.constant 9800 : i32
          %dma_start3A_1263 = arith.constant 0 : i32
          %dma_start3A_1264 = tpu.memref_slice %arg5[%dma_start3A_1262, %dma_start3A_1263] : memref<10000x128xf32, #tpu.memory_space<vmem_shared>> -> memref<80x128xf32, #tpu.memory_space<vmem_shared>>
          %dma_start3A_1265 = arith.constant 0 : i32
          %dma_start3A_1266 = arith.constant 0 : i32
          %dma_start3A_1267 = tpu.memref_slice %arg8[%cond3A_1252, %dma_start3A_1265, %dma_start3A_1266] : memref<3x80x128xf32, #tpu.memory_space<vmem>> -> memref<1x80x128xf32, #tpu.memory_space<vmem>>
          %dma_start3A_1268 = tpu.memref_squeeze %dma_start3A_1267 : memref<1x80x128xf32, #tpu.memory_space<vmem>> -> memref<80x128xf32, #tpu.memory_space<vmem>>
          tpu.enqueue_dma source(%dma_start3A_1268 : memref<80x128xf32, #tpu.memory_space<vmem>>) target(%dma_start3A_1264 : memref<80x128xf32, #tpu.memory_space<vmem_shared>>) target_semaphore(%run_scoped3A : memref<!tpu.dma_semaphore, #tpu.memory_space<semaphore_mem>>)
          %dma_wait3A_1269 = arith.constant 0 : i32
          %dma_wait3A_1270 = arith.constant 0 : i32
          %dma_wait3A_1271 = tpu.memref_slice %arg8[%cond3A_1252, %dma_wait3A_1269, %dma_wait3A_1270] : memref<3x80x128xf32, #tpu.memory_space<vmem>> -> memref<1x80x128xf32, #tpu.memory_space<vmem>>
          %dma_wait3A_1272 = tpu.memref_squeeze %dma_wait3A_1271 : memref<1x80x128xf32, #tpu.memory_space<vmem>> -> memref<80x128xf32, #tpu.memory_space<vmem>>
          %dma_wait3A_1273 = arith.constant 9800 : i32
          %dma_wait3A_1274 = arith.constant 0 : i32
          %dma_wait3A_1275 = tpu.memref_slice %arg5[%dma_wait3A_1273, %dma_wait3A_1274] : memref<10000x128xf32, #tpu.memory_space<vmem_shared>> -> memref<80x128xf32, #tpu.memory_space<vmem_shared>>
          %dma_wait3A_1276 = arith.constant 9800 : i32
          %dma_wait3A_1277 = arith.constant 0 : i32
          %dma_wait3A_1278 = tpu.memref_slice %arg5[%dma_wait3A_1276, %dma_wait3A_1277] : memref<10000x128xf32, #tpu.memory_space<vmem_shared>> -> memref<80x128xf32, #tpu.memory_space<vmem_shared>>
          %dma_wait3A_1279 = arith.constant 0 : i32
          %dma_wait3A_1280 = arith.constant 0 : i32
          %dma_wait3A_1281 = tpu.memref_slice %arg8[%cond3A_1252, %dma_wait3A_1279, %dma_wait3A_1280] : memref<3x80x128xf32, #tpu.memory_space<vmem>> -> memref<1x80x128xf32, #tpu.memory_space<vmem>>
          %dma_wait3A_1282 = tpu.memref_squeeze %dma_wait3A_1281 : memref<1x80x128xf32, #tpu.memory_space<vmem>> -> memref<80x128xf32, #tpu.memory_space<vmem>>
          tpu.wait_dma2 semaphore(%run_scoped3A : memref<!tpu.dma_semaphore, #tpu.memory_space<semaphore_mem>>) src(%dma_wait3A_1282 : memref<80x128xf32, #tpu.memory_space<vmem>>) dst(%dma_wait3A_1278 : memref<80x128xf32, #tpu.memory_space<vmem_shared>>)
          tpu.yield
        }) : () -> ()
        "tpu.region"() ({
          %run_scoped3A = tpu.sem_alloc : memref<!tpu.dma_semaphore, #tpu.memory_space<semaphore_mem>>
          %dma_start3A_1255 = arith.constant 0 : i32
          %dma_start3A_1256 = arith.constant 0 : i32
          %dma_start3A_1257 = tpu.memref_slice %arg8[%cond3A_1252, %dma_start3A_1255, %dma_start3A_1256] : memref<3x80x128xf32, #tpu.memory_space<vmem>> -> memref<1x80x128xf32, #tpu.memory_space<vmem>>
          %dma_start3A_1258 = tpu.memref_squeeze %dma_start3A_1257 : memref<1x80x128xf32, #tpu.memory_space<vmem>> -> memref<80x128xf32, #tpu.memory_space<vmem>>
          %dma_start3A_1259 = arith.constant 9880 : i32
          %dma_start3A_1260 = arith.constant 0 : i32
          %dma_start3A_1261 = tpu.memref_slice %arg5[%dma_start3A_1259, %dma_start3A_1260] : memref<10000x128xf32, #tpu.memory_space<vmem_shared>> -> memref<80x128xf32, #tpu.memory_space<vmem_shared>>
          %dma_start3A_1262 = arith.constant 9880 : i32
          %dma_start3A_1263 = arith.constant 0 : i32
          %dma_start3A_1264 = tpu.memref_slice %arg5[%dma_start3A_1262, %dma_start3A_1263] : memref<10000x128xf32, #tpu.memory_space<vmem_shared>> -> memref<80x128xf32, #tpu.memory_space<vmem_shared>>
          %dma_start3A_1265 = arith.constant 0 : i32
          %dma_start3A_1266 = arith.constant 0 : i32
          %dma_start3A_1267 = tpu.memref_slice %arg8[%cond3A_1252, %dma_start3A_1265, %dma_start3A_1266] : memref<3x80x128xf32, #tpu.memory_space<vmem>> -> memref<1x80x128xf32, #tpu.memory_space<vmem>>
          %dma_start3A_1268 = tpu.memref_squeeze %dma_start3A_1267 : memref<1x80x128xf32, #tpu.memory_space<vmem>> -> memref<80x128xf32, #tpu.memory_space<vmem>>
          tpu.enqueue_dma source(%dma_start3A_1268 : memref<80x128xf32, #tpu.memory_space<vmem>>) target(%dma_start3A_1264 : memref<80x128xf32, #tpu.memory_space<vmem_shared>>) target_semaphore(%run_scoped3A : memref<!tpu.dma_semaphore, #tpu.memory_space<semaphore_mem>>)
          %dma_wait3A_1269 = arith.constant 0 : i32
          %dma_wait3A_1270 = arith.constant 0 : i32
          %dma_wait3A_1271 = tpu.memref_slice %arg8[%cond3A_1252, %dma_wait3A_1269, %dma_wait3A_1270] : memref<3x80x128xf32, #tpu.memory_space<vmem>> -> memref<1x80x128xf32, #tpu.memory_space<vmem>>
          %dma_wait3A_1272 = tpu.memref_squeeze %dma_wait3A_1271 : memref<1x80x128xf32, #tpu.memory_space<vmem>> -> memref<80x128xf32, #tpu.memory_space<vmem>>
          %dma_wait3A_1273 = arith.constant 9880 : i32
          %dma_wait3A_1274 = arith.constant 0 : i32
          %dma_wait3A_1275 = tpu.memref_slice %arg5[%dma_wait3A_1273, %dma_wait3A_1274] : memref<10000x128xf32, #tpu.memory_space<vmem_shared>> -> memref<80x128xf32, #tpu.memory_space<vmem_shared>>
          %dma_wait3A_1276 = arith.constant 9880 : i32
          %dma_wait3A_1277 = arith.constant 0 : i32
          %dma_wait3A_1278 = tpu.memref_slice %arg5[%dma_wait3A_1276, %dma_wait3A_1277] : memref<10000x128xf32, #tpu.memory_space<vmem_shared>> -> memref<80x128xf32, #tpu.memory_space<vmem_shared>>
          %dma_wait3A_1279 = arith.constant 0 : i32
          %dma_wait3A_1280 = arith.constant 0 : i32
          %dma_wait3A_1281 = tpu.memref_slice %arg8[%cond3A_1252, %dma_wait3A_1279, %dma_wait3A_1280] : memref<3x80x128xf32, #tpu.memory_space<vmem>> -> memref<1x80x128xf32, #tpu.memory_space<vmem>>
          %dma_wait3A_1282 = tpu.memref_squeeze %dma_wait3A_1281 : memref<1x80x128xf32, #tpu.memory_space<vmem>> -> memref<80x128xf32, #tpu.memory_space<vmem>>
          tpu.wait_dma2 semaphore(%run_scoped3A : memref<!tpu.dma_semaphore, #tpu.memory_space<semaphore_mem>>) src(%dma_wait3A_1282 : memref<80x128xf32, #tpu.memory_space<vmem>>) dst(%dma_wait3A_1278 : memref<80x128xf32, #tpu.memory_space<vmem_shared>>)
          tpu.yield
        }) : () -> ()
        "tpu.region"() ({
          %run_scoped3A = tpu.sem_alloc : memref<!tpu.dma_semaphore, #tpu.memory_space<semaphore_mem>>
          %dma_start3A_1255 = arith.constant 0 : i32
          %dma_start3A_1256 = arith.constant 0 : i32
          %dma_start3A_1257 = tpu.memref_slice %arg8[%cond3A_1252, %dma_start3A_1255, %dma_start3A_1256] : memref<3x80x128xf32, #tpu.memory_space<vmem>> -> memref<1x80x128xf32, #tpu.memory_space<vmem>>
          %dma_start3A_1258 = tpu.memref_squeeze %dma_start3A_1257 : memref<1x80x128xf32, #tpu.memory_space<vmem>> -> memref<80x128xf32, #tpu.memory_space<vmem>>
          %dma_start3A_1259 = arith.constant 0 : i32
          %dma_start3A_1260 = arith.constant 0 : i32
          %dma_start3A_1261 = tpu.memref_slice %dma_start3A_1258[%dma_start3A_1259, %dma_start3A_1260] : memref<80x128xf32, #tpu.memory_space<vmem>> -> memref<40x128xf32, #tpu.memory_space<vmem>>
          %dma_start3A_1262 = arith.constant 9960 : i32
          %dma_start3A_1263 = arith.constant 0 : i32
          %dma_start3A_1264 = tpu.memref_slice %arg5[%dma_start3A_1262, %dma_start3A_1263] : memref<10000x128xf32, #tpu.memory_space<vmem_shared>> -> memref<40x128xf32, #tpu.memory_space<vmem_shared>>
          %dma_start3A_1265 = arith.constant 9960 : i32
          %dma_start3A_1266 = arith.constant 0 : i32
          %dma_start3A_1267 = tpu.memref_slice %arg5[%dma_start3A_1265, %dma_start3A_1266] : memref<10000x128xf32, #tpu.memory_space<vmem_shared>> -> memref<40x128xf32, #tpu.memory_space<vmem_shared>>
          %dma_start3A_1268 = arith.constant 0 : i32
          %dma_start3A_1269 = arith.constant 0 : i32
          %dma_start3A_1270 = tpu.memref_slice %arg8[%cond3A_1252, %dma_start3A_1268, %dma_start3A_1269] : memref<3x80x128xf32, #tpu.memory_space<vmem>> -> memref<1x80x128xf32, #tpu.memory_space<vmem>>
          %dma_start3A_1271 = tpu.memref_squeeze %dma_start3A_1270 : memref<1x80x128xf32, #tpu.memory_space<vmem>> -> memref<80x128xf32, #tpu.memory_space<vmem>>
          %dma_start3A_1272 = arith.constant 0 : i32
          %dma_start3A_1273 = arith.constant 0 : i32
          %dma_start3A_1274 = tpu.memref_slice %dma_start3A_1271[%dma_start3A_1272, %dma_start3A_1273] : memref<80x128xf32, #tpu.memory_space<vmem>> -> memref<40x128xf32, #tpu.memory_space<vmem>>
          tpu.enqueue_dma source(%dma_start3A_1274 : memref<40x128xf32, #tpu.memory_space<vmem>>) target(%dma_start3A_1267 : memref<40x128xf32, #tpu.memory_space<vmem_shared>>) target_semaphore(%run_scoped3A : memref<!tpu.dma_semaphore, #tpu.memory_space<semaphore_mem>>)
          %dma_wait3A_1275 = arith.constant 0 : i32
          %dma_wait3A_1276 = arith.constant 0 : i32
          %dma_wait3A_1277 = tpu.memref_slice %arg8[%cond3A_1252, %dma_wait3A_1275, %dma_wait3A_1276] : memref<3x80x128xf32, #tpu.memory_space<vmem>> -> memref<1x80x128xf32, #tpu.memory_space<vmem>>
          %dma_wait3A_1278 = tpu.memref_squeeze %dma_wait3A_1277 : memref<1x80x128xf32, #tpu.memory_space<vmem>> -> memref<80x128xf32, #tpu.memory_space<vmem>>
          %dma_wait3A_1279 = arith.constant 0 : i32
          %dma_wait3A_1280 = arith.constant 0 : i32
          %dma_wait3A_1281 = tpu.memref_slice %dma_wait3A_1278[%dma_wait3A_1279, %dma_wait3A_1280] : memref<80x128xf32, #tpu.memory_space<vmem>> -> memref<40x128xf32, #tpu.memory_space<vmem>>
          %dma_wait3A_1282 = arith.constant 9960 : i32
          %dma_wait3A_1283 = arith.constant 0 : i32
          %dma_wait3A_1284 = tpu.memref_slice %arg5[%dma_wait3A_1282, %dma_wait3A_1283] : memref<10000x128xf32, #tpu.memory_space<vmem_shared>> -> memref<40x128xf32, #tpu.memory_space<vmem_shared>>
          %dma_wait3A_1285 = arith.constant 9960 : i32
          %dma_wait3A_1286 = arith.constant 0 : i32
          %dma_wait3A_1287 = tpu.memref_slice %arg5[%dma_wait3A_1285, %dma_wait3A_1286] : memref<10000x128xf32, #tpu.memory_space<vmem_shared>> -> memref<40x128xf32, #tpu.memory_space<vmem_shared>>
          %dma_wait3A_1288 = arith.constant 0 : i32
          %dma_wait3A_1289 = arith.constant 0 : i32
          %dma_wait3A_1290 = tpu.memref_slice %arg8[%cond3A_1252, %dma_wait3A_1288, %dma_wait3A_1289] : memref<3x80x128xf32, #tpu.memory_space<vmem>> -> memref<1x80x128xf32, #tpu.memory_space<vmem>>
          %dma_wait3A_1291 = tpu.memref_squeeze %dma_wait3A_1290 : memref<1x80x128xf32, #tpu.memory_space<vmem>> -> memref<80x128xf32, #tpu.memory_space<vmem>>
          %dma_wait3A_1292 = arith.constant 0 : i32
          %dma_wait3A_1293 = arith.constant 0 : i32
          %dma_wait3A_1294 = tpu.memref_slice %dma_wait3A_1291[%dma_wait3A_1292, %dma_wait3A_1293] : memref<80x128xf32, #tpu.memory_space<vmem>> -> memref<40x128xf32, #tpu.memory_space<vmem>>
          tpu.wait_dma2 semaphore(%run_scoped3A : memref<!tpu.dma_semaphore, #tpu.memory_space<semaphore_mem>>) src(%dma_wait3A_1294 : memref<40x128xf32, #tpu.memory_space<vmem>>) dst(%dma_wait3A_1287 : memref<40x128xf32, #tpu.memory_space<vmem_shared>>)
          tpu.yield
        }) : () -> ()
      } else {
      }
    } else {
    }
    %mul3A_26 = arith.constant 10000 : i32
    %mul3A_27 = arith.muli %add3A, %mul3A_26 : i32
    %dma_wait3A = tpu.memref_slice %arg3[%mul3A_27] : memref<640000xi32, #tpu.memory_space<hbm>> -> memref<10000xi32, #tpu.memory_space<hbm>>
    %dma_wait3A_28 = tpu.memref_slice %arg3[%mul3A_27] : memref<640000xi32, #tpu.memory_space<hbm>> -> memref<10000xi32, #tpu.memory_space<hbm>>
    tpu.wait_dma2 semaphore(%arg12 : memref<!tpu.dma_semaphore, #tpu.memory_space<semaphore_mem>>) src(%dma_wait3A_28 : memref<10000xi32, #tpu.memory_space<hbm>>) dst(%arg6 : memref<10000xi32, #tpu.memory_space<vmem>>)
    %mul3A_29 = arith.constant 10000 : i32
    %mul3A_30 = arith.muli %add3A, %mul3A_29 : i32
    %add3A_31 = arith.constant 320000 : i32
    %add3A_32 = arith.addi %add3A_31, %mul3A_30 : i32
    %dma_wait3A_33 = tpu.memref_slice %arg3[%add3A_32] : memref<640000xi32, #tpu.memory_space<hbm>> -> memref<10000xi32, #tpu.memory_space<hbm>>
    %dma_wait3A_34 = tpu.memref_slice %arg3[%add3A_32] : memref<640000xi32, #tpu.memory_space<hbm>> -> memref<10000xi32, #tpu.memory_space<hbm>>
    tpu.wait_dma2 semaphore(%arg12 : memref<!tpu.dma_semaphore, #tpu.memory_space<semaphore_mem>>) src(%dma_wait3A_34 : memref<10000xi32, #tpu.memory_space<hbm>>) dst(%arg7 : memref<10000xi32, #tpu.memory_space<vmem>>)
    %dma_start3A_35 = arith.constant 0 : i32
    %dma_start3A_36 = arith.constant 0 : i32
    %dma_start3A_37 = arith.constant 0 : i32
    %dma_start3A_38 = arith.constant 0 : i32
    %dma_start3A_39 = tpu.memref_slice %arg8[%dma_start3A_35, %dma_start3A_37, %dma_start3A_38] : memref<3x80x128xf32, #tpu.memory_space<vmem>> -> memref<1x80x128xf32, #tpu.memory_space<vmem>>
    %dma_start3A_40 = tpu.memref_squeeze %dma_start3A_39 : memref<1x80x128xf32, #tpu.memory_space<vmem>> -> memref<80x128xf32, #tpu.memory_space<vmem>>
    %dma_start3A_41 = arith.constant 0 : i32
    %dma_start3A_42 = arith.constant 0 : i32
    %dma_start3A_43 = tpu.memref_slice %dma_start3A_40[%dma_start3A_41, %dma_start3A_42] : memref<80x128xf32, #tpu.memory_space<vmem>> -> memref<40x128xf32, #tpu.memory_space<vmem>>
    %dma_start3A_44 = arith.constant 0 : i32
    %dma_start3A_45 = tpu.memref_slice %arg6[%dma_start3A_44] : memref<10000xi32, #tpu.memory_space<vmem>> -> memref<40xi32, #tpu.memory_space<vmem>>
    %dma_start3A_46 = arith.constant 0 : i32
    %dma_start3A_47 = arith.constant 0 : i32
    %dma_start3A_48 = tpu.memref_slice %arg2[%dma_start3A_46, %dma_start3A_47] : memref<10000x128xf32, #tpu.memory_space<hbm>> -> memref<10000x128xf32, #tpu.memory_space<hbm>>
    %dma_start3A_49 = tpu.memref_slice %arg9[%dma_start3A_36] : memref<3x!tpu.dma_semaphore, #tpu.memory_space<semaphore_mem>> -> memref<1x!tpu.dma_semaphore, #tpu.memory_space<semaphore_mem>>
    %dma_start3A_50 = tpu.memref_squeeze %dma_start3A_49 : memref<1x!tpu.dma_semaphore, #tpu.memory_space<semaphore_mem>> -> memref<!tpu.dma_semaphore, #tpu.memory_space<semaphore_mem>>
    tpu.enqueue_indirect_dma source(%dma_start3A_48 : memref<10000x128xf32, #tpu.memory_space<hbm>>) target(%dma_start3A_43 : memref<40x128xf32, #tpu.memory_space<vmem>>) offsets(%dma_start3A_45 : memref<40xi32, #tpu.memory_space<vmem>>) semaphore(%dma_start3A_50 : memref<!tpu.dma_semaphore, #tpu.memory_space<semaphore_mem>>)
    %dma_start3A_51 = arith.constant 0 : i32
    %dma_start3A_52 = arith.constant 0 : i32
    %dma_start3A_53 = arith.constant 0 : i32
    %dma_start3A_54 = arith.constant 0 : i32
    %dma_start3A_55 = tpu.memref_slice %arg8[%dma_start3A_51, %dma_start3A_53, %dma_start3A_54] : memref<3x80x128xf32, #tpu.memory_space<vmem>> -> memref<1x80x128xf32, #tpu.memory_space<vmem>>
    %dma_start3A_56 = tpu.memref_squeeze %dma_start3A_55 : memref<1x80x128xf32, #tpu.memory_space<vmem>> -> memref<80x128xf32, #tpu.memory_space<vmem>>
    %dma_start3A_57 = arith.constant 40 : i32
    %dma_start3A_58 = arith.constant 0 : i32
    %dma_start3A_59 = tpu.memref_slice %dma_start3A_56[%dma_start3A_57, %dma_start3A_58] : memref<80x128xf32, #tpu.memory_space<vmem>> -> memref<40x128xf32, #tpu.memory_space<vmem>>
    %dma_start3A_60 = arith.constant 40 : i32
    %dma_start3A_61 = tpu.memref_slice %arg6[%dma_start3A_60] : memref<10000xi32, #tpu.memory_space<vmem>> -> memref<40xi32, #tpu.memory_space<vmem>>
    %dma_start3A_62 = arith.constant 0 : i32
    %dma_start3A_63 = arith.constant 0 : i32
    %dma_start3A_64 = tpu.memref_slice %arg2[%dma_start3A_62, %dma_start3A_63] : memref<10000x128xf32, #tpu.memory_space<hbm>> -> memref<10000x128xf32, #tpu.memory_space<hbm>>
    %dma_start3A_65 = tpu.memref_slice %arg9[%dma_start3A_52] : memref<3x!tpu.dma_semaphore, #tpu.memory_space<semaphore_mem>> -> memref<1x!tpu.dma_semaphore, #tpu.memory_space<semaphore_mem>>
    %dma_start3A_66 = tpu.memref_squeeze %dma_start3A_65 : memref<1x!tpu.dma_semaphore, #tpu.memory_space<semaphore_mem>> -> memref<!tpu.dma_semaphore, #tpu.memory_space<semaphore_mem>>
    tpu.enqueue_indirect_dma source(%dma_start3A_64 : memref<10000x128xf32, #tpu.memory_space<hbm>>) target(%dma_start3A_59 : memref<40x128xf32, #tpu.memory_space<vmem>>) offsets(%dma_start3A_61 : memref<40xi32, #tpu.memory_space<vmem>>) semaphore(%dma_start3A_66 : memref<!tpu.dma_semaphore, #tpu.memory_space<semaphore_mem>>)
    %dma_start3A_67 = arith.constant 1 : i32
    %dma_start3A_68 = arith.constant 1 : i32
    %dma_start3A_69 = arith.constant 0 : i32
    %dma_start3A_70 = arith.constant 0 : i32
    %dma_start3A_71 = tpu.memref_slice %arg8[%dma_start3A_67, %dma_start3A_69, %dma_start3A_70] : memref<3x80x128xf32, #tpu.memory_space<vmem>> -> memref<1x80x128xf32, #tpu.memory_space<vmem>>
    %dma_start3A_72 = tpu.memref_squeeze %dma_start3A_71 : memref<1x80x128xf32, #tpu.memory_space<vmem>> -> memref<80x128xf32, #tpu.memory_space<vmem>>
    %dma_start3A_73 = arith.constant 0 : i32
    %dma_start3A_74 = arith.constant 0 : i32
    %dma_start3A_75 = tpu.memref_slice %dma_start3A_72[%dma_start3A_73, %dma_start3A_74] : memref<80x128xf32, #tpu.memory_space<vmem>> -> memref<40x128xf32, #tpu.memory_space<vmem>>
    %dma_start3A_76 = arith.constant 80 : i32
    %dma_start3A_77 = tpu.memref_slice %arg6[%dma_start3A_76] : memref<10000xi32, #tpu.memory_space<vmem>> -> memref<40xi32, #tpu.memory_space<vmem>>
    %dma_start3A_78 = arith.constant 0 : i32
    %dma_start3A_79 = arith.constant 0 : i32
    %dma_start3A_80 = tpu.memref_slice %arg2[%dma_start3A_78, %dma_start3A_79] : memref<10000x128xf32, #tpu.memory_space<hbm>> -> memref<10000x128xf32, #tpu.memory_space<hbm>>
    %dma_start3A_81 = tpu.memref_slice %arg9[%dma_start3A_68] : memref<3x!tpu.dma_semaphore, #tpu.memory_space<semaphore_mem>> -> memref<1x!tpu.dma_semaphore, #tpu.memory_space<semaphore_mem>>
    %dma_start3A_82 = tpu.memref_squeeze %dma_start3A_81 : memref<1x!tpu.dma_semaphore, #tpu.memory_space<semaphore_mem>> -> memref<!tpu.dma_semaphore, #tpu.memory_space<semaphore_mem>>
    tpu.enqueue_indirect_dma source(%dma_start3A_80 : memref<10000x128xf32, #tpu.memory_space<hbm>>) target(%dma_start3A_75 : memref<40x128xf32, #tpu.memory_space<vmem>>) offsets(%dma_start3A_77 : memref<40xi32, #tpu.memory_space<vmem>>) semaphore(%dma_start3A_82 : memref<!tpu.dma_semaphore, #tpu.memory_space<semaphore_mem>>)
    %dma_start3A_83 = arith.constant 1 : i32
    %dma_start3A_84 = arith.constant 1 : i32
    %dma_start3A_85 = arith.constant 0 : i32
    %dma_start3A_86 = arith.constant 0 : i32
    %dma_start3A_87 = tpu.memref_slice %arg8[%dma_start3A_83, %dma_start3A_85, %dma_start3A_86] : memref<3x80x128xf32, #tpu.memory_space<vmem>> -> memref<1x80x128xf32, #tpu.memory_space<vmem>>
    %dma_start3A_88 = tpu.memref_squeeze %dma_start3A_87 : memref<1x80x128xf32, #tpu.memory_space<vmem>> -> memref<80x128xf32, #tpu.memory_space<vmem>>
    %dma_start3A_89 = arith.constant 40 : i32
    %dma_start3A_90 = arith.constant 0 : i32
    %dma_start3A_91 = tpu.memref_slice %dma_start3A_88[%dma_start3A_89, %dma_start3A_90] : memref<80x128xf32, #tpu.memory_space<vmem>> -> memref<40x128xf32, #tpu.memory_space<vmem>>
    %dma_start3A_92 = arith.constant 120 : i32
    %dma_start3A_93 = tpu.memref_slice %arg6[%dma_start3A_92] : memref<10000xi32, #tpu.memory_space<vmem>> -> memref<40xi32, #tpu.memory_space<vmem>>
    %dma_start3A_94 = arith.constant 0 : i32
    %dma_start3A_95 = arith.constant 0 : i32
    %dma_start3A_96 = tpu.memref_slice %arg2[%dma_start3A_94, %dma_start3A_95] : memref<10000x128xf32, #tpu.memory_space<hbm>> -> memref<10000x128xf32, #tpu.memory_space<hbm>>
    %dma_start3A_97 = tpu.memref_slice %arg9[%dma_start3A_84] : memref<3x!tpu.dma_semaphore, #tpu.memory_space<semaphore_mem>> -> memref<1x!tpu.dma_semaphore, #tpu.memory_space<semaphore_mem>>
    %dma_start3A_98 = tpu.memref_squeeze %dma_start3A_97 : memref<1x!tpu.dma_semaphore, #tpu.memory_space<semaphore_mem>> -> memref<!tpu.dma_semaphore, #tpu.memory_space<semaphore_mem>>
    tpu.enqueue_indirect_dma source(%dma_start3A_96 : memref<10000x128xf32, #tpu.memory_space<hbm>>) target(%dma_start3A_91 : memref<40x128xf32, #tpu.memory_space<vmem>>) offsets(%dma_start3A_93 : memref<40xi32, #tpu.memory_space<vmem>>) semaphore(%dma_start3A_98 : memref<!tpu.dma_semaphore, #tpu.memory_space<semaphore_mem>>)
    %dma_start3A_99 = arith.constant 2 : i32
    %dma_start3A_100 = arith.constant 2 : i32
    %dma_start3A_101 = arith.constant 0 : i32
    %dma_start3A_102 = arith.constant 0 : i32
    %dma_start3A_103 = tpu.memref_slice %arg8[%dma_start3A_99, %dma_start3A_101, %dma_start3A_102] : memref<3x80x128xf32, #tpu.memory_space<vmem>> -> memref<1x80x128xf32, #tpu.memory_space<vmem>>
    %dma_start3A_104 = tpu.memref_squeeze %dma_start3A_103 : memref<1x80x128xf32, #tpu.memory_space<vmem>> -> memref<80x128xf32, #tpu.memory_space<vmem>>
    %dma_start3A_105 = arith.constant 0 : i32
    %dma_start3A_106 = arith.constant 0 : i32
    %dma_start3A_107 = tpu.memref_slice %dma_start3A_104[%dma_start3A_105, %dma_start3A_106] : memref<80x128xf32, #tpu.memory_space<vmem>> -> memref<40x128xf32, #tpu.memory_space<vmem>>
    %dma_start3A_108 = arith.constant 160 : i32
    %dma_start3A_109 = tpu.memref_slice %arg6[%dma_start3A_108] : memref<10000xi32, #tpu.memory_space<vmem>> -> memref<40xi32, #tpu.memory_space<vmem>>
    %dma_start3A_110 = arith.constant 0 : i32
    %dma_start3A_111 = arith.constant 0 : i32
    %dma_start3A_112 = tpu.memref_slice %arg2[%dma_start3A_110, %dma_start3A_111] : memref<10000x128xf32, #tpu.memory_space<hbm>> -> memref<10000x128xf32, #tpu.memory_space<hbm>>
    %dma_start3A_113 = tpu.memref_slice %arg9[%dma_start3A_100] : memref<3x!tpu.dma_semaphore, #tpu.memory_space<semaphore_mem>> -> memref<1x!tpu.dma_semaphore, #tpu.memory_space<semaphore_mem>>
    %dma_start3A_114 = tpu.memref_squeeze %dma_start3A_113 : memref<1x!tpu.dma_semaphore, #tpu.memory_space<semaphore_mem>> -> memref<!tpu.dma_semaphore, #tpu.memory_space<semaphore_mem>>
    tpu.enqueue_indirect_dma source(%dma_start3A_112 : memref<10000x128xf32, #tpu.memory_space<hbm>>) target(%dma_start3A_107 : memref<40x128xf32, #tpu.memory_space<vmem>>) offsets(%dma_start3A_109 : memref<40xi32, #tpu.memory_space<vmem>>) semaphore(%dma_start3A_114 : memref<!tpu.dma_semaphore, #tpu.memory_space<semaphore_mem>>)
    %dma_start3A_115 = arith.constant 2 : i32
    %dma_start3A_116 = arith.constant 2 : i32
    %dma_start3A_117 = arith.constant 0 : i32
    %dma_start3A_118 = arith.constant 0 : i32
    %dma_start3A_119 = tpu.memref_slice %arg8[%dma_start3A_115, %dma_start3A_117, %dma_start3A_118] : memref<3x80x128xf32, #tpu.memory_space<vmem>> -> memref<1x80x128xf32, #tpu.memory_space<vmem>>
    %dma_start3A_120 = tpu.memref_squeeze %dma_start3A_119 : memref<1x80x128xf32, #tpu.memory_space<vmem>> -> memref<80x128xf32, #tpu.memory_space<vmem>>
    %dma_start3A_121 = arith.constant 40 : i32
    %dma_start3A_122 = arith.constant 0 : i32
    %dma_start3A_123 = tpu.memref_slice %dma_start3A_120[%dma_start3A_121, %dma_start3A_122] : memref<80x128xf32, #tpu.memory_space<vmem>> -> memref<40x128xf32, #tpu.memory_space<vmem>>
    %dma_start3A_124 = arith.constant 200 : i32
    %dma_start3A_125 = tpu.memref_slice %arg6[%dma_start3A_124] : memref<10000xi32, #tpu.memory_space<vmem>> -> memref<40xi32, #tpu.memory_space<vmem>>
    %dma_start3A_126 = arith.constant 0 : i32
    %dma_start3A_127 = arith.constant 0 : i32
    %dma_start3A_128 = tpu.memref_slice %arg2[%dma_start3A_126, %dma_start3A_127] : memref<10000x128xf32, #tpu.memory_space<hbm>> -> memref<10000x128xf32, #tpu.memory_space<hbm>>
    %dma_start3A_129 = tpu.memref_slice %arg9[%dma_start3A_116] : memref<3x!tpu.dma_semaphore, #tpu.memory_space<semaphore_mem>> -> memref<1x!tpu.dma_semaphore, #tpu.memory_space<semaphore_mem>>
    %dma_start3A_130 = tpu.memref_squeeze %dma_start3A_129 : memref<1x!tpu.dma_semaphore, #tpu.memory_space<semaphore_mem>> -> memref<!tpu.dma_semaphore, #tpu.memory_space<semaphore_mem>>
    tpu.enqueue_indirect_dma source(%dma_start3A_128 : memref<10000x128xf32, #tpu.memory_space<hbm>>) target(%dma_start3A_123 : memref<40x128xf32, #tpu.memory_space<vmem>>) offsets(%dma_start3A_125 : memref<40xi32, #tpu.memory_space<vmem>>) semaphore(%dma_start3A_130 : memref<!tpu.dma_semaphore, #tpu.memory_space<semaphore_mem>>)
    %eq3A_131 = arith.constant 0 : i32
    %eq3A_132 = arith.cmpi eq, %arg0, %eq3A_131 : i32
    %lt3A_133 = arith.constant 15 : i32
    %lt3A_134 = arith.cmpi slt, %arg1, %lt3A_133 : i32
    %and3A_135 = arith.andi %eq3A_132, %lt3A_134 : i1
    %convert_element_type3A_136 = arith.extui %and3A_135 : i1 to i32
    %cond3A_137 = arith.constant 0 : i32
    %cond3A_138 = arith.cmpi ne, %convert_element_type3A_136, %cond3A_137 : i32
    scf.if %cond3A_138 {
      %mul3A_1236 = arith.constant 632 : i32
      %mul3A_1237 = arith.muli %arg1, %mul3A_1236 : i32
      %mul3A_1238 = arith.constant 632 : i32
      %mul3A_1239 = arith.muli %arg1, %mul3A_1238 : i32
      %dma_wait3A_1240 = arith.constant 0 : i32
      %dma_wait3A_1241 = tpu.memref_slice %arg5[%mul3A_1239, %dma_wait3A_1240] : memref<10000x128xf32, #tpu.memory_space<vmem_shared>> -> memref<632x128xf32, #tpu.memory_space<vmem_shared>>
      %dma_wait3A_1242 = arith.constant 0 : i32
      %dma_wait3A_1243 = tpu.memref_slice %arg2[%mul3A_1237, %dma_wait3A_1242] : memref<10000x128xf32, #tpu.memory_space<hbm>> -> memref<632x128xf32, #tpu.memory_space<hbm>>
      tpu.wait_dma2 semaphore(%arg11 : memref<!tpu.dma_semaphore, #tpu.memory_space<semaphore_mem>>) src(%dma_wait3A_1243 : memref<632x128xf32, #tpu.memory_space<hbm>>) dst(%dma_wait3A_1241 : memref<632x128xf32, #tpu.memory_space<vmem_shared>>)
    } else {
    }
    %eq3A_139 = arith.constant 0 : i32
    %eq3A_140 = arith.cmpi eq, %arg0, %eq3A_139 : i32
    %eq3A_141 = arith.constant 15 : i32
    %eq3A_142 = arith.cmpi eq, %arg1, %eq3A_141 : i32
    %and3A_143 = arith.andi %eq3A_140, %eq3A_142 : i1
    %convert_element_type3A_144 = arith.extui %and3A_143 : i1 to i32
    %cond3A_145 = arith.constant 0 : i32
    %cond3A_146 = arith.cmpi ne, %convert_element_type3A_144, %cond3A_145 : i32
    scf.if %cond3A_146 {
      %dma_wait3A_1236 = arith.constant 9480 : i32
      %dma_wait3A_1237 = arith.constant 0 : i32
      %dma_wait3A_1238 = tpu.memref_slice %arg5[%dma_wait3A_1236, %dma_wait3A_1237] : memref<10000x128xf32, #tpu.memory_space<vmem_shared>> -> memref<520x128xf32, #tpu.memory_space<vmem_shared>>
      %dma_wait3A_1239 = arith.constant 9480 : i32
      %dma_wait3A_1240 = arith.constant 0 : i32
      %dma_wait3A_1241 = tpu.memref_slice %arg2[%dma_wait3A_1239, %dma_wait3A_1240] : memref<10000x128xf32, #tpu.memory_space<hbm>> -> memref<520x128xf32, #tpu.memory_space<hbm>>
      tpu.wait_dma2 semaphore(%arg11 : memref<!tpu.dma_semaphore, #tpu.memory_space<semaphore_mem>>) src(%dma_wait3A_1241 : memref<520x128xf32, #tpu.memory_space<hbm>>) dst(%dma_wait3A_1238 : memref<520x128xf32, #tpu.memory_space<vmem_shared>>)
    } else {
    }
    %barrier3A = arith.constant 0 : index
    tpu.barrier barrier_id(%barrier3A)
    %dma_wait3A_147 = arith.constant 0 : i32
    %dma_wait3A_148 = arith.constant 0 : i32
    %dma_wait3A_149 = arith.constant 0 : i32
    %dma_wait3A_150 = arith.constant 0 : i32
    %dma_wait3A_151 = tpu.memref_slice %arg8[%dma_wait3A_147, %dma_wait3A_149, %dma_wait3A_150] : memref<3x80x128xf32, #tpu.memory_space<vmem>> -> memref<1x80x128xf32, #tpu.memory_space<vmem>>
    %dma_wait3A_152 = tpu.memref_squeeze %dma_wait3A_151 : memref<1x80x128xf32, #tpu.memory_space<vmem>> -> memref<80x128xf32, #tpu.memory_space<vmem>>
    %dma_wait3A_153 = arith.constant 0 : i32
    %dma_wait3A_154 = arith.constant 0 : i32
    %dma_wait3A_155 = tpu.memref_slice %dma_wait3A_152[%dma_wait3A_153, %dma_wait3A_154] : memref<80x128xf32, #tpu.memory_space<vmem>> -> memref<40x128xf32, #tpu.memory_space<vmem>>
    %dma_wait3A_156 = arith.constant 0 : i32
    %dma_wait3A_157 = tpu.memref_slice %arg6[%dma_wait3A_156] : memref<10000xi32, #tpu.memory_space<vmem>> -> memref<40xi32, #tpu.memory_space<vmem>>
    %dma_wait3A_158 = arith.constant 0 : i32
    %dma_wait3A_159 = arith.constant 0 : i32
    %dma_wait3A_160 = tpu.memref_slice %arg2[%dma_wait3A_158, %dma_wait3A_159] : memref<10000x128xf32, #tpu.memory_space<hbm>> -> memref<10000x128xf32, #tpu.memory_space<hbm>>
    %dma_wait3A_161 = tpu.memref_slice %arg9[%dma_wait3A_148] : memref<3x!tpu.dma_semaphore, #tpu.memory_space<semaphore_mem>> -> memref<1x!tpu.dma_semaphore, #tpu.memory_space<semaphore_mem>>
    %dma_wait3A_162 = tpu.memref_squeeze %dma_wait3A_161 : memref<1x!tpu.dma_semaphore, #tpu.memory_space<semaphore_mem>> -> memref<!tpu.dma_semaphore, #tpu.memory_space<semaphore_mem>>
    tpu.wait_indirect_dma semaphore(%dma_wait3A_162 : memref<!tpu.dma_semaphore, #tpu.memory_space<semaphore_mem>>) src(%dma_wait3A_160 : memref<10000x128xf32, #tpu.memory_space<hbm>>) dst(%dma_wait3A_155 : memref<40x128xf32, #tpu.memory_space<vmem>>)
    %dma_wait3A_163 = arith.constant 0 : i32
    %dma_wait3A_164 = arith.constant 0 : i32
    %dma_wait3A_165 = arith.constant 0 : i32
    %dma_wait3A_166 = arith.constant 0 : i32
    %dma_wait3A_167 = tpu.memref_slice %arg8[%dma_wait3A_163, %dma_wait3A_165, %dma_wait3A_166] : memref<3x80x128xf32, #tpu.memory_space<vmem>> -> memref<1x80x128xf32, #tpu.memory_space<vmem>>
    %dma_wait3A_168 = tpu.memref_squeeze %dma_wait3A_167 : memref<1x80x128xf32, #tpu.memory_space<vmem>> -> memref<80x128xf32, #tpu.memory_space<vmem>>
    %dma_wait3A_169 = arith.constant 40 : i32
    %dma_wait3A_170 = arith.constant 0 : i32
    %dma_wait3A_171 = tpu.memref_slice %dma_wait3A_168[%dma_wait3A_169, %dma_wait3A_170] : memref<80x128xf32, #tpu.memory_space<vmem>> -> memref<40x128xf32, #tpu.memory_space<vmem>>
    %dma_wait3A_172 = arith.constant 40 : i32
    %dma_wait3A_173 = tpu.memref_slice %arg6[%dma_wait3A_172] : memref<10000xi32, #tpu.memory_space<vmem>> -> memref<40xi32, #tpu.memory_space<vmem>>
    %dma_wait3A_174 = arith.constant 0 : i32
    %dma_wait3A_175 = arith.constant 0 : i32
    %dma_wait3A_176 = tpu.memref_slice %arg2[%dma_wait3A_174, %dma_wait3A_175] : memref<10000x128xf32, #tpu.memory_space<hbm>> -> memref<10000x128xf32, #tpu.memory_space<hbm>>
    %dma_wait3A_177 = tpu.memref_slice %arg9[%dma_wait3A_164] : memref<3x!tpu.dma_semaphore, #tpu.memory_space<semaphore_mem>> -> memref<1x!tpu.dma_semaphore, #tpu.memory_space<semaphore_mem>>
    %dma_wait3A_178 = tpu.memref_squeeze %dma_wait3A_177 : memref<1x!tpu.dma_semaphore, #tpu.memory_space<semaphore_mem>> -> memref<!tpu.dma_semaphore, #tpu.memory_space<semaphore_mem>>
    tpu.wait_indirect_dma semaphore(%dma_wait3A_178 : memref<!tpu.dma_semaphore, #tpu.memory_space<semaphore_mem>>) src(%dma_wait3A_176 : memref<10000x128xf32, #tpu.memory_space<hbm>>) dst(%dma_wait3A_171 : memref<40x128xf32, #tpu.memory_space<vmem>>)
    %get3A = arith.constant 0 : index
    %get3A_179 = tpu.vector_load %arg7[%get3A] {strides = array<i32>} : memref<10000xi32, #tpu.memory_space<vmem>>, vector<16xi32>,
    %get3A_180 = vector.shape_cast %get3A_179 : vector<16xi32> to vector<16xi32>
    %dma_start3A_181 = arith.constant 0 : i32
    %dma_start3A_182 = arith.constant 0 : i32
    %dma_start3A_183 = arith.constant 0 : i32
    %dma_start3A_184 = arith.constant 0 : i32
    %dma_start3A_185 = tpu.memref_slice %arg8[%dma_start3A_181, %dma_start3A_183, %dma_start3A_184] : memref<3x80x128xf32, #tpu.memory_space<vmem>> -> memref<1x80x128xf32, #tpu.memory_space<vmem>>
    %dma_start3A_186 = tpu.memref_squeeze %dma_start3A_185 : memref<1x80x128xf32, #tpu.memory_space<vmem>> -> memref<80x128xf32, #tpu.memory_space<vmem>>
    %dma_start3A_187 = arith.constant 0 : i32
    %dma_start3A_188 = arith.constant 0 : i32
    %dma_start3A_189 = tpu.memref_slice %dma_start3A_186[%dma_start3A_187, %dma_start3A_188] : memref<80x128xf32, #tpu.memory_space<vmem>> -> memref<16x128xf32, #tpu.memory_space<vmem>>
    %dma_start3A_190 = arith.constant 0 : i32
    %dma_start3A_191 = arith.constant 0 : i32
    %dma_start3A_192 = tpu.memref_slice %arg5[%dma_start3A_190, %dma_start3A_191] : memref<10000x128xf32, #tpu.memory_space<vmem_shared>> -> memref<10000x128xf32, #tpu.memory_space<vmem_shared>>
    %dma_start3A_193 = tpu.memref_slice %arg10[%dma_start3A_182] : memref<3x!tpu.dma_semaphore, #tpu.memory_space<semaphore_mem>> -> memref<1x!tpu.dma_semaphore, #tpu.memory_space<semaphore_mem>>
    %dma_start3A_194 = tpu.memref_squeeze %dma_start3A_193 : memref<1x!tpu.dma_semaphore, #tpu.memory_space<semaphore_mem>> -> memref<!tpu.dma_semaphore, #tpu.memory_space<semaphore_mem>>
    tpu.enqueue_indirect_dma source(%dma_start3A_189 : memref<16x128xf32, #tpu.memory_space<vmem>>) target(%dma_start3A_192 : memref<10000x128xf32, #tpu.memory_space<vmem_shared>>) offsets(%get3A_180 : vector<16xi32>) semaphore(%dma_start3A_194 : memref<!tpu.dma_semaphore, #tpu.memory_space<semaphore_mem>>) {add = true}
    %get3A_195 = arith.constant 16 : index
    %get3A_196 = tpu.vector_load %arg7[%get3A_195] {strides = array<i32>} : memref<10000xi32, #tpu.memory_space<vmem>>, vector<16xi32>,
    %get3A_197 = vector.shape_cast %get3A_196 : vector<16xi32> to vector<16xi32>
    %dma_start3A_198 = arith.constant 0 : i32
    %dma_start3A_199 = arith.constant 0 : i32
    %dma_start3A_200 = arith.constant 0 : i32
    %dma_start3A_201 = arith.constant 0 : i32
    %dma_start3A_202 = tpu.memref_slice %arg8[%dma_start3A_198, %dma_start3A_200, %dma_start3A_201] : memref<3x80x128xf32, #tpu.memory_space<vmem>> -> memref<1x80x128xf32, #tpu.memory_space<vmem>>
    %dma_start3A_203 = tpu.memref_squeeze %dma_start3A_202 : memref<1x80x128xf32, #tpu.memory_space<vmem>> -> memref<80x128xf32, #tpu.memory_space<vmem>>
    %dma_start3A_204 = arith.constant 16 : i32
    %dma_start3A_205 = arith.constant 0 : i32
    %dma_start3A_206 = tpu.memref_slice %dma_start3A_203[%dma_start3A_204, %dma_start3A_205] : memref<80x128xf32, #tpu.memory_space<vmem>> -> memref<16x128xf32, #tpu.memory_space<vmem>>
    %dma_start3A_207 = arith.constant 0 : i32
    %dma_start3A_208 = arith.constant 0 : i32
    %dma_start3A_209 = tpu.memref_slice %arg5[%dma_start3A_207, %dma_start3A_208] : memref<10000x128xf32, #tpu.memory_space<vmem_shared>> -> memref<10000x128xf32, #tpu.memory_space<vmem_shared>>
    %dma_start3A_210 = tpu.memref_slice %arg10[%dma_start3A_199] : memref<3x!tpu.dma_semaphore, #tpu.memory_space<semaphore_mem>> -> memref<1x!tpu.dma_semaphore, #tpu.memory_space<semaphore_mem>>
    %dma_start3A_211 = tpu.memref_squeeze %dma_start3A_210 : memref<1x!tpu.dma_semaphore, #tpu.memory_space<semaphore_mem>> -> memref<!tpu.dma_semaphore, #tpu.memory_space<semaphore_mem>>
    tpu.enqueue_indirect_dma source(%dma_start3A_206 : memref<16x128xf32, #tpu.memory_space<vmem>>) target(%dma_start3A_209 : memref<10000x128xf32, #tpu.memory_space<vmem_shared>>) offsets(%get3A_197 : vector<16xi32>) semaphore(%dma_start3A_211 : memref<!tpu.dma_semaphore, #tpu.memory_space<semaphore_mem>>) {add = true}
    %get3A_212 = arith.constant 32 : index
    %get3A_213 = tpu.vector_load %arg7[%get3A_212] {strides = array<i32>} : memref<10000xi32, #tpu.memory_space<vmem>>, vector<16xi32>,
    %get3A_214 = vector.shape_cast %get3A_213 : vector<16xi32> to vector<16xi32>
    %dma_start3A_215 = arith.constant 0 : i32
    %dma_start3A_216 = arith.constant 0 : i32
    %dma_start3A_217 = arith.constant 0 : i32
    %dma_start3A_218 = arith.constant 0 : i32
    %dma_start3A_219 = tpu.memref_slice %arg8[%dma_start3A_215, %dma_start3A_217, %dma_start3A_218] : memref<3x80x128xf32, #tpu.memory_space<vmem>> -> memref<1x80x128xf32, #tpu.memory_space<vmem>>
    %dma_start3A_220 = tpu.memref_squeeze %dma_start3A_219 : memref<1x80x128xf32, #tpu.memory_space<vmem>> -> memref<80x128xf32, #tpu.memory_space<vmem>>
    %dma_start3A_221 = arith.constant 32 : i32
    %dma_start3A_222 = arith.constant 0 : i32
    %dma_start3A_223 = tpu.memref_slice %dma_start3A_220[%dma_start3A_221, %dma_start3A_222] : memref<80x128xf32, #tpu.memory_space<vmem>> -> memref<16x128xf32, #tpu.memory_space<vmem>>
    %dma_start3A_224 = arith.constant 0 : i32
    %dma_start3A_225 = arith.constant 0 : i32
    %dma_start3A_226 = tpu.memref_slice %arg5[%dma_start3A_224, %dma_start3A_225] : memref<10000x128xf32, #tpu.memory_space<vmem_shared>> -> memref<10000x128xf32, #tpu.memory_space<vmem_shared>>
    %dma_start3A_227 = tpu.memref_slice %arg10[%dma_start3A_216] : memref<3x!tpu.dma_semaphore, #tpu.memory_space<semaphore_mem>> -> memref<1x!tpu.dma_semaphore, #tpu.memory_space<semaphore_mem>>
    %dma_start3A_228 = tpu.memref_squeeze %dma_start3A_227 : memref<1x!tpu.dma_semaphore, #tpu.memory_space<semaphore_mem>> -> memref<!tpu.dma_semaphore, #tpu.memory_space<semaphore_mem>>
    tpu.enqueue_indirect_dma source(%dma_start3A_223 : memref<16x128xf32, #tpu.memory_space<vmem>>) target(%dma_start3A_226 : memref<10000x128xf32, #tpu.memory_space<vmem_shared>>) offsets(%get3A_214 : vector<16xi32>) semaphore(%dma_start3A_228 : memref<!tpu.dma_semaphore, #tpu.memory_space<semaphore_mem>>) {add = true}
    %get3A_229 = arith.constant 48 : index
    %get3A_230 = tpu.vector_load %arg7[%get3A_229] {strides = array<i32>} : memref<10000xi32, #tpu.memory_space<vmem>>, vector<16xi32>,
    %get3A_231 = vector.shape_cast %get3A_230 : vector<16xi32> to vector<16xi32>
    %dma_start3A_232 = arith.constant 0 : i32
    %dma_start3A_233 = arith.constant 0 : i32
    %dma_start3A_234 = arith.constant 0 : i32
    %dma_start3A_235 = arith.constant 0 : i32
    %dma_start3A_236 = tpu.memref_slice %arg8[%dma_start3A_232, %dma_start3A_234, %dma_start3A_235] : memref<3x80x128xf32, #tpu.memory_space<vmem>> -> memref<1x80x128xf32, #tpu.memory_space<vmem>>
    %dma_start3A_237 = tpu.memref_squeeze %dma_start3A_236 : memref<1x80x128xf32, #tpu.memory_space<vmem>> -> memref<80x128xf32, #tpu.memory_space<vmem>>
    %dma_start3A_238 = arith.constant 48 : i32
    %dma_start3A_239 = arith.constant 0 : i32
    %dma_start3A_240 = tpu.memref_slice %dma_start3A_237[%dma_start3A_238, %dma_start3A_239] : memref<80x128xf32, #tpu.memory_space<vmem>> -> memref<16x128xf32, #tpu.memory_space<vmem>>
    %dma_start3A_241 = arith.constant 0 : i32
    %dma_start3A_242 = arith.constant 0 : i32
    %dma_start3A_243 = tpu.memref_slice %arg5[%dma_start3A_241, %dma_start3A_242] : memref<10000x128xf32, #tpu.memory_space<vmem_shared>> -> memref<10000x128xf32, #tpu.memory_space<vmem_shared>>
    %dma_start3A_244 = tpu.memref_slice %arg10[%dma_start3A_233] : memref<3x!tpu.dma_semaphore, #tpu.memory_space<semaphore_mem>> -> memref<1x!tpu.dma_semaphore, #tpu.memory_space<semaphore_mem>>
    %dma_start3A_245 = tpu.memref_squeeze %dma_start3A_244 : memref<1x!tpu.dma_semaphore, #tpu.memory_space<semaphore_mem>> -> memref<!tpu.dma_semaphore, #tpu.memory_space<semaphore_mem>>
    tpu.enqueue_indirect_dma source(%dma_start3A_240 : memref<16x128xf32, #tpu.memory_space<vmem>>) target(%dma_start3A_243 : memref<10000x128xf32, #tpu.memory_space<vmem_shared>>) offsets(%get3A_231 : vector<16xi32>) semaphore(%dma_start3A_245 : memref<!tpu.dma_semaphore, #tpu.memory_space<semaphore_mem>>) {add = true}
    %get3A_246 = arith.constant 64 : index
    %get3A_247 = tpu.vector_load %arg7[%get3A_246] {strides = array<i32>} : memref<10000xi32, #tpu.memory_space<vmem>>, vector<16xi32>,
    %get3A_248 = vector.shape_cast %get3A_247 : vector<16xi32> to vector<16xi32>
    %dma_start3A_249 = arith.constant 0 : i32
    %dma_start3A_250 = arith.constant 0 : i32
    %dma_start3A_251 = arith.constant 0 : i32
    %dma_start3A_252 = arith.constant 0 : i32
    %dma_start3A_253 = tpu.memref_slice %arg8[%dma_start3A_249, %dma_start3A_251, %dma_start3A_252] : memref<3x80x128xf32, #tpu.memory_space<vmem>> -> memref<1x80x128xf32, #tpu.memory_space<vmem>>
    %dma_start3A_254 = tpu.memref_squeeze %dma_start3A_253 : memref<1x80x128xf32, #tpu.memory_space<vmem>> -> memref<80x128xf32, #tpu.memory_space<vmem>>
    %dma_start3A_255 = arith.constant 64 : i32
    %dma_start3A_256 = arith.constant 0 : i32
    %dma_start3A_257 = tpu.memref_slice %dma_start3A_254[%dma_start3A_255, %dma_start3A_256] : memref<80x128xf32, #tpu.memory_space<vmem>> -> memref<16x128xf32, #tpu.memory_space<vmem>>
    %dma_start3A_258 = arith.constant 0 : i32
    %dma_start3A_259 = arith.constant 0 : i32
    %dma_start3A_260 = tpu.memref_slice %arg5[%dma_start3A_258, %dma_start3A_259] : memref<10000x128xf32, #tpu.memory_space<vmem_shared>> -> memref<10000x128xf32, #tpu.memory_space<vmem_shared>>
    %dma_start3A_261 = tpu.memref_slice %arg10[%dma_start3A_250] : memref<3x!tpu.dma_semaphore, #tpu.memory_space<semaphore_mem>> -> memref<1x!tpu.dma_semaphore, #tpu.memory_space<semaphore_mem>>
    %dma_start3A_262 = tpu.memref_squeeze %dma_start3A_261 : memref<1x!tpu.dma_semaphore, #tpu.memory_space<semaphore_mem>> -> memref<!tpu.dma_semaphore, #tpu.memory_space<semaphore_mem>>
    tpu.enqueue_indirect_dma source(%dma_start3A_257 : memref<16x128xf32, #tpu.memory_space<vmem>>) target(%dma_start3A_260 : memref<10000x128xf32, #tpu.memory_space<vmem_shared>>) offsets(%get3A_248 : vector<16xi32>) semaphore(%dma_start3A_262 : memref<!tpu.dma_semaphore, #tpu.memory_space<semaphore_mem>>) {add = true}
    %scan3A = arith.constant 0 : i32
    %scan3A_263 = arith.constant 1 : i32
    %scan3A_264 = arith.constant 40 : i32
    %scan3A_265 = arith.addi %scan3A_263, %scan3A_264 : i32
    %scan3A_266 = arith.constant 1 : i32
    scf.for %scan3A_1236 = %scan3A_263 to %scan3A_265 step %scan3A_266  : i32 {
      %mul3A_1237 = arith.constant 3 : i32
      %mul3A_1238 = arith.muli %scan3A_1236, %mul3A_1237 : i32
      %add3A_1239 = arith.constant 0 : i32
      %add3A_1240 = arith.addi %mul3A_1238, %add3A_1239 : i32
      %sub3A = arith.constant 3 : i32
      %sub3A_1241 = arith.subi %add3A_1240, %sub3A : i32
      %mul3A_1242 = arith.constant 80 : i32
      %mul3A_1243 = arith.muli %sub3A_1241, %mul3A_1242 : i32
      %add3A_1244 = arith.constant 0 : i32
      %add3A_1245 = arith.addi %mul3A_1243, %add3A_1244 : i32
      %get3A_1246 = arith.index_cast %add3A_1245 : i32 to index
      %get3A_1247 = tpu.vector_load %arg7[%get3A_1246] {strides = array<i32>} : memref<10000xi32, #tpu.memory_space<vmem>>, vector<16xi32>,
      %get3A_1248 = vector.shape_cast %get3A_1247 : vector<16xi32> to vector<16xi32>
      %dma_wait3A_1249 = arith.constant 0 : i32
      %dma_wait3A_1250 = arith.constant 0 : i32
      %dma_wait3A_1251 = arith.constant 0 : i32
      %dma_wait3A_1252 = arith.constant 0 : i32
      %dma_wait3A_1253 = tpu.memref_slice %arg8[%dma_wait3A_1249, %dma_wait3A_1251, %dma_wait3A_1252] : memref<3x80x128xf32, #tpu.memory_space<vmem>> -> memref<1x80x128xf32, #tpu.memory_space<vmem>>
      %dma_wait3A_1254 = tpu.memref_squeeze %dma_wait3A_1253 : memref<1x80x128xf32, #tpu.memory_space<vmem>> -> memref<80x128xf32, #tpu.memory_space<vmem>>
      %dma_wait3A_1255 = arith.constant 0 : i32
      %dma_wait3A_1256 = arith.constant 0 : i32
      %dma_wait3A_1257 = tpu.memref_slice %dma_wait3A_1254[%dma_wait3A_1255, %dma_wait3A_1256] : memref<80x128xf32, #tpu.memory_space<vmem>> -> memref<16x128xf32, #tpu.memory_space<vmem>>
      %dma_wait3A_1258 = arith.constant 0 : i32
      %dma_wait3A_1259 = arith.constant 0 : i32
      %dma_wait3A_1260 = tpu.memref_slice %arg5[%dma_wait3A_1258, %dma_wait3A_1259] : memref<10000x128xf32, #tpu.memory_space<vmem_shared>> -> memref<10000x128xf32, #tpu.memory_space<vmem_shared>>
      %dma_wait3A_1261 = tpu.memref_slice %arg10[%dma_wait3A_1250] : memref<3x!tpu.dma_semaphore, #tpu.memory_space<semaphore_mem>> -> memref<1x!tpu.dma_semaphore, #tpu.memory_space<semaphore_mem>>
      %dma_wait3A_1262 = tpu.memref_squeeze %dma_wait3A_1261 : memref<1x!tpu.dma_semaphore, #tpu.memory_space<semaphore_mem>> -> memref<!tpu.dma_semaphore, #tpu.memory_space<semaphore_mem>>
      tpu.wait_indirect_dma semaphore(%dma_wait3A_1262 : memref<!tpu.dma_semaphore, #tpu.memory_space<semaphore_mem>>) src(%dma_wait3A_1257 : memref<16x128xf32, #tpu.memory_space<vmem>>) dst(%dma_wait3A_1260 : memref<10000x128xf32, #tpu.memory_space<vmem_shared>>)
      %mul3A_1263 = arith.constant 80 : i32
      %mul3A_1264 = arith.muli %sub3A_1241, %mul3A_1263 : i32
      %add3A_1265 = arith.constant 16 : i32
      %add3A_1266 = arith.addi %mul3A_1264, %add3A_1265 : i32
      %get3A_1267 = arith.index_cast %add3A_1266 : i32 to index
      %get3A_1268 = tpu.vector_load %arg7[%get3A_1267] {strides = array<i32>} : memref<10000xi32, #tpu.memory_space<vmem>>, vector<16xi32>,
      %get3A_1269 = vector.shape_cast %get3A_1268 : vector<16xi32> to vector<16xi32>
      %dma_wait3A_1270 = arith.constant 0 : i32
      %dma_wait3A_1271 = arith.constant 0 : i32
      %dma_wait3A_1272 = arith.constant 0 : i32
      %dma_wait3A_1273 = arith.constant 0 : i32
      %dma_wait3A_1274 = tpu.memref_slice %arg8[%dma_wait3A_1270, %dma_wait3A_1272, %dma_wait3A_1273] : memref<3x80x128xf32, #tpu.memory_space<vmem>> -> memref<1x80x128xf32, #tpu.memory_space<vmem>>
      %dma_wait3A_1275 = tpu.memref_squeeze %dma_wait3A_1274 : memref<1x80x128xf32, #tpu.memory_space<vmem>> -> memref<80x128xf32, #tpu.memory_space<vmem>>
      %dma_wait3A_1276 = arith.constant 16 : i32
      %dma_wait3A_1277 = arith.constant 0 : i32
      %dma_wait3A_1278 = tpu.memref_slice %dma_wait3A_1275[%dma_wait3A_1276, %dma_wait3A_1277] : memref<80x128xf32, #tpu.memory_space<vmem>> -> memref<16x128xf32, #tpu.memory_space<vmem>>
      %dma_wait3A_1279 = arith.constant 0 : i32
      %dma_wait3A_1280 = arith.constant 0 : i32
      %dma_wait3A_1281 = tpu.memref_slice %arg5[%dma_wait3A_1279, %dma_wait3A_1280] : memref<10000x128xf32, #tpu.memory_space<vmem_shared>> -> memref<10000x128xf32, #tpu.memory_space<vmem_shared>>
      %dma_wait3A_1282 = tpu.memref_slice %arg10[%dma_wait3A_1271] : memref<3x!tpu.dma_semaphore, #tpu.memory_space<semaphore_mem>> -> memref<1x!tpu.dma_semaphore, #tpu.memory_space<semaphore_mem>>
      %dma_wait3A_1283 = tpu.memref_squeeze %dma_wait3A_1282 : memref<1x!tpu.dma_semaphore, #tpu.memory_space<semaphore_mem>> -> memref<!tpu.dma_semaphore, #tpu.memory_space<semaphore_mem>>
      tpu.wait_indirect_dma semaphore(%dma_wait3A_1283 : memref<!tpu.dma_semaphore, #tpu.memory_space<semaphore_mem>>) src(%dma_wait3A_1278 : memref<16x128xf32, #tpu.memory_space<vmem>>) dst(%dma_wait3A_1281 : memref<10000x128xf32, #tpu.memory_space<vmem_shared>>)
      %mul3A_1284 = arith.constant 80 : i32
      %mul3A_1285 = arith.muli %sub3A_1241, %mul3A_1284 : i32
      %add3A_1286 = arith.constant 32 : i32
      %add3A_1287 = arith.addi %mul3A_1285, %add3A_1286 : i32
      %get3A_1288 = arith.index_cast %add3A_1287 : i32 to index
      %get3A_1289 = tpu.vector_load %arg7[%get3A_1288] {strides = array<i32>} : memref<10000xi32, #tpu.memory_space<vmem>>, vector<16xi32>,
      %get3A_1290 = vector.shape_cast %get3A_1289 : vector<16xi32> to vector<16xi32>
      %dma_wait3A_1291 = arith.constant 0 : i32
      %dma_wait3A_1292 = arith.constant 0 : i32
      %dma_wait3A_1293 = arith.constant 0 : i32
      %dma_wait3A_1294 = arith.constant 0 : i32
      %dma_wait3A_1295 = tpu.memref_slice %arg8[%dma_wait3A_1291, %dma_wait3A_1293, %dma_wait3A_1294] : memref<3x80x128xf32, #tpu.memory_space<vmem>> -> memref<1x80x128xf32, #tpu.memory_space<vmem>>
      %dma_wait3A_1296 = tpu.memref_squeeze %dma_wait3A_1295 : memref<1x80x128xf32, #tpu.memory_space<vmem>> -> memref<80x128xf32, #tpu.memory_space<vmem>>
      %dma_wait3A_1297 = arith.constant 32 : i32
      %dma_wait3A_1298 = arith.constant 0 : i32
      %dma_wait3A_1299 = tpu.memref_slice %dma_wait3A_1296[%dma_wait3A_1297, %dma_wait3A_1298] : memref<80x128xf32, #tpu.memory_space<vmem>> -> memref<16x128xf32, #tpu.memory_space<vmem>>
      %dma_wait3A_1300 = arith.constant 0 : i32
      %dma_wait3A_1301 = arith.constant 0 : i32
      %dma_wait3A_1302 = tpu.memref_slice %arg5[%dma_wait3A_1300, %dma_wait3A_1301] : memref<10000x128xf32, #tpu.memory_space<vmem_shared>> -> memref<10000x128xf32, #tpu.memory_space<vmem_shared>>
      %dma_wait3A_1303 = tpu.memref_slice %arg10[%dma_wait3A_1292] : memref<3x!tpu.dma_semaphore, #tpu.memory_space<semaphore_mem>> -> memref<1x!tpu.dma_semaphore, #tpu.memory_space<semaphore_mem>>
      %dma_wait3A_1304 = tpu.memref_squeeze %dma_wait3A_1303 : memref<1x!tpu.dma_semaphore, #tpu.memory_space<semaphore_mem>> -> memref<!tpu.dma_semaphore, #tpu.memory_space<semaphore_mem>>
      tpu.wait_indirect_dma semaphore(%dma_wait3A_1304 : memref<!tpu.dma_semaphore, #tpu.memory_space<semaphore_mem>>) src(%dma_wait3A_1299 : memref<16x128xf32, #tpu.memory_space<vmem>>) dst(%dma_wait3A_1302 : memref<10000x128xf32, #tpu.memory_space<vmem_shared>>)
      %mul3A_1305 = arith.constant 80 : i32
      %mul3A_1306 = arith.muli %sub3A_1241, %mul3A_1305 : i32
      %add3A_1307 = arith.constant 48 : i32
      %add3A_1308 = arith.addi %mul3A_1306, %add3A_1307 : i32
      %get3A_1309 = arith.index_cast %add3A_1308 : i32 to index
      %get3A_1310 = tpu.vector_load %arg7[%get3A_1309] {strides = array<i32>} : memref<10000xi32, #tpu.memory_space<vmem>>, vector<16xi32>,
      %get3A_1311 = vector.shape_cast %get3A_1310 : vector<16xi32> to vector<16xi32>
      %dma_wait3A_1312 = arith.constant 0 : i32
      %dma_wait3A_1313 = arith.constant 0 : i32
      %dma_wait3A_1314 = arith.constant 0 : i32
      %dma_wait3A_1315 = arith.constant 0 : i32
      %dma_wait3A_1316 = tpu.memref_slice %arg8[%dma_wait3A_1312, %dma_wait3A_1314, %dma_wait3A_1315] : memref<3x80x128xf32, #tpu.memory_space<vmem>> -> memref<1x80x128xf32, #tpu.memory_space<vmem>>
      %dma_wait3A_1317 = tpu.memref_squeeze %dma_wait3A_1316 : memref<1x80x128xf32, #tpu.memory_space<vmem>> -> memref<80x128xf32, #tpu.memory_space<vmem>>
      %dma_wait3A_1318 = arith.constant 48 : i32
      %dma_wait3A_1319 = arith.constant 0 : i32
      %dma_wait3A_1320 = tpu.memref_slice %dma_wait3A_1317[%dma_wait3A_1318, %dma_wait3A_1319] : memref<80x128xf32, #tpu.memory_space<vmem>> -> memref<16x128xf32, #tpu.memory_space<vmem>>
      %dma_wait3A_1321 = arith.constant 0 : i32
      %dma_wait3A_1322 = arith.constant 0 : i32
      %dma_wait3A_1323 = tpu.memref_slice %arg5[%dma_wait3A_1321, %dma_wait3A_1322] : memref<10000x128xf32, #tpu.memory_space<vmem_shared>> -> memref<10000x128xf32, #tpu.memory_space<vmem_shared>>
      %dma_wait3A_1324 = tpu.memref_slice %arg10[%dma_wait3A_1313] : memref<3x!tpu.dma_semaphore, #tpu.memory_space<semaphore_mem>> -> memref<1x!tpu.dma_semaphore, #tpu.memory_space<semaphore_mem>>
      %dma_wait3A_1325 = tpu.memref_squeeze %dma_wait3A_1324 : memref<1x!tpu.dma_semaphore, #tpu.memory_space<semaphore_mem>> -> memref<!tpu.dma_semaphore, #tpu.memory_space<semaphore_mem>>
      tpu.wait_indirect_dma semaphore(%dma_wait3A_1325 : memref<!tpu.dma_semaphore, #tpu.memory_space<semaphore_mem>>) src(%dma_wait3A_1320 : memref<16x128xf32, #tpu.memory_space<vmem>>) dst(%dma_wait3A_1323 : memref<10000x128xf32, #tpu.memory_space<vmem_shared>>)
      %mul3A_1326 = arith.constant 80 : i32
      %mul3A_1327 = arith.muli %sub3A_1241, %mul3A_1326 : i32
      %add3A_1328 = arith.constant 64 : i32
      %add3A_1329 = arith.addi %mul3A_1327, %add3A_1328 : i32
      %get3A_1330 = arith.index_cast %add3A_1329 : i32 to index
      %get3A_1331 = tpu.vector_load %arg7[%get3A_1330] {strides = array<i32>} : memref<10000xi32, #tpu.memory_space<vmem>>, vector<16xi32>,
      %get3A_1332 = vector.shape_cast %get3A_1331 : vector<16xi32> to vector<16xi32>
      %dma_wait3A_1333 = arith.constant 0 : i32
      %dma_wait3A_1334 = arith.constant 0 : i32
      %dma_wait3A_1335 = arith.constant 0 : i32
      %dma_wait3A_1336 = arith.constant 0 : i32
      %dma_wait3A_1337 = tpu.memref_slice %arg8[%dma_wait3A_1333, %dma_wait3A_1335, %dma_wait3A_1336] : memref<3x80x128xf32, #tpu.memory_space<vmem>> -> memref<1x80x128xf32, #tpu.memory_space<vmem>>
      %dma_wait3A_1338 = tpu.memref_squeeze %dma_wait3A_1337 : memref<1x80x128xf32, #tpu.memory_space<vmem>> -> memref<80x128xf32, #tpu.memory_space<vmem>>
      %dma_wait3A_1339 = arith.constant 64 : i32
      %dma_wait3A_1340 = arith.constant 0 : i32
      %dma_wait3A_1341 = tpu.memref_slice %dma_wait3A_1338[%dma_wait3A_1339, %dma_wait3A_1340] : memref<80x128xf32, #tpu.memory_space<vmem>> -> memref<16x128xf32, #tpu.memory_space<vmem>>
      %dma_wait3A_1342 = arith.constant 0 : i32
      %dma_wait3A_1343 = arith.constant 0 : i32
      %dma_wait3A_1344 = tpu.memref_slice %arg5[%dma_wait3A_1342, %dma_wait3A_1343] : memref<10000x128xf32, #tpu.memory_space<vmem_shared>> -> memref<10000x128xf32, #tpu.memory_space<vmem_shared>>
      %dma_wait3A_1345 = tpu.memref_slice %arg10[%dma_wait3A_1334] : memref<3x!tpu.dma_semaphore, #tpu.memory_space<semaphore_mem>> -> memref<1x!tpu.dma_semaphore, #tpu.memory_space<semaphore_mem>>
      %dma_wait3A_1346 = tpu.memref_squeeze %dma_wait3A_1345 : memref<1x!tpu.dma_semaphore, #tpu.memory_space<semaphore_mem>> -> memref<!tpu.dma_semaphore, #tpu.memory_space<semaphore_mem>>
      tpu.wait_indirect_dma semaphore(%dma_wait3A_1346 : memref<!tpu.dma_semaphore, #tpu.memory_space<semaphore_mem>>) src(%dma_wait3A_1341 : memref<16x128xf32, #tpu.memory_space<vmem>>) dst(%dma_wait3A_1344 : memref<10000x128xf32, #tpu.memory_space<vmem_shared>>)
      %mul3A_1347 = arith.constant 80 : i32
      %mul3A_1348 = arith.muli %add3A_1240, %mul3A_1347 : i32
      %add3A_1349 = arith.constant 0 : i32
      %add3A_1350 = arith.addi %mul3A_1348, %add3A_1349 : i32
      %dma_start3A_1351 = arith.constant 0 : i32
      %dma_start3A_1352 = arith.constant 0 : i32
      %dma_start3A_1353 = arith.constant 0 : i32
      %dma_start3A_1354 = arith.constant 0 : i32
      %dma_start3A_1355 = tpu.memref_slice %arg8[%dma_start3A_1351, %dma_start3A_1353, %dma_start3A_1354] : memref<3x80x128xf32, #tpu.memory_space<vmem>> -> memref<1x80x128xf32, #tpu.memory_space<vmem>>
      %dma_start3A_1356 = tpu.memref_squeeze %dma_start3A_1355 : memref<1x80x128xf32, #tpu.memory_space<vmem>> -> memref<80x128xf32, #tpu.memory_space<vmem>>
      %dma_start3A_1357 = arith.constant 0 : i32
      %dma_start3A_1358 = arith.constant 0 : i32
      %dma_start3A_1359 = tpu.memref_slice %dma_start3A_1356[%dma_start3A_1357, %dma_start3A_1358] : memref<80x128xf32, #tpu.memory_space<vmem>> -> memref<40x128xf32, #tpu.memory_space<vmem>>
      %dma_start3A_1360 = tpu.memref_slice %arg6[%add3A_1350] : memref<10000xi32, #tpu.memory_space<vmem>> -> memref<40xi32, #tpu.memory_space<vmem>>
      %dma_start3A_1361 = arith.constant 0 : i32
      %dma_start3A_1362 = arith.constant 0 : i32
      %dma_start3A_1363 = tpu.memref_slice %arg2[%dma_start3A_1361, %dma_start3A_1362] : memref<10000x128xf32, #tpu.memory_space<hbm>> -> memref<10000x128xf32, #tpu.memory_space<hbm>>
      %dma_start3A_1364 = tpu.memref_slice %arg9[%dma_start3A_1352] : memref<3x!tpu.dma_semaphore, #tpu.memory_space<semaphore_mem>> -> memref<1x!tpu.dma_semaphore, #tpu.memory_space<semaphore_mem>>
      %dma_start3A_1365 = tpu.memref_squeeze %dma_start3A_1364 : memref<1x!tpu.dma_semaphore, #tpu.memory_space<semaphore_mem>> -> memref<!tpu.dma_semaphore, #tpu.memory_space<semaphore_mem>>
      tpu.enqueue_indirect_dma source(%dma_start3A_1363 : memref<10000x128xf32, #tpu.memory_space<hbm>>) target(%dma_start3A_1359 : memref<40x128xf32, #tpu.memory_space<vmem>>) offsets(%dma_start3A_1360 : memref<40xi32, #tpu.memory_space<vmem>>) semaphore(%dma_start3A_1365 : memref<!tpu.dma_semaphore, #tpu.memory_space<semaphore_mem>>)
      %mul3A_1366 = arith.constant 80 : i32
      %mul3A_1367 = arith.muli %add3A_1240, %mul3A_1366 : i32
      %add3A_1368 = arith.constant 40 : i32
      %add3A_1369 = arith.addi %mul3A_1367, %add3A_1368 : i32
      %dma_start3A_1370 = arith.constant 0 : i32
      %dma_start3A_1371 = arith.constant 0 : i32
      %dma_start3A_1372 = arith.constant 0 : i32
      %dma_start3A_1373 = arith.constant 0 : i32
      %dma_start3A_1374 = tpu.memref_slice %arg8[%dma_start3A_1370, %dma_start3A_1372, %dma_start3A_1373] : memref<3x80x128xf32, #tpu.memory_space<vmem>> -> memref<1x80x128xf32, #tpu.memory_space<vmem>>
      %dma_start3A_1375 = tpu.memref_squeeze %dma_start3A_1374 : memref<1x80x128xf32, #tpu.memory_space<vmem>> -> memref<80x128xf32, #tpu.memory_space<vmem>>
      %dma_start3A_1376 = arith.constant 40 : i32
      %dma_start3A_1377 = arith.constant 0 : i32
      %dma_start3A_1378 = tpu.memref_slice %dma_start3A_1375[%dma_start3A_1376, %dma_start3A_1377] : memref<80x128xf32, #tpu.memory_space<vmem>> -> memref<40x128xf32, #tpu.memory_space<vmem>>
      %dma_start3A_1379 = tpu.memref_slice %arg6[%add3A_1369] : memref<10000xi32, #tpu.memory_space<vmem>> -> memref<40xi32, #tpu.memory_space<vmem>>
      %dma_start3A_1380 = arith.constant 0 : i32
      %dma_start3A_1381 = arith.constant 0 : i32
      %dma_start3A_1382 = tpu.memref_slice %arg2[%dma_start3A_1380, %dma_start3A_1381] : memref<10000x128xf32, #tpu.memory_space<hbm>> -> memref<10000x128xf32, #tpu.memory_space<hbm>>
      %dma_start3A_1383 = tpu.memref_slice %arg9[%dma_start3A_1371] : memref<3x!tpu.dma_semaphore, #tpu.memory_space<semaphore_mem>> -> memref<1x!tpu.dma_semaphore, #tpu.memory_space<semaphore_mem>>
      %dma_start3A_1384 = tpu.memref_squeeze %dma_start3A_1383 : memref<1x!tpu.dma_semaphore, #tpu.memory_space<semaphore_mem>> -> memref<!tpu.dma_semaphore, #tpu.memory_space<semaphore_mem>>
      tpu.enqueue_indirect_dma source(%dma_start3A_1382 : memref<10000x128xf32, #tpu.memory_space<hbm>>) target(%dma_start3A_1378 : memref<40x128xf32, #tpu.memory_space<vmem>>) offsets(%dma_start3A_1379 : memref<40xi32, #tpu.memory_space<vmem>>) semaphore(%dma_start3A_1384 : memref<!tpu.dma_semaphore, #tpu.memory_space<semaphore_mem>>)
      %sub3A_1385 = arith.constant 2 : i32
      %sub3A_1386 = arith.subi %add3A_1240, %sub3A_1385 : i32
      %mul3A_1387 = arith.constant 80 : i32
      %mul3A_1388 = arith.muli %sub3A_1386, %mul3A_1387 : i32
      %add3A_1389 = arith.constant 0 : i32
      %add3A_1390 = arith.addi %mul3A_1388, %add3A_1389 : i32
      %dma_wait3A_1391 = arith.constant 1 : i32
      %dma_wait3A_1392 = arith.constant 1 : i32
      %dma_wait3A_1393 = arith.constant 0 : i32
      %dma_wait3A_1394 = arith.constant 0 : i32
      %dma_wait3A_1395 = tpu.memref_slice %arg8[%dma_wait3A_1391, %dma_wait3A_1393, %dma_wait3A_1394] : memref<3x80x128xf32, #tpu.memory_space<vmem>> -> memref<1x80x128xf32, #tpu.memory_space<vmem>>
      %dma_wait3A_1396 = tpu.memref_squeeze %dma_wait3A_1395 : memref<1x80x128xf32, #tpu.memory_space<vmem>> -> memref<80x128xf32, #tpu.memory_space<vmem>>
      %dma_wait3A_1397 = arith.constant 0 : i32
      %dma_wait3A_1398 = arith.constant 0 : i32
      %dma_wait3A_1399 = tpu.memref_slice %dma_wait3A_1396[%dma_wait3A_1397, %dma_wait3A_1398] : memref<80x128xf32, #tpu.memory_space<vmem>> -> memref<40x128xf32, #tpu.memory_space<vmem>>
      %dma_wait3A_1400 = tpu.memref_slice %arg6[%add3A_1390] : memref<10000xi32, #tpu.memory_space<vmem>> -> memref<40xi32, #tpu.memory_space<vmem>>
      %dma_wait3A_1401 = arith.constant 0 : i32
      %dma_wait3A_1402 = arith.constant 0 : i32
      %dma_wait3A_1403 = tpu.memref_slice %arg2[%dma_wait3A_1401, %dma_wait3A_1402] : memref<10000x128xf32, #tpu.memory_space<hbm>> -> memref<10000x128xf32, #tpu.memory_space<hbm>>
      %dma_wait3A_1404 = tpu.memref_slice %arg9[%dma_wait3A_1392] : memref<3x!tpu.dma_semaphore, #tpu.memory_space<semaphore_mem>> -> memref<1x!tpu.dma_semaphore, #tpu.memory_space<semaphore_mem>>
      %dma_wait3A_1405 = tpu.memref_squeeze %dma_wait3A_1404 : memref<1x!tpu.dma_semaphore, #tpu.memory_space<semaphore_mem>> -> memref<!tpu.dma_semaphore, #tpu.memory_space<semaphore_mem>>
      tpu.wait_indirect_dma semaphore(%dma_wait3A_1405 : memref<!tpu.dma_semaphore, #tpu.memory_space<semaphore_mem>>) src(%dma_wait3A_1403 : memref<10000x128xf32, #tpu.memory_space<hbm>>) dst(%dma_wait3A_1399 : memref<40x128xf32, #tpu.memory_space<vmem>>)
      %mul3A_1406 = arith.constant 80 : i32
      %mul3A_1407 = arith.muli %sub3A_1386, %mul3A_1406 : i32
      %add3A_1408 = arith.constant 40 : i32
      %add3A_1409 = arith.addi %mul3A_1407, %add3A_1408 : i32
      %dma_wait3A_1410 = arith.constant 1 : i32
      %dma_wait3A_1411 = arith.constant 1 : i32
      %dma_wait3A_1412 = arith.constant 0 : i32
      %dma_wait3A_1413 = arith.constant 0 : i32
      %dma_wait3A_1414 = tpu.memref_slice %arg8[%dma_wait3A_1410, %dma_wait3A_1412, %dma_wait3A_1413] : memref<3x80x128xf32, #tpu.memory_space<vmem>> -> memref<1x80x128xf32, #tpu.memory_space<vmem>>
      %dma_wait3A_1415 = tpu.memref_squeeze %dma_wait3A_1414 : memref<1x80x128xf32, #tpu.memory_space<vmem>> -> memref<80x128xf32, #tpu.memory_space<vmem>>
      %dma_wait3A_1416 = arith.constant 40 : i32
      %dma_wait3A_1417 = arith.constant 0 : i32
      %dma_wait3A_1418 = tpu.memref_slice %dma_wait3A_1415[%dma_wait3A_1416, %dma_wait3A_1417] : memref<80x128xf32, #tpu.memory_space<vmem>> -> memref<40x128xf32, #tpu.memory_space<vmem>>
      %dma_wait3A_1419 = tpu.memref_slice %arg6[%add3A_1409] : memref<10000xi32, #tpu.memory_space<vmem>> -> memref<40xi32, #tpu.memory_space<vmem>>
      %dma_wait3A_1420 = arith.constant 0 : i32
      %dma_wait3A_1421 = arith.constant 0 : i32
      %dma_wait3A_1422 = tpu.memref_slice %arg2[%dma_wait3A_1420, %dma_wait3A_1421] : memref<10000x128xf32, #tpu.memory_space<hbm>> -> memref<10000x128xf32, #tpu.memory_space<hbm>>
      %dma_wait3A_1423 = tpu.memref_slice %arg9[%dma_wait3A_1411] : memref<3x!tpu.dma_semaphore, #tpu.memory_space<semaphore_mem>> -> memref<1x!tpu.dma_semaphore, #tpu.memory_space<semaphore_mem>>
      %dma_wait3A_1424 = tpu.memref_squeeze %dma_wait3A_1423 : memref<1x!tpu.dma_semaphore, #tpu.memory_space<semaphore_mem>> -> memref<!tpu.dma_semaphore, #tpu.memory_space<semaphore_mem>>
      tpu.wait_indirect_dma semaphore(%dma_wait3A_1424 : memref<!tpu.dma_semaphore, #tpu.memory_space<semaphore_mem>>) src(%dma_wait3A_1422 : memref<10000x128xf32, #tpu.memory_space<hbm>>) dst(%dma_wait3A_1418 : memref<40x128xf32, #tpu.memory_space<vmem>>)
      %mul3A_1425 = arith.constant 80 : i32
      %mul3A_1426 = arith.muli %sub3A_1386, %mul3A_1425 : i32
      %add3A_1427 = arith.constant 0 : i32
      %add3A_1428 = arith.addi %mul3A_1426, %add3A_1427 : i32
      %get3A_1429 = arith.index_cast %add3A_1428 : i32 to index
      %get3A_1430 = tpu.vector_load %arg7[%get3A_1429] {strides = array<i32>} : memref<10000xi32, #tpu.memory_space<vmem>>, vector<16xi32>,
      %get3A_1431 = vector.shape_cast %get3A_1430 : vector<16xi32> to vector<16xi32>
      %dma_start3A_1432 = arith.constant 1 : i32
      %dma_start3A_1433 = arith.constant 1 : i32
      %dma_start3A_1434 = arith.constant 0 : i32
      %dma_start3A_1435 = arith.constant 0 : i32
      %dma_start3A_1436 = tpu.memref_slice %arg8[%dma_start3A_1432, %dma_start3A_1434, %dma_start3A_1435] : memref<3x80x128xf32, #tpu.memory_space<vmem>> -> memref<1x80x128xf32, #tpu.memory_space<vmem>>
      %dma_start3A_1437 = tpu.memref_squeeze %dma_start3A_1436 : memref<1x80x128xf32, #tpu.memory_space<vmem>> -> memref<80x128xf32, #tpu.memory_space<vmem>>
      %dma_start3A_1438 = arith.constant 0 : i32
      %dma_start3A_1439 = arith.constant 0 : i32
      %dma_start3A_1440 = tpu.memref_slice %dma_start3A_1437[%dma_start3A_1438, %dma_start3A_1439] : memref<80x128xf32, #tpu.memory_space<vmem>> -> memref<16x128xf32, #tpu.memory_space<vmem>>
      %dma_start3A_1441 = arith.constant 0 : i32
      %dma_start3A_1442 = arith.constant 0 : i32
      %dma_start3A_1443 = tpu.memref_slice %arg5[%dma_start3A_1441, %dma_start3A_1442] : memref<10000x128xf32, #tpu.memory_space<vmem_shared>> -> memref<10000x128xf32, #tpu.memory_space<vmem_shared>>
      %dma_start3A_1444 = tpu.memref_slice %arg10[%dma_start3A_1433] : memref<3x!tpu.dma_semaphore, #tpu.memory_space<semaphore_mem>> -> memref<1x!tpu.dma_semaphore, #tpu.memory_space<semaphore_mem>>
      %dma_start3A_1445 = tpu.memref_squeeze %dma_start3A_1444 : memref<1x!tpu.dma_semaphore, #tpu.memory_space<semaphore_mem>> -> memref<!tpu.dma_semaphore, #tpu.memory_space<semaphore_mem>>
      tpu.enqueue_indirect_dma source(%dma_start3A_1440 : memref<16x128xf32, #tpu.memory_space<vmem>>) target(%dma_start3A_1443 : memref<10000x128xf32, #tpu.memory_space<vmem_shared>>) offsets(%get3A_1431 : vector<16xi32>) semaphore(%dma_start3A_1445 : memref<!tpu.dma_semaphore, #tpu.memory_space<semaphore_mem>>) {add = true}
      %mul3A_1446 = arith.constant 80 : i32
      %mul3A_1447 = arith.muli %sub3A_1386, %mul3A_1446 : i32
      %add3A_1448 = arith.constant 16 : i32
      %add3A_1449 = arith.addi %mul3A_1447, %add3A_1448 : i32
      %get3A_1450 = arith.index_cast %add3A_1449 : i32 to index
      %get3A_1451 = tpu.vector_load %arg7[%get3A_1450] {strides = array<i32>} : memref<10000xi32, #tpu.memory_space<vmem>>, vector<16xi32>,
      %get3A_1452 = vector.shape_cast %get3A_1451 : vector<16xi32> to vector<16xi32>
      %dma_start3A_1453 = arith.constant 1 : i32
      %dma_start3A_1454 = arith.constant 1 : i32
      %dma_start3A_1455 = arith.constant 0 : i32
      %dma_start3A_1456 = arith.constant 0 : i32
      %dma_start3A_1457 = tpu.memref_slice %arg8[%dma_start3A_1453, %dma_start3A_1455, %dma_start3A_1456] : memref<3x80x128xf32, #tpu.memory_space<vmem>> -> memref<1x80x128xf32, #tpu.memory_space<vmem>>
      %dma_start3A_1458 = tpu.memref_squeeze %dma_start3A_1457 : memref<1x80x128xf32, #tpu.memory_space<vmem>> -> memref<80x128xf32, #tpu.memory_space<vmem>>
      %dma_start3A_1459 = arith.constant 16 : i32
      %dma_start3A_1460 = arith.constant 0 : i32
      %dma_start3A_1461 = tpu.memref_slice %dma_start3A_1458[%dma_start3A_1459, %dma_start3A_1460] : memref<80x128xf32, #tpu.memory_space<vmem>> -> memref<16x128xf32, #tpu.memory_space<vmem>>
      %dma_start3A_1462 = arith.constant 0 : i32
      %dma_start3A_1463 = arith.constant 0 : i32
      %dma_start3A_1464 = tpu.memref_slice %arg5[%dma_start3A_1462, %dma_start3A_1463] : memref<10000x128xf32, #tpu.memory_space<vmem_shared>> -> memref<10000x128xf32, #tpu.memory_space<vmem_shared>>
      %dma_start3A_1465 = tpu.memref_slice %arg10[%dma_start3A_1454] : memref<3x!tpu.dma_semaphore, #tpu.memory_space<semaphore_mem>> -> memref<1x!tpu.dma_semaphore, #tpu.memory_space<semaphore_mem>>
      %dma_start3A_1466 = tpu.memref_squeeze %dma_start3A_1465 : memref<1x!tpu.dma_semaphore, #tpu.memory_space<semaphore_mem>> -> memref<!tpu.dma_semaphore, #tpu.memory_space<semaphore_mem>>
      tpu.enqueue_indirect_dma source(%dma_start3A_1461 : memref<16x128xf32, #tpu.memory_space<vmem>>) target(%dma_start3A_1464 : memref<10000x128xf32, #tpu.memory_space<vmem_shared>>) offsets(%get3A_1452 : vector<16xi32>) semaphore(%dma_start3A_1466 : memref<!tpu.dma_semaphore, #tpu.memory_space<semaphore_mem>>) {add = true}
      %mul3A_1467 = arith.constant 80 : i32
      %mul3A_1468 = arith.muli %sub3A_1386, %mul3A_1467 : i32
      %add3A_1469 = arith.constant 32 : i32
      %add3A_1470 = arith.addi %mul3A_1468, %add3A_1469 : i32
      %get3A_1471 = arith.index_cast %add3A_1470 : i32 to index
      %get3A_1472 = tpu.vector_load %arg7[%get3A_1471] {strides = array<i32>} : memref<10000xi32, #tpu.memory_space<vmem>>, vector<16xi32>,
      %get3A_1473 = vector.shape_cast %get3A_1472 : vector<16xi32> to vector<16xi32>
      %dma_start3A_1474 = arith.constant 1 : i32
      %dma_start3A_1475 = arith.constant 1 : i32
      %dma_start3A_1476 = arith.constant 0 : i32
      %dma_start3A_1477 = arith.constant 0 : i32
      %dma_start3A_1478 = tpu.memref_slice %arg8[%dma_start3A_1474, %dma_start3A_1476, %dma_start3A_1477] : memref<3x80x128xf32, #tpu.memory_space<vmem>> -> memref<1x80x128xf32, #tpu.memory_space<vmem>>
      %dma_start3A_1479 = tpu.memref_squeeze %dma_start3A_1478 : memref<1x80x128xf32, #tpu.memory_space<vmem>> -> memref<80x128xf32, #tpu.memory_space<vmem>>
      %dma_start3A_1480 = arith.constant 32 : i32
      %dma_start3A_1481 = arith.constant 0 : i32
      %dma_start3A_1482 = tpu.memref_slice %dma_start3A_1479[%dma_start3A_1480, %dma_start3A_1481] : memref<80x128xf32, #tpu.memory_space<vmem>> -> memref<16x128xf32, #tpu.memory_space<vmem>>
      %dma_start3A_1483 = arith.constant 0 : i32
      %dma_start3A_1484 = arith.constant 0 : i32
      %dma_start3A_1485 = tpu.memref_slice %arg5[%dma_start3A_1483, %dma_start3A_1484] : memref<10000x128xf32, #tpu.memory_space<vmem_shared>> -> memref<10000x128xf32, #tpu.memory_space<vmem_shared>>
      %dma_start3A_1486 = tpu.memref_slice %arg10[%dma_start3A_1475] : memref<3x!tpu.dma_semaphore, #tpu.memory_space<semaphore_mem>> -> memref<1x!tpu.dma_semaphore, #tpu.memory_space<semaphore_mem>>
      %dma_start3A_1487 = tpu.memref_squeeze %dma_start3A_1486 : memref<1x!tpu.dma_semaphore, #tpu.memory_space<semaphore_mem>> -> memref<!tpu.dma_semaphore, #tpu.memory_space<semaphore_mem>>
      tpu.enqueue_indirect_dma source(%dma_start3A_1482 : memref<16x128xf32, #tpu.memory_space<vmem>>) target(%dma_start3A_1485 : memref<10000x128xf32, #tpu.memory_space<vmem_shared>>) offsets(%get3A_1473 : vector<16xi32>) semaphore(%dma_start3A_1487 : memref<!tpu.dma_semaphore, #tpu.memory_space<semaphore_mem>>) {add = true}
      %mul3A_1488 = arith.constant 80 : i32
      %mul3A_1489 = arith.muli %sub3A_1386, %mul3A_1488 : i32
      %add3A_1490 = arith.constant 48 : i32
      %add3A_1491 = arith.addi %mul3A_1489, %add3A_1490 : i32
      %get3A_1492 = arith.index_cast %add3A_1491 : i32 to index
      %get3A_1493 = tpu.vector_load %arg7[%get3A_1492] {strides = array<i32>} : memref<10000xi32, #tpu.memory_space<vmem>>, vector<16xi32>,
      %get3A_1494 = vector.shape_cast %get3A_1493 : vector<16xi32> to vector<16xi32>
      %dma_start3A_1495 = arith.constant 1 : i32
      %dma_start3A_1496 = arith.constant 1 : i32
      %dma_start3A_1497 = arith.constant 0 : i32
      %dma_start3A_1498 = arith.constant 0 : i32
      %dma_start3A_1499 = tpu.memref_slice %arg8[%dma_start3A_1495, %dma_start3A_1497, %dma_start3A_1498] : memref<3x80x128xf32, #tpu.memory_space<vmem>> -> memref<1x80x128xf32, #tpu.memory_space<vmem>>
      %dma_start3A_1500 = tpu.memref_squeeze %dma_start3A_1499 : memref<1x80x128xf32, #tpu.memory_space<vmem>> -> memref<80x128xf32, #tpu.memory_space<vmem>>
      %dma_start3A_1501 = arith.constant 48 : i32
      %dma_start3A_1502 = arith.constant 0 : i32
      %dma_start3A_1503 = tpu.memref_slice %dma_start3A_1500[%dma_start3A_1501, %dma_start3A_1502] : memref<80x128xf32, #tpu.memory_space<vmem>> -> memref<16x128xf32, #tpu.memory_space<vmem>>
      %dma_start3A_1504 = arith.constant 0 : i32
      %dma_start3A_1505 = arith.constant 0 : i32
      %dma_start3A_1506 = tpu.memref_slice %arg5[%dma_start3A_1504, %dma_start3A_1505] : memref<10000x128xf32, #tpu.memory_space<vmem_shared>> -> memref<10000x128xf32, #tpu.memory_space<vmem_shared>>
      %dma_start3A_1507 = tpu.memref_slice %arg10[%dma_start3A_1496] : memref<3x!tpu.dma_semaphore, #tpu.memory_space<semaphore_mem>> -> memref<1x!tpu.dma_semaphore, #tpu.memory_space<semaphore_mem>>
      %dma_start3A_1508 = tpu.memref_squeeze %dma_start3A_1507 : memref<1x!tpu.dma_semaphore, #tpu.memory_space<semaphore_mem>> -> memref<!tpu.dma_semaphore, #tpu.memory_space<semaphore_mem>>
      tpu.enqueue_indirect_dma source(%dma_start3A_1503 : memref<16x128xf32, #tpu.memory_space<vmem>>) target(%dma_start3A_1506 : memref<10000x128xf32, #tpu.memory_space<vmem_shared>>) offsets(%get3A_1494 : vector<16xi32>) semaphore(%dma_start3A_1508 : memref<!tpu.dma_semaphore, #tpu.memory_space<semaphore_mem>>) {add = true}
      %mul3A_1509 = arith.constant 80 : i32
      %mul3A_1510 = arith.muli %sub3A_1386, %mul3A_1509 : i32
      %add3A_1511 = arith.constant 64 : i32
      %add3A_1512 = arith.addi %mul3A_1510, %add3A_1511 : i32
      %get3A_1513 = arith.index_cast %add3A_1512 : i32 to index
      %get3A_1514 = tpu.vector_load %arg7[%get3A_1513] {strides = array<i32>} : memref<10000xi32, #tpu.memory_space<vmem>>, vector<16xi32>,
      %get3A_1515 = vector.shape_cast %get3A_1514 : vector<16xi32> to vector<16xi32>
      %dma_start3A_1516 = arith.constant 1 : i32
      %dma_start3A_1517 = arith.constant 1 : i32
      %dma_start3A_1518 = arith.constant 0 : i32
      %dma_start3A_1519 = arith.constant 0 : i32
      %dma_start3A_1520 = tpu.memref_slice %arg8[%dma_start3A_1516, %dma_start3A_1518, %dma_start3A_1519] : memref<3x80x128xf32, #tpu.memory_space<vmem>> -> memref<1x80x128xf32, #tpu.memory_space<vmem>>
      %dma_start3A_1521 = tpu.memref_squeeze %dma_start3A_1520 : memref<1x80x128xf32, #tpu.memory_space<vmem>> -> memref<80x128xf32, #tpu.memory_space<vmem>>
      %dma_start3A_1522 = arith.constant 64 : i32
      %dma_start3A_1523 = arith.constant 0 : i32
      %dma_start3A_1524 = tpu.memref_slice %dma_start3A_1521[%dma_start3A_1522, %dma_start3A_1523] : memref<80x128xf32, #tpu.memory_space<vmem>> -> memref<16x128xf32, #tpu.memory_space<vmem>>
      %dma_start3A_1525 = arith.constant 0 : i32
      %dma_start3A_1526 = arith.constant 0 : i32
      %dma_start3A_1527 = tpu.memref_slice %arg5[%dma_start3A_1525, %dma_start3A_1526] : memref<10000x128xf32, #tpu.memory_space<vmem_shared>> -> memref<10000x128xf32, #tpu.memory_space<vmem_shared>>
      %dma_start3A_1528 = tpu.memref_slice %arg10[%dma_start3A_1517] : memref<3x!tpu.dma_semaphore, #tpu.memory_space<semaphore_mem>> -> memref<1x!tpu.dma_semaphore, #tpu.memory_space<semaphore_mem>>
      %dma_start3A_1529 = tpu.memref_squeeze %dma_start3A_1528 : memref<1x!tpu.dma_semaphore, #tpu.memory_space<semaphore_mem>> -> memref<!tpu.dma_semaphore, #tpu.memory_space<semaphore_mem>>
      tpu.enqueue_indirect_dma source(%dma_start3A_1524 : memref<16x128xf32, #tpu.memory_space<vmem>>) target(%dma_start3A_1527 : memref<10000x128xf32, #tpu.memory_space<vmem_shared>>) offsets(%get3A_1515 : vector<16xi32>) semaphore(%dma_start3A_1529 : memref<!tpu.dma_semaphore, #tpu.memory_space<semaphore_mem>>) {add = true}
      %mul3A_1530 = arith.constant 3 : i32
      %mul3A_1531 = arith.muli %scan3A_1236, %mul3A_1530 : i32
      %add3A_1532 = arith.constant 1 : i32
      %add3A_1533 = arith.addi %mul3A_1531, %add3A_1532 : i32
      %sub3A_1534 = arith.constant 3 : i32
      %sub3A_1535 = arith.subi %add3A_1533, %sub3A_1534 : i32
      %mul3A_1536 = arith.constant 80 : i32
      %mul3A_1537 = arith.muli %sub3A_1535, %mul3A_1536 : i32
      %add3A_1538 = arith.constant 0 : i32
      %add3A_1539 = arith.addi %mul3A_1537, %add3A_1538 : i32
      %get3A_1540 = arith.index_cast %add3A_1539 : i32 to index
      %get3A_1541 = tpu.vector_load %arg7[%get3A_1540] {strides = array<i32>} : memref<10000xi32, #tpu.memory_space<vmem>>, vector<16xi32>,
      %get3A_1542 = vector.shape_cast %get3A_1541 : vector<16xi32> to vector<16xi32>
      %dma_wait3A_1543 = arith.constant 1 : i32
      %dma_wait3A_1544 = arith.constant 1 : i32
      %dma_wait3A_1545 = arith.constant 0 : i32
      %dma_wait3A_1546 = arith.constant 0 : i32
      %dma_wait3A_1547 = tpu.memref_slice %arg8[%dma_wait3A_1543, %dma_wait3A_1545, %dma_wait3A_1546] : memref<3x80x128xf32, #tpu.memory_space<vmem>> -> memref<1x80x128xf32, #tpu.memory_space<vmem>>
      %dma_wait3A_1548 = tpu.memref_squeeze %dma_wait3A_1547 : memref<1x80x128xf32, #tpu.memory_space<vmem>> -> memref<80x128xf32, #tpu.memory_space<vmem>>
      %dma_wait3A_1549 = arith.constant 0 : i32
      %dma_wait3A_1550 = arith.constant 0 : i32
      %dma_wait3A_1551 = tpu.memref_slice %dma_wait3A_1548[%dma_wait3A_1549, %dma_wait3A_1550] : memref<80x128xf32, #tpu.memory_space<vmem>> -> memref<16x128xf32, #tpu.memory_space<vmem>>
      %dma_wait3A_1552 = arith.constant 0 : i32
      %dma_wait3A_1553 = arith.constant 0 : i32
      %dma_wait3A_1554 = tpu.memref_slice %arg5[%dma_wait3A_1552, %dma_wait3A_1553] : memref<10000x128xf32, #tpu.memory_space<vmem_shared>> -> memref<10000x128xf32, #tpu.memory_space<vmem_shared>>
      %dma_wait3A_1555 = tpu.memref_slice %arg10[%dma_wait3A_1544] : memref<3x!tpu.dma_semaphore, #tpu.memory_space<semaphore_mem>> -> memref<1x!tpu.dma_semaphore, #tpu.memory_space<semaphore_mem>>
      %dma_wait3A_1556 = tpu.memref_squeeze %dma_wait3A_1555 : memref<1x!tpu.dma_semaphore, #tpu.memory_space<semaphore_mem>> -> memref<!tpu.dma_semaphore, #tpu.memory_space<semaphore_mem>>
      tpu.wait_indirect_dma semaphore(%dma_wait3A_1556 : memref<!tpu.dma_semaphore, #tpu.memory_space<semaphore_mem>>) src(%dma_wait3A_1551 : memref<16x128xf32, #tpu.memory_space<vmem>>) dst(%dma_wait3A_1554 : memref<10000x128xf32, #tpu.memory_space<vmem_shared>>)
      %mul3A_1557 = arith.constant 80 : i32
      %mul3A_1558 = arith.muli %sub3A_1535, %mul3A_1557 : i32
      %add3A_1559 = arith.constant 16 : i32
      %add3A_1560 = arith.addi %mul3A_1558, %add3A_1559 : i32
      %get3A_1561 = arith.index_cast %add3A_1560 : i32 to index
      %get3A_1562 = tpu.vector_load %arg7[%get3A_1561] {strides = array<i32>} : memref<10000xi32, #tpu.memory_space<vmem>>, vector<16xi32>,
      %get3A_1563 = vector.shape_cast %get3A_1562 : vector<16xi32> to vector<16xi32>
      %dma_wait3A_1564 = arith.constant 1 : i32
      %dma_wait3A_1565 = arith.constant 1 : i32
      %dma_wait3A_1566 = arith.constant 0 : i32
      %dma_wait3A_1567 = arith.constant 0 : i32
      %dma_wait3A_1568 = tpu.memref_slice %arg8[%dma_wait3A_1564, %dma_wait3A_1566, %dma_wait3A_1567] : memref<3x80x128xf32, #tpu.memory_space<vmem>> -> memref<1x80x128xf32, #tpu.memory_space<vmem>>
      %dma_wait3A_1569 = tpu.memref_squeeze %dma_wait3A_1568 : memref<1x80x128xf32, #tpu.memory_space<vmem>> -> memref<80x128xf32, #tpu.memory_space<vmem>>
      %dma_wait3A_1570 = arith.constant 16 : i32
      %dma_wait3A_1571 = arith.constant 0 : i32
      %dma_wait3A_1572 = tpu.memref_slice %dma_wait3A_1569[%dma_wait3A_1570, %dma_wait3A_1571] : memref<80x128xf32, #tpu.memory_space<vmem>> -> memref<16x128xf32, #tpu.memory_space<vmem>>
      %dma_wait3A_1573 = arith.constant 0 : i32
      %dma_wait3A_1574 = arith.constant 0 : i32
      %dma_wait3A_1575 = tpu.memref_slice %arg5[%dma_wait3A_1573, %dma_wait3A_1574] : memref<10000x128xf32, #tpu.memory_space<vmem_shared>> -> memref<10000x128xf32, #tpu.memory_space<vmem_shared>>
      %dma_wait3A_1576 = tpu.memref_slice %arg10[%dma_wait3A_1565] : memref<3x!tpu.dma_semaphore, #tpu.memory_space<semaphore_mem>> -> memref<1x!tpu.dma_semaphore, #tpu.memory_space<semaphore_mem>>
      %dma_wait3A_1577 = tpu.memref_squeeze %dma_wait3A_1576 : memref<1x!tpu.dma_semaphore, #tpu.memory_space<semaphore_mem>> -> memref<!tpu.dma_semaphore, #tpu.memory_space<semaphore_mem>>
      tpu.wait_indirect_dma semaphore(%dma_wait3A_1577 : memref<!tpu.dma_semaphore, #tpu.memory_space<semaphore_mem>>) src(%dma_wait3A_1572 : memref<16x128xf32, #tpu.memory_space<vmem>>) dst(%dma_wait3A_1575 : memref<10000x128xf32, #tpu.memory_space<vmem_shared>>)
      %mul3A_1578 = arith.constant 80 : i32
      %mul3A_1579 = arith.muli %sub3A_1535, %mul3A_1578 : i32
      %add3A_1580 = arith.constant 32 : i32
      %add3A_1581 = arith.addi %mul3A_1579, %add3A_1580 : i32
      %get3A_1582 = arith.index_cast %add3A_1581 : i32 to index
      %get3A_1583 = tpu.vector_load %arg7[%get3A_1582] {strides = array<i32>} : memref<10000xi32, #tpu.memory_space<vmem>>, vector<16xi32>,
      %get3A_1584 = vector.shape_cast %get3A_1583 : vector<16xi32> to vector<16xi32>
      %dma_wait3A_1585 = arith.constant 1 : i32
      %dma_wait3A_1586 = arith.constant 1 : i32
      %dma_wait3A_1587 = arith.constant 0 : i32
      %dma_wait3A_1588 = arith.constant 0 : i32
      %dma_wait3A_1589 = tpu.memref_slice %arg8[%dma_wait3A_1585, %dma_wait3A_1587, %dma_wait3A_1588] : memref<3x80x128xf32, #tpu.memory_space<vmem>> -> memref<1x80x128xf32, #tpu.memory_space<vmem>>
      %dma_wait3A_1590 = tpu.memref_squeeze %dma_wait3A_1589 : memref<1x80x128xf32, #tpu.memory_space<vmem>> -> memref<80x128xf32, #tpu.memory_space<vmem>>
      %dma_wait3A_1591 = arith.constant 32 : i32
      %dma_wait3A_1592 = arith.constant 0 : i32
      %dma_wait3A_1593 = tpu.memref_slice %dma_wait3A_1590[%dma_wait3A_1591, %dma_wait3A_1592] : memref<80x128xf32, #tpu.memory_space<vmem>> -> memref<16x128xf32, #tpu.memory_space<vmem>>
      %dma_wait3A_1594 = arith.constant 0 : i32
      %dma_wait3A_1595 = arith.constant 0 : i32
      %dma_wait3A_1596 = tpu.memref_slice %arg5[%dma_wait3A_1594, %dma_wait3A_1595] : memref<10000x128xf32, #tpu.memory_space<vmem_shared>> -> memref<10000x128xf32, #tpu.memory_space<vmem_shared>>
      %dma_wait3A_1597 = tpu.memref_slice %arg10[%dma_wait3A_1586] : memref<3x!tpu.dma_semaphore, #tpu.memory_space<semaphore_mem>> -> memref<1x!tpu.dma_semaphore, #tpu.memory_space<semaphore_mem>>
      %dma_wait3A_1598 = tpu.memref_squeeze %dma_wait3A_1597 : memref<1x!tpu.dma_semaphore, #tpu.memory_space<semaphore_mem>> -> memref<!tpu.dma_semaphore, #tpu.memory_space<semaphore_mem>>
      tpu.wait_indirect_dma semaphore(%dma_wait3A_1598 : memref<!tpu.dma_semaphore, #tpu.memory_space<semaphore_mem>>) src(%dma_wait3A_1593 : memref<16x128xf32, #tpu.memory_space<vmem>>) dst(%dma_wait3A_1596 : memref<10000x128xf32, #tpu.memory_space<vmem_shared>>)
      %mul3A_1599 = arith.constant 80 : i32
      %mul3A_1600 = arith.muli %sub3A_1535, %mul3A_1599 : i32
      %add3A_1601 = arith.constant 48 : i32
      %add3A_1602 = arith.addi %mul3A_1600, %add3A_1601 : i32
      %get3A_1603 = arith.index_cast %add3A_1602 : i32 to index
      %get3A_1604 = tpu.vector_load %arg7[%get3A_1603] {strides = array<i32>} : memref<10000xi32, #tpu.memory_space<vmem>>, vector<16xi32>,
      %get3A_1605 = vector.shape_cast %get3A_1604 : vector<16xi32> to vector<16xi32>
      %dma_wait3A_1606 = arith.constant 1 : i32
      %dma_wait3A_1607 = arith.constant 1 : i32
      %dma_wait3A_1608 = arith.constant 0 : i32
      %dma_wait3A_1609 = arith.constant 0 : i32
      %dma_wait3A_1610 = tpu.memref_slice %arg8[%dma_wait3A_1606, %dma_wait3A_1608, %dma_wait3A_1609] : memref<3x80x128xf32, #tpu.memory_space<vmem>> -> memref<1x80x128xf32, #tpu.memory_space<vmem>>
      %dma_wait3A_1611 = tpu.memref_squeeze %dma_wait3A_1610 : memref<1x80x128xf32, #tpu.memory_space<vmem>> -> memref<80x128xf32, #tpu.memory_space<vmem>>
      %dma_wait3A_1612 = arith.constant 48 : i32
      %dma_wait3A_1613 = arith.constant 0 : i32
      %dma_wait3A_1614 = tpu.memref_slice %dma_wait3A_1611[%dma_wait3A_1612, %dma_wait3A_1613] : memref<80x128xf32, #tpu.memory_space<vmem>> -> memref<16x128xf32, #tpu.memory_space<vmem>>
      %dma_wait3A_1615 = arith.constant 0 : i32
      %dma_wait3A_1616 = arith.constant 0 : i32
      %dma_wait3A_1617 = tpu.memref_slice %arg5[%dma_wait3A_1615, %dma_wait3A_1616] : memref<10000x128xf32, #tpu.memory_space<vmem_shared>> -> memref<10000x128xf32, #tpu.memory_space<vmem_shared>>
      %dma_wait3A_1618 = tpu.memref_slice %arg10[%dma_wait3A_1607] : memref<3x!tpu.dma_semaphore, #tpu.memory_space<semaphore_mem>> -> memref<1x!tpu.dma_semaphore, #tpu.memory_space<semaphore_mem>>
      %dma_wait3A_1619 = tpu.memref_squeeze %dma_wait3A_1618 : memref<1x!tpu.dma_semaphore, #tpu.memory_space<semaphore_mem>> -> memref<!tpu.dma_semaphore, #tpu.memory_space<semaphore_mem>>
      tpu.wait_indirect_dma semaphore(%dma_wait3A_1619 : memref<!tpu.dma_semaphore, #tpu.memory_space<semaphore_mem>>) src(%dma_wait3A_1614 : memref<16x128xf32, #tpu.memory_space<vmem>>) dst(%dma_wait3A_1617 : memref<10000x128xf32, #tpu.memory_space<vmem_shared>>)
      %mul3A_1620 = arith.constant 80 : i32
      %mul3A_1621 = arith.muli %sub3A_1535, %mul3A_1620 : i32
      %add3A_1622 = arith.constant 64 : i32
      %add3A_1623 = arith.addi %mul3A_1621, %add3A_1622 : i32
      %get3A_1624 = arith.index_cast %add3A_1623 : i32 to index
      %get3A_1625 = tpu.vector_load %arg7[%get3A_1624] {strides = array<i32>} : memref<10000xi32, #tpu.memory_space<vmem>>, vector<16xi32>,
      %get3A_1626 = vector.shape_cast %get3A_1625 : vector<16xi32> to vector<16xi32>
      %dma_wait3A_1627 = arith.constant 1 : i32
      %dma_wait3A_1628 = arith.constant 1 : i32
      %dma_wait3A_1629 = arith.constant 0 : i32
      %dma_wait3A_1630 = arith.constant 0 : i32
      %dma_wait3A_1631 = tpu.memref_slice %arg8[%dma_wait3A_1627, %dma_wait3A_1629, %dma_wait3A_1630] : memref<3x80x128xf32, #tpu.memory_space<vmem>> -> memref<1x80x128xf32, #tpu.memory_space<vmem>>
      %dma_wait3A_1632 = tpu.memref_squeeze %dma_wait3A_1631 : memref<1x80x128xf32, #tpu.memory_space<vmem>> -> memref<80x128xf32, #tpu.memory_space<vmem>>
      %dma_wait3A_1633 = arith.constant 64 : i32
      %dma_wait3A_1634 = arith.constant 0 : i32
      %dma_wait3A_1635 = tpu.memref_slice %dma_wait3A_1632[%dma_wait3A_1633, %dma_wait3A_1634] : memref<80x128xf32, #tpu.memory_space<vmem>> -> memref<16x128xf32, #tpu.memory_space<vmem>>
      %dma_wait3A_1636 = arith.constant 0 : i32
      %dma_wait3A_1637 = arith.constant 0 : i32
      %dma_wait3A_1638 = tpu.memref_slice %arg5[%dma_wait3A_1636, %dma_wait3A_1637] : memref<10000x128xf32, #tpu.memory_space<vmem_shared>> -> memref<10000x128xf32, #tpu.memory_space<vmem_shared>>
      %dma_wait3A_1639 = tpu.memref_slice %arg10[%dma_wait3A_1628] : memref<3x!tpu.dma_semaphore, #tpu.memory_space<semaphore_mem>> -> memref<1x!tpu.dma_semaphore, #tpu.memory_space<semaphore_mem>>
      %dma_wait3A_1640 = tpu.memref_squeeze %dma_wait3A_1639 : memref<1x!tpu.dma_semaphore, #tpu.memory_space<semaphore_mem>> -> memref<!tpu.dma_semaphore, #tpu.memory_space<semaphore_mem>>
      tpu.wait_indirect_dma semaphore(%dma_wait3A_1640 : memref<!tpu.dma_semaphore, #tpu.memory_space<semaphore_mem>>) src(%dma_wait3A_1635 : memref<16x128xf32, #tpu.memory_space<vmem>>) dst(%dma_wait3A_1638 : memref<10000x128xf32, #tpu.memory_space<vmem_shared>>)
      %mul3A_1641 = arith.constant 80 : i32
      %mul3A_1642 = arith.muli %add3A_1533, %mul3A_1641 : i32
      %add3A_1643 = arith.constant 0 : i32
      %add3A_1644 = arith.addi %mul3A_1642, %add3A_1643 : i32
      %dma_start3A_1645 = arith.constant 1 : i32
      %dma_start3A_1646 = arith.constant 1 : i32
      %dma_start3A_1647 = arith.constant 0 : i32
      %dma_start3A_1648 = arith.constant 0 : i32
      %dma_start3A_1649 = tpu.memref_slice %arg8[%dma_start3A_1645, %dma_start3A_1647, %dma_start3A_1648] : memref<3x80x128xf32, #tpu.memory_space<vmem>> -> memref<1x80x128xf32, #tpu.memory_space<vmem>>
      %dma_start3A_1650 = tpu.memref_squeeze %dma_start3A_1649 : memref<1x80x128xf32, #tpu.memory_space<vmem>> -> memref<80x128xf32, #tpu.memory_space<vmem>>
      %dma_start3A_1651 = arith.constant 0 : i32
      %dma_start3A_1652 = arith.constant 0 : i32
      %dma_start3A_1653 = tpu.memref_slice %dma_start3A_1650[%dma_start3A_1651, %dma_start3A_1652] : memref<80x128xf32, #tpu.memory_space<vmem>> -> memref<40x128xf32, #tpu.memory_space<vmem>>
      %dma_start3A_1654 = tpu.memref_slice %arg6[%add3A_1644] : memref<10000xi32, #tpu.memory_space<vmem>> -> memref<40xi32, #tpu.memory_space<vmem>>
      %dma_start3A_1655 = arith.constant 0 : i32
      %dma_start3A_1656 = arith.constant 0 : i32
      %dma_start3A_1657 = tpu.memref_slice %arg2[%dma_start3A_1655, %dma_start3A_1656] : memref<10000x128xf32, #tpu.memory_space<hbm>> -> memref<10000x128xf32, #tpu.memory_space<hbm>>
      %dma_start3A_1658 = tpu.memref_slice %arg9[%dma_start3A_1646] : memref<3x!tpu.dma_semaphore, #tpu.memory_space<semaphore_mem>> -> memref<1x!tpu.dma_semaphore, #tpu.memory_space<semaphore_mem>>
      %dma_start3A_1659 = tpu.memref_squeeze %dma_start3A_1658 : memref<1x!tpu.dma_semaphore, #tpu.memory_space<semaphore_mem>> -> memref<!tpu.dma_semaphore, #tpu.memory_space<semaphore_mem>>
      tpu.enqueue_indirect_dma source(%dma_start3A_1657 : memref<10000x128xf32, #tpu.memory_space<hbm>>) target(%dma_start3A_1653 : memref<40x128xf32, #tpu.memory_space<vmem>>) offsets(%dma_start3A_1654 : memref<40xi32, #tpu.memory_space<vmem>>) semaphore(%dma_start3A_1659 : memref<!tpu.dma_semaphore, #tpu.memory_space<semaphore_mem>>)
      %mul3A_1660 = arith.constant 80 : i32
      %mul3A_1661 = arith.muli %add3A_1533, %mul3A_1660 : i32
      %add3A_1662 = arith.constant 40 : i32
      %add3A_1663 = arith.addi %mul3A_1661, %add3A_1662 : i32
      %dma_start3A_1664 = arith.constant 1 : i32
      %dma_start3A_1665 = arith.constant 1 : i32
      %dma_start3A_1666 = arith.constant 0 : i32
      %dma_start3A_1667 = arith.constant 0 : i32
      %dma_start3A_1668 = tpu.memref_slice %arg8[%dma_start3A_1664, %dma_start3A_1666, %dma_start3A_1667] : memref<3x80x128xf32, #tpu.memory_space<vmem>> -> memref<1x80x128xf32, #tpu.memory_space<vmem>>
      %dma_start3A_1669 = tpu.memref_squeeze %dma_start3A_1668 : memref<1x80x128xf32, #tpu.memory_space<vmem>> -> memref<80x128xf32, #tpu.memory_space<vmem>>
      %dma_start3A_1670 = arith.constant 40 : i32
      %dma_start3A_1671 = arith.constant 0 : i32
      %dma_start3A_1672 = tpu.memref_slice %dma_start3A_1669[%dma_start3A_1670, %dma_start3A_1671] : memref<80x128xf32, #tpu.memory_space<vmem>> -> memref<40x128xf32, #tpu.memory_space<vmem>>
      %dma_start3A_1673 = tpu.memref_slice %arg6[%add3A_1663] : memref<10000xi32, #tpu.memory_space<vmem>> -> memref<40xi32, #tpu.memory_space<vmem>>
      %dma_start3A_1674 = arith.constant 0 : i32
      %dma_start3A_1675 = arith.constant 0 : i32
      %dma_start3A_1676 = tpu.memref_slice %arg2[%dma_start3A_1674, %dma_start3A_1675] : memref<10000x128xf32, #tpu.memory_space<hbm>> -> memref<10000x128xf32, #tpu.memory_space<hbm>>
      %dma_start3A_1677 = tpu.memref_slice %arg9[%dma_start3A_1665] : memref<3x!tpu.dma_semaphore, #tpu.memory_space<semaphore_mem>> -> memref<1x!tpu.dma_semaphore, #tpu.memory_space<semaphore_mem>>
      %dma_start3A_1678 = tpu.memref_squeeze %dma_start3A_1677 : memref<1x!tpu.dma_semaphore, #tpu.memory_space<semaphore_mem>> -> memref<!tpu.dma_semaphore, #tpu.memory_space<semaphore_mem>>
      tpu.enqueue_indirect_dma source(%dma_start3A_1676 : memref<10000x128xf32, #tpu.memory_space<hbm>>) target(%dma_start3A_1672 : memref<40x128xf32, #tpu.memory_space<vmem>>) offsets(%dma_start3A_1673 : memref<40xi32, #tpu.memory_space<vmem>>) semaphore(%dma_start3A_1678 : memref<!tpu.dma_semaphore, #tpu.memory_space<semaphore_mem>>)
      %sub3A_1679 = arith.constant 2 : i32
      %sub3A_1680 = arith.subi %add3A_1533, %sub3A_1679 : i32
      %mul3A_1681 = arith.constant 80 : i32
      %mul3A_1682 = arith.muli %sub3A_1680, %mul3A_1681 : i32
      %add3A_1683 = arith.constant 0 : i32
      %add3A_1684 = arith.addi %mul3A_1682, %add3A_1683 : i32
      %dma_wait3A_1685 = arith.constant 2 : i32
      %dma_wait3A_1686 = arith.constant 2 : i32
      %dma_wait3A_1687 = arith.constant 0 : i32
      %dma_wait3A_1688 = arith.constant 0 : i32
      %dma_wait3A_1689 = tpu.memref_slice %arg8[%dma_wait3A_1685, %dma_wait3A_1687, %dma_wait3A_1688] : memref<3x80x128xf32, #tpu.memory_space<vmem>> -> memref<1x80x128xf32, #tpu.memory_space<vmem>>
      %dma_wait3A_1690 = tpu.memref_squeeze %dma_wait3A_1689 : memref<1x80x128xf32, #tpu.memory_space<vmem>> -> memref<80x128xf32, #tpu.memory_space<vmem>>
      %dma_wait3A_1691 = arith.constant 0 : i32
      %dma_wait3A_1692 = arith.constant 0 : i32
      %dma_wait3A_1693 = tpu.memref_slice %dma_wait3A_1690[%dma_wait3A_1691, %dma_wait3A_1692] : memref<80x128xf32, #tpu.memory_space<vmem>> -> memref<40x128xf32, #tpu.memory_space<vmem>>
      %dma_wait3A_1694 = tpu.memref_slice %arg6[%add3A_1684] : memref<10000xi32, #tpu.memory_space<vmem>> -> memref<40xi32, #tpu.memory_space<vmem>>
      %dma_wait3A_1695 = arith.constant 0 : i32
      %dma_wait3A_1696 = arith.constant 0 : i32
      %dma_wait3A_1697 = tpu.memref_slice %arg2[%dma_wait3A_1695, %dma_wait3A_1696] : memref<10000x128xf32, #tpu.memory_space<hbm>> -> memref<10000x128xf32, #tpu.memory_space<hbm>>
      %dma_wait3A_1698 = tpu.memref_slice %arg9[%dma_wait3A_1686] : memref<3x!tpu.dma_semaphore, #tpu.memory_space<semaphore_mem>> -> memref<1x!tpu.dma_semaphore, #tpu.memory_space<semaphore_mem>>
      %dma_wait3A_1699 = tpu.memref_squeeze %dma_wait3A_1698 : memref<1x!tpu.dma_semaphore, #tpu.memory_space<semaphore_mem>> -> memref<!tpu.dma_semaphore, #tpu.memory_space<semaphore_mem>>
      tpu.wait_indirect_dma semaphore(%dma_wait3A_1699 : memref<!tpu.dma_semaphore, #tpu.memory_space<semaphore_mem>>) src(%dma_wait3A_1697 : memref<10000x128xf32, #tpu.memory_space<hbm>>) dst(%dma_wait3A_1693 : memref<40x128xf32, #tpu.memory_space<vmem>>)
      %mul3A_1700 = arith.constant 80 : i32
      %mul3A_1701 = arith.muli %sub3A_1680, %mul3A_1700 : i32
      %add3A_1702 = arith.constant 40 : i32
      %add3A_1703 = arith.addi %mul3A_1701, %add3A_1702 : i32
      %dma_wait3A_1704 = arith.constant 2 : i32
      %dma_wait3A_1705 = arith.constant 2 : i32
      %dma_wait3A_1706 = arith.constant 0 : i32
      %dma_wait3A_1707 = arith.constant 0 : i32
      %dma_wait3A_1708 = tpu.memref_slice %arg8[%dma_wait3A_1704, %dma_wait3A_1706, %dma_wait3A_1707] : memref<3x80x128xf32, #tpu.memory_space<vmem>> -> memref<1x80x128xf32, #tpu.memory_space<vmem>>
      %dma_wait3A_1709 = tpu.memref_squeeze %dma_wait3A_1708 : memref<1x80x128xf32, #tpu.memory_space<vmem>> -> memref<80x128xf32, #tpu.memory_space<vmem>>
      %dma_wait3A_1710 = arith.constant 40 : i32
      %dma_wait3A_1711 = arith.constant 0 : i32
      %dma_wait3A_1712 = tpu.memref_slice %dma_wait3A_1709[%dma_wait3A_1710, %dma_wait3A_1711] : memref<80x128xf32, #tpu.memory_space<vmem>> -> memref<40x128xf32, #tpu.memory_space<vmem>>
      %dma_wait3A_1713 = tpu.memref_slice %arg6[%add3A_1703] : memref<10000xi32, #tpu.memory_space<vmem>> -> memref<40xi32, #tpu.memory_space<vmem>>
      %dma_wait3A_1714 = arith.constant 0 : i32
      %dma_wait3A_1715 = arith.constant 0 : i32
      %dma_wait3A_1716 = tpu.memref_slice %arg2[%dma_wait3A_1714, %dma_wait3A_1715] : memref<10000x128xf32, #tpu.memory_space<hbm>> -> memref<10000x128xf32, #tpu.memory_space<hbm>>
      %dma_wait3A_1717 = tpu.memref_slice %arg9[%dma_wait3A_1705] : memref<3x!tpu.dma_semaphore, #tpu.memory_space<semaphore_mem>> -> memref<1x!tpu.dma_semaphore, #tpu.memory_space<semaphore_mem>>
      %dma_wait3A_1718 = tpu.memref_squeeze %dma_wait3A_1717 : memref<1x!tpu.dma_semaphore, #tpu.memory_space<semaphore_mem>> -> memref<!tpu.dma_semaphore, #tpu.memory_space<semaphore_mem>>
      tpu.wait_indirect_dma semaphore(%dma_wait3A_1718 : memref<!tpu.dma_semaphore, #tpu.memory_space<semaphore_mem>>) src(%dma_wait3A_1716 : memref<10000x128xf32, #tpu.memory_space<hbm>>) dst(%dma_wait3A_1712 : memref<40x128xf32, #tpu.memory_space<vmem>>)
      %mul3A_1719 = arith.constant 80 : i32
      %mul3A_1720 = arith.muli %sub3A_1680, %mul3A_1719 : i32
      %add3A_1721 = arith.constant 0 : i32
      %add3A_1722 = arith.addi %mul3A_1720, %add3A_1721 : i32
      %get3A_1723 = arith.index_cast %add3A_1722 : i32 to index
      %get3A_1724 = tpu.vector_load %arg7[%get3A_1723] {strides = array<i32>} : memref<10000xi32, #tpu.memory_space<vmem>>, vector<16xi32>,
      %get3A_1725 = vector.shape_cast %get3A_1724 : vector<16xi32> to vector<16xi32>
      %dma_start3A_1726 = arith.constant 2 : i32
      %dma_start3A_1727 = arith.constant 2 : i32
      %dma_start3A_1728 = arith.constant 0 : i32
      %dma_start3A_1729 = arith.constant 0 : i32
      %dma_start3A_1730 = tpu.memref_slice %arg8[%dma_start3A_1726, %dma_start3A_1728, %dma_start3A_1729] : memref<3x80x128xf32, #tpu.memory_space<vmem>> -> memref<1x80x128xf32, #tpu.memory_space<vmem>>
      %dma_start3A_1731 = tpu.memref_squeeze %dma_start3A_1730 : memref<1x80x128xf32, #tpu.memory_space<vmem>> -> memref<80x128xf32, #tpu.memory_space<vmem>>
      %dma_start3A_1732 = arith.constant 0 : i32
      %dma_start3A_1733 = arith.constant 0 : i32
      %dma_start3A_1734 = tpu.memref_slice %dma_start3A_1731[%dma_start3A_1732, %dma_start3A_1733] : memref<80x128xf32, #tpu.memory_space<vmem>> -> memref<16x128xf32, #tpu.memory_space<vmem>>
      %dma_start3A_1735 = arith.constant 0 : i32
      %dma_start3A_1736 = arith.constant 0 : i32
      %dma_start3A_1737 = tpu.memref_slice %arg5[%dma_start3A_1735, %dma_start3A_1736] : memref<10000x128xf32, #tpu.memory_space<vmem_shared>> -> memref<10000x128xf32, #tpu.memory_space<vmem_shared>>
      %dma_start3A_1738 = tpu.memref_slice %arg10[%dma_start3A_1727] : memref<3x!tpu.dma_semaphore, #tpu.memory_space<semaphore_mem>> -> memref<1x!tpu.dma_semaphore, #tpu.memory_space<semaphore_mem>>
      %dma_start3A_1739 = tpu.memref_squeeze %dma_start3A_1738 : memref<1x!tpu.dma_semaphore, #tpu.memory_space<semaphore_mem>> -> memref<!tpu.dma_semaphore, #tpu.memory_space<semaphore_mem>>
      tpu.enqueue_indirect_dma source(%dma_start3A_1734 : memref<16x128xf32, #tpu.memory_space<vmem>>) target(%dma_start3A_1737 : memref<10000x128xf32, #tpu.memory_space<vmem_shared>>) offsets(%get3A_1725 : vector<16xi32>) semaphore(%dma_start3A_1739 : memref<!tpu.dma_semaphore, #tpu.memory_space<semaphore_mem>>) {add = true}
      %mul3A_1740 = arith.constant 80 : i32
      %mul3A_1741 = arith.muli %sub3A_1680, %mul3A_1740 : i32
      %add3A_1742 = arith.constant 16 : i32
      %add3A_1743 = arith.addi %mul3A_1741, %add3A_1742 : i32
      %get3A_1744 = arith.index_cast %add3A_1743 : i32 to index
      %get3A_1745 = tpu.vector_load %arg7[%get3A_1744] {strides = array<i32>} : memref<10000xi32, #tpu.memory_space<vmem>>, vector<16xi32>,
      %get3A_1746 = vector.shape_cast %get3A_1745 : vector<16xi32> to vector<16xi32>
      %dma_start3A_1747 = arith.constant 2 : i32
      %dma_start3A_1748 = arith.constant 2 : i32
      %dma_start3A_1749 = arith.constant 0 : i32
      %dma_start3A_1750 = arith.constant 0 : i32
      %dma_start3A_1751 = tpu.memref_slice %arg8[%dma_start3A_1747, %dma_start3A_1749, %dma_start3A_1750] : memref<3x80x128xf32, #tpu.memory_space<vmem>> -> memref<1x80x128xf32, #tpu.memory_space<vmem>>
      %dma_start3A_1752 = tpu.memref_squeeze %dma_start3A_1751 : memref<1x80x128xf32, #tpu.memory_space<vmem>> -> memref<80x128xf32, #tpu.memory_space<vmem>>
      %dma_start3A_1753 = arith.constant 16 : i32
      %dma_start3A_1754 = arith.constant 0 : i32
      %dma_start3A_1755 = tpu.memref_slice %dma_start3A_1752[%dma_start3A_1753, %dma_start3A_1754] : memref<80x128xf32, #tpu.memory_space<vmem>> -> memref<16x128xf32, #tpu.memory_space<vmem>>
      %dma_start3A_1756 = arith.constant 0 : i32
      %dma_start3A_1757 = arith.constant 0 : i32
      %dma_start3A_1758 = tpu.memref_slice %arg5[%dma_start3A_1756, %dma_start3A_1757] : memref<10000x128xf32, #tpu.memory_space<vmem_shared>> -> memref<10000x128xf32, #tpu.memory_space<vmem_shared>>
      %dma_start3A_1759 = tpu.memref_slice %arg10[%dma_start3A_1748] : memref<3x!tpu.dma_semaphore, #tpu.memory_space<semaphore_mem>> -> memref<1x!tpu.dma_semaphore, #tpu.memory_space<semaphore_mem>>
      %dma_start3A_1760 = tpu.memref_squeeze %dma_start3A_1759 : memref<1x!tpu.dma_semaphore, #tpu.memory_space<semaphore_mem>> -> memref<!tpu.dma_semaphore, #tpu.memory_space<semaphore_mem>>
      tpu.enqueue_indirect_dma source(%dma_start3A_1755 : memref<16x128xf32, #tpu.memory_space<vmem>>) target(%dma_start3A_1758 : memref<10000x128xf32, #tpu.memory_space<vmem_shared>>) offsets(%get3A_1746 : vector<16xi32>) semaphore(%dma_start3A_1760 : memref<!tpu.dma_semaphore, #tpu.memory_space<semaphore_mem>>) {add = true}
      %mul3A_1761 = arith.constant 80 : i32
      %mul3A_1762 = arith.muli %sub3A_1680, %mul3A_1761 : i32
      %add3A_1763 = arith.constant 32 : i32
      %add3A_1764 = arith.addi %mul3A_1762, %add3A_1763 : i32
      %get3A_1765 = arith.index_cast %add3A_1764 : i32 to index
      %get3A_1766 = tpu.vector_load %arg7[%get3A_1765] {strides = array<i32>} : memref<10000xi32, #tpu.memory_space<vmem>>, vector<16xi32>,
      %get3A_1767 = vector.shape_cast %get3A_1766 : vector<16xi32> to vector<16xi32>
      %dma_start3A_1768 = arith.constant 2 : i32
      %dma_start3A_1769 = arith.constant 2 : i32
      %dma_start3A_1770 = arith.constant 0 : i32
      %dma_start3A_1771 = arith.constant 0 : i32
      %dma_start3A_1772 = tpu.memref_slice %arg8[%dma_start3A_1768, %dma_start3A_1770, %dma_start3A_1771] : memref<3x80x128xf32, #tpu.memory_space<vmem>> -> memref<1x80x128xf32, #tpu.memory_space<vmem>>
      %dma_start3A_1773 = tpu.memref_squeeze %dma_start3A_1772 : memref<1x80x128xf32, #tpu.memory_space<vmem>> -> memref<80x128xf32, #tpu.memory_space<vmem>>
      %dma_start3A_1774 = arith.constant 32 : i32
      %dma_start3A_1775 = arith.constant 0 : i32
      %dma_start3A_1776 = tpu.memref_slice %dma_start3A_1773[%dma_start3A_1774, %dma_start3A_1775] : memref<80x128xf32, #tpu.memory_space<vmem>> -> memref<16x128xf32, #tpu.memory_space<vmem>>
      %dma_start3A_1777 = arith.constant 0 : i32
      %dma_start3A_1778 = arith.constant 0 : i32
      %dma_start3A_1779 = tpu.memref_slice %arg5[%dma_start3A_1777, %dma_start3A_1778] : memref<10000x128xf32, #tpu.memory_space<vmem_shared>> -> memref<10000x128xf32, #tpu.memory_space<vmem_shared>>
      %dma_start3A_1780 = tpu.memref_slice %arg10[%dma_start3A_1769] : memref<3x!tpu.dma_semaphore, #tpu.memory_space<semaphore_mem>> -> memref<1x!tpu.dma_semaphore, #tpu.memory_space<semaphore_mem>>
      %dma_start3A_1781 = tpu.memref_squeeze %dma_start3A_1780 : memref<1x!tpu.dma_semaphore, #tpu.memory_space<semaphore_mem>> -> memref<!tpu.dma_semaphore, #tpu.memory_space<semaphore_mem>>
      tpu.enqueue_indirect_dma source(%dma_start3A_1776 : memref<16x128xf32, #tpu.memory_space<vmem>>) target(%dma_start3A_1779 : memref<10000x128xf32, #tpu.memory_space<vmem_shared>>) offsets(%get3A_1767 : vector<16xi32>) semaphore(%dma_start3A_1781 : memref<!tpu.dma_semaphore, #tpu.memory_space<semaphore_mem>>) {add = true}
      %mul3A_1782 = arith.constant 80 : i32
      %mul3A_1783 = arith.muli %sub3A_1680, %mul3A_1782 : i32
      %add3A_1784 = arith.constant 48 : i32
      %add3A_1785 = arith.addi %mul3A_1783, %add3A_1784 : i32
      %get3A_1786 = arith.index_cast %add3A_1785 : i32 to index
      %get3A_1787 = tpu.vector_load %arg7[%get3A_1786] {strides = array<i32>} : memref<10000xi32, #tpu.memory_space<vmem>>, vector<16xi32>,
      %get3A_1788 = vector.shape_cast %get3A_1787 : vector<16xi32> to vector<16xi32>
      %dma_start3A_1789 = arith.constant 2 : i32
      %dma_start3A_1790 = arith.constant 2 : i32
      %dma_start3A_1791 = arith.constant 0 : i32
      %dma_start3A_1792 = arith.constant 0 : i32
      %dma_start3A_1793 = tpu.memref_slice %arg8[%dma_start3A_1789, %dma_start3A_1791, %dma_start3A_1792] : memref<3x80x128xf32, #tpu.memory_space<vmem>> -> memref<1x80x128xf32, #tpu.memory_space<vmem>>
      %dma_start3A_1794 = tpu.memref_squeeze %dma_start3A_1793 : memref<1x80x128xf32, #tpu.memory_space<vmem>> -> memref<80x128xf32, #tpu.memory_space<vmem>>
      %dma_start3A_1795 = arith.constant 48 : i32
      %dma_start3A_1796 = arith.constant 0 : i32
      %dma_start3A_1797 = tpu.memref_slice %dma_start3A_1794[%dma_start3A_1795, %dma_start3A_1796] : memref<80x128xf32, #tpu.memory_space<vmem>> -> memref<16x128xf32, #tpu.memory_space<vmem>>
      %dma_start3A_1798 = arith.constant 0 : i32
      %dma_start3A_1799 = arith.constant 0 : i32
      %dma_start3A_1800 = tpu.memref_slice %arg5[%dma_start3A_1798, %dma_start3A_1799] : memref<10000x128xf32, #tpu.memory_space<vmem_shared>> -> memref<10000x128xf32, #tpu.memory_space<vmem_shared>>
      %dma_start3A_1801 = tpu.memref_slice %arg10[%dma_start3A_1790] : memref<3x!tpu.dma_semaphore, #tpu.memory_space<semaphore_mem>> -> memref<1x!tpu.dma_semaphore, #tpu.memory_space<semaphore_mem>>
      %dma_start3A_1802 = tpu.memref_squeeze %dma_start3A_1801 : memref<1x!tpu.dma_semaphore, #tpu.memory_space<semaphore_mem>> -> memref<!tpu.dma_semaphore, #tpu.memory_space<semaphore_mem>>
      tpu.enqueue_indirect_dma source(%dma_start3A_1797 : memref<16x128xf32, #tpu.memory_space<vmem>>) target(%dma_start3A_1800 : memref<10000x128xf32, #tpu.memory_space<vmem_shared>>) offsets(%get3A_1788 : vector<16xi32>) semaphore(%dma_start3A_1802 : memref<!tpu.dma_semaphore, #tpu.memory_space<semaphore_mem>>) {add = true}
      %mul3A_1803 = arith.constant 80 : i32
      %mul3A_1804 = arith.muli %sub3A_1680, %mul3A_1803 : i32
      %add3A_1805 = arith.constant 64 : i32
      %add3A_1806 = arith.addi %mul3A_1804, %add3A_1805 : i32
      %get3A_1807 = arith.index_cast %add3A_1806 : i32 to index
      %get3A_1808 = tpu.vector_load %arg7[%get3A_1807] {strides = array<i32>} : memref<10000xi32, #tpu.memory_space<vmem>>, vector<16xi32>,
      %get3A_1809 = vector.shape_cast %get3A_1808 : vector<16xi32> to vector<16xi32>
      %dma_start3A_1810 = arith.constant 2 : i32
      %dma_start3A_1811 = arith.constant 2 : i32
      %dma_start3A_1812 = arith.constant 0 : i32
      %dma_start3A_1813 = arith.constant 0 : i32
      %dma_start3A_1814 = tpu.memref_slice %arg8[%dma_start3A_1810, %dma_start3A_1812, %dma_start3A_1813] : memref<3x80x128xf32, #tpu.memory_space<vmem>> -> memref<1x80x128xf32, #tpu.memory_space<vmem>>
      %dma_start3A_1815 = tpu.memref_squeeze %dma_start3A_1814 : memref<1x80x128xf32, #tpu.memory_space<vmem>> -> memref<80x128xf32, #tpu.memory_space<vmem>>
      %dma_start3A_1816 = arith.constant 64 : i32
      %dma_start3A_1817 = arith.constant 0 : i32
      %dma_start3A_1818 = tpu.memref_slice %dma_start3A_1815[%dma_start3A_1816, %dma_start3A_1817] : memref<80x128xf32, #tpu.memory_space<vmem>> -> memref<16x128xf32, #tpu.memory_space<vmem>>
      %dma_start3A_1819 = arith.constant 0 : i32
      %dma_start3A_1820 = arith.constant 0 : i32
      %dma_start3A_1821 = tpu.memref_slice %arg5[%dma_start3A_1819, %dma_start3A_1820] : memref<10000x128xf32, #tpu.memory_space<vmem_shared>> -> memref<10000x128xf32, #tpu.memory_space<vmem_shared>>
      %dma_start3A_1822 = tpu.memref_slice %arg10[%dma_start3A_1811] : memref<3x!tpu.dma_semaphore, #tpu.memory_space<semaphore_mem>> -> memref<1x!tpu.dma_semaphore, #tpu.memory_space<semaphore_mem>>
      %dma_start3A_1823 = tpu.memref_squeeze %dma_start3A_1822 : memref<1x!tpu.dma_semaphore, #tpu.memory_space<semaphore_mem>> -> memref<!tpu.dma_semaphore, #tpu.memory_space<semaphore_mem>>
      tpu.enqueue_indirect_dma source(%dma_start3A_1818 : memref<16x128xf32, #tpu.memory_space<vmem>>) target(%dma_start3A_1821 : memref<10000x128xf32, #tpu.memory_space<vmem_shared>>) offsets(%get3A_1809 : vector<16xi32>) semaphore(%dma_start3A_1823 : memref<!tpu.dma_semaphore, #tpu.memory_space<semaphore_mem>>) {add = true}
      %mul3A_1824 = arith.constant 3 : i32
      %mul3A_1825 = arith.muli %scan3A_1236, %mul3A_1824 : i32
      %add3A_1826 = arith.constant 2 : i32
      %add3A_1827 = arith.addi %mul3A_1825, %add3A_1826 : i32
      %sub3A_1828 = arith.constant 3 : i32
      %sub3A_1829 = arith.subi %add3A_1827, %sub3A_1828 : i32
      %mul3A_1830 = arith.constant 80 : i32
      %mul3A_1831 = arith.muli %sub3A_1829, %mul3A_1830 : i32
      %add3A_1832 = arith.constant 0 : i32
      %add3A_1833 = arith.addi %mul3A_1831, %add3A_1832 : i32
      %get3A_1834 = arith.index_cast %add3A_1833 : i32 to index
      %get3A_1835 = tpu.vector_load %arg7[%get3A_1834] {strides = array<i32>} : memref<10000xi32, #tpu.memory_space<vmem>>, vector<16xi32>,
      %get3A_1836 = vector.shape_cast %get3A_1835 : vector<16xi32> to vector<16xi32>
      %dma_wait3A_1837 = arith.constant 2 : i32
      %dma_wait3A_1838 = arith.constant 2 : i32
      %dma_wait3A_1839 = arith.constant 0 : i32
      %dma_wait3A_1840 = arith.constant 0 : i32
      %dma_wait3A_1841 = tpu.memref_slice %arg8[%dma_wait3A_1837, %dma_wait3A_1839, %dma_wait3A_1840] : memref<3x80x128xf32, #tpu.memory_space<vmem>> -> memref<1x80x128xf32, #tpu.memory_space<vmem>>
      %dma_wait3A_1842 = tpu.memref_squeeze %dma_wait3A_1841 : memref<1x80x128xf32, #tpu.memory_space<vmem>> -> memref<80x128xf32, #tpu.memory_space<vmem>>
      %dma_wait3A_1843 = arith.constant 0 : i32
      %dma_wait3A_1844 = arith.constant 0 : i32
      %dma_wait3A_1845 = tpu.memref_slice %dma_wait3A_1842[%dma_wait3A_1843, %dma_wait3A_1844] : memref<80x128xf32, #tpu.memory_space<vmem>> -> memref<16x128xf32, #tpu.memory_space<vmem>>
      %dma_wait3A_1846 = arith.constant 0 : i32
      %dma_wait3A_1847 = arith.constant 0 : i32
      %dma_wait3A_1848 = tpu.memref_slice %arg5[%dma_wait3A_1846, %dma_wait3A_1847] : memref<10000x128xf32, #tpu.memory_space<vmem_shared>> -> memref<10000x128xf32, #tpu.memory_space<vmem_shared>>
      %dma_wait3A_1849 = tpu.memref_slice %arg10[%dma_wait3A_1838] : memref<3x!tpu.dma_semaphore, #tpu.memory_space<semaphore_mem>> -> memref<1x!tpu.dma_semaphore, #tpu.memory_space<semaphore_mem>>
      %dma_wait3A_1850 = tpu.memref_squeeze %dma_wait3A_1849 : memref<1x!tpu.dma_semaphore, #tpu.memory_space<semaphore_mem>> -> memref<!tpu.dma_semaphore, #tpu.memory_space<semaphore_mem>>
      tpu.wait_indirect_dma semaphore(%dma_wait3A_1850 : memref<!tpu.dma_semaphore, #tpu.memory_space<semaphore_mem>>) src(%dma_wait3A_1845 : memref<16x128xf32, #tpu.memory_space<vmem>>) dst(%dma_wait3A_1848 : memref<10000x128xf32, #tpu.memory_space<vmem_shared>>)
      %mul3A_1851 = arith.constant 80 : i32
      %mul3A_1852 = arith.muli %sub3A_1829, %mul3A_1851 : i32
      %add3A_1853 = arith.constant 16 : i32
      %add3A_1854 = arith.addi %mul3A_1852, %add3A_1853 : i32
      %get3A_1855 = arith.index_cast %add3A_1854 : i32 to index
      %get3A_1856 = tpu.vector_load %arg7[%get3A_1855] {strides = array<i32>} : memref<10000xi32, #tpu.memory_space<vmem>>, vector<16xi32>,
      %get3A_1857 = vector.shape_cast %get3A_1856 : vector<16xi32> to vector<16xi32>
      %dma_wait3A_1858 = arith.constant 2 : i32
      %dma_wait3A_1859 = arith.constant 2 : i32
      %dma_wait3A_1860 = arith.constant 0 : i32
      %dma_wait3A_1861 = arith.constant 0 : i32
      %dma_wait3A_1862 = tpu.memref_slice %arg8[%dma_wait3A_1858, %dma_wait3A_1860, %dma_wait3A_1861] : memref<3x80x128xf32, #tpu.memory_space<vmem>> -> memref<1x80x128xf32, #tpu.memory_space<vmem>>
      %dma_wait3A_1863 = tpu.memref_squeeze %dma_wait3A_1862 : memref<1x80x128xf32, #tpu.memory_space<vmem>> -> memref<80x128xf32, #tpu.memory_space<vmem>>
      %dma_wait3A_1864 = arith.constant 16 : i32
      %dma_wait3A_1865 = arith.constant 0 : i32
      %dma_wait3A_1866 = tpu.memref_slice %dma_wait3A_1863[%dma_wait3A_1864, %dma_wait3A_1865] : memref<80x128xf32, #tpu.memory_space<vmem>> -> memref<16x128xf32, #tpu.memory_space<vmem>>
      %dma_wait3A_1867 = arith.constant 0 : i32
      %dma_wait3A_1868 = arith.constant 0 : i32
      %dma_wait3A_1869 = tpu.memref_slice %arg5[%dma_wait3A_1867, %dma_wait3A_1868] : memref<10000x128xf32, #tpu.memory_space<vmem_shared>> -> memref<10000x128xf32, #tpu.memory_space<vmem_shared>>
      %dma_wait3A_1870 = tpu.memref_slice %arg10[%dma_wait3A_1859] : memref<3x!tpu.dma_semaphore, #tpu.memory_space<semaphore_mem>> -> memref<1x!tpu.dma_semaphore, #tpu.memory_space<semaphore_mem>>
      %dma_wait3A_1871 = tpu.memref_squeeze %dma_wait3A_1870 : memref<1x!tpu.dma_semaphore, #tpu.memory_space<semaphore_mem>> -> memref<!tpu.dma_semaphore, #tpu.memory_space<semaphore_mem>>
      tpu.wait_indirect_dma semaphore(%dma_wait3A_1871 : memref<!tpu.dma_semaphore, #tpu.memory_space<semaphore_mem>>) src(%dma_wait3A_1866 : memref<16x128xf32, #tpu.memory_space<vmem>>) dst(%dma_wait3A_1869 : memref<10000x128xf32, #tpu.memory_space<vmem_shared>>)
      %mul3A_1872 = arith.constant 80 : i32
      %mul3A_1873 = arith.muli %sub3A_1829, %mul3A_1872 : i32
      %add3A_1874 = arith.constant 32 : i32
      %add3A_1875 = arith.addi %mul3A_1873, %add3A_1874 : i32
      %get3A_1876 = arith.index_cast %add3A_1875 : i32 to index
      %get3A_1877 = tpu.vector_load %arg7[%get3A_1876] {strides = array<i32>} : memref<10000xi32, #tpu.memory_space<vmem>>, vector<16xi32>,
      %get3A_1878 = vector.shape_cast %get3A_1877 : vector<16xi32> to vector<16xi32>
      %dma_wait3A_1879 = arith.constant 2 : i32
      %dma_wait3A_1880 = arith.constant 2 : i32
      %dma_wait3A_1881 = arith.constant 0 : i32
      %dma_wait3A_1882 = arith.constant 0 : i32
      %dma_wait3A_1883 = tpu.memref_slice %arg8[%dma_wait3A_1879, %dma_wait3A_1881, %dma_wait3A_1882] : memref<3x80x128xf32, #tpu.memory_space<vmem>> -> memref<1x80x128xf32, #tpu.memory_space<vmem>>
      %dma_wait3A_1884 = tpu.memref_squeeze %dma_wait3A_1883 : memref<1x80x128xf32, #tpu.memory_space<vmem>> -> memref<80x128xf32, #tpu.memory_space<vmem>>
      %dma_wait3A_1885 = arith.constant 32 : i32
      %dma_wait3A_1886 = arith.constant 0 : i32
      %dma_wait3A_1887 = tpu.memref_slice %dma_wait3A_1884[%dma_wait3A_1885, %dma_wait3A_1886] : memref<80x128xf32, #tpu.memory_space<vmem>> -> memref<16x128xf32, #tpu.memory_space<vmem>>
      %dma_wait3A_1888 = arith.constant 0 : i32
      %dma_wait3A_1889 = arith.constant 0 : i32
      %dma_wait3A_1890 = tpu.memref_slice %arg5[%dma_wait3A_1888, %dma_wait3A_1889] : memref<10000x128xf32, #tpu.memory_space<vmem_shared>> -> memref<10000x128xf32, #tpu.memory_space<vmem_shared>>
      %dma_wait3A_1891 = tpu.memref_slice %arg10[%dma_wait3A_1880] : memref<3x!tpu.dma_semaphore, #tpu.memory_space<semaphore_mem>> -> memref<1x!tpu.dma_semaphore, #tpu.memory_space<semaphore_mem>>
      %dma_wait3A_1892 = tpu.memref_squeeze %dma_wait3A_1891 : memref<1x!tpu.dma_semaphore, #tpu.memory_space<semaphore_mem>> -> memref<!tpu.dma_semaphore, #tpu.memory_space<semaphore_mem>>
      tpu.wait_indirect_dma semaphore(%dma_wait3A_1892 : memref<!tpu.dma_semaphore, #tpu.memory_space<semaphore_mem>>) src(%dma_wait3A_1887 : memref<16x128xf32, #tpu.memory_space<vmem>>) dst(%dma_wait3A_1890 : memref<10000x128xf32, #tpu.memory_space<vmem_shared>>)
      %mul3A_1893 = arith.constant 80 : i32
      %mul3A_1894 = arith.muli %sub3A_1829, %mul3A_1893 : i32
      %add3A_1895 = arith.constant 48 : i32
      %add3A_1896 = arith.addi %mul3A_1894, %add3A_1895 : i32
      %get3A_1897 = arith.index_cast %add3A_1896 : i32 to index
      %get3A_1898 = tpu.vector_load %arg7[%get3A_1897] {strides = array<i32>} : memref<10000xi32, #tpu.memory_space<vmem>>, vector<16xi32>,
      %get3A_1899 = vector.shape_cast %get3A_1898 : vector<16xi32> to vector<16xi32>
      %dma_wait3A_1900 = arith.constant 2 : i32
      %dma_wait3A_1901 = arith.constant 2 : i32
      %dma_wait3A_1902 = arith.constant 0 : i32
      %dma_wait3A_1903 = arith.constant 0 : i32
      %dma_wait3A_1904 = tpu.memref_slice %arg8[%dma_wait3A_1900, %dma_wait3A_1902, %dma_wait3A_1903] : memref<3x80x128xf32, #tpu.memory_space<vmem>> -> memref<1x80x128xf32, #tpu.memory_space<vmem>>
      %dma_wait3A_1905 = tpu.memref_squeeze %dma_wait3A_1904 : memref<1x80x128xf32, #tpu.memory_space<vmem>> -> memref<80x128xf32, #tpu.memory_space<vmem>>
      %dma_wait3A_1906 = arith.constant 48 : i32
      %dma_wait3A_1907 = arith.constant 0 : i32
      %dma_wait3A_1908 = tpu.memref_slice %dma_wait3A_1905[%dma_wait3A_1906, %dma_wait3A_1907] : memref<80x128xf32, #tpu.memory_space<vmem>> -> memref<16x128xf32, #tpu.memory_space<vmem>>
      %dma_wait3A_1909 = arith.constant 0 : i32
      %dma_wait3A_1910 = arith.constant 0 : i32
      %dma_wait3A_1911 = tpu.memref_slice %arg5[%dma_wait3A_1909, %dma_wait3A_1910] : memref<10000x128xf32, #tpu.memory_space<vmem_shared>> -> memref<10000x128xf32, #tpu.memory_space<vmem_shared>>
      %dma_wait3A_1912 = tpu.memref_slice %arg10[%dma_wait3A_1901] : memref<3x!tpu.dma_semaphore, #tpu.memory_space<semaphore_mem>> -> memref<1x!tpu.dma_semaphore, #tpu.memory_space<semaphore_mem>>
      %dma_wait3A_1913 = tpu.memref_squeeze %dma_wait3A_1912 : memref<1x!tpu.dma_semaphore, #tpu.memory_space<semaphore_mem>> -> memref<!tpu.dma_semaphore, #tpu.memory_space<semaphore_mem>>
      tpu.wait_indirect_dma semaphore(%dma_wait3A_1913 : memref<!tpu.dma_semaphore, #tpu.memory_space<semaphore_mem>>) src(%dma_wait3A_1908 : memref<16x128xf32, #tpu.memory_space<vmem>>) dst(%dma_wait3A_1911 : memref<10000x128xf32, #tpu.memory_space<vmem_shared>>)
      %mul3A_1914 = arith.constant 80 : i32
      %mul3A_1915 = arith.muli %sub3A_1829, %mul3A_1914 : i32
      %add3A_1916 = arith.constant 64 : i32
      %add3A_1917 = arith.addi %mul3A_1915, %add3A_1916 : i32
      %get3A_1918 = arith.index_cast %add3A_1917 : i32 to index
      %get3A_1919 = tpu.vector_load %arg7[%get3A_1918] {strides = array<i32>} : memref<10000xi32, #tpu.memory_space<vmem>>, vector<16xi32>,
      %get3A_1920 = vector.shape_cast %get3A_1919 : vector<16xi32> to vector<16xi32>
      %dma_wait3A_1921 = arith.constant 2 : i32
      %dma_wait3A_1922 = arith.constant 2 : i32
      %dma_wait3A_1923 = arith.constant 0 : i32
      %dma_wait3A_1924 = arith.constant 0 : i32
      %dma_wait3A_1925 = tpu.memref_slice %arg8[%dma_wait3A_1921, %dma_wait3A_1923, %dma_wait3A_1924] : memref<3x80x128xf32, #tpu.memory_space<vmem>> -> memref<1x80x128xf32, #tpu.memory_space<vmem>>
      %dma_wait3A_1926 = tpu.memref_squeeze %dma_wait3A_1925 : memref<1x80x128xf32, #tpu.memory_space<vmem>> -> memref<80x128xf32, #tpu.memory_space<vmem>>
      %dma_wait3A_1927 = arith.constant 64 : i32
      %dma_wait3A_1928 = arith.constant 0 : i32
      %dma_wait3A_1929 = tpu.memref_slice %dma_wait3A_1926[%dma_wait3A_1927, %dma_wait3A_1928] : memref<80x128xf32, #tpu.memory_space<vmem>> -> memref<16x128xf32, #tpu.memory_space<vmem>>
      %dma_wait3A_1930 = arith.constant 0 : i32
      %dma_wait3A_1931 = arith.constant 0 : i32
      %dma_wait3A_1932 = tpu.memref_slice %arg5[%dma_wait3A_1930, %dma_wait3A_1931] : memref<10000x128xf32, #tpu.memory_space<vmem_shared>> -> memref<10000x128xf32, #tpu.memory_space<vmem_shared>>
      %dma_wait3A_1933 = tpu.memref_slice %arg10[%dma_wait3A_1922] : memref<3x!tpu.dma_semaphore, #tpu.memory_space<semaphore_mem>> -> memref<1x!tpu.dma_semaphore, #tpu.memory_space<semaphore_mem>>
      %dma_wait3A_1934 = tpu.memref_squeeze %dma_wait3A_1933 : memref<1x!tpu.dma_semaphore, #tpu.memory_space<semaphore_mem>> -> memref<!tpu.dma_semaphore, #tpu.memory_space<semaphore_mem>>
      tpu.wait_indirect_dma semaphore(%dma_wait3A_1934 : memref<!tpu.dma_semaphore, #tpu.memory_space<semaphore_mem>>) src(%dma_wait3A_1929 : memref<16x128xf32, #tpu.memory_space<vmem>>) dst(%dma_wait3A_1932 : memref<10000x128xf32, #tpu.memory_space<vmem_shared>>)
      %mul3A_1935 = arith.constant 80 : i32
      %mul3A_1936 = arith.muli %add3A_1827, %mul3A_1935 : i32
      %add3A_1937 = arith.constant 0 : i32
      %add3A_1938 = arith.addi %mul3A_1936, %add3A_1937 : i32
      %dma_start3A_1939 = arith.constant 2 : i32
      %dma_start3A_1940 = arith.constant 2 : i32
      %dma_start3A_1941 = arith.constant 0 : i32
      %dma_start3A_1942 = arith.constant 0 : i32
      %dma_start3A_1943 = tpu.memref_slice %arg8[%dma_start3A_1939, %dma_start3A_1941, %dma_start3A_1942] : memref<3x80x128xf32, #tpu.memory_space<vmem>> -> memref<1x80x128xf32, #tpu.memory_space<vmem>>
      %dma_start3A_1944 = tpu.memref_squeeze %dma_start3A_1943 : memref<1x80x128xf32, #tpu.memory_space<vmem>> -> memref<80x128xf32, #tpu.memory_space<vmem>>
      %dma_start3A_1945 = arith.constant 0 : i32
      %dma_start3A_1946 = arith.constant 0 : i32
      %dma_start3A_1947 = tpu.memref_slice %dma_start3A_1944[%dma_start3A_1945, %dma_start3A_1946] : memref<80x128xf32, #tpu.memory_space<vmem>> -> memref<40x128xf32, #tpu.memory_space<vmem>>
      %dma_start3A_1948 = tpu.memref_slice %arg6[%add3A_1938] : memref<10000xi32, #tpu.memory_space<vmem>> -> memref<40xi32, #tpu.memory_space<vmem>>
      %dma_start3A_1949 = arith.constant 0 : i32
      %dma_start3A_1950 = arith.constant 0 : i32
      %dma_start3A_1951 = tpu.memref_slice %arg2[%dma_start3A_1949, %dma_start3A_1950] : memref<10000x128xf32, #tpu.memory_space<hbm>> -> memref<10000x128xf32, #tpu.memory_space<hbm>>
      %dma_start3A_1952 = tpu.memref_slice %arg9[%dma_start3A_1940] : memref<3x!tpu.dma_semaphore, #tpu.memory_space<semaphore_mem>> -> memref<1x!tpu.dma_semaphore, #tpu.memory_space<semaphore_mem>>
      %dma_start3A_1953 = tpu.memref_squeeze %dma_start3A_1952 : memref<1x!tpu.dma_semaphore, #tpu.memory_space<semaphore_mem>> -> memref<!tpu.dma_semaphore, #tpu.memory_space<semaphore_mem>>
      tpu.enqueue_indirect_dma source(%dma_start3A_1951 : memref<10000x128xf32, #tpu.memory_space<hbm>>) target(%dma_start3A_1947 : memref<40x128xf32, #tpu.memory_space<vmem>>) offsets(%dma_start3A_1948 : memref<40xi32, #tpu.memory_space<vmem>>) semaphore(%dma_start3A_1953 : memref<!tpu.dma_semaphore, #tpu.memory_space<semaphore_mem>>)
      %mul3A_1954 = arith.constant 80 : i32
      %mul3A_1955 = arith.muli %add3A_1827, %mul3A_1954 : i32
      %add3A_1956 = arith.constant 40 : i32
      %add3A_1957 = arith.addi %mul3A_1955, %add3A_1956 : i32
      %dma_start3A_1958 = arith.constant 2 : i32
      %dma_start3A_1959 = arith.constant 2 : i32
      %dma_start3A_1960 = arith.constant 0 : i32
      %dma_start3A_1961 = arith.constant 0 : i32
      %dma_start3A_1962 = tpu.memref_slice %arg8[%dma_start3A_1958, %dma_start3A_1960, %dma_start3A_1961] : memref<3x80x128xf32, #tpu.memory_space<vmem>> -> memref<1x80x128xf32, #tpu.memory_space<vmem>>
      %dma_start3A_1963 = tpu.memref_squeeze %dma_start3A_1962 : memref<1x80x128xf32, #tpu.memory_space<vmem>> -> memref<80x128xf32, #tpu.memory_space<vmem>>
      %dma_start3A_1964 = arith.constant 40 : i32
      %dma_start3A_1965 = arith.constant 0 : i32
      %dma_start3A_1966 = tpu.memref_slice %dma_start3A_1963[%dma_start3A_1964, %dma_start3A_1965] : memref<80x128xf32, #tpu.memory_space<vmem>> -> memref<40x128xf32, #tpu.memory_space<vmem>>
      %dma_start3A_1967 = tpu.memref_slice %arg6[%add3A_1957] : memref<10000xi32, #tpu.memory_space<vmem>> -> memref<40xi32, #tpu.memory_space<vmem>>
      %dma_start3A_1968 = arith.constant 0 : i32
      %dma_start3A_1969 = arith.constant 0 : i32
      %dma_start3A_1970 = tpu.memref_slice %arg2[%dma_start3A_1968, %dma_start3A_1969] : memref<10000x128xf32, #tpu.memory_space<hbm>> -> memref<10000x128xf32, #tpu.memory_space<hbm>>
      %dma_start3A_1971 = tpu.memref_slice %arg9[%dma_start3A_1959] : memref<3x!tpu.dma_semaphore, #tpu.memory_space<semaphore_mem>> -> memref<1x!tpu.dma_semaphore, #tpu.memory_space<semaphore_mem>>
      %dma_start3A_1972 = tpu.memref_squeeze %dma_start3A_1971 : memref<1x!tpu.dma_semaphore, #tpu.memory_space<semaphore_mem>> -> memref<!tpu.dma_semaphore, #tpu.memory_space<semaphore_mem>>
      tpu.enqueue_indirect_dma source(%dma_start3A_1970 : memref<10000x128xf32, #tpu.memory_space<hbm>>) target(%dma_start3A_1966 : memref<40x128xf32, #tpu.memory_space<vmem>>) offsets(%dma_start3A_1967 : memref<40xi32, #tpu.memory_space<vmem>>) semaphore(%dma_start3A_1972 : memref<!tpu.dma_semaphore, #tpu.memory_space<semaphore_mem>>)
      %sub3A_1973 = arith.constant 2 : i32
      %sub3A_1974 = arith.subi %add3A_1827, %sub3A_1973 : i32
      %mul3A_1975 = arith.constant 80 : i32
      %mul3A_1976 = arith.muli %sub3A_1974, %mul3A_1975 : i32
      %add3A_1977 = arith.constant 0 : i32
      %add3A_1978 = arith.addi %mul3A_1976, %add3A_1977 : i32
      %dma_wait3A_1979 = arith.constant 0 : i32
      %dma_wait3A_1980 = arith.constant 0 : i32
      %dma_wait3A_1981 = arith.constant 0 : i32
      %dma_wait3A_1982 = arith.constant 0 : i32
      %dma_wait3A_1983 = tpu.memref_slice %arg8[%dma_wait3A_1979, %dma_wait3A_1981, %dma_wait3A_1982] : memref<3x80x128xf32, #tpu.memory_space<vmem>> -> memref<1x80x128xf32, #tpu.memory_space<vmem>>
      %dma_wait3A_1984 = tpu.memref_squeeze %dma_wait3A_1983 : memref<1x80x128xf32, #tpu.memory_space<vmem>> -> memref<80x128xf32, #tpu.memory_space<vmem>>
      %dma_wait3A_1985 = arith.constant 0 : i32
      %dma_wait3A_1986 = arith.constant 0 : i32
      %dma_wait3A_1987 = tpu.memref_slice %dma_wait3A_1984[%dma_wait3A_1985, %dma_wait3A_1986] : memref<80x128xf32, #tpu.memory_space<vmem>> -> memref<40x128xf32, #tpu.memory_space<vmem>>
      %dma_wait3A_1988 = tpu.memref_slice %arg6[%add3A_1978] : memref<10000xi32, #tpu.memory_space<vmem>> -> memref<40xi32, #tpu.memory_space<vmem>>
      %dma_wait3A_1989 = arith.constant 0 : i32
      %dma_wait3A_1990 = arith.constant 0 : i32
      %dma_wait3A_1991 = tpu.memref_slice %arg2[%dma_wait3A_1989, %dma_wait3A_1990] : memref<10000x128xf32, #tpu.memory_space<hbm>> -> memref<10000x128xf32, #tpu.memory_space<hbm>>
      %dma_wait3A_1992 = tpu.memref_slice %arg9[%dma_wait3A_1980] : memref<3x!tpu.dma_semaphore, #tpu.memory_space<semaphore_mem>> -> memref<1x!tpu.dma_semaphore, #tpu.memory_space<semaphore_mem>>
      %dma_wait3A_1993 = tpu.memref_squeeze %dma_wait3A_1992 : memref<1x!tpu.dma_semaphore, #tpu.memory_space<semaphore_mem>> -> memref<!tpu.dma_semaphore, #tpu.memory_space<semaphore_mem>>
      tpu.wait_indirect_dma semaphore(%dma_wait3A_1993 : memref<!tpu.dma_semaphore, #tpu.memory_space<semaphore_mem>>) src(%dma_wait3A_1991 : memref<10000x128xf32, #tpu.memory_space<hbm>>) dst(%dma_wait3A_1987 : memref<40x128xf32, #tpu.memory_space<vmem>>)
      %mul3A_1994 = arith.constant 80 : i32
      %mul3A_1995 = arith.muli %sub3A_1974, %mul3A_1994 : i32
      %add3A_1996 = arith.constant 40 : i32
      %add3A_1997 = arith.addi %mul3A_1995, %add3A_1996 : i32
      %dma_wait3A_1998 = arith.constant 0 : i32
      %dma_wait3A_1999 = arith.constant 0 : i32
      %dma_wait3A_2000 = arith.constant 0 : i32
      %dma_wait3A_2001 = arith.constant 0 : i32
      %dma_wait3A_2002 = tpu.memref_slice %arg8[%dma_wait3A_1998, %dma_wait3A_2000, %dma_wait3A_2001] : memref<3x80x128xf32, #tpu.memory_space<vmem>> -> memref<1x80x128xf32, #tpu.memory_space<vmem>>
      %dma_wait3A_2003 = tpu.memref_squeeze %dma_wait3A_2002 : memref<1x80x128xf32, #tpu.memory_space<vmem>> -> memref<80x128xf32, #tpu.memory_space<vmem>>
      %dma_wait3A_2004 = arith.constant 40 : i32
      %dma_wait3A_2005 = arith.constant 0 : i32
      %dma_wait3A_2006 = tpu.memref_slice %dma_wait3A_2003[%dma_wait3A_2004, %dma_wait3A_2005] : memref<80x128xf32, #tpu.memory_space<vmem>> -> memref<40x128xf32, #tpu.memory_space<vmem>>
      %dma_wait3A_2007 = tpu.memref_slice %arg6[%add3A_1997] : memref<10000xi32, #tpu.memory_space<vmem>> -> memref<40xi32, #tpu.memory_space<vmem>>
      %dma_wait3A_2008 = arith.constant 0 : i32
      %dma_wait3A_2009 = arith.constant 0 : i32
      %dma_wait3A_2010 = tpu.memref_slice %arg2[%dma_wait3A_2008, %dma_wait3A_2009] : memref<10000x128xf32, #tpu.memory_space<hbm>> -> memref<10000x128xf32, #tpu.memory_space<hbm>>
      %dma_wait3A_2011 = tpu.memref_slice %arg9[%dma_wait3A_1999] : memref<3x!tpu.dma_semaphore, #tpu.memory_space<semaphore_mem>> -> memref<1x!tpu.dma_semaphore, #tpu.memory_space<semaphore_mem>>
      %dma_wait3A_2012 = tpu.memref_squeeze %dma_wait3A_2011 : memref<1x!tpu.dma_semaphore, #tpu.memory_space<semaphore_mem>> -> memref<!tpu.dma_semaphore, #tpu.memory_space<semaphore_mem>>
      tpu.wait_indirect_dma semaphore(%dma_wait3A_2012 : memref<!tpu.dma_semaphore, #tpu.memory_space<semaphore_mem>>) src(%dma_wait3A_2010 : memref<10000x128xf32, #tpu.memory_space<hbm>>) dst(%dma_wait3A_2006 : memref<40x128xf32, #tpu.memory_space<vmem>>)
      %mul3A_2013 = arith.constant 80 : i32
      %mul3A_2014 = arith.muli %sub3A_1974, %mul3A_2013 : i32
      %add3A_2015 = arith.constant 0 : i32
      %add3A_2016 = arith.addi %mul3A_2014, %add3A_2015 : i32
      %get3A_2017 = arith.index_cast %add3A_2016 : i32 to index
      %get3A_2018 = tpu.vector_load %arg7[%get3A_2017] {strides = array<i32>} : memref<10000xi32, #tpu.memory_space<vmem>>, vector<16xi32>,
      %get3A_2019 = vector.shape_cast %get3A_2018 : vector<16xi32> to vector<16xi32>
      %dma_start3A_2020 = arith.constant 0 : i32
      %dma_start3A_2021 = arith.constant 0 : i32
      %dma_start3A_2022 = arith.constant 0 : i32
      %dma_start3A_2023 = arith.constant 0 : i32
      %dma_start3A_2024 = tpu.memref_slice %arg8[%dma_start3A_2020, %dma_start3A_2022, %dma_start3A_2023] : memref<3x80x128xf32, #tpu.memory_space<vmem>> -> memref<1x80x128xf32, #tpu.memory_space<vmem>>
      %dma_start3A_2025 = tpu.memref_squeeze %dma_start3A_2024 : memref<1x80x128xf32, #tpu.memory_space<vmem>> -> memref<80x128xf32, #tpu.memory_space<vmem>>
      %dma_start3A_2026 = arith.constant 0 : i32
      %dma_start3A_2027 = arith.constant 0 : i32
      %dma_start3A_2028 = tpu.memref_slice %dma_start3A_2025[%dma_start3A_2026, %dma_start3A_2027] : memref<80x128xf32, #tpu.memory_space<vmem>> -> memref<16x128xf32, #tpu.memory_space<vmem>>
      %dma_start3A_2029 = arith.constant 0 : i32
      %dma_start3A_2030 = arith.constant 0 : i32
      %dma_start3A_2031 = tpu.memref_slice %arg5[%dma_start3A_2029, %dma_start3A_2030] : memref<10000x128xf32, #tpu.memory_space<vmem_shared>> -> memref<10000x128xf32, #tpu.memory_space<vmem_shared>>
      %dma_start3A_2032 = tpu.memref_slice %arg10[%dma_start3A_2021] : memref<3x!tpu.dma_semaphore, #tpu.memory_space<semaphore_mem>> -> memref<1x!tpu.dma_semaphore, #tpu.memory_space<semaphore_mem>>
      %dma_start3A_2033 = tpu.memref_squeeze %dma_start3A_2032 : memref<1x!tpu.dma_semaphore, #tpu.memory_space<semaphore_mem>> -> memref<!tpu.dma_semaphore, #tpu.memory_space<semaphore_mem>>
      tpu.enqueue_indirect_dma source(%dma_start3A_2028 : memref<16x128xf32, #tpu.memory_space<vmem>>) target(%dma_start3A_2031 : memref<10000x128xf32, #tpu.memory_space<vmem_shared>>) offsets(%get3A_2019 : vector<16xi32>) semaphore(%dma_start3A_2033 : memref<!tpu.dma_semaphore, #tpu.memory_space<semaphore_mem>>) {add = true}
      %mul3A_2034 = arith.constant 80 : i32
      %mul3A_2035 = arith.muli %sub3A_1974, %mul3A_2034 : i32
      %add3A_2036 = arith.constant 16 : i32
      %add3A_2037 = arith.addi %mul3A_2035, %add3A_2036 : i32
      %get3A_2038 = arith.index_cast %add3A_2037 : i32 to index
      %get3A_2039 = tpu.vector_load %arg7[%get3A_2038] {strides = array<i32>} : memref<10000xi32, #tpu.memory_space<vmem>>, vector<16xi32>,
      %get3A_2040 = vector.shape_cast %get3A_2039 : vector<16xi32> to vector<16xi32>
      %dma_start3A_2041 = arith.constant 0 : i32
      %dma_start3A_2042 = arith.constant 0 : i32
      %dma_start3A_2043 = arith.constant 0 : i32
      %dma_start3A_2044 = arith.constant 0 : i32
      %dma_start3A_2045 = tpu.memref_slice %arg8[%dma_start3A_2041, %dma_start3A_2043, %dma_start3A_2044] : memref<3x80x128xf32, #tpu.memory_space<vmem>> -> memref<1x80x128xf32, #tpu.memory_space<vmem>>
      %dma_start3A_2046 = tpu.memref_squeeze %dma_start3A_2045 : memref<1x80x128xf32, #tpu.memory_space<vmem>> -> memref<80x128xf32, #tpu.memory_space<vmem>>
      %dma_start3A_2047 = arith.constant 16 : i32
      %dma_start3A_2048 = arith.constant 0 : i32
      %dma_start3A_2049 = tpu.memref_slice %dma_start3A_2046[%dma_start3A_2047, %dma_start3A_2048] : memref<80x128xf32, #tpu.memory_space<vmem>> -> memref<16x128xf32, #tpu.memory_space<vmem>>
      %dma_start3A_2050 = arith.constant 0 : i32
      %dma_start3A_2051 = arith.constant 0 : i32
      %dma_start3A_2052 = tpu.memref_slice %arg5[%dma_start3A_2050, %dma_start3A_2051] : memref<10000x128xf32, #tpu.memory_space<vmem_shared>> -> memref<10000x128xf32, #tpu.memory_space<vmem_shared>>
      %dma_start3A_2053 = tpu.memref_slice %arg10[%dma_start3A_2042] : memref<3x!tpu.dma_semaphore, #tpu.memory_space<semaphore_mem>> -> memref<1x!tpu.dma_semaphore, #tpu.memory_space<semaphore_mem>>
      %dma_start3A_2054 = tpu.memref_squeeze %dma_start3A_2053 : memref<1x!tpu.dma_semaphore, #tpu.memory_space<semaphore_mem>> -> memref<!tpu.dma_semaphore, #tpu.memory_space<semaphore_mem>>
      tpu.enqueue_indirect_dma source(%dma_start3A_2049 : memref<16x128xf32, #tpu.memory_space<vmem>>) target(%dma_start3A_2052 : memref<10000x128xf32, #tpu.memory_space<vmem_shared>>) offsets(%get3A_2040 : vector<16xi32>) semaphore(%dma_start3A_2054 : memref<!tpu.dma_semaphore, #tpu.memory_space<semaphore_mem>>) {add = true}
      %mul3A_2055 = arith.constant 80 : i32
      %mul3A_2056 = arith.muli %sub3A_1974, %mul3A_2055 : i32
      %add3A_2057 = arith.constant 32 : i32
      %add3A_2058 = arith.addi %mul3A_2056, %add3A_2057 : i32
      %get3A_2059 = arith.index_cast %add3A_2058 : i32 to index
      %get3A_2060 = tpu.vector_load %arg7[%get3A_2059] {strides = array<i32>} : memref<10000xi32, #tpu.memory_space<vmem>>, vector<16xi32>,
      %get3A_2061 = vector.shape_cast %get3A_2060 : vector<16xi32> to vector<16xi32>
      %dma_start3A_2062 = arith.constant 0 : i32
      %dma_start3A_2063 = arith.constant 0 : i32
      %dma_start3A_2064 = arith.constant 0 : i32
      %dma_start3A_2065 = arith.constant 0 : i32
      %dma_start3A_2066 = tpu.memref_slice %arg8[%dma_start3A_2062, %dma_start3A_2064, %dma_start3A_2065] : memref<3x80x128xf32, #tpu.memory_space<vmem>> -> memref<1x80x128xf32, #tpu.memory_space<vmem>>
      %dma_start3A_2067 = tpu.memref_squeeze %dma_start3A_2066 : memref<1x80x128xf32, #tpu.memory_space<vmem>> -> memref<80x128xf32, #tpu.memory_space<vmem>>
      %dma_start3A_2068 = arith.constant 32 : i32
      %dma_start3A_2069 = arith.constant 0 : i32
      %dma_start3A_2070 = tpu.memref_slice %dma_start3A_2067[%dma_start3A_2068, %dma_start3A_2069] : memref<80x128xf32, #tpu.memory_space<vmem>> -> memref<16x128xf32, #tpu.memory_space<vmem>>
      %dma_start3A_2071 = arith.constant 0 : i32
      %dma_start3A_2072 = arith.constant 0 : i32
      %dma_start3A_2073 = tpu.memref_slice %arg5[%dma_start3A_2071, %dma_start3A_2072] : memref<10000x128xf32, #tpu.memory_space<vmem_shared>> -> memref<10000x128xf32, #tpu.memory_space<vmem_shared>>
      %dma_start3A_2074 = tpu.memref_slice %arg10[%dma_start3A_2063] : memref<3x!tpu.dma_semaphore, #tpu.memory_space<semaphore_mem>> -> memref<1x!tpu.dma_semaphore, #tpu.memory_space<semaphore_mem>>
      %dma_start3A_2075 = tpu.memref_squeeze %dma_start3A_2074 : memref<1x!tpu.dma_semaphore, #tpu.memory_space<semaphore_mem>> -> memref<!tpu.dma_semaphore, #tpu.memory_space<semaphore_mem>>
      tpu.enqueue_indirect_dma source(%dma_start3A_2070 : memref<16x128xf32, #tpu.memory_space<vmem>>) target(%dma_start3A_2073 : memref<10000x128xf32, #tpu.memory_space<vmem_shared>>) offsets(%get3A_2061 : vector<16xi32>) semaphore(%dma_start3A_2075 : memref<!tpu.dma_semaphore, #tpu.memory_space<semaphore_mem>>) {add = true}
      %mul3A_2076 = arith.constant 80 : i32
      %mul3A_2077 = arith.muli %sub3A_1974, %mul3A_2076 : i32
      %add3A_2078 = arith.constant 48 : i32
      %add3A_2079 = arith.addi %mul3A_2077, %add3A_2078 : i32
      %get3A_2080 = arith.index_cast %add3A_2079 : i32 to index
      %get3A_2081 = tpu.vector_load %arg7[%get3A_2080] {strides = array<i32>} : memref<10000xi32, #tpu.memory_space<vmem>>, vector<16xi32>,
      %get3A_2082 = vector.shape_cast %get3A_2081 : vector<16xi32> to vector<16xi32>
      %dma_start3A_2083 = arith.constant 0 : i32
      %dma_start3A_2084 = arith.constant 0 : i32
      %dma_start3A_2085 = arith.constant 0 : i32
      %dma_start3A_2086 = arith.constant 0 : i32
      %dma_start3A_2087 = tpu.memref_slice %arg8[%dma_start3A_2083, %dma_start3A_2085, %dma_start3A_2086] : memref<3x80x128xf32, #tpu.memory_space<vmem>> -> memref<1x80x128xf32, #tpu.memory_space<vmem>>
      %dma_start3A_2088 = tpu.memref_squeeze %dma_start3A_2087 : memref<1x80x128xf32, #tpu.memory_space<vmem>> -> memref<80x128xf32, #tpu.memory_space<vmem>>
      %dma_start3A_2089 = arith.constant 48 : i32
      %dma_start3A_2090 = arith.constant 0 : i32
      %dma_start3A_2091 = tpu.memref_slice %dma_start3A_2088[%dma_start3A_2089, %dma_start3A_2090] : memref<80x128xf32, #tpu.memory_space<vmem>> -> memref<16x128xf32, #tpu.memory_space<vmem>>
      %dma_start3A_2092 = arith.constant 0 : i32
      %dma_start3A_2093 = arith.constant 0 : i32
      %dma_start3A_2094 = tpu.memref_slice %arg5[%dma_start3A_2092, %dma_start3A_2093] : memref<10000x128xf32, #tpu.memory_space<vmem_shared>> -> memref<10000x128xf32, #tpu.memory_space<vmem_shared>>
      %dma_start3A_2095 = tpu.memref_slice %arg10[%dma_start3A_2084] : memref<3x!tpu.dma_semaphore, #tpu.memory_space<semaphore_mem>> -> memref<1x!tpu.dma_semaphore, #tpu.memory_space<semaphore_mem>>
      %dma_start3A_2096 = tpu.memref_squeeze %dma_start3A_2095 : memref<1x!tpu.dma_semaphore, #tpu.memory_space<semaphore_mem>> -> memref<!tpu.dma_semaphore, #tpu.memory_space<semaphore_mem>>
      tpu.enqueue_indirect_dma source(%dma_start3A_2091 : memref<16x128xf32, #tpu.memory_space<vmem>>) target(%dma_start3A_2094 : memref<10000x128xf32, #tpu.memory_space<vmem_shared>>) offsets(%get3A_2082 : vector<16xi32>) semaphore(%dma_start3A_2096 : memref<!tpu.dma_semaphore, #tpu.memory_space<semaphore_mem>>) {add = true}
      %mul3A_2097 = arith.constant 80 : i32
      %mul3A_2098 = arith.muli %sub3A_1974, %mul3A_2097 : i32
      %add3A_2099 = arith.constant 64 : i32
      %add3A_2100 = arith.addi %mul3A_2098, %add3A_2099 : i32
      %get3A_2101 = arith.index_cast %add3A_2100 : i32 to index
      %get3A_2102 = tpu.vector_load %arg7[%get3A_2101] {strides = array<i32>} : memref<10000xi32, #tpu.memory_space<vmem>>, vector<16xi32>,
      %get3A_2103 = vector.shape_cast %get3A_2102 : vector<16xi32> to vector<16xi32>
      %dma_start3A_2104 = arith.constant 0 : i32
      %dma_start3A_2105 = arith.constant 0 : i32
      %dma_start3A_2106 = arith.constant 0 : i32
      %dma_start3A_2107 = arith.constant 0 : i32
      %dma_start3A_2108 = tpu.memref_slice %arg8[%dma_start3A_2104, %dma_start3A_2106, %dma_start3A_2107] : memref<3x80x128xf32, #tpu.memory_space<vmem>> -> memref<1x80x128xf32, #tpu.memory_space<vmem>>
      %dma_start3A_2109 = tpu.memref_squeeze %dma_start3A_2108 : memref<1x80x128xf32, #tpu.memory_space<vmem>> -> memref<80x128xf32, #tpu.memory_space<vmem>>
      %dma_start3A_2110 = arith.constant 64 : i32
      %dma_start3A_2111 = arith.constant 0 : i32
      %dma_start3A_2112 = tpu.memref_slice %dma_start3A_2109[%dma_start3A_2110, %dma_start3A_2111] : memref<80x128xf32, #tpu.memory_space<vmem>> -> memref<16x128xf32, #tpu.memory_space<vmem>>
      %dma_start3A_2113 = arith.constant 0 : i32
      %dma_start3A_2114 = arith.constant 0 : i32
      %dma_start3A_2115 = tpu.memref_slice %arg5[%dma_start3A_2113, %dma_start3A_2114] : memref<10000x128xf32, #tpu.memory_space<vmem_shared>> -> memref<10000x128xf32, #tpu.memory_space<vmem_shared>>
      %dma_start3A_2116 = tpu.memref_slice %arg10[%dma_start3A_2105] : memref<3x!tpu.dma_semaphore, #tpu.memory_space<semaphore_mem>> -> memref<1x!tpu.dma_semaphore, #tpu.memory_space<semaphore_mem>>
      %dma_start3A_2117 = tpu.memref_squeeze %dma_start3A_2116 : memref<1x!tpu.dma_semaphore, #tpu.memory_space<semaphore_mem>> -> memref<!tpu.dma_semaphore, #tpu.memory_space<semaphore_mem>>
      tpu.enqueue_indirect_dma source(%dma_start3A_2112 : memref<16x128xf32, #tpu.memory_space<vmem>>) target(%dma_start3A_2115 : memref<10000x128xf32, #tpu.memory_space<vmem_shared>>) offsets(%get3A_2103 : vector<16xi32>) semaphore(%dma_start3A_2117 : memref<!tpu.dma_semaphore, #tpu.memory_space<semaphore_mem>>) {add = true}
    }
    %scan3A_267 = arith.constant 40 : i32
    %get3A_268 = arith.constant 9600 : index
    %get3A_269 = tpu.vector_load %arg7[%get3A_268] {strides = array<i32>} : memref<10000xi32, #tpu.memory_space<vmem>>, vector<16xi32>,
    %get3A_270 = vector.shape_cast %get3A_269 : vector<16xi32> to vector<16xi32>
    %dma_wait3A_271 = arith.constant 0 : i32
    %dma_wait3A_272 = arith.constant 0 : i32
    %dma_wait3A_273 = arith.constant 0 : i32
    %dma_wait3A_274 = arith.constant 0 : i32
    %dma_wait3A_275 = tpu.memref_slice %arg8[%dma_wait3A_271, %dma_wait3A_273, %dma_wait3A_274] : memref<3x80x128xf32, #tpu.memory_space<vmem>> -> memref<1x80x128xf32, #tpu.memory_space<vmem>>
    %dma_wait3A_276 = tpu.memref_squeeze %dma_wait3A_275 : memref<1x80x128xf32, #tpu.memory_space<vmem>> -> memref<80x128xf32, #tpu.memory_space<vmem>>
    %dma_wait3A_277 = arith.constant 0 : i32
    %dma_wait3A_278 = arith.constant 0 : i32
    %dma_wait3A_279 = tpu.memref_slice %dma_wait3A_276[%dma_wait3A_277, %dma_wait3A_278] : memref<80x128xf32, #tpu.memory_space<vmem>> -> memref<16x128xf32, #tpu.memory_space<vmem>>
    %dma_wait3A_280 = arith.constant 0 : i32
    %dma_wait3A_281 = arith.constant 0 : i32
    %dma_wait3A_282 = tpu.memref_slice %arg5[%dma_wait3A_280, %dma_wait3A_281] : memref<10000x128xf32, #tpu.memory_space<vmem_shared>> -> memref<10000x128xf32, #tpu.memory_space<vmem_shared>>
    %dma_wait3A_283 = tpu.memref_slice %arg10[%dma_wait3A_272] : memref<3x!tpu.dma_semaphore, #tpu.memory_space<semaphore_mem>> -> memref<1x!tpu.dma_semaphore, #tpu.memory_space<semaphore_mem>>
    %dma_wait3A_284 = tpu.memref_squeeze %dma_wait3A_283 : memref<1x!tpu.dma_semaphore, #tpu.memory_space<semaphore_mem>> -> memref<!tpu.dma_semaphore, #tpu.memory_space<semaphore_mem>>
    tpu.wait_indirect_dma semaphore(%dma_wait3A_284 : memref<!tpu.dma_semaphore, #tpu.memory_space<semaphore_mem>>) src(%dma_wait3A_279 : memref<16x128xf32, #tpu.memory_space<vmem>>) dst(%dma_wait3A_282 : memref<10000x128xf32, #tpu.memory_space<vmem_shared>>)
    %get3A_285 = arith.constant 9616 : index
    %get3A_286 = tpu.vector_load %arg7[%get3A_285] {strides = array<i32>} : memref<10000xi32, #tpu.memory_space<vmem>>, vector<16xi32>,
    %get3A_287 = vector.shape_cast %get3A_286 : vector<16xi32> to vector<16xi32>
    %dma_wait3A_288 = arith.constant 0 : i32
    %dma_wait3A_289 = arith.constant 0 : i32
    %dma_wait3A_290 = arith.constant 0 : i32
    %dma_wait3A_291 = arith.constant 0 : i32
    %dma_wait3A_292 = tpu.memref_slice %arg8[%dma_wait3A_288, %dma_wait3A_290, %dma_wait3A_291] : memref<3x80x128xf32, #tpu.memory_space<vmem>> -> memref<1x80x128xf32, #tpu.memory_space<vmem>>
    %dma_wait3A_293 = tpu.memref_squeeze %dma_wait3A_292 : memref<1x80x128xf32, #tpu.memory_space<vmem>> -> memref<80x128xf32, #tpu.memory_space<vmem>>
    %dma_wait3A_294 = arith.constant 16 : i32
    %dma_wait3A_295 = arith.constant 0 : i32
    %dma_wait3A_296 = tpu.memref_slice %dma_wait3A_293[%dma_wait3A_294, %dma_wait3A_295] : memref<80x128xf32, #tpu.memory_space<vmem>> -> memref<16x128xf32, #tpu.memory_space<vmem>>
    %dma_wait3A_297 = arith.constant 0 : i32
    %dma_wait3A_298 = arith.constant 0 : i32
    %dma_wait3A_299 = tpu.memref_slice %arg5[%dma_wait3A_297, %dma_wait3A_298] : memref<10000x128xf32, #tpu.memory_space<vmem_shared>> -> memref<10000x128xf32, #tpu.memory_space<vmem_shared>>
    %dma_wait3A_300 = tpu.memref_slice %arg10[%dma_wait3A_289] : memref<3x!tpu.dma_semaphore, #tpu.memory_space<semaphore_mem>> -> memref<1x!tpu.dma_semaphore, #tpu.memory_space<semaphore_mem>>
    %dma_wait3A_301 = tpu.memref_squeeze %dma_wait3A_300 : memref<1x!tpu.dma_semaphore, #tpu.memory_space<semaphore_mem>> -> memref<!tpu.dma_semaphore, #tpu.memory_space<semaphore_mem>>
    tpu.wait_indirect_dma semaphore(%dma_wait3A_301 : memref<!tpu.dma_semaphore, #tpu.memory_space<semaphore_mem>>) src(%dma_wait3A_296 : memref<16x128xf32, #tpu.memory_space<vmem>>) dst(%dma_wait3A_299 : memref<10000x128xf32, #tpu.memory_space<vmem_shared>>)
    %get3A_302 = arith.constant 9632 : index
    %get3A_303 = tpu.vector_load %arg7[%get3A_302] {strides = array<i32>} : memref<10000xi32, #tpu.memory_space<vmem>>, vector<16xi32>,
    %get3A_304 = vector.shape_cast %get3A_303 : vector<16xi32> to vector<16xi32>
    %dma_wait3A_305 = arith.constant 0 : i32
    %dma_wait3A_306 = arith.constant 0 : i32
    %dma_wait3A_307 = arith.constant 0 : i32
    %dma_wait3A_308 = arith.constant 0 : i32
    %dma_wait3A_309 = tpu.memref_slice %arg8[%dma_wait3A_305, %dma_wait3A_307, %dma_wait3A_308] : memref<3x80x128xf32, #tpu.memory_space<vmem>> -> memref<1x80x128xf32, #tpu.memory_space<vmem>>
    %dma_wait3A_310 = tpu.memref_squeeze %dma_wait3A_309 : memref<1x80x128xf32, #tpu.memory_space<vmem>> -> memref<80x128xf32, #tpu.memory_space<vmem>>
    %dma_wait3A_311 = arith.constant 32 : i32
    %dma_wait3A_312 = arith.constant 0 : i32
    %dma_wait3A_313 = tpu.memref_slice %dma_wait3A_310[%dma_wait3A_311, %dma_wait3A_312] : memref<80x128xf32, #tpu.memory_space<vmem>> -> memref<16x128xf32, #tpu.memory_space<vmem>>
    %dma_wait3A_314 = arith.constant 0 : i32
    %dma_wait3A_315 = arith.constant 0 : i32
    %dma_wait3A_316 = tpu.memref_slice %arg5[%dma_wait3A_314, %dma_wait3A_315] : memref<10000x128xf32, #tpu.memory_space<vmem_shared>> -> memref<10000x128xf32, #tpu.memory_space<vmem_shared>>
    %dma_wait3A_317 = tpu.memref_slice %arg10[%dma_wait3A_306] : memref<3x!tpu.dma_semaphore, #tpu.memory_space<semaphore_mem>> -> memref<1x!tpu.dma_semaphore, #tpu.memory_space<semaphore_mem>>
    %dma_wait3A_318 = tpu.memref_squeeze %dma_wait3A_317 : memref<1x!tpu.dma_semaphore, #tpu.memory_space<semaphore_mem>> -> memref<!tpu.dma_semaphore, #tpu.memory_space<semaphore_mem>>
    tpu.wait_indirect_dma semaphore(%dma_wait3A_318 : memref<!tpu.dma_semaphore, #tpu.memory_space<semaphore_mem>>) src(%dma_wait3A_313 : memref<16x128xf32, #tpu.memory_space<vmem>>) dst(%dma_wait3A_316 : memref<10000x128xf32, #tpu.memory_space<vmem_shared>>)
    %get3A_319 = arith.constant 9648 : index
    %get3A_320 = tpu.vector_load %arg7[%get3A_319] {strides = array<i32>} : memref<10000xi32, #tpu.memory_space<vmem>>, vector<16xi32>,
    %get3A_321 = vector.shape_cast %get3A_320 : vector<16xi32> to vector<16xi32>
    %dma_wait3A_322 = arith.constant 0 : i32
    %dma_wait3A_323 = arith.constant 0 : i32
    %dma_wait3A_324 = arith.constant 0 : i32
    %dma_wait3A_325 = arith.constant 0 : i32
    %dma_wait3A_326 = tpu.memref_slice %arg8[%dma_wait3A_322, %dma_wait3A_324, %dma_wait3A_325] : memref<3x80x128xf32, #tpu.memory_space<vmem>> -> memref<1x80x128xf32, #tpu.memory_space<vmem>>
    %dma_wait3A_327 = tpu.memref_squeeze %dma_wait3A_326 : memref<1x80x128xf32, #tpu.memory_space<vmem>> -> memref<80x128xf32, #tpu.memory_space<vmem>>
    %dma_wait3A_328 = arith.constant 48 : i32
    %dma_wait3A_329 = arith.constant 0 : i32
    %dma_wait3A_330 = tpu.memref_slice %dma_wait3A_327[%dma_wait3A_328, %dma_wait3A_329] : memref<80x128xf32, #tpu.memory_space<vmem>> -> memref<16x128xf32, #tpu.memory_space<vmem>>
    %dma_wait3A_331 = arith.constant 0 : i32
    %dma_wait3A_332 = arith.constant 0 : i32
    %dma_wait3A_333 = tpu.memref_slice %arg5[%dma_wait3A_331, %dma_wait3A_332] : memref<10000x128xf32, #tpu.memory_space<vmem_shared>> -> memref<10000x128xf32, #tpu.memory_space<vmem_shared>>
    %dma_wait3A_334 = tpu.memref_slice %arg10[%dma_wait3A_323] : memref<3x!tpu.dma_semaphore, #tpu.memory_space<semaphore_mem>> -> memref<1x!tpu.dma_semaphore, #tpu.memory_space<semaphore_mem>>
    %dma_wait3A_335 = tpu.memref_squeeze %dma_wait3A_334 : memref<1x!tpu.dma_semaphore, #tpu.memory_space<semaphore_mem>> -> memref<!tpu.dma_semaphore, #tpu.memory_space<semaphore_mem>>
    tpu.wait_indirect_dma semaphore(%dma_wait3A_335 : memref<!tpu.dma_semaphore, #tpu.memory_space<semaphore_mem>>) src(%dma_wait3A_330 : memref<16x128xf32, #tpu.memory_space<vmem>>) dst(%dma_wait3A_333 : memref<10000x128xf32, #tpu.memory_space<vmem_shared>>)
    %get3A_336 = arith.constant 9664 : index
    %get3A_337 = tpu.vector_load %arg7[%get3A_336] {strides = array<i32>} : memref<10000xi32, #tpu.memory_space<vmem>>, vector<16xi32>,
    %get3A_338 = vector.shape_cast %get3A_337 : vector<16xi32> to vector<16xi32>
    %dma_wait3A_339 = arith.constant 0 : i32
    %dma_wait3A_340 = arith.constant 0 : i32
    %dma_wait3A_341 = arith.constant 0 : i32
    %dma_wait3A_342 = arith.constant 0 : i32
    %dma_wait3A_343 = tpu.memref_slice %arg8[%dma_wait3A_339, %dma_wait3A_341, %dma_wait3A_342] : memref<3x80x128xf32, #tpu.memory_space<vmem>> -> memref<1x80x128xf32, #tpu.memory_space<vmem>>
    %dma_wait3A_344 = tpu.memref_squeeze %dma_wait3A_343 : memref<1x80x128xf32, #tpu.memory_space<vmem>> -> memref<80x128xf32, #tpu.memory_space<vmem>>
    %dma_wait3A_345 = arith.constant 64 : i32
    %dma_wait3A_346 = arith.constant 0 : i32
    %dma_wait3A_347 = tpu.memref_slice %dma_wait3A_344[%dma_wait3A_345, %dma_wait3A_346] : memref<80x128xf32, #tpu.memory_space<vmem>> -> memref<16x128xf32, #tpu.memory_space<vmem>>
    %dma_wait3A_348 = arith.constant 0 : i32
    %dma_wait3A_349 = arith.constant 0 : i32
    %dma_wait3A_350 = tpu.memref_slice %arg5[%dma_wait3A_348, %dma_wait3A_349] : memref<10000x128xf32, #tpu.memory_space<vmem_shared>> -> memref<10000x128xf32, #tpu.memory_space<vmem_shared>>
    %dma_wait3A_351 = tpu.memref_slice %arg10[%dma_wait3A_340] : memref<3x!tpu.dma_semaphore, #tpu.memory_space<semaphore_mem>> -> memref<1x!tpu.dma_semaphore, #tpu.memory_space<semaphore_mem>>
    %dma_wait3A_352 = tpu.memref_squeeze %dma_wait3A_351 : memref<1x!tpu.dma_semaphore, #tpu.memory_space<semaphore_mem>> -> memref<!tpu.dma_semaphore, #tpu.memory_space<semaphore_mem>>
    tpu.wait_indirect_dma semaphore(%dma_wait3A_352 : memref<!tpu.dma_semaphore, #tpu.memory_space<semaphore_mem>>) src(%dma_wait3A_347 : memref<16x128xf32, #tpu.memory_space<vmem>>) dst(%dma_wait3A_350 : memref<10000x128xf32, #tpu.memory_space<vmem_shared>>)
    %dma_start3A_353 = arith.constant 0 : i32
    %dma_start3A_354 = arith.constant 0 : i32
    %dma_start3A_355 = arith.constant 0 : i32
    %dma_start3A_356 = arith.constant 0 : i32
    %dma_start3A_357 = tpu.memref_slice %arg8[%dma_start3A_353, %dma_start3A_355, %dma_start3A_356] : memref<3x80x128xf32, #tpu.memory_space<vmem>> -> memref<1x80x128xf32, #tpu.memory_space<vmem>>
    %dma_start3A_358 = tpu.memref_squeeze %dma_start3A_357 : memref<1x80x128xf32, #tpu.memory_space<vmem>> -> memref<80x128xf32, #tpu.memory_space<vmem>>
    %dma_start3A_359 = arith.constant 0 : i32
    %dma_start3A_360 = arith.constant 0 : i32
    %dma_start3A_361 = tpu.memref_slice %dma_start3A_358[%dma_start3A_359, %dma_start3A_360] : memref<80x128xf32, #tpu.memory_space<vmem>> -> memref<40x128xf32, #tpu.memory_space<vmem>>
    %dma_start3A_362 = arith.constant 9840 : i32
    %dma_start3A_363 = tpu.memref_slice %arg6[%dma_start3A_362] : memref<10000xi32, #tpu.memory_space<vmem>> -> memref<40xi32, #tpu.memory_space<vmem>>
    %dma_start3A_364 = arith.constant 0 : i32
    %dma_start3A_365 = arith.constant 0 : i32
    %dma_start3A_366 = tpu.memref_slice %arg2[%dma_start3A_364, %dma_start3A_365] : memref<10000x128xf32, #tpu.memory_space<hbm>> -> memref<10000x128xf32, #tpu.memory_space<hbm>>
    %dma_start3A_367 = tpu.memref_slice %arg9[%dma_start3A_354] : memref<3x!tpu.dma_semaphore, #tpu.memory_space<semaphore_mem>> -> memref<1x!tpu.dma_semaphore, #tpu.memory_space<semaphore_mem>>
    %dma_start3A_368 = tpu.memref_squeeze %dma_start3A_367 : memref<1x!tpu.dma_semaphore, #tpu.memory_space<semaphore_mem>> -> memref<!tpu.dma_semaphore, #tpu.memory_space<semaphore_mem>>
    tpu.enqueue_indirect_dma source(%dma_start3A_366 : memref<10000x128xf32, #tpu.memory_space<hbm>>) target(%dma_start3A_361 : memref<40x128xf32, #tpu.memory_space<vmem>>) offsets(%dma_start3A_363 : memref<40xi32, #tpu.memory_space<vmem>>) semaphore(%dma_start3A_368 : memref<!tpu.dma_semaphore, #tpu.memory_space<semaphore_mem>>)
    %dma_start3A_369 = arith.constant 0 : i32
    %dma_start3A_370 = arith.constant 0 : i32
    %dma_start3A_371 = arith.constant 0 : i32
    %dma_start3A_372 = arith.constant 0 : i32
    %dma_start3A_373 = tpu.memref_slice %arg8[%dma_start3A_369, %dma_start3A_371, %dma_start3A_372] : memref<3x80x128xf32, #tpu.memory_space<vmem>> -> memref<1x80x128xf32, #tpu.memory_space<vmem>>
    %dma_start3A_374 = tpu.memref_squeeze %dma_start3A_373 : memref<1x80x128xf32, #tpu.memory_space<vmem>> -> memref<80x128xf32, #tpu.memory_space<vmem>>
    %dma_start3A_375 = arith.constant 40 : i32
    %dma_start3A_376 = arith.constant 0 : i32
    %dma_start3A_377 = tpu.memref_slice %dma_start3A_374[%dma_start3A_375, %dma_start3A_376] : memref<80x128xf32, #tpu.memory_space<vmem>> -> memref<40x128xf32, #tpu.memory_space<vmem>>
    %dma_start3A_378 = arith.constant 9880 : i32
    %dma_start3A_379 = tpu.memref_slice %arg6[%dma_start3A_378] : memref<10000xi32, #tpu.memory_space<vmem>> -> memref<40xi32, #tpu.memory_space<vmem>>
    %dma_start3A_380 = arith.constant 0 : i32
    %dma_start3A_381 = arith.constant 0 : i32
    %dma_start3A_382 = tpu.memref_slice %arg2[%dma_start3A_380, %dma_start3A_381] : memref<10000x128xf32, #tpu.memory_space<hbm>> -> memref<10000x128xf32, #tpu.memory_space<hbm>>
    %dma_start3A_383 = tpu.memref_slice %arg9[%dma_start3A_370] : memref<3x!tpu.dma_semaphore, #tpu.memory_space<semaphore_mem>> -> memref<1x!tpu.dma_semaphore, #tpu.memory_space<semaphore_mem>>
    %dma_start3A_384 = tpu.memref_squeeze %dma_start3A_383 : memref<1x!tpu.dma_semaphore, #tpu.memory_space<semaphore_mem>> -> memref<!tpu.dma_semaphore, #tpu.memory_space<semaphore_mem>>
    tpu.enqueue_indirect_dma source(%dma_start3A_382 : memref<10000x128xf32, #tpu.memory_space<hbm>>) target(%dma_start3A_377 : memref<40x128xf32, #tpu.memory_space<vmem>>) offsets(%dma_start3A_379 : memref<40xi32, #tpu.memory_space<vmem>>) semaphore(%dma_start3A_384 : memref<!tpu.dma_semaphore, #tpu.memory_space<semaphore_mem>>)
    %dma_wait3A_385 = arith.constant 1 : i32
    %dma_wait3A_386 = arith.constant 1 : i32
    %dma_wait3A_387 = arith.constant 0 : i32
    %dma_wait3A_388 = arith.constant 0 : i32
    %dma_wait3A_389 = tpu.memref_slice %arg8[%dma_wait3A_385, %dma_wait3A_387, %dma_wait3A_388] : memref<3x80x128xf32, #tpu.memory_space<vmem>> -> memref<1x80x128xf32, #tpu.memory_space<vmem>>
    %dma_wait3A_390 = tpu.memref_squeeze %dma_wait3A_389 : memref<1x80x128xf32, #tpu.memory_space<vmem>> -> memref<80x128xf32, #tpu.memory_space<vmem>>
    %dma_wait3A_391 = arith.constant 0 : i32
    %dma_wait3A_392 = arith.constant 0 : i32
    %dma_wait3A_393 = tpu.memref_slice %dma_wait3A_390[%dma_wait3A_391, %dma_wait3A_392] : memref<80x128xf32, #tpu.memory_space<vmem>> -> memref<40x128xf32, #tpu.memory_space<vmem>>
    %dma_wait3A_394 = arith.constant 9680 : i32
    %dma_wait3A_395 = tpu.memref_slice %arg6[%dma_wait3A_394] : memref<10000xi32, #tpu.memory_space<vmem>> -> memref<40xi32, #tpu.memory_space<vmem>>
    %dma_wait3A_396 = arith.constant 0 : i32
    %dma_wait3A_397 = arith.constant 0 : i32
    %dma_wait3A_398 = tpu.memref_slice %arg2[%dma_wait3A_396, %dma_wait3A_397] : memref<10000x128xf32, #tpu.memory_space<hbm>> -> memref<10000x128xf32, #tpu.memory_space<hbm>>
    %dma_wait3A_399 = tpu.memref_slice %arg9[%dma_wait3A_386] : memref<3x!tpu.dma_semaphore, #tpu.memory_space<semaphore_mem>> -> memref<1x!tpu.dma_semaphore, #tpu.memory_space<semaphore_mem>>
    %dma_wait3A_400 = tpu.memref_squeeze %dma_wait3A_399 : memref<1x!tpu.dma_semaphore, #tpu.memory_space<semaphore_mem>> -> memref<!tpu.dma_semaphore, #tpu.memory_space<semaphore_mem>>
    tpu.wait_indirect_dma semaphore(%dma_wait3A_400 : memref<!tpu.dma_semaphore, #tpu.memory_space<semaphore_mem>>) src(%dma_wait3A_398 : memref<10000x128xf32, #tpu.memory_space<hbm>>) dst(%dma_wait3A_393 : memref<40x128xf32, #tpu.memory_space<vmem>>)
    %dma_wait3A_401 = arith.constant 1 : i32
    %dma_wait3A_402 = arith.constant 1 : i32
    %dma_wait3A_403 = arith.constant 0 : i32
    %dma_wait3A_404 = arith.constant 0 : i32
    %dma_wait3A_405 = tpu.memref_slice %arg8[%dma_wait3A_401, %dma_wait3A_403, %dma_wait3A_404] : memref<3x80x128xf32, #tpu.memory_space<vmem>> -> memref<1x80x128xf32, #tpu.memory_space<vmem>>
    %dma_wait3A_406 = tpu.memref_squeeze %dma_wait3A_405 : memref<1x80x128xf32, #tpu.memory_space<vmem>> -> memref<80x128xf32, #tpu.memory_space<vmem>>
    %dma_wait3A_407 = arith.constant 40 : i32
    %dma_wait3A_408 = arith.constant 0 : i32
    %dma_wait3A_409 = tpu.memref_slice %dma_wait3A_406[%dma_wait3A_407, %dma_wait3A_408] : memref<80x128xf32, #tpu.memory_space<vmem>> -> memref<40x128xf32, #tpu.memory_space<vmem>>
    %dma_wait3A_410 = arith.constant 9720 : i32
    %dma_wait3A_411 = tpu.memref_slice %arg6[%dma_wait3A_410] : memref<10000xi32, #tpu.memory_space<vmem>> -> memref<40xi32, #tpu.memory_space<vmem>>
    %dma_wait3A_412 = arith.constant 0 : i32
    %dma_wait3A_413 = arith.constant 0 : i32
    %dma_wait3A_414 = tpu.memref_slice %arg2[%dma_wait3A_412, %dma_wait3A_413] : memref<10000x128xf32, #tpu.memory_space<hbm>> -> memref<10000x128xf32, #tpu.memory_space<hbm>>
    %dma_wait3A_415 = tpu.memref_slice %arg9[%dma_wait3A_402] : memref<3x!tpu.dma_semaphore, #tpu.memory_space<semaphore_mem>> -> memref<1x!tpu.dma_semaphore, #tpu.memory_space<semaphore_mem>>
    %dma_wait3A_416 = tpu.memref_squeeze %dma_wait3A_415 : memref<1x!tpu.dma_semaphore, #tpu.memory_space<semaphore_mem>> -> memref<!tpu.dma_semaphore, #tpu.memory_space<semaphore_mem>>
    tpu.wait_indirect_dma semaphore(%dma_wait3A_416 : memref<!tpu.dma_semaphore, #tpu.memory_space<semaphore_mem>>) src(%dma_wait3A_414 : memref<10000x128xf32, #tpu.memory_space<hbm>>) dst(%dma_wait3A_409 : memref<40x128xf32, #tpu.memory_space<vmem>>)
    %get3A_417 = arith.constant 9680 : index
    %get3A_418 = tpu.vector_load %arg7[%get3A_417] {strides = array<i32>} : memref<10000xi32, #tpu.memory_space<vmem>>, vector<16xi32>,
    %get3A_419 = vector.shape_cast %get3A_418 : vector<16xi32> to vector<16xi32>
    %dma_start3A_420 = arith.constant 1 : i32
    %dma_start3A_421 = arith.constant 1 : i32
    %dma_start3A_422 = arith.constant 0 : i32
    %dma_start3A_423 = arith.constant 0 : i32
    %dma_start3A_424 = tpu.memref_slice %arg8[%dma_start3A_420, %dma_start3A_422, %dma_start3A_423] : memref<3x80x128xf32, #tpu.memory_space<vmem>> -> memref<1x80x128xf32, #tpu.memory_space<vmem>>
    %dma_start3A_425 = tpu.memref_squeeze %dma_start3A_424 : memref<1x80x128xf32, #tpu.memory_space<vmem>> -> memref<80x128xf32, #tpu.memory_space<vmem>>
    %dma_start3A_426 = arith.constant 0 : i32
    %dma_start3A_427 = arith.constant 0 : i32
    %dma_start3A_428 = tpu.memref_slice %dma_start3A_425[%dma_start3A_426, %dma_start3A_427] : memref<80x128xf32, #tpu.memory_space<vmem>> -> memref<16x128xf32, #tpu.memory_space<vmem>>
    %dma_start3A_429 = arith.constant 0 : i32
    %dma_start3A_430 = arith.constant 0 : i32
    %dma_start3A_431 = tpu.memref_slice %arg5[%dma_start3A_429, %dma_start3A_430] : memref<10000x128xf32, #tpu.memory_space<vmem_shared>> -> memref<10000x128xf32, #tpu.memory_space<vmem_shared>>
    %dma_start3A_432 = tpu.memref_slice %arg10[%dma_start3A_421] : memref<3x!tpu.dma_semaphore, #tpu.memory_space<semaphore_mem>> -> memref<1x!tpu.dma_semaphore, #tpu.memory_space<semaphore_mem>>
    %dma_start3A_433 = tpu.memref_squeeze %dma_start3A_432 : memref<1x!tpu.dma_semaphore, #tpu.memory_space<semaphore_mem>> -> memref<!tpu.dma_semaphore, #tpu.memory_space<semaphore_mem>>
    tpu.enqueue_indirect_dma source(%dma_start3A_428 : memref<16x128xf32, #tpu.memory_space<vmem>>) target(%dma_start3A_431 : memref<10000x128xf32, #tpu.memory_space<vmem_shared>>) offsets(%get3A_419 : vector<16xi32>) semaphore(%dma_start3A_433 : memref<!tpu.dma_semaphore, #tpu.memory_space<semaphore_mem>>) {add = true}
    %get3A_434 = arith.constant 9696 : index
    %get3A_435 = tpu.vector_load %arg7[%get3A_434] {strides = array<i32>} : memref<10000xi32, #tpu.memory_space<vmem>>, vector<16xi32>,
    %get3A_436 = vector.shape_cast %get3A_435 : vector<16xi32> to vector<16xi32>
    %dma_start3A_437 = arith.constant 1 : i32
    %dma_start3A_438 = arith.constant 1 : i32
    %dma_start3A_439 = arith.constant 0 : i32
    %dma_start3A_440 = arith.constant 0 : i32
    %dma_start3A_441 = tpu.memref_slice %arg8[%dma_start3A_437, %dma_start3A_439, %dma_start3A_440] : memref<3x80x128xf32, #tpu.memory_space<vmem>> -> memref<1x80x128xf32, #tpu.memory_space<vmem>>
    %dma_start3A_442 = tpu.memref_squeeze %dma_start3A_441 : memref<1x80x128xf32, #tpu.memory_space<vmem>> -> memref<80x128xf32, #tpu.memory_space<vmem>>
    %dma_start3A_443 = arith.constant 16 : i32
    %dma_start3A_444 = arith.constant 0 : i32
    %dma_start3A_445 = tpu.memref_slice %dma_start3A_442[%dma_start3A_443, %dma_start3A_444] : memref<80x128xf32, #tpu.memory_space<vmem>> -> memref<16x128xf32, #tpu.memory_space<vmem>>
    %dma_start3A_446 = arith.constant 0 : i32
    %dma_start3A_447 = arith.constant 0 : i32
    %dma_start3A_448 = tpu.memref_slice %arg5[%dma_start3A_446, %dma_start3A_447] : memref<10000x128xf32, #tpu.memory_space<vmem_shared>> -> memref<10000x128xf32, #tpu.memory_space<vmem_shared>>
    %dma_start3A_449 = tpu.memref_slice %arg10[%dma_start3A_438] : memref<3x!tpu.dma_semaphore, #tpu.memory_space<semaphore_mem>> -> memref<1x!tpu.dma_semaphore, #tpu.memory_space<semaphore_mem>>
    %dma_start3A_450 = tpu.memref_squeeze %dma_start3A_449 : memref<1x!tpu.dma_semaphore, #tpu.memory_space<semaphore_mem>> -> memref<!tpu.dma_semaphore, #tpu.memory_space<semaphore_mem>>
    tpu.enqueue_indirect_dma source(%dma_start3A_445 : memref<16x128xf32, #tpu.memory_space<vmem>>) target(%dma_start3A_448 : memref<10000x128xf32, #tpu.memory_space<vmem_shared>>) offsets(%get3A_436 : vector<16xi32>) semaphore(%dma_start3A_450 : memref<!tpu.dma_semaphore, #tpu.memory_space<semaphore_mem>>) {add = true}
    %get3A_451 = arith.constant 9712 : index
    %get3A_452 = tpu.vector_load %arg7[%get3A_451] {strides = array<i32>} : memref<10000xi32, #tpu.memory_space<vmem>>, vector<16xi32>,
    %get3A_453 = vector.shape_cast %get3A_452 : vector<16xi32> to vector<16xi32>
    %dma_start3A_454 = arith.constant 1 : i32
    %dma_start3A_455 = arith.constant 1 : i32
    %dma_start3A_456 = arith.constant 0 : i32
    %dma_start3A_457 = arith.constant 0 : i32
    %dma_start3A_458 = tpu.memref_slice %arg8[%dma_start3A_454, %dma_start3A_456, %dma_start3A_457] : memref<3x80x128xf32, #tpu.memory_space<vmem>> -> memref<1x80x128xf32, #tpu.memory_space<vmem>>
    %dma_start3A_459 = tpu.memref_squeeze %dma_start3A_458 : memref<1x80x128xf32, #tpu.memory_space<vmem>> -> memref<80x128xf32, #tpu.memory_space<vmem>>
    %dma_start3A_460 = arith.constant 32 : i32
    %dma_start3A_461 = arith.constant 0 : i32
    %dma_start3A_462 = tpu.memref_slice %dma_start3A_459[%dma_start3A_460, %dma_start3A_461] : memref<80x128xf32, #tpu.memory_space<vmem>> -> memref<16x128xf32, #tpu.memory_space<vmem>>
    %dma_start3A_463 = arith.constant 0 : i32
    %dma_start3A_464 = arith.constant 0 : i32
    %dma_start3A_465 = tpu.memref_slice %arg5[%dma_start3A_463, %dma_start3A_464] : memref<10000x128xf32, #tpu.memory_space<vmem_shared>> -> memref<10000x128xf32, #tpu.memory_space<vmem_shared>>
    %dma_start3A_466 = tpu.memref_slice %arg10[%dma_start3A_455] : memref<3x!tpu.dma_semaphore, #tpu.memory_space<semaphore_mem>> -> memref<1x!tpu.dma_semaphore, #tpu.memory_space<semaphore_mem>>
    %dma_start3A_467 = tpu.memref_squeeze %dma_start3A_466 : memref<1x!tpu.dma_semaphore, #tpu.memory_space<semaphore_mem>> -> memref<!tpu.dma_semaphore, #tpu.memory_space<semaphore_mem>>
    tpu.enqueue_indirect_dma source(%dma_start3A_462 : memref<16x128xf32, #tpu.memory_space<vmem>>) target(%dma_start3A_465 : memref<10000x128xf32, #tpu.memory_space<vmem_shared>>) offsets(%get3A_453 : vector<16xi32>) semaphore(%dma_start3A_467 : memref<!tpu.dma_semaphore, #tpu.memory_space<semaphore_mem>>) {add = true}
    %get3A_468 = arith.constant 9728 : index
    %get3A_469 = tpu.vector_load %arg7[%get3A_468] {strides = array<i32>} : memref<10000xi32, #tpu.memory_space<vmem>>, vector<16xi32>,
    %get3A_470 = vector.shape_cast %get3A_469 : vector<16xi32> to vector<16xi32>
    %dma_start3A_471 = arith.constant 1 : i32
    %dma_start3A_472 = arith.constant 1 : i32
    %dma_start3A_473 = arith.constant 0 : i32
    %dma_start3A_474 = arith.constant 0 : i32
    %dma_start3A_475 = tpu.memref_slice %arg8[%dma_start3A_471, %dma_start3A_473, %dma_start3A_474] : memref<3x80x128xf32, #tpu.memory_space<vmem>> -> memref<1x80x128xf32, #tpu.memory_space<vmem>>
    %dma_start3A_476 = tpu.memref_squeeze %dma_start3A_475 : memref<1x80x128xf32, #tpu.memory_space<vmem>> -> memref<80x128xf32, #tpu.memory_space<vmem>>
    %dma_start3A_477 = arith.constant 48 : i32
    %dma_start3A_478 = arith.constant 0 : i32
    %dma_start3A_479 = tpu.memref_slice %dma_start3A_476[%dma_start3A_477, %dma_start3A_478] : memref<80x128xf32, #tpu.memory_space<vmem>> -> memref<16x128xf32, #tpu.memory_space<vmem>>
    %dma_start3A_480 = arith.constant 0 : i32
    %dma_start3A_481 = arith.constant 0 : i32
    %dma_start3A_482 = tpu.memref_slice %arg5[%dma_start3A_480, %dma_start3A_481] : memref<10000x128xf32, #tpu.memory_space<vmem_shared>> -> memref<10000x128xf32, #tpu.memory_space<vmem_shared>>
    %dma_start3A_483 = tpu.memref_slice %arg10[%dma_start3A_472] : memref<3x!tpu.dma_semaphore, #tpu.memory_space<semaphore_mem>> -> memref<1x!tpu.dma_semaphore, #tpu.memory_space<semaphore_mem>>
    %dma_start3A_484 = tpu.memref_squeeze %dma_start3A_483 : memref<1x!tpu.dma_semaphore, #tpu.memory_space<semaphore_mem>> -> memref<!tpu.dma_semaphore, #tpu.memory_space<semaphore_mem>>
    tpu.enqueue_indirect_dma source(%dma_start3A_479 : memref<16x128xf32, #tpu.memory_space<vmem>>) target(%dma_start3A_482 : memref<10000x128xf32, #tpu.memory_space<vmem_shared>>) offsets(%get3A_470 : vector<16xi32>) semaphore(%dma_start3A_484 : memref<!tpu.dma_semaphore, #tpu.memory_space<semaphore_mem>>) {add = true}
    %get3A_485 = arith.constant 9744 : index
    %get3A_486 = tpu.vector_load %arg7[%get3A_485] {strides = array<i32>} : memref<10000xi32, #tpu.memory_space<vmem>>, vector<16xi32>,
    %get3A_487 = vector.shape_cast %get3A_486 : vector<16xi32> to vector<16xi32>
    %dma_start3A_488 = arith.constant 1 : i32
    %dma_start3A_489 = arith.constant 1 : i32
    %dma_start3A_490 = arith.constant 0 : i32
    %dma_start3A_491 = arith.constant 0 : i32
    %dma_start3A_492 = tpu.memref_slice %arg8[%dma_start3A_488, %dma_start3A_490, %dma_start3A_491] : memref<3x80x128xf32, #tpu.memory_space<vmem>> -> memref<1x80x128xf32, #tpu.memory_space<vmem>>
    %dma_start3A_493 = tpu.memref_squeeze %dma_start3A_492 : memref<1x80x128xf32, #tpu.memory_space<vmem>> -> memref<80x128xf32, #tpu.memory_space<vmem>>
    %dma_start3A_494 = arith.constant 64 : i32
    %dma_start3A_495 = arith.constant 0 : i32
    %dma_start3A_496 = tpu.memref_slice %dma_start3A_493[%dma_start3A_494, %dma_start3A_495] : memref<80x128xf32, #tpu.memory_space<vmem>> -> memref<16x128xf32, #tpu.memory_space<vmem>>
    %dma_start3A_497 = arith.constant 0 : i32
    %dma_start3A_498 = arith.constant 0 : i32
    %dma_start3A_499 = tpu.memref_slice %arg5[%dma_start3A_497, %dma_start3A_498] : memref<10000x128xf32, #tpu.memory_space<vmem_shared>> -> memref<10000x128xf32, #tpu.memory_space<vmem_shared>>
    %dma_start3A_500 = tpu.memref_slice %arg10[%dma_start3A_489] : memref<3x!tpu.dma_semaphore, #tpu.memory_space<semaphore_mem>> -> memref<1x!tpu.dma_semaphore, #tpu.memory_space<semaphore_mem>>
    %dma_start3A_501 = tpu.memref_squeeze %dma_start3A_500 : memref<1x!tpu.dma_semaphore, #tpu.memory_space<semaphore_mem>> -> memref<!tpu.dma_semaphore, #tpu.memory_space<semaphore_mem>>
    tpu.enqueue_indirect_dma source(%dma_start3A_496 : memref<16x128xf32, #tpu.memory_space<vmem>>) target(%dma_start3A_499 : memref<10000x128xf32, #tpu.memory_space<vmem_shared>>) offsets(%get3A_487 : vector<16xi32>) semaphore(%dma_start3A_501 : memref<!tpu.dma_semaphore, #tpu.memory_space<semaphore_mem>>) {add = true}
    %get3A_502 = arith.constant 9680 : index
    %get3A_503 = tpu.vector_load %arg7[%get3A_502] {strides = array<i32>} : memref<10000xi32, #tpu.memory_space<vmem>>, vector<16xi32>,
    %get3A_504 = vector.shape_cast %get3A_503 : vector<16xi32> to vector<16xi32>
    %dma_wait3A_505 = arith.constant 1 : i32
    %dma_wait3A_506 = arith.constant 1 : i32
    %dma_wait3A_507 = arith.constant 0 : i32
    %dma_wait3A_508 = arith.constant 0 : i32
    %dma_wait3A_509 = tpu.memref_slice %arg8[%dma_wait3A_505, %dma_wait3A_507, %dma_wait3A_508] : memref<3x80x128xf32, #tpu.memory_space<vmem>> -> memref<1x80x128xf32, #tpu.memory_space<vmem>>
    %dma_wait3A_510 = tpu.memref_squeeze %dma_wait3A_509 : memref<1x80x128xf32, #tpu.memory_space<vmem>> -> memref<80x128xf32, #tpu.memory_space<vmem>>
    %dma_wait3A_511 = arith.constant 0 : i32
    %dma_wait3A_512 = arith.constant 0 : i32
    %dma_wait3A_513 = tpu.memref_slice %dma_wait3A_510[%dma_wait3A_511, %dma_wait3A_512] : memref<80x128xf32, #tpu.memory_space<vmem>> -> memref<16x128xf32, #tpu.memory_space<vmem>>
    %dma_wait3A_514 = arith.constant 0 : i32
    %dma_wait3A_515 = arith.constant 0 : i32
    %dma_wait3A_516 = tpu.memref_slice %arg5[%dma_wait3A_514, %dma_wait3A_515] : memref<10000x128xf32, #tpu.memory_space<vmem_shared>> -> memref<10000x128xf32, #tpu.memory_space<vmem_shared>>
    %dma_wait3A_517 = tpu.memref_slice %arg10[%dma_wait3A_506] : memref<3x!tpu.dma_semaphore, #tpu.memory_space<semaphore_mem>> -> memref<1x!tpu.dma_semaphore, #tpu.memory_space<semaphore_mem>>
    %dma_wait3A_518 = tpu.memref_squeeze %dma_wait3A_517 : memref<1x!tpu.dma_semaphore, #tpu.memory_space<semaphore_mem>> -> memref<!tpu.dma_semaphore, #tpu.memory_space<semaphore_mem>>
    tpu.wait_indirect_dma semaphore(%dma_wait3A_518 : memref<!tpu.dma_semaphore, #tpu.memory_space<semaphore_mem>>) src(%dma_wait3A_513 : memref<16x128xf32, #tpu.memory_space<vmem>>) dst(%dma_wait3A_516 : memref<10000x128xf32, #tpu.memory_space<vmem_shared>>)
    %get3A_519 = arith.constant 9696 : index
    %get3A_520 = tpu.vector_load %arg7[%get3A_519] {strides = array<i32>} : memref<10000xi32, #tpu.memory_space<vmem>>, vector<16xi32>,
    %get3A_521 = vector.shape_cast %get3A_520 : vector<16xi32> to vector<16xi32>
    %dma_wait3A_522 = arith.constant 1 : i32
    %dma_wait3A_523 = arith.constant 1 : i32
    %dma_wait3A_524 = arith.constant 0 : i32
    %dma_wait3A_525 = arith.constant 0 : i32
    %dma_wait3A_526 = tpu.memref_slice %arg8[%dma_wait3A_522, %dma_wait3A_524, %dma_wait3A_525] : memref<3x80x128xf32, #tpu.memory_space<vmem>> -> memref<1x80x128xf32, #tpu.memory_space<vmem>>
    %dma_wait3A_527 = tpu.memref_squeeze %dma_wait3A_526 : memref<1x80x128xf32, #tpu.memory_space<vmem>> -> memref<80x128xf32, #tpu.memory_space<vmem>>
    %dma_wait3A_528 = arith.constant 16 : i32
    %dma_wait3A_529 = arith.constant 0 : i32
    %dma_wait3A_530 = tpu.memref_slice %dma_wait3A_527[%dma_wait3A_528, %dma_wait3A_529] : memref<80x128xf32, #tpu.memory_space<vmem>> -> memref<16x128xf32, #tpu.memory_space<vmem>>
    %dma_wait3A_531 = arith.constant 0 : i32
    %dma_wait3A_532 = arith.constant 0 : i32
    %dma_wait3A_533 = tpu.memref_slice %arg5[%dma_wait3A_531, %dma_wait3A_532] : memref<10000x128xf32, #tpu.memory_space<vmem_shared>> -> memref<10000x128xf32, #tpu.memory_space<vmem_shared>>
    %dma_wait3A_534 = tpu.memref_slice %arg10[%dma_wait3A_523] : memref<3x!tpu.dma_semaphore, #tpu.memory_space<semaphore_mem>> -> memref<1x!tpu.dma_semaphore, #tpu.memory_space<semaphore_mem>>
    %dma_wait3A_535 = tpu.memref_squeeze %dma_wait3A_534 : memref<1x!tpu.dma_semaphore, #tpu.memory_space<semaphore_mem>> -> memref<!tpu.dma_semaphore, #tpu.memory_space<semaphore_mem>>
    tpu.wait_indirect_dma semaphore(%dma_wait3A_535 : memref<!tpu.dma_semaphore, #tpu.memory_space<semaphore_mem>>) src(%dma_wait3A_530 : memref<16x128xf32, #tpu.memory_space<vmem>>) dst(%dma_wait3A_533 : memref<10000x128xf32, #tpu.memory_space<vmem_shared>>)
    %get3A_536 = arith.constant 9712 : index
    %get3A_537 = tpu.vector_load %arg7[%get3A_536] {strides = array<i32>} : memref<10000xi32, #tpu.memory_space<vmem>>, vector<16xi32>,
    %get3A_538 = vector.shape_cast %get3A_537 : vector<16xi32> to vector<16xi32>
    %dma_wait3A_539 = arith.constant 1 : i32
    %dma_wait3A_540 = arith.constant 1 : i32
    %dma_wait3A_541 = arith.constant 0 : i32
    %dma_wait3A_542 = arith.constant 0 : i32
    %dma_wait3A_543 = tpu.memref_slice %arg8[%dma_wait3A_539, %dma_wait3A_541, %dma_wait3A_542] : memref<3x80x128xf32, #tpu.memory_space<vmem>> -> memref<1x80x128xf32, #tpu.memory_space<vmem>>
    %dma_wait3A_544 = tpu.memref_squeeze %dma_wait3A_543 : memref<1x80x128xf32, #tpu.memory_space<vmem>> -> memref<80x128xf32, #tpu.memory_space<vmem>>
    %dma_wait3A_545 = arith.constant 32 : i32
    %dma_wait3A_546 = arith.constant 0 : i32
    %dma_wait3A_547 = tpu.memref_slice %dma_wait3A_544[%dma_wait3A_545, %dma_wait3A_546] : memref<80x128xf32, #tpu.memory_space<vmem>> -> memref<16x128xf32, #tpu.memory_space<vmem>>
    %dma_wait3A_548 = arith.constant 0 : i32
    %dma_wait3A_549 = arith.constant 0 : i32
    %dma_wait3A_550 = tpu.memref_slice %arg5[%dma_wait3A_548, %dma_wait3A_549] : memref<10000x128xf32, #tpu.memory_space<vmem_shared>> -> memref<10000x128xf32, #tpu.memory_space<vmem_shared>>
    %dma_wait3A_551 = tpu.memref_slice %arg10[%dma_wait3A_540] : memref<3x!tpu.dma_semaphore, #tpu.memory_space<semaphore_mem>> -> memref<1x!tpu.dma_semaphore, #tpu.memory_space<semaphore_mem>>
    %dma_wait3A_552 = tpu.memref_squeeze %dma_wait3A_551 : memref<1x!tpu.dma_semaphore, #tpu.memory_space<semaphore_mem>> -> memref<!tpu.dma_semaphore, #tpu.memory_space<semaphore_mem>>
    tpu.wait_indirect_dma semaphore(%dma_wait3A_552 : memref<!tpu.dma_semaphore, #tpu.memory_space<semaphore_mem>>) src(%dma_wait3A_547 : memref<16x128xf32, #tpu.memory_space<vmem>>) dst(%dma_wait3A_550 : memref<10000x128xf32, #tpu.memory_space<vmem_shared>>)
    %get3A_553 = arith.constant 9728 : index
    %get3A_554 = tpu.vector_load %arg7[%get3A_553] {strides = array<i32>} : memref<10000xi32, #tpu.memory_space<vmem>>, vector<16xi32>,
    %get3A_555 = vector.shape_cast %get3A_554 : vector<16xi32> to vector<16xi32>
    %dma_wait3A_556 = arith.constant 1 : i32
    %dma_wait3A_557 = arith.constant 1 : i32
    %dma_wait3A_558 = arith.constant 0 : i32
    %dma_wait3A_559 = arith.constant 0 : i32
    %dma_wait3A_560 = tpu.memref_slice %arg8[%dma_wait3A_556, %dma_wait3A_558, %dma_wait3A_559] : memref<3x80x128xf32, #tpu.memory_space<vmem>> -> memref<1x80x128xf32, #tpu.memory_space<vmem>>
    %dma_wait3A_561 = tpu.memref_squeeze %dma_wait3A_560 : memref<1x80x128xf32, #tpu.memory_space<vmem>> -> memref<80x128xf32, #tpu.memory_space<vmem>>
    %dma_wait3A_562 = arith.constant 48 : i32
    %dma_wait3A_563 = arith.constant 0 : i32
    %dma_wait3A_564 = tpu.memref_slice %dma_wait3A_561[%dma_wait3A_562, %dma_wait3A_563] : memref<80x128xf32, #tpu.memory_space<vmem>> -> memref<16x128xf32, #tpu.memory_space<vmem>>
    %dma_wait3A_565 = arith.constant 0 : i32
    %dma_wait3A_566 = arith.constant 0 : i32
    %dma_wait3A_567 = tpu.memref_slice %arg5[%dma_wait3A_565, %dma_wait3A_566] : memref<10000x128xf32, #tpu.memory_space<vmem_shared>> -> memref<10000x128xf32, #tpu.memory_space<vmem_shared>>
    %dma_wait3A_568 = tpu.memref_slice %arg10[%dma_wait3A_557] : memref<3x!tpu.dma_semaphore, #tpu.memory_space<semaphore_mem>> -> memref<1x!tpu.dma_semaphore, #tpu.memory_space<semaphore_mem>>
    %dma_wait3A_569 = tpu.memref_squeeze %dma_wait3A_568 : memref<1x!tpu.dma_semaphore, #tpu.memory_space<semaphore_mem>> -> memref<!tpu.dma_semaphore, #tpu.memory_space<semaphore_mem>>
    tpu.wait_indirect_dma semaphore(%dma_wait3A_569 : memref<!tpu.dma_semaphore, #tpu.memory_space<semaphore_mem>>) src(%dma_wait3A_564 : memref<16x128xf32, #tpu.memory_space<vmem>>) dst(%dma_wait3A_567 : memref<10000x128xf32, #tpu.memory_space<vmem_shared>>)
    %get3A_570 = arith.constant 9744 : index
    %get3A_571 = tpu.vector_load %arg7[%get3A_570] {strides = array<i32>} : memref<10000xi32, #tpu.memory_space<vmem>>, vector<16xi32>,
    %get3A_572 = vector.shape_cast %get3A_571 : vector<16xi32> to vector<16xi32>
    %dma_wait3A_573 = arith.constant 1 : i32
    %dma_wait3A_574 = arith.constant 1 : i32
    %dma_wait3A_575 = arith.constant 0 : i32
    %dma_wait3A_576 = arith.constant 0 : i32
    %dma_wait3A_577 = tpu.memref_slice %arg8[%dma_wait3A_573, %dma_wait3A_575, %dma_wait3A_576] : memref<3x80x128xf32, #tpu.memory_space<vmem>> -> memref<1x80x128xf32, #tpu.memory_space<vmem>>
    %dma_wait3A_578 = tpu.memref_squeeze %dma_wait3A_577 : memref<1x80x128xf32, #tpu.memory_space<vmem>> -> memref<80x128xf32, #tpu.memory_space<vmem>>
    %dma_wait3A_579 = arith.constant 64 : i32
    %dma_wait3A_580 = arith.constant 0 : i32
    %dma_wait3A_581 = tpu.memref_slice %dma_wait3A_578[%dma_wait3A_579, %dma_wait3A_580] : memref<80x128xf32, #tpu.memory_space<vmem>> -> memref<16x128xf32, #tpu.memory_space<vmem>>
    %dma_wait3A_582 = arith.constant 0 : i32
    %dma_wait3A_583 = arith.constant 0 : i32
    %dma_wait3A_584 = tpu.memref_slice %arg5[%dma_wait3A_582, %dma_wait3A_583] : memref<10000x128xf32, #tpu.memory_space<vmem_shared>> -> memref<10000x128xf32, #tpu.memory_space<vmem_shared>>
    %dma_wait3A_585 = tpu.memref_slice %arg10[%dma_wait3A_574] : memref<3x!tpu.dma_semaphore, #tpu.memory_space<semaphore_mem>> -> memref<1x!tpu.dma_semaphore, #tpu.memory_space<semaphore_mem>>
    %dma_wait3A_586 = tpu.memref_squeeze %dma_wait3A_585 : memref<1x!tpu.dma_semaphore, #tpu.memory_space<semaphore_mem>> -> memref<!tpu.dma_semaphore, #tpu.memory_space<semaphore_mem>>
    tpu.wait_indirect_dma semaphore(%dma_wait3A_586 : memref<!tpu.dma_semaphore, #tpu.memory_space<semaphore_mem>>) src(%dma_wait3A_581 : memref<16x128xf32, #tpu.memory_space<vmem>>) dst(%dma_wait3A_584 : memref<10000x128xf32, #tpu.memory_space<vmem_shared>>)
    %dma_start3A_587 = arith.constant 1 : i32
    %dma_start3A_588 = arith.constant 1 : i32
    %dma_start3A_589 = arith.constant 0 : i32
    %dma_start3A_590 = arith.constant 0 : i32
    %dma_start3A_591 = tpu.memref_slice %arg8[%dma_start3A_587, %dma_start3A_589, %dma_start3A_590] : memref<3x80x128xf32, #tpu.memory_space<vmem>> -> memref<1x80x128xf32, #tpu.memory_space<vmem>>
    %dma_start3A_592 = tpu.memref_squeeze %dma_start3A_591 : memref<1x80x128xf32, #tpu.memory_space<vmem>> -> memref<80x128xf32, #tpu.memory_space<vmem>>
    %dma_start3A_593 = arith.constant 0 : i32
    %dma_start3A_594 = arith.constant 0 : i32
    %dma_start3A_595 = tpu.memref_slice %dma_start3A_592[%dma_start3A_593, %dma_start3A_594] : memref<80x128xf32, #tpu.memory_space<vmem>> -> memref<40x128xf32, #tpu.memory_space<vmem>>
    %dma_start3A_596 = arith.constant 9920 : i32
    %dma_start3A_597 = tpu.memref_slice %arg6[%dma_start3A_596] : memref<10000xi32, #tpu.memory_space<vmem>> -> memref<40xi32, #tpu.memory_space<vmem>>
    %dma_start3A_598 = arith.constant 0 : i32
    %dma_start3A_599 = arith.constant 0 : i32
    %dma_start3A_600 = tpu.memref_slice %arg2[%dma_start3A_598, %dma_start3A_599] : memref<10000x128xf32, #tpu.memory_space<hbm>> -> memref<10000x128xf32, #tpu.memory_space<hbm>>
    %dma_start3A_601 = tpu.memref_slice %arg9[%dma_start3A_588] : memref<3x!tpu.dma_semaphore, #tpu.memory_space<semaphore_mem>> -> memref<1x!tpu.dma_semaphore, #tpu.memory_space<semaphore_mem>>
    %dma_start3A_602 = tpu.memref_squeeze %dma_start3A_601 : memref<1x!tpu.dma_semaphore, #tpu.memory_space<semaphore_mem>> -> memref<!tpu.dma_semaphore, #tpu.memory_space<semaphore_mem>>
    tpu.enqueue_indirect_dma source(%dma_start3A_600 : memref<10000x128xf32, #tpu.memory_space<hbm>>) target(%dma_start3A_595 : memref<40x128xf32, #tpu.memory_space<vmem>>) offsets(%dma_start3A_597 : memref<40xi32, #tpu.memory_space<vmem>>) semaphore(%dma_start3A_602 : memref<!tpu.dma_semaphore, #tpu.memory_space<semaphore_mem>>)
    %dma_start3A_603 = arith.constant 1 : i32
    %dma_start3A_604 = arith.constant 1 : i32
    %dma_start3A_605 = arith.constant 0 : i32
    %dma_start3A_606 = arith.constant 0 : i32
    %dma_start3A_607 = tpu.memref_slice %arg8[%dma_start3A_603, %dma_start3A_605, %dma_start3A_606] : memref<3x80x128xf32, #tpu.memory_space<vmem>> -> memref<1x80x128xf32, #tpu.memory_space<vmem>>
    %dma_start3A_608 = tpu.memref_squeeze %dma_start3A_607 : memref<1x80x128xf32, #tpu.memory_space<vmem>> -> memref<80x128xf32, #tpu.memory_space<vmem>>
    %dma_start3A_609 = arith.constant 40 : i32
    %dma_start3A_610 = arith.constant 0 : i32
    %dma_start3A_611 = tpu.memref_slice %dma_start3A_608[%dma_start3A_609, %dma_start3A_610] : memref<80x128xf32, #tpu.memory_space<vmem>> -> memref<40x128xf32, #tpu.memory_space<vmem>>
    %dma_start3A_612 = arith.constant 9960 : i32
    %dma_start3A_613 = tpu.memref_slice %arg6[%dma_start3A_612] : memref<10000xi32, #tpu.memory_space<vmem>> -> memref<40xi32, #tpu.memory_space<vmem>>
    %dma_start3A_614 = arith.constant 0 : i32
    %dma_start3A_615 = arith.constant 0 : i32
    %dma_start3A_616 = tpu.memref_slice %arg2[%dma_start3A_614, %dma_start3A_615] : memref<10000x128xf32, #tpu.memory_space<hbm>> -> memref<10000x128xf32, #tpu.memory_space<hbm>>
    %dma_start3A_617 = tpu.memref_slice %arg9[%dma_start3A_604] : memref<3x!tpu.dma_semaphore, #tpu.memory_space<semaphore_mem>> -> memref<1x!tpu.dma_semaphore, #tpu.memory_space<semaphore_mem>>
    %dma_start3A_618 = tpu.memref_squeeze %dma_start3A_617 : memref<1x!tpu.dma_semaphore, #tpu.memory_space<semaphore_mem>> -> memref<!tpu.dma_semaphore, #tpu.memory_space<semaphore_mem>>
    tpu.enqueue_indirect_dma source(%dma_start3A_616 : memref<10000x128xf32, #tpu.memory_space<hbm>>) target(%dma_start3A_611 : memref<40x128xf32, #tpu.memory_space<vmem>>) offsets(%dma_start3A_613 : memref<40xi32, #tpu.memory_space<vmem>>) semaphore(%dma_start3A_618 : memref<!tpu.dma_semaphore, #tpu.memory_space<semaphore_mem>>)
    %dma_wait3A_619 = arith.constant 2 : i32
    %dma_wait3A_620 = arith.constant 2 : i32
    %dma_wait3A_621 = arith.constant 0 : i32
    %dma_wait3A_622 = arith.constant 0 : i32
    %dma_wait3A_623 = tpu.memref_slice %arg8[%dma_wait3A_619, %dma_wait3A_621, %dma_wait3A_622] : memref<3x80x128xf32, #tpu.memory_space<vmem>> -> memref<1x80x128xf32, #tpu.memory_space<vmem>>
    %dma_wait3A_624 = tpu.memref_squeeze %dma_wait3A_623 : memref<1x80x128xf32, #tpu.memory_space<vmem>> -> memref<80x128xf32, #tpu.memory_space<vmem>>
    %dma_wait3A_625 = arith.constant 0 : i32
    %dma_wait3A_626 = arith.constant 0 : i32
    %dma_wait3A_627 = tpu.memref_slice %dma_wait3A_624[%dma_wait3A_625, %dma_wait3A_626] : memref<80x128xf32, #tpu.memory_space<vmem>> -> memref<40x128xf32, #tpu.memory_space<vmem>>
    %dma_wait3A_628 = arith.constant 9760 : i32
    %dma_wait3A_629 = tpu.memref_slice %arg6[%dma_wait3A_628] : memref<10000xi32, #tpu.memory_space<vmem>> -> memref<40xi32, #tpu.memory_space<vmem>>
    %dma_wait3A_630 = arith.constant 0 : i32
    %dma_wait3A_631 = arith.constant 0 : i32
    %dma_wait3A_632 = tpu.memref_slice %arg2[%dma_wait3A_630, %dma_wait3A_631] : memref<10000x128xf32, #tpu.memory_space<hbm>> -> memref<10000x128xf32, #tpu.memory_space<hbm>>
    %dma_wait3A_633 = tpu.memref_slice %arg9[%dma_wait3A_620] : memref<3x!tpu.dma_semaphore, #tpu.memory_space<semaphore_mem>> -> memref<1x!tpu.dma_semaphore, #tpu.memory_space<semaphore_mem>>
    %dma_wait3A_634 = tpu.memref_squeeze %dma_wait3A_633 : memref<1x!tpu.dma_semaphore, #tpu.memory_space<semaphore_mem>> -> memref<!tpu.dma_semaphore, #tpu.memory_space<semaphore_mem>>
    tpu.wait_indirect_dma semaphore(%dma_wait3A_634 : memref<!tpu.dma_semaphore, #tpu.memory_space<semaphore_mem>>) src(%dma_wait3A_632 : memref<10000x128xf32, #tpu.memory_space<hbm>>) dst(%dma_wait3A_627 : memref<40x128xf32, #tpu.memory_space<vmem>>)
    %dma_wait3A_635 = arith.constant 2 : i32
    %dma_wait3A_636 = arith.constant 2 : i32
    %dma_wait3A_637 = arith.constant 0 : i32
    %dma_wait3A_638 = arith.constant 0 : i32
    %dma_wait3A_639 = tpu.memref_slice %arg8[%dma_wait3A_635, %dma_wait3A_637, %dma_wait3A_638] : memref<3x80x128xf32, #tpu.memory_space<vmem>> -> memref<1x80x128xf32, #tpu.memory_space<vmem>>
    %dma_wait3A_640 = tpu.memref_squeeze %dma_wait3A_639 : memref<1x80x128xf32, #tpu.memory_space<vmem>> -> memref<80x128xf32, #tpu.memory_space<vmem>>
    %dma_wait3A_641 = arith.constant 40 : i32
    %dma_wait3A_642 = arith.constant 0 : i32
    %dma_wait3A_643 = tpu.memref_slice %dma_wait3A_640[%dma_wait3A_641, %dma_wait3A_642] : memref<80x128xf32, #tpu.memory_space<vmem>> -> memref<40x128xf32, #tpu.memory_space<vmem>>
    %dma_wait3A_644 = arith.constant 9800 : i32
    %dma_wait3A_645 = tpu.memref_slice %arg6[%dma_wait3A_644] : memref<10000xi32, #tpu.memory_space<vmem>> -> memref<40xi32, #tpu.memory_space<vmem>>
    %dma_wait3A_646 = arith.constant 0 : i32
    %dma_wait3A_647 = arith.constant 0 : i32
    %dma_wait3A_648 = tpu.memref_slice %arg2[%dma_wait3A_646, %dma_wait3A_647] : memref<10000x128xf32, #tpu.memory_space<hbm>> -> memref<10000x128xf32, #tpu.memory_space<hbm>>
    %dma_wait3A_649 = tpu.memref_slice %arg9[%dma_wait3A_636] : memref<3x!tpu.dma_semaphore, #tpu.memory_space<semaphore_mem>> -> memref<1x!tpu.dma_semaphore, #tpu.memory_space<semaphore_mem>>
    %dma_wait3A_650 = tpu.memref_squeeze %dma_wait3A_649 : memref<1x!tpu.dma_semaphore, #tpu.memory_space<semaphore_mem>> -> memref<!tpu.dma_semaphore, #tpu.memory_space<semaphore_mem>>
    tpu.wait_indirect_dma semaphore(%dma_wait3A_650 : memref<!tpu.dma_semaphore, #tpu.memory_space<semaphore_mem>>) src(%dma_wait3A_648 : memref<10000x128xf32, #tpu.memory_space<hbm>>) dst(%dma_wait3A_643 : memref<40x128xf32, #tpu.memory_space<vmem>>)
    %get3A_651 = arith.constant 9760 : index
    %get3A_652 = tpu.vector_load %arg7[%get3A_651] {strides = array<i32>} : memref<10000xi32, #tpu.memory_space<vmem>>, vector<16xi32>,
    %get3A_653 = vector.shape_cast %get3A_652 : vector<16xi32> to vector<16xi32>
    %dma_start3A_654 = arith.constant 2 : i32
    %dma_start3A_655 = arith.constant 2 : i32
    %dma_start3A_656 = arith.constant 0 : i32
    %dma_start3A_657 = arith.constant 0 : i32
    %dma_start3A_658 = tpu.memref_slice %arg8[%dma_start3A_654, %dma_start3A_656, %dma_start3A_657] : memref<3x80x128xf32, #tpu.memory_space<vmem>> -> memref<1x80x128xf32, #tpu.memory_space<vmem>>
    %dma_start3A_659 = tpu.memref_squeeze %dma_start3A_658 : memref<1x80x128xf32, #tpu.memory_space<vmem>> -> memref<80x128xf32, #tpu.memory_space<vmem>>
    %dma_start3A_660 = arith.constant 0 : i32
    %dma_start3A_661 = arith.constant 0 : i32
    %dma_start3A_662 = tpu.memref_slice %dma_start3A_659[%dma_start3A_660, %dma_start3A_661] : memref<80x128xf32, #tpu.memory_space<vmem>> -> memref<16x128xf32, #tpu.memory_space<vmem>>
    %dma_start3A_663 = arith.constant 0 : i32
    %dma_start3A_664 = arith.constant 0 : i32
    %dma_start3A_665 = tpu.memref_slice %arg5[%dma_start3A_663, %dma_start3A_664] : memref<10000x128xf32, #tpu.memory_space<vmem_shared>> -> memref<10000x128xf32, #tpu.memory_space<vmem_shared>>
    %dma_start3A_666 = tpu.memref_slice %arg10[%dma_start3A_655] : memref<3x!tpu.dma_semaphore, #tpu.memory_space<semaphore_mem>> -> memref<1x!tpu.dma_semaphore, #tpu.memory_space<semaphore_mem>>
    %dma_start3A_667 = tpu.memref_squeeze %dma_start3A_666 : memref<1x!tpu.dma_semaphore, #tpu.memory_space<semaphore_mem>> -> memref<!tpu.dma_semaphore, #tpu.memory_space<semaphore_mem>>
    tpu.enqueue_indirect_dma source(%dma_start3A_662 : memref<16x128xf32, #tpu.memory_space<vmem>>) target(%dma_start3A_665 : memref<10000x128xf32, #tpu.memory_space<vmem_shared>>) offsets(%get3A_653 : vector<16xi32>) semaphore(%dma_start3A_667 : memref<!tpu.dma_semaphore, #tpu.memory_space<semaphore_mem>>) {add = true}
    %get3A_668 = arith.constant 9776 : index
    %get3A_669 = tpu.vector_load %arg7[%get3A_668] {strides = array<i32>} : memref<10000xi32, #tpu.memory_space<vmem>>, vector<16xi32>,
    %get3A_670 = vector.shape_cast %get3A_669 : vector<16xi32> to vector<16xi32>
    %dma_start3A_671 = arith.constant 2 : i32
    %dma_start3A_672 = arith.constant 2 : i32
    %dma_start3A_673 = arith.constant 0 : i32
    %dma_start3A_674 = arith.constant 0 : i32
    %dma_start3A_675 = tpu.memref_slice %arg8[%dma_start3A_671, %dma_start3A_673, %dma_start3A_674] : memref<3x80x128xf32, #tpu.memory_space<vmem>> -> memref<1x80x128xf32, #tpu.memory_space<vmem>>
    %dma_start3A_676 = tpu.memref_squeeze %dma_start3A_675 : memref<1x80x128xf32, #tpu.memory_space<vmem>> -> memref<80x128xf32, #tpu.memory_space<vmem>>
    %dma_start3A_677 = arith.constant 16 : i32
    %dma_start3A_678 = arith.constant 0 : i32
    %dma_start3A_679 = tpu.memref_slice %dma_start3A_676[%dma_start3A_677, %dma_start3A_678] : memref<80x128xf32, #tpu.memory_space<vmem>> -> memref<16x128xf32, #tpu.memory_space<vmem>>
    %dma_start3A_680 = arith.constant 0 : i32
    %dma_start3A_681 = arith.constant 0 : i32
    %dma_start3A_682 = tpu.memref_slice %arg5[%dma_start3A_680, %dma_start3A_681] : memref<10000x128xf32, #tpu.memory_space<vmem_shared>> -> memref<10000x128xf32, #tpu.memory_space<vmem_shared>>
    %dma_start3A_683 = tpu.memref_slice %arg10[%dma_start3A_672] : memref<3x!tpu.dma_semaphore, #tpu.memory_space<semaphore_mem>> -> memref<1x!tpu.dma_semaphore, #tpu.memory_space<semaphore_mem>>
    %dma_start3A_684 = tpu.memref_squeeze %dma_start3A_683 : memref<1x!tpu.dma_semaphore, #tpu.memory_space<semaphore_mem>> -> memref<!tpu.dma_semaphore, #tpu.memory_space<semaphore_mem>>
    tpu.enqueue_indirect_dma source(%dma_start3A_679 : memref<16x128xf32, #tpu.memory_space<vmem>>) target(%dma_start3A_682 : memref<10000x128xf32, #tpu.memory_space<vmem_shared>>) offsets(%get3A_670 : vector<16xi32>) semaphore(%dma_start3A_684 : memref<!tpu.dma_semaphore, #tpu.memory_space<semaphore_mem>>) {add = true}
    %get3A_685 = arith.constant 9792 : index
    %get3A_686 = tpu.vector_load %arg7[%get3A_685] {strides = array<i32>} : memref<10000xi32, #tpu.memory_space<vmem>>, vector<16xi32>,
    %get3A_687 = vector.shape_cast %get3A_686 : vector<16xi32> to vector<16xi32>
    %dma_start3A_688 = arith.constant 2 : i32
    %dma_start3A_689 = arith.constant 2 : i32
    %dma_start3A_690 = arith.constant 0 : i32
    %dma_start3A_691 = arith.constant 0 : i32
    %dma_start3A_692 = tpu.memref_slice %arg8[%dma_start3A_688, %dma_start3A_690, %dma_start3A_691] : memref<3x80x128xf32, #tpu.memory_space<vmem>> -> memref<1x80x128xf32, #tpu.memory_space<vmem>>
    %dma_start3A_693 = tpu.memref_squeeze %dma_start3A_692 : memref<1x80x128xf32, #tpu.memory_space<vmem>> -> memref<80x128xf32, #tpu.memory_space<vmem>>
    %dma_start3A_694 = arith.constant 32 : i32
    %dma_start3A_695 = arith.constant 0 : i32
    %dma_start3A_696 = tpu.memref_slice %dma_start3A_693[%dma_start3A_694, %dma_start3A_695] : memref<80x128xf32, #tpu.memory_space<vmem>> -> memref<16x128xf32, #tpu.memory_space<vmem>>
    %dma_start3A_697 = arith.constant 0 : i32
    %dma_start3A_698 = arith.constant 0 : i32
    %dma_start3A_699 = tpu.memref_slice %arg5[%dma_start3A_697, %dma_start3A_698] : memref<10000x128xf32, #tpu.memory_space<vmem_shared>> -> memref<10000x128xf32, #tpu.memory_space<vmem_shared>>
    %dma_start3A_700 = tpu.memref_slice %arg10[%dma_start3A_689] : memref<3x!tpu.dma_semaphore, #tpu.memory_space<semaphore_mem>> -> memref<1x!tpu.dma_semaphore, #tpu.memory_space<semaphore_mem>>
    %dma_start3A_701 = tpu.memref_squeeze %dma_start3A_700 : memref<1x!tpu.dma_semaphore, #tpu.memory_space<semaphore_mem>> -> memref<!tpu.dma_semaphore, #tpu.memory_space<semaphore_mem>>
    tpu.enqueue_indirect_dma source(%dma_start3A_696 : memref<16x128xf32, #tpu.memory_space<vmem>>) target(%dma_start3A_699 : memref<10000x128xf32, #tpu.memory_space<vmem_shared>>) offsets(%get3A_687 : vector<16xi32>) semaphore(%dma_start3A_701 : memref<!tpu.dma_semaphore, #tpu.memory_space<semaphore_mem>>) {add = true}
    %get3A_702 = arith.constant 9808 : index
    %get3A_703 = tpu.vector_load %arg7[%get3A_702] {strides = array<i32>} : memref<10000xi32, #tpu.memory_space<vmem>>, vector<16xi32>,
    %get3A_704 = vector.shape_cast %get3A_703 : vector<16xi32> to vector<16xi32>
    %dma_start3A_705 = arith.constant 2 : i32
    %dma_start3A_706 = arith.constant 2 : i32
    %dma_start3A_707 = arith.constant 0 : i32
    %dma_start3A_708 = arith.constant 0 : i32
    %dma_start3A_709 = tpu.memref_slice %arg8[%dma_start3A_705, %dma_start3A_707, %dma_start3A_708] : memref<3x80x128xf32, #tpu.memory_space<vmem>> -> memref<1x80x128xf32, #tpu.memory_space<vmem>>
    %dma_start3A_710 = tpu.memref_squeeze %dma_start3A_709 : memref<1x80x128xf32, #tpu.memory_space<vmem>> -> memref<80x128xf32, #tpu.memory_space<vmem>>
    %dma_start3A_711 = arith.constant 48 : i32
    %dma_start3A_712 = arith.constant 0 : i32
    %dma_start3A_713 = tpu.memref_slice %dma_start3A_710[%dma_start3A_711, %dma_start3A_712] : memref<80x128xf32, #tpu.memory_space<vmem>> -> memref<16x128xf32, #tpu.memory_space<vmem>>
    %dma_start3A_714 = arith.constant 0 : i32
    %dma_start3A_715 = arith.constant 0 : i32
    %dma_start3A_716 = tpu.memref_slice %arg5[%dma_start3A_714, %dma_start3A_715] : memref<10000x128xf32, #tpu.memory_space<vmem_shared>> -> memref<10000x128xf32, #tpu.memory_space<vmem_shared>>
    %dma_start3A_717 = tpu.memref_slice %arg10[%dma_start3A_706] : memref<3x!tpu.dma_semaphore, #tpu.memory_space<semaphore_mem>> -> memref<1x!tpu.dma_semaphore, #tpu.memory_space<semaphore_mem>>
    %dma_start3A_718 = tpu.memref_squeeze %dma_start3A_717 : memref<1x!tpu.dma_semaphore, #tpu.memory_space<semaphore_mem>> -> memref<!tpu.dma_semaphore, #tpu.memory_space<semaphore_mem>>
    tpu.enqueue_indirect_dma source(%dma_start3A_713 : memref<16x128xf32, #tpu.memory_space<vmem>>) target(%dma_start3A_716 : memref<10000x128xf32, #tpu.memory_space<vmem_shared>>) offsets(%get3A_704 : vector<16xi32>) semaphore(%dma_start3A_718 : memref<!tpu.dma_semaphore, #tpu.memory_space<semaphore_mem>>) {add = true}
    %get3A_719 = arith.constant 9824 : index
    %get3A_720 = tpu.vector_load %arg7[%get3A_719] {strides = array<i32>} : memref<10000xi32, #tpu.memory_space<vmem>>, vector<16xi32>,
    %get3A_721 = vector.shape_cast %get3A_720 : vector<16xi32> to vector<16xi32>
    %dma_start3A_722 = arith.constant 2 : i32
    %dma_start3A_723 = arith.constant 2 : i32
    %dma_start3A_724 = arith.constant 0 : i32
    %dma_start3A_725 = arith.constant 0 : i32
    %dma_start3A_726 = tpu.memref_slice %arg8[%dma_start3A_722, %dma_start3A_724, %dma_start3A_725] : memref<3x80x128xf32, #tpu.memory_space<vmem>> -> memref<1x80x128xf32, #tpu.memory_space<vmem>>
    %dma_start3A_727 = tpu.memref_squeeze %dma_start3A_726 : memref<1x80x128xf32, #tpu.memory_space<vmem>> -> memref<80x128xf32, #tpu.memory_space<vmem>>
    %dma_start3A_728 = arith.constant 64 : i32
    %dma_start3A_729 = arith.constant 0 : i32
    %dma_start3A_730 = tpu.memref_slice %dma_start3A_727[%dma_start3A_728, %dma_start3A_729] : memref<80x128xf32, #tpu.memory_space<vmem>> -> memref<16x128xf32, #tpu.memory_space<vmem>>
    %dma_start3A_731 = arith.constant 0 : i32
    %dma_start3A_732 = arith.constant 0 : i32
    %dma_start3A_733 = tpu.memref_slice %arg5[%dma_start3A_731, %dma_start3A_732] : memref<10000x128xf32, #tpu.memory_space<vmem_shared>> -> memref<10000x128xf32, #tpu.memory_space<vmem_shared>>
    %dma_start3A_734 = tpu.memref_slice %arg10[%dma_start3A_723] : memref<3x!tpu.dma_semaphore, #tpu.memory_space<semaphore_mem>> -> memref<1x!tpu.dma_semaphore, #tpu.memory_space<semaphore_mem>>
    %dma_start3A_735 = tpu.memref_squeeze %dma_start3A_734 : memref<1x!tpu.dma_semaphore, #tpu.memory_space<semaphore_mem>> -> memref<!tpu.dma_semaphore, #tpu.memory_space<semaphore_mem>>
    tpu.enqueue_indirect_dma source(%dma_start3A_730 : memref<16x128xf32, #tpu.memory_space<vmem>>) target(%dma_start3A_733 : memref<10000x128xf32, #tpu.memory_space<vmem_shared>>) offsets(%get3A_721 : vector<16xi32>) semaphore(%dma_start3A_735 : memref<!tpu.dma_semaphore, #tpu.memory_space<semaphore_mem>>) {add = true}
    %dma_wait3A_736 = arith.constant 0 : i32
    %dma_wait3A_737 = arith.constant 0 : i32
    %dma_wait3A_738 = arith.constant 0 : i32
    %dma_wait3A_739 = arith.constant 0 : i32
    %dma_wait3A_740 = tpu.memref_slice %arg8[%dma_wait3A_736, %dma_wait3A_738, %dma_wait3A_739] : memref<3x80x128xf32, #tpu.memory_space<vmem>> -> memref<1x80x128xf32, #tpu.memory_space<vmem>>
    %dma_wait3A_741 = tpu.memref_squeeze %dma_wait3A_740 : memref<1x80x128xf32, #tpu.memory_space<vmem>> -> memref<80x128xf32, #tpu.memory_space<vmem>>
    %dma_wait3A_742 = arith.constant 0 : i32
    %dma_wait3A_743 = arith.constant 0 : i32
    %dma_wait3A_744 = tpu.memref_slice %dma_wait3A_741[%dma_wait3A_742, %dma_wait3A_743] : memref<80x128xf32, #tpu.memory_space<vmem>> -> memref<40x128xf32, #tpu.memory_space<vmem>>
    %dma_wait3A_745 = arith.constant 9840 : i32
    %dma_wait3A_746 = tpu.memref_slice %arg6[%dma_wait3A_745] : memref<10000xi32, #tpu.memory_space<vmem>> -> memref<40xi32, #tpu.memory_space<vmem>>
    %dma_wait3A_747 = arith.constant 0 : i32
    %dma_wait3A_748 = arith.constant 0 : i32
    %dma_wait3A_749 = tpu.memref_slice %arg2[%dma_wait3A_747, %dma_wait3A_748] : memref<10000x128xf32, #tpu.memory_space<hbm>> -> memref<10000x128xf32, #tpu.memory_space<hbm>>
    %dma_wait3A_750 = tpu.memref_slice %arg9[%dma_wait3A_737] : memref<3x!tpu.dma_semaphore, #tpu.memory_space<semaphore_mem>> -> memref<1x!tpu.dma_semaphore, #tpu.memory_space<semaphore_mem>>
    %dma_wait3A_751 = tpu.memref_squeeze %dma_wait3A_750 : memref<1x!tpu.dma_semaphore, #tpu.memory_space<semaphore_mem>> -> memref<!tpu.dma_semaphore, #tpu.memory_space<semaphore_mem>>
    tpu.wait_indirect_dma semaphore(%dma_wait3A_751 : memref<!tpu.dma_semaphore, #tpu.memory_space<semaphore_mem>>) src(%dma_wait3A_749 : memref<10000x128xf32, #tpu.memory_space<hbm>>) dst(%dma_wait3A_744 : memref<40x128xf32, #tpu.memory_space<vmem>>)
    %dma_wait3A_752 = arith.constant 0 : i32
    %dma_wait3A_753 = arith.constant 0 : i32
    %dma_wait3A_754 = arith.constant 0 : i32
    %dma_wait3A_755 = arith.constant 0 : i32
    %dma_wait3A_756 = tpu.memref_slice %arg8[%dma_wait3A_752, %dma_wait3A_754, %dma_wait3A_755] : memref<3x80x128xf32, #tpu.memory_space<vmem>> -> memref<1x80x128xf32, #tpu.memory_space<vmem>>
    %dma_wait3A_757 = tpu.memref_squeeze %dma_wait3A_756 : memref<1x80x128xf32, #tpu.memory_space<vmem>> -> memref<80x128xf32, #tpu.memory_space<vmem>>
    %dma_wait3A_758 = arith.constant 40 : i32
    %dma_wait3A_759 = arith.constant 0 : i32
    %dma_wait3A_760 = tpu.memref_slice %dma_wait3A_757[%dma_wait3A_758, %dma_wait3A_759] : memref<80x128xf32, #tpu.memory_space<vmem>> -> memref<40x128xf32, #tpu.memory_space<vmem>>
    %dma_wait3A_761 = arith.constant 9880 : i32
    %dma_wait3A_762 = tpu.memref_slice %arg6[%dma_wait3A_761] : memref<10000xi32, #tpu.memory_space<vmem>> -> memref<40xi32, #tpu.memory_space<vmem>>
    %dma_wait3A_763 = arith.constant 0 : i32
    %dma_wait3A_764 = arith.constant 0 : i32
    %dma_wait3A_765 = tpu.memref_slice %arg2[%dma_wait3A_763, %dma_wait3A_764] : memref<10000x128xf32, #tpu.memory_space<hbm>> -> memref<10000x128xf32, #tpu.memory_space<hbm>>
    %dma_wait3A_766 = tpu.memref_slice %arg9[%dma_wait3A_753] : memref<3x!tpu.dma_semaphore, #tpu.memory_space<semaphore_mem>> -> memref<1x!tpu.dma_semaphore, #tpu.memory_space<semaphore_mem>>
    %dma_wait3A_767 = tpu.memref_squeeze %dma_wait3A_766 : memref<1x!tpu.dma_semaphore, #tpu.memory_space<semaphore_mem>> -> memref<!tpu.dma_semaphore, #tpu.memory_space<semaphore_mem>>
    tpu.wait_indirect_dma semaphore(%dma_wait3A_767 : memref<!tpu.dma_semaphore, #tpu.memory_space<semaphore_mem>>) src(%dma_wait3A_765 : memref<10000x128xf32, #tpu.memory_space<hbm>>) dst(%dma_wait3A_760 : memref<40x128xf32, #tpu.memory_space<vmem>>)
    %get3A_768 = arith.constant 9840 : index
    %get3A_769 = tpu.vector_load %arg7[%get3A_768] {strides = array<i32>} : memref<10000xi32, #tpu.memory_space<vmem>>, vector<16xi32>,
    %get3A_770 = vector.shape_cast %get3A_769 : vector<16xi32> to vector<16xi32>
    %dma_start3A_771 = arith.constant 0 : i32
    %dma_start3A_772 = arith.constant 0 : i32
    %dma_start3A_773 = arith.constant 0 : i32
    %dma_start3A_774 = arith.constant 0 : i32
    %dma_start3A_775 = tpu.memref_slice %arg8[%dma_start3A_771, %dma_start3A_773, %dma_start3A_774] : memref<3x80x128xf32, #tpu.memory_space<vmem>> -> memref<1x80x128xf32, #tpu.memory_space<vmem>>
    %dma_start3A_776 = tpu.memref_squeeze %dma_start3A_775 : memref<1x80x128xf32, #tpu.memory_space<vmem>> -> memref<80x128xf32, #tpu.memory_space<vmem>>
    %dma_start3A_777 = arith.constant 0 : i32
    %dma_start3A_778 = arith.constant 0 : i32
    %dma_start3A_779 = tpu.memref_slice %dma_start3A_776[%dma_start3A_777, %dma_start3A_778] : memref<80x128xf32, #tpu.memory_space<vmem>> -> memref<16x128xf32, #tpu.memory_space<vmem>>
    %dma_start3A_780 = arith.constant 0 : i32
    %dma_start3A_781 = arith.constant 0 : i32
    %dma_start3A_782 = tpu.memref_slice %arg5[%dma_start3A_780, %dma_start3A_781] : memref<10000x128xf32, #tpu.memory_space<vmem_shared>> -> memref<10000x128xf32, #tpu.memory_space<vmem_shared>>
    %dma_start3A_783 = tpu.memref_slice %arg10[%dma_start3A_772] : memref<3x!tpu.dma_semaphore, #tpu.memory_space<semaphore_mem>> -> memref<1x!tpu.dma_semaphore, #tpu.memory_space<semaphore_mem>>
    %dma_start3A_784 = tpu.memref_squeeze %dma_start3A_783 : memref<1x!tpu.dma_semaphore, #tpu.memory_space<semaphore_mem>> -> memref<!tpu.dma_semaphore, #tpu.memory_space<semaphore_mem>>
    tpu.enqueue_indirect_dma source(%dma_start3A_779 : memref<16x128xf32, #tpu.memory_space<vmem>>) target(%dma_start3A_782 : memref<10000x128xf32, #tpu.memory_space<vmem_shared>>) offsets(%get3A_770 : vector<16xi32>) semaphore(%dma_start3A_784 : memref<!tpu.dma_semaphore, #tpu.memory_space<semaphore_mem>>) {add = true}
    %get3A_785 = arith.constant 9856 : index
    %get3A_786 = tpu.vector_load %arg7[%get3A_785] {strides = array<i32>} : memref<10000xi32, #tpu.memory_space<vmem>>, vector<16xi32>,
    %get3A_787 = vector.shape_cast %get3A_786 : vector<16xi32> to vector<16xi32>
    %dma_start3A_788 = arith.constant 0 : i32
    %dma_start3A_789 = arith.constant 0 : i32
    %dma_start3A_790 = arith.constant 0 : i32
    %dma_start3A_791 = arith.constant 0 : i32
    %dma_start3A_792 = tpu.memref_slice %arg8[%dma_start3A_788, %dma_start3A_790, %dma_start3A_791] : memref<3x80x128xf32, #tpu.memory_space<vmem>> -> memref<1x80x128xf32, #tpu.memory_space<vmem>>
    %dma_start3A_793 = tpu.memref_squeeze %dma_start3A_792 : memref<1x80x128xf32, #tpu.memory_space<vmem>> -> memref<80x128xf32, #tpu.memory_space<vmem>>
    %dma_start3A_794 = arith.constant 16 : i32
    %dma_start3A_795 = arith.constant 0 : i32
    %dma_start3A_796 = tpu.memref_slice %dma_start3A_793[%dma_start3A_794, %dma_start3A_795] : memref<80x128xf32, #tpu.memory_space<vmem>> -> memref<16x128xf32, #tpu.memory_space<vmem>>
    %dma_start3A_797 = arith.constant 0 : i32
    %dma_start3A_798 = arith.constant 0 : i32
    %dma_start3A_799 = tpu.memref_slice %arg5[%dma_start3A_797, %dma_start3A_798] : memref<10000x128xf32, #tpu.memory_space<vmem_shared>> -> memref<10000x128xf32, #tpu.memory_space<vmem_shared>>
    %dma_start3A_800 = tpu.memref_slice %arg10[%dma_start3A_789] : memref<3x!tpu.dma_semaphore, #tpu.memory_space<semaphore_mem>> -> memref<1x!tpu.dma_semaphore, #tpu.memory_space<semaphore_mem>>
    %dma_start3A_801 = tpu.memref_squeeze %dma_start3A_800 : memref<1x!tpu.dma_semaphore, #tpu.memory_space<semaphore_mem>> -> memref<!tpu.dma_semaphore, #tpu.memory_space<semaphore_mem>>
    tpu.enqueue_indirect_dma source(%dma_start3A_796 : memref<16x128xf32, #tpu.memory_space<vmem>>) target(%dma_start3A_799 : memref<10000x128xf32, #tpu.memory_space<vmem_shared>>) offsets(%get3A_787 : vector<16xi32>) semaphore(%dma_start3A_801 : memref<!tpu.dma_semaphore, #tpu.memory_space<semaphore_mem>>) {add = true}
    %get3A_802 = arith.constant 9872 : index
    %get3A_803 = tpu.vector_load %arg7[%get3A_802] {strides = array<i32>} : memref<10000xi32, #tpu.memory_space<vmem>>, vector<16xi32>,
    %get3A_804 = vector.shape_cast %get3A_803 : vector<16xi32> to vector<16xi32>
    %dma_start3A_805 = arith.constant 0 : i32
    %dma_start3A_806 = arith.constant 0 : i32
    %dma_start3A_807 = arith.constant 0 : i32
    %dma_start3A_808 = arith.constant 0 : i32
    %dma_start3A_809 = tpu.memref_slice %arg8[%dma_start3A_805, %dma_start3A_807, %dma_start3A_808] : memref<3x80x128xf32, #tpu.memory_space<vmem>> -> memref<1x80x128xf32, #tpu.memory_space<vmem>>
    %dma_start3A_810 = tpu.memref_squeeze %dma_start3A_809 : memref<1x80x128xf32, #tpu.memory_space<vmem>> -> memref<80x128xf32, #tpu.memory_space<vmem>>
    %dma_start3A_811 = arith.constant 32 : i32
    %dma_start3A_812 = arith.constant 0 : i32
    %dma_start3A_813 = tpu.memref_slice %dma_start3A_810[%dma_start3A_811, %dma_start3A_812] : memref<80x128xf32, #tpu.memory_space<vmem>> -> memref<16x128xf32, #tpu.memory_space<vmem>>
    %dma_start3A_814 = arith.constant 0 : i32
    %dma_start3A_815 = arith.constant 0 : i32
    %dma_start3A_816 = tpu.memref_slice %arg5[%dma_start3A_814, %dma_start3A_815] : memref<10000x128xf32, #tpu.memory_space<vmem_shared>> -> memref<10000x128xf32, #tpu.memory_space<vmem_shared>>
    %dma_start3A_817 = tpu.memref_slice %arg10[%dma_start3A_806] : memref<3x!tpu.dma_semaphore, #tpu.memory_space<semaphore_mem>> -> memref<1x!tpu.dma_semaphore, #tpu.memory_space<semaphore_mem>>
    %dma_start3A_818 = tpu.memref_squeeze %dma_start3A_817 : memref<1x!tpu.dma_semaphore, #tpu.memory_space<semaphore_mem>> -> memref<!tpu.dma_semaphore, #tpu.memory_space<semaphore_mem>>
    tpu.enqueue_indirect_dma source(%dma_start3A_813 : memref<16x128xf32, #tpu.memory_space<vmem>>) target(%dma_start3A_816 : memref<10000x128xf32, #tpu.memory_space<vmem_shared>>) offsets(%get3A_804 : vector<16xi32>) semaphore(%dma_start3A_818 : memref<!tpu.dma_semaphore, #tpu.memory_space<semaphore_mem>>) {add = true}
    %get3A_819 = arith.constant 9888 : index
    %get3A_820 = tpu.vector_load %arg7[%get3A_819] {strides = array<i32>} : memref<10000xi32, #tpu.memory_space<vmem>>, vector<16xi32>,
    %get3A_821 = vector.shape_cast %get3A_820 : vector<16xi32> to vector<16xi32>
    %dma_start3A_822 = arith.constant 0 : i32
    %dma_start3A_823 = arith.constant 0 : i32
    %dma_start3A_824 = arith.constant 0 : i32
    %dma_start3A_825 = arith.constant 0 : i32
    %dma_start3A_826 = tpu.memref_slice %arg8[%dma_start3A_822, %dma_start3A_824, %dma_start3A_825] : memref<3x80x128xf32, #tpu.memory_space<vmem>> -> memref<1x80x128xf32, #tpu.memory_space<vmem>>
    %dma_start3A_827 = tpu.memref_squeeze %dma_start3A_826 : memref<1x80x128xf32, #tpu.memory_space<vmem>> -> memref<80x128xf32, #tpu.memory_space<vmem>>
    %dma_start3A_828 = arith.constant 48 : i32
    %dma_start3A_829 = arith.constant 0 : i32
    %dma_start3A_830 = tpu.memref_slice %dma_start3A_827[%dma_start3A_828, %dma_start3A_829] : memref<80x128xf32, #tpu.memory_space<vmem>> -> memref<16x128xf32, #tpu.memory_space<vmem>>
    %dma_start3A_831 = arith.constant 0 : i32
    %dma_start3A_832 = arith.constant 0 : i32
    %dma_start3A_833 = tpu.memref_slice %arg5[%dma_start3A_831, %dma_start3A_832] : memref<10000x128xf32, #tpu.memory_space<vmem_shared>> -> memref<10000x128xf32, #tpu.memory_space<vmem_shared>>
    %dma_start3A_834 = tpu.memref_slice %arg10[%dma_start3A_823] : memref<3x!tpu.dma_semaphore, #tpu.memory_space<semaphore_mem>> -> memref<1x!tpu.dma_semaphore, #tpu.memory_space<semaphore_mem>>
    %dma_start3A_835 = tpu.memref_squeeze %dma_start3A_834 : memref<1x!tpu.dma_semaphore, #tpu.memory_space<semaphore_mem>> -> memref<!tpu.dma_semaphore, #tpu.memory_space<semaphore_mem>>
    tpu.enqueue_indirect_dma source(%dma_start3A_830 : memref<16x128xf32, #tpu.memory_space<vmem>>) target(%dma_start3A_833 : memref<10000x128xf32, #tpu.memory_space<vmem_shared>>) offsets(%get3A_821 : vector<16xi32>) semaphore(%dma_start3A_835 : memref<!tpu.dma_semaphore, #tpu.memory_space<semaphore_mem>>) {add = true}
    %get3A_836 = arith.constant 9904 : index
    %get3A_837 = tpu.vector_load %arg7[%get3A_836] {strides = array<i32>} : memref<10000xi32, #tpu.memory_space<vmem>>, vector<16xi32>,
    %get3A_838 = vector.shape_cast %get3A_837 : vector<16xi32> to vector<16xi32>
    %dma_start3A_839 = arith.constant 0 : i32
    %dma_start3A_840 = arith.constant 0 : i32
    %dma_start3A_841 = arith.constant 0 : i32
    %dma_start3A_842 = arith.constant 0 : i32
    %dma_start3A_843 = tpu.memref_slice %arg8[%dma_start3A_839, %dma_start3A_841, %dma_start3A_842] : memref<3x80x128xf32, #tpu.memory_space<vmem>> -> memref<1x80x128xf32, #tpu.memory_space<vmem>>
    %dma_start3A_844 = tpu.memref_squeeze %dma_start3A_843 : memref<1x80x128xf32, #tpu.memory_space<vmem>> -> memref<80x128xf32, #tpu.memory_space<vmem>>
    %dma_start3A_845 = arith.constant 64 : i32
    %dma_start3A_846 = arith.constant 0 : i32
    %dma_start3A_847 = tpu.memref_slice %dma_start3A_844[%dma_start3A_845, %dma_start3A_846] : memref<80x128xf32, #tpu.memory_space<vmem>> -> memref<16x128xf32, #tpu.memory_space<vmem>>
    %dma_start3A_848 = arith.constant 0 : i32
    %dma_start3A_849 = arith.constant 0 : i32
    %dma_start3A_850 = tpu.memref_slice %arg5[%dma_start3A_848, %dma_start3A_849] : memref<10000x128xf32, #tpu.memory_space<vmem_shared>> -> memref<10000x128xf32, #tpu.memory_space<vmem_shared>>
    %dma_start3A_851 = tpu.memref_slice %arg10[%dma_start3A_840] : memref<3x!tpu.dma_semaphore, #tpu.memory_space<semaphore_mem>> -> memref<1x!tpu.dma_semaphore, #tpu.memory_space<semaphore_mem>>
    %dma_start3A_852 = tpu.memref_squeeze %dma_start3A_851 : memref<1x!tpu.dma_semaphore, #tpu.memory_space<semaphore_mem>> -> memref<!tpu.dma_semaphore, #tpu.memory_space<semaphore_mem>>
    tpu.enqueue_indirect_dma source(%dma_start3A_847 : memref<16x128xf32, #tpu.memory_space<vmem>>) target(%dma_start3A_850 : memref<10000x128xf32, #tpu.memory_space<vmem_shared>>) offsets(%get3A_838 : vector<16xi32>) semaphore(%dma_start3A_852 : memref<!tpu.dma_semaphore, #tpu.memory_space<semaphore_mem>>) {add = true}
    %dma_wait3A_853 = arith.constant 1 : i32
    %dma_wait3A_854 = arith.constant 1 : i32
    %dma_wait3A_855 = arith.constant 0 : i32
    %dma_wait3A_856 = arith.constant 0 : i32
    %dma_wait3A_857 = tpu.memref_slice %arg8[%dma_wait3A_853, %dma_wait3A_855, %dma_wait3A_856] : memref<3x80x128xf32, #tpu.memory_space<vmem>> -> memref<1x80x128xf32, #tpu.memory_space<vmem>>
    %dma_wait3A_858 = tpu.memref_squeeze %dma_wait3A_857 : memref<1x80x128xf32, #tpu.memory_space<vmem>> -> memref<80x128xf32, #tpu.memory_space<vmem>>
    %dma_wait3A_859 = arith.constant 0 : i32
    %dma_wait3A_860 = arith.constant 0 : i32
    %dma_wait3A_861 = tpu.memref_slice %dma_wait3A_858[%dma_wait3A_859, %dma_wait3A_860] : memref<80x128xf32, #tpu.memory_space<vmem>> -> memref<40x128xf32, #tpu.memory_space<vmem>>
    %dma_wait3A_862 = arith.constant 9920 : i32
    %dma_wait3A_863 = tpu.memref_slice %arg6[%dma_wait3A_862] : memref<10000xi32, #tpu.memory_space<vmem>> -> memref<40xi32, #tpu.memory_space<vmem>>
    %dma_wait3A_864 = arith.constant 0 : i32
    %dma_wait3A_865 = arith.constant 0 : i32
    %dma_wait3A_866 = tpu.memref_slice %arg2[%dma_wait3A_864, %dma_wait3A_865] : memref<10000x128xf32, #tpu.memory_space<hbm>> -> memref<10000x128xf32, #tpu.memory_space<hbm>>
    %dma_wait3A_867 = tpu.memref_slice %arg9[%dma_wait3A_854] : memref<3x!tpu.dma_semaphore, #tpu.memory_space<semaphore_mem>> -> memref<1x!tpu.dma_semaphore, #tpu.memory_space<semaphore_mem>>
    %dma_wait3A_868 = tpu.memref_squeeze %dma_wait3A_867 : memref<1x!tpu.dma_semaphore, #tpu.memory_space<semaphore_mem>> -> memref<!tpu.dma_semaphore, #tpu.memory_space<semaphore_mem>>
    tpu.wait_indirect_dma semaphore(%dma_wait3A_868 : memref<!tpu.dma_semaphore, #tpu.memory_space<semaphore_mem>>) src(%dma_wait3A_866 : memref<10000x128xf32, #tpu.memory_space<hbm>>) dst(%dma_wait3A_861 : memref<40x128xf32, #tpu.memory_space<vmem>>)
    %dma_wait3A_869 = arith.constant 1 : i32
    %dma_wait3A_870 = arith.constant 1 : i32
    %dma_wait3A_871 = arith.constant 0 : i32
    %dma_wait3A_872 = arith.constant 0 : i32
    %dma_wait3A_873 = tpu.memref_slice %arg8[%dma_wait3A_869, %dma_wait3A_871, %dma_wait3A_872] : memref<3x80x128xf32, #tpu.memory_space<vmem>> -> memref<1x80x128xf32, #tpu.memory_space<vmem>>
    %dma_wait3A_874 = tpu.memref_squeeze %dma_wait3A_873 : memref<1x80x128xf32, #tpu.memory_space<vmem>> -> memref<80x128xf32, #tpu.memory_space<vmem>>
    %dma_wait3A_875 = arith.constant 40 : i32
    %dma_wait3A_876 = arith.constant 0 : i32
    %dma_wait3A_877 = tpu.memref_slice %dma_wait3A_874[%dma_wait3A_875, %dma_wait3A_876] : memref<80x128xf32, #tpu.memory_space<vmem>> -> memref<40x128xf32, #tpu.memory_space<vmem>>
    %dma_wait3A_878 = arith.constant 9960 : i32
    %dma_wait3A_879 = tpu.memref_slice %arg6[%dma_wait3A_878] : memref<10000xi32, #tpu.memory_space<vmem>> -> memref<40xi32, #tpu.memory_space<vmem>>
    %dma_wait3A_880 = arith.constant 0 : i32
    %dma_wait3A_881 = arith.constant 0 : i32
    %dma_wait3A_882 = tpu.memref_slice %arg2[%dma_wait3A_880, %dma_wait3A_881] : memref<10000x128xf32, #tpu.memory_space<hbm>> -> memref<10000x128xf32, #tpu.memory_space<hbm>>
    %dma_wait3A_883 = tpu.memref_slice %arg9[%dma_wait3A_870] : memref<3x!tpu.dma_semaphore, #tpu.memory_space<semaphore_mem>> -> memref<1x!tpu.dma_semaphore, #tpu.memory_space<semaphore_mem>>
    %dma_wait3A_884 = tpu.memref_squeeze %dma_wait3A_883 : memref<1x!tpu.dma_semaphore, #tpu.memory_space<semaphore_mem>> -> memref<!tpu.dma_semaphore, #tpu.memory_space<semaphore_mem>>
    tpu.wait_indirect_dma semaphore(%dma_wait3A_884 : memref<!tpu.dma_semaphore, #tpu.memory_space<semaphore_mem>>) src(%dma_wait3A_882 : memref<10000x128xf32, #tpu.memory_space<hbm>>) dst(%dma_wait3A_877 : memref<40x128xf32, #tpu.memory_space<vmem>>)
    %get3A_885 = arith.constant 9920 : index
    %get3A_886 = tpu.vector_load %arg7[%get3A_885] {strides = array<i32>} : memref<10000xi32, #tpu.memory_space<vmem>>, vector<16xi32>,
    %get3A_887 = vector.shape_cast %get3A_886 : vector<16xi32> to vector<16xi32>
    %dma_start3A_888 = arith.constant 1 : i32
    %dma_start3A_889 = arith.constant 1 : i32
    %dma_start3A_890 = arith.constant 0 : i32
    %dma_start3A_891 = arith.constant 0 : i32
    %dma_start3A_892 = tpu.memref_slice %arg8[%dma_start3A_888, %dma_start3A_890, %dma_start3A_891] : memref<3x80x128xf32, #tpu.memory_space<vmem>> -> memref<1x80x128xf32, #tpu.memory_space<vmem>>
    %dma_start3A_893 = tpu.memref_squeeze %dma_start3A_892 : memref<1x80x128xf32, #tpu.memory_space<vmem>> -> memref<80x128xf32, #tpu.memory_space<vmem>>
    %dma_start3A_894 = arith.constant 0 : i32
    %dma_start3A_895 = arith.constant 0 : i32
    %dma_start3A_896 = tpu.memref_slice %dma_start3A_893[%dma_start3A_894, %dma_start3A_895] : memref<80x128xf32, #tpu.memory_space<vmem>> -> memref<16x128xf32, #tpu.memory_space<vmem>>
    %dma_start3A_897 = arith.constant 0 : i32
    %dma_start3A_898 = arith.constant 0 : i32
    %dma_start3A_899 = tpu.memref_slice %arg5[%dma_start3A_897, %dma_start3A_898] : memref<10000x128xf32, #tpu.memory_space<vmem_shared>> -> memref<10000x128xf32, #tpu.memory_space<vmem_shared>>
    %dma_start3A_900 = tpu.memref_slice %arg10[%dma_start3A_889] : memref<3x!tpu.dma_semaphore, #tpu.memory_space<semaphore_mem>> -> memref<1x!tpu.dma_semaphore, #tpu.memory_space<semaphore_mem>>
    %dma_start3A_901 = tpu.memref_squeeze %dma_start3A_900 : memref<1x!tpu.dma_semaphore, #tpu.memory_space<semaphore_mem>> -> memref<!tpu.dma_semaphore, #tpu.memory_space<semaphore_mem>>
    tpu.enqueue_indirect_dma source(%dma_start3A_896 : memref<16x128xf32, #tpu.memory_space<vmem>>) target(%dma_start3A_899 : memref<10000x128xf32, #tpu.memory_space<vmem_shared>>) offsets(%get3A_887 : vector<16xi32>) semaphore(%dma_start3A_901 : memref<!tpu.dma_semaphore, #tpu.memory_space<semaphore_mem>>) {add = true}
    %get3A_902 = arith.constant 9936 : index
    %get3A_903 = tpu.vector_load %arg7[%get3A_902] {strides = array<i32>} : memref<10000xi32, #tpu.memory_space<vmem>>, vector<16xi32>,
    %get3A_904 = vector.shape_cast %get3A_903 : vector<16xi32> to vector<16xi32>
    %dma_start3A_905 = arith.constant 1 : i32
    %dma_start3A_906 = arith.constant 1 : i32
    %dma_start3A_907 = arith.constant 0 : i32
    %dma_start3A_908 = arith.constant 0 : i32
    %dma_start3A_909 = tpu.memref_slice %arg8[%dma_start3A_905, %dma_start3A_907, %dma_start3A_908] : memref<3x80x128xf32, #tpu.memory_space<vmem>> -> memref<1x80x128xf32, #tpu.memory_space<vmem>>
    %dma_start3A_910 = tpu.memref_squeeze %dma_start3A_909 : memref<1x80x128xf32, #tpu.memory_space<vmem>> -> memref<80x128xf32, #tpu.memory_space<vmem>>
    %dma_start3A_911 = arith.constant 16 : i32
    %dma_start3A_912 = arith.constant 0 : i32
    %dma_start3A_913 = tpu.memref_slice %dma_start3A_910[%dma_start3A_911, %dma_start3A_912] : memref<80x128xf32, #tpu.memory_space<vmem>> -> memref<16x128xf32, #tpu.memory_space<vmem>>
    %dma_start3A_914 = arith.constant 0 : i32
    %dma_start3A_915 = arith.constant 0 : i32
    %dma_start3A_916 = tpu.memref_slice %arg5[%dma_start3A_914, %dma_start3A_915] : memref<10000x128xf32, #tpu.memory_space<vmem_shared>> -> memref<10000x128xf32, #tpu.memory_space<vmem_shared>>
    %dma_start3A_917 = tpu.memref_slice %arg10[%dma_start3A_906] : memref<3x!tpu.dma_semaphore, #tpu.memory_space<semaphore_mem>> -> memref<1x!tpu.dma_semaphore, #tpu.memory_space<semaphore_mem>>
    %dma_start3A_918 = tpu.memref_squeeze %dma_start3A_917 : memref<1x!tpu.dma_semaphore, #tpu.memory_space<semaphore_mem>> -> memref<!tpu.dma_semaphore, #tpu.memory_space<semaphore_mem>>
    tpu.enqueue_indirect_dma source(%dma_start3A_913 : memref<16x128xf32, #tpu.memory_space<vmem>>) target(%dma_start3A_916 : memref<10000x128xf32, #tpu.memory_space<vmem_shared>>) offsets(%get3A_904 : vector<16xi32>) semaphore(%dma_start3A_918 : memref<!tpu.dma_semaphore, #tpu.memory_space<semaphore_mem>>) {add = true}
    %get3A_919 = arith.constant 9952 : index
    %get3A_920 = tpu.vector_load %arg7[%get3A_919] {strides = array<i32>} : memref<10000xi32, #tpu.memory_space<vmem>>, vector<16xi32>,
    %get3A_921 = vector.shape_cast %get3A_920 : vector<16xi32> to vector<16xi32>
    %dma_start3A_922 = arith.constant 1 : i32
    %dma_start3A_923 = arith.constant 1 : i32
    %dma_start3A_924 = arith.constant 0 : i32
    %dma_start3A_925 = arith.constant 0 : i32
    %dma_start3A_926 = tpu.memref_slice %arg8[%dma_start3A_922, %dma_start3A_924, %dma_start3A_925] : memref<3x80x128xf32, #tpu.memory_space<vmem>> -> memref<1x80x128xf32, #tpu.memory_space<vmem>>
    %dma_start3A_927 = tpu.memref_squeeze %dma_start3A_926 : memref<1x80x128xf32, #tpu.memory_space<vmem>> -> memref<80x128xf32, #tpu.memory_space<vmem>>
    %dma_start3A_928 = arith.constant 32 : i32
    %dma_start3A_929 = arith.constant 0 : i32
    %dma_start3A_930 = tpu.memref_slice %dma_start3A_927[%dma_start3A_928, %dma_start3A_929] : memref<80x128xf32, #tpu.memory_space<vmem>> -> memref<16x128xf32, #tpu.memory_space<vmem>>
    %dma_start3A_931 = arith.constant 0 : i32
    %dma_start3A_932 = arith.constant 0 : i32
    %dma_start3A_933 = tpu.memref_slice %arg5[%dma_start3A_931, %dma_start3A_932] : memref<10000x128xf32, #tpu.memory_space<vmem_shared>> -> memref<10000x128xf32, #tpu.memory_space<vmem_shared>>
    %dma_start3A_934 = tpu.memref_slice %arg10[%dma_start3A_923] : memref<3x!tpu.dma_semaphore, #tpu.memory_space<semaphore_mem>> -> memref<1x!tpu.dma_semaphore, #tpu.memory_space<semaphore_mem>>
    %dma_start3A_935 = tpu.memref_squeeze %dma_start3A_934 : memref<1x!tpu.dma_semaphore, #tpu.memory_space<semaphore_mem>> -> memref<!tpu.dma_semaphore, #tpu.memory_space<semaphore_mem>>
    tpu.enqueue_indirect_dma source(%dma_start3A_930 : memref<16x128xf32, #tpu.memory_space<vmem>>) target(%dma_start3A_933 : memref<10000x128xf32, #tpu.memory_space<vmem_shared>>) offsets(%get3A_921 : vector<16xi32>) semaphore(%dma_start3A_935 : memref<!tpu.dma_semaphore, #tpu.memory_space<semaphore_mem>>) {add = true}
    %get3A_936 = arith.constant 9968 : index
    %get3A_937 = tpu.vector_load %arg7[%get3A_936] {strides = array<i32>} : memref<10000xi32, #tpu.memory_space<vmem>>, vector<16xi32>,
    %get3A_938 = vector.shape_cast %get3A_937 : vector<16xi32> to vector<16xi32>
    %dma_start3A_939 = arith.constant 1 : i32
    %dma_start3A_940 = arith.constant 1 : i32
    %dma_start3A_941 = arith.constant 0 : i32
    %dma_start3A_942 = arith.constant 0 : i32
    %dma_start3A_943 = tpu.memref_slice %arg8[%dma_start3A_939, %dma_start3A_941, %dma_start3A_942] : memref<3x80x128xf32, #tpu.memory_space<vmem>> -> memref<1x80x128xf32, #tpu.memory_space<vmem>>
    %dma_start3A_944 = tpu.memref_squeeze %dma_start3A_943 : memref<1x80x128xf32, #tpu.memory_space<vmem>> -> memref<80x128xf32, #tpu.memory_space<vmem>>
    %dma_start3A_945 = arith.constant 48 : i32
    %dma_start3A_946 = arith.constant 0 : i32
    %dma_start3A_947 = tpu.memref_slice %dma_start3A_944[%dma_start3A_945, %dma_start3A_946] : memref<80x128xf32, #tpu.memory_space<vmem>> -> memref<16x128xf32, #tpu.memory_space<vmem>>
    %dma_start3A_948 = arith.constant 0 : i32
    %dma_start3A_949 = arith.constant 0 : i32
    %dma_start3A_950 = tpu.memref_slice %arg5[%dma_start3A_948, %dma_start3A_949] : memref<10000x128xf32, #tpu.memory_space<vmem_shared>> -> memref<10000x128xf32, #tpu.memory_space<vmem_shared>>
    %dma_start3A_951 = tpu.memref_slice %arg10[%dma_start3A_940] : memref<3x!tpu.dma_semaphore, #tpu.memory_space<semaphore_mem>> -> memref<1x!tpu.dma_semaphore, #tpu.memory_space<semaphore_mem>>
    %dma_start3A_952 = tpu.memref_squeeze %dma_start3A_951 : memref<1x!tpu.dma_semaphore, #tpu.memory_space<semaphore_mem>> -> memref<!tpu.dma_semaphore, #tpu.memory_space<semaphore_mem>>
    tpu.enqueue_indirect_dma source(%dma_start3A_947 : memref<16x128xf32, #tpu.memory_space<vmem>>) target(%dma_start3A_950 : memref<10000x128xf32, #tpu.memory_space<vmem_shared>>) offsets(%get3A_938 : vector<16xi32>) semaphore(%dma_start3A_952 : memref<!tpu.dma_semaphore, #tpu.memory_space<semaphore_mem>>) {add = true}
    %get3A_953 = arith.constant 9984 : index
    %get3A_954 = tpu.vector_load %arg7[%get3A_953] {strides = array<i32>} : memref<10000xi32, #tpu.memory_space<vmem>>, vector<16xi32>,
    %get3A_955 = vector.shape_cast %get3A_954 : vector<16xi32> to vector<16xi32>
    %dma_start3A_956 = arith.constant 1 : i32
    %dma_start3A_957 = arith.constant 1 : i32
    %dma_start3A_958 = arith.constant 0 : i32
    %dma_start3A_959 = arith.constant 0 : i32
    %dma_start3A_960 = tpu.memref_slice %arg8[%dma_start3A_956, %dma_start3A_958, %dma_start3A_959] : memref<3x80x128xf32, #tpu.memory_space<vmem>> -> memref<1x80x128xf32, #tpu.memory_space<vmem>>
    %dma_start3A_961 = tpu.memref_squeeze %dma_start3A_960 : memref<1x80x128xf32, #tpu.memory_space<vmem>> -> memref<80x128xf32, #tpu.memory_space<vmem>>
    %dma_start3A_962 = arith.constant 64 : i32
    %dma_start3A_963 = arith.constant 0 : i32
    %dma_start3A_964 = tpu.memref_slice %dma_start3A_961[%dma_start3A_962, %dma_start3A_963] : memref<80x128xf32, #tpu.memory_space<vmem>> -> memref<16x128xf32, #tpu.memory_space<vmem>>
    %dma_start3A_965 = arith.constant 0 : i32
    %dma_start3A_966 = arith.constant 0 : i32
    %dma_start3A_967 = tpu.memref_slice %arg5[%dma_start3A_965, %dma_start3A_966] : memref<10000x128xf32, #tpu.memory_space<vmem_shared>> -> memref<10000x128xf32, #tpu.memory_space<vmem_shared>>
    %dma_start3A_968 = tpu.memref_slice %arg10[%dma_start3A_957] : memref<3x!tpu.dma_semaphore, #tpu.memory_space<semaphore_mem>> -> memref<1x!tpu.dma_semaphore, #tpu.memory_space<semaphore_mem>>
    %dma_start3A_969 = tpu.memref_squeeze %dma_start3A_968 : memref<1x!tpu.dma_semaphore, #tpu.memory_space<semaphore_mem>> -> memref<!tpu.dma_semaphore, #tpu.memory_space<semaphore_mem>>
    tpu.enqueue_indirect_dma source(%dma_start3A_964 : memref<16x128xf32, #tpu.memory_space<vmem>>) target(%dma_start3A_967 : memref<10000x128xf32, #tpu.memory_space<vmem_shared>>) offsets(%get3A_955 : vector<16xi32>) semaphore(%dma_start3A_969 : memref<!tpu.dma_semaphore, #tpu.memory_space<semaphore_mem>>) {add = true}
    %get3A_970 = arith.constant 9760 : index
    %get3A_971 = tpu.vector_load %arg7[%get3A_970] {strides = array<i32>} : memref<10000xi32, #tpu.memory_space<vmem>>, vector<16xi32>,
    %get3A_972 = vector.shape_cast %get3A_971 : vector<16xi32> to vector<16xi32>
    %dma_wait3A_973 = arith.constant 2 : i32
    %dma_wait3A_974 = arith.constant 2 : i32
    %dma_wait3A_975 = arith.constant 0 : i32
    %dma_wait3A_976 = arith.constant 0 : i32
    %dma_wait3A_977 = tpu.memref_slice %arg8[%dma_wait3A_973, %dma_wait3A_975, %dma_wait3A_976] : memref<3x80x128xf32, #tpu.memory_space<vmem>> -> memref<1x80x128xf32, #tpu.memory_space<vmem>>
    %dma_wait3A_978 = tpu.memref_squeeze %dma_wait3A_977 : memref<1x80x128xf32, #tpu.memory_space<vmem>> -> memref<80x128xf32, #tpu.memory_space<vmem>>
    %dma_wait3A_979 = arith.constant 0 : i32
    %dma_wait3A_980 = arith.constant 0 : i32
    %dma_wait3A_981 = tpu.memref_slice %dma_wait3A_978[%dma_wait3A_979, %dma_wait3A_980] : memref<80x128xf32, #tpu.memory_space<vmem>> -> memref<16x128xf32, #tpu.memory_space<vmem>>
    %dma_wait3A_982 = arith.constant 0 : i32
    %dma_wait3A_983 = arith.constant 0 : i32
    %dma_wait3A_984 = tpu.memref_slice %arg5[%dma_wait3A_982, %dma_wait3A_983] : memref<10000x128xf32, #tpu.memory_space<vmem_shared>> -> memref<10000x128xf32, #tpu.memory_space<vmem_shared>>
    %dma_wait3A_985 = tpu.memref_slice %arg10[%dma_wait3A_974] : memref<3x!tpu.dma_semaphore, #tpu.memory_space<semaphore_mem>> -> memref<1x!tpu.dma_semaphore, #tpu.memory_space<semaphore_mem>>
    %dma_wait3A_986 = tpu.memref_squeeze %dma_wait3A_985 : memref<1x!tpu.dma_semaphore, #tpu.memory_space<semaphore_mem>> -> memref<!tpu.dma_semaphore, #tpu.memory_space<semaphore_mem>>
    tpu.wait_indirect_dma semaphore(%dma_wait3A_986 : memref<!tpu.dma_semaphore, #tpu.memory_space<semaphore_mem>>) src(%dma_wait3A_981 : memref<16x128xf32, #tpu.memory_space<vmem>>) dst(%dma_wait3A_984 : memref<10000x128xf32, #tpu.memory_space<vmem_shared>>)
    %get3A_987 = arith.constant 9776 : index
    %get3A_988 = tpu.vector_load %arg7[%get3A_987] {strides = array<i32>} : memref<10000xi32, #tpu.memory_space<vmem>>, vector<16xi32>,
    %get3A_989 = vector.shape_cast %get3A_988 : vector<16xi32> to vector<16xi32>
    %dma_wait3A_990 = arith.constant 2 : i32
    %dma_wait3A_991 = arith.constant 2 : i32
    %dma_wait3A_992 = arith.constant 0 : i32
    %dma_wait3A_993 = arith.constant 0 : i32
    %dma_wait3A_994 = tpu.memref_slice %arg8[%dma_wait3A_990, %dma_wait3A_992, %dma_wait3A_993] : memref<3x80x128xf32, #tpu.memory_space<vmem>> -> memref<1x80x128xf32, #tpu.memory_space<vmem>>
    %dma_wait3A_995 = tpu.memref_squeeze %dma_wait3A_994 : memref<1x80x128xf32, #tpu.memory_space<vmem>> -> memref<80x128xf32, #tpu.memory_space<vmem>>
    %dma_wait3A_996 = arith.constant 16 : i32
    %dma_wait3A_997 = arith.constant 0 : i32
    %dma_wait3A_998 = tpu.memref_slice %dma_wait3A_995[%dma_wait3A_996, %dma_wait3A_997] : memref<80x128xf32, #tpu.memory_space<vmem>> -> memref<16x128xf32, #tpu.memory_space<vmem>>
    %dma_wait3A_999 = arith.constant 0 : i32
    %dma_wait3A_1000 = arith.constant 0 : i32
    %dma_wait3A_1001 = tpu.memref_slice %arg5[%dma_wait3A_999, %dma_wait3A_1000] : memref<10000x128xf32, #tpu.memory_space<vmem_shared>> -> memref<10000x128xf32, #tpu.memory_space<vmem_shared>>
    %dma_wait3A_1002 = tpu.memref_slice %arg10[%dma_wait3A_991] : memref<3x!tpu.dma_semaphore, #tpu.memory_space<semaphore_mem>> -> memref<1x!tpu.dma_semaphore, #tpu.memory_space<semaphore_mem>>
    %dma_wait3A_1003 = tpu.memref_squeeze %dma_wait3A_1002 : memref<1x!tpu.dma_semaphore, #tpu.memory_space<semaphore_mem>> -> memref<!tpu.dma_semaphore, #tpu.memory_space<semaphore_mem>>
    tpu.wait_indirect_dma semaphore(%dma_wait3A_1003 : memref<!tpu.dma_semaphore, #tpu.memory_space<semaphore_mem>>) src(%dma_wait3A_998 : memref<16x128xf32, #tpu.memory_space<vmem>>) dst(%dma_wait3A_1001 : memref<10000x128xf32, #tpu.memory_space<vmem_shared>>)
    %get3A_1004 = arith.constant 9792 : index
    %get3A_1005 = tpu.vector_load %arg7[%get3A_1004] {strides = array<i32>} : memref<10000xi32, #tpu.memory_space<vmem>>, vector<16xi32>,
    %get3A_1006 = vector.shape_cast %get3A_1005 : vector<16xi32> to vector<16xi32>
    %dma_wait3A_1007 = arith.constant 2 : i32
    %dma_wait3A_1008 = arith.constant 2 : i32
    %dma_wait3A_1009 = arith.constant 0 : i32
    %dma_wait3A_1010 = arith.constant 0 : i32
    %dma_wait3A_1011 = tpu.memref_slice %arg8[%dma_wait3A_1007, %dma_wait3A_1009, %dma_wait3A_1010] : memref<3x80x128xf32, #tpu.memory_space<vmem>> -> memref<1x80x128xf32, #tpu.memory_space<vmem>>
    %dma_wait3A_1012 = tpu.memref_squeeze %dma_wait3A_1011 : memref<1x80x128xf32, #tpu.memory_space<vmem>> -> memref<80x128xf32, #tpu.memory_space<vmem>>
    %dma_wait3A_1013 = arith.constant 32 : i32
    %dma_wait3A_1014 = arith.constant 0 : i32
    %dma_wait3A_1015 = tpu.memref_slice %dma_wait3A_1012[%dma_wait3A_1013, %dma_wait3A_1014] : memref<80x128xf32, #tpu.memory_space<vmem>> -> memref<16x128xf32, #tpu.memory_space<vmem>>
    %dma_wait3A_1016 = arith.constant 0 : i32
    %dma_wait3A_1017 = arith.constant 0 : i32
    %dma_wait3A_1018 = tpu.memref_slice %arg5[%dma_wait3A_1016, %dma_wait3A_1017] : memref<10000x128xf32, #tpu.memory_space<vmem_shared>> -> memref<10000x128xf32, #tpu.memory_space<vmem_shared>>
    %dma_wait3A_1019 = tpu.memref_slice %arg10[%dma_wait3A_1008] : memref<3x!tpu.dma_semaphore, #tpu.memory_space<semaphore_mem>> -> memref<1x!tpu.dma_semaphore, #tpu.memory_space<semaphore_mem>>
    %dma_wait3A_1020 = tpu.memref_squeeze %dma_wait3A_1019 : memref<1x!tpu.dma_semaphore, #tpu.memory_space<semaphore_mem>> -> memref<!tpu.dma_semaphore, #tpu.memory_space<semaphore_mem>>
    tpu.wait_indirect_dma semaphore(%dma_wait3A_1020 : memref<!tpu.dma_semaphore, #tpu.memory_space<semaphore_mem>>) src(%dma_wait3A_1015 : memref<16x128xf32, #tpu.memory_space<vmem>>) dst(%dma_wait3A_1018 : memref<10000x128xf32, #tpu.memory_space<vmem_shared>>)
    %get3A_1021 = arith.constant 9808 : index
    %get3A_1022 = tpu.vector_load %arg7[%get3A_1021] {strides = array<i32>} : memref<10000xi32, #tpu.memory_space<vmem>>, vector<16xi32>,
    %get3A_1023 = vector.shape_cast %get3A_1022 : vector<16xi32> to vector<16xi32>
    %dma_wait3A_1024 = arith.constant 2 : i32
    %dma_wait3A_1025 = arith.constant 2 : i32
    %dma_wait3A_1026 = arith.constant 0 : i32
    %dma_wait3A_1027 = arith.constant 0 : i32
    %dma_wait3A_1028 = tpu.memref_slice %arg8[%dma_wait3A_1024, %dma_wait3A_1026, %dma_wait3A_1027] : memref<3x80x128xf32, #tpu.memory_space<vmem>> -> memref<1x80x128xf32, #tpu.memory_space<vmem>>
    %dma_wait3A_1029 = tpu.memref_squeeze %dma_wait3A_1028 : memref<1x80x128xf32, #tpu.memory_space<vmem>> -> memref<80x128xf32, #tpu.memory_space<vmem>>
    %dma_wait3A_1030 = arith.constant 48 : i32
    %dma_wait3A_1031 = arith.constant 0 : i32
    %dma_wait3A_1032 = tpu.memref_slice %dma_wait3A_1029[%dma_wait3A_1030, %dma_wait3A_1031] : memref<80x128xf32, #tpu.memory_space<vmem>> -> memref<16x128xf32, #tpu.memory_space<vmem>>
    %dma_wait3A_1033 = arith.constant 0 : i32
    %dma_wait3A_1034 = arith.constant 0 : i32
    %dma_wait3A_1035 = tpu.memref_slice %arg5[%dma_wait3A_1033, %dma_wait3A_1034] : memref<10000x128xf32, #tpu.memory_space<vmem_shared>> -> memref<10000x128xf32, #tpu.memory_space<vmem_shared>>
    %dma_wait3A_1036 = tpu.memref_slice %arg10[%dma_wait3A_1025] : memref<3x!tpu.dma_semaphore, #tpu.memory_space<semaphore_mem>> -> memref<1x!tpu.dma_semaphore, #tpu.memory_space<semaphore_mem>>
    %dma_wait3A_1037 = tpu.memref_squeeze %dma_wait3A_1036 : memref<1x!tpu.dma_semaphore, #tpu.memory_space<semaphore_mem>> -> memref<!tpu.dma_semaphore, #tpu.memory_space<semaphore_mem>>
    tpu.wait_indirect_dma semaphore(%dma_wait3A_1037 : memref<!tpu.dma_semaphore, #tpu.memory_space<semaphore_mem>>) src(%dma_wait3A_1032 : memref<16x128xf32, #tpu.memory_space<vmem>>) dst(%dma_wait3A_1035 : memref<10000x128xf32, #tpu.memory_space<vmem_shared>>)
    %get3A_1038 = arith.constant 9824 : index
    %get3A_1039 = tpu.vector_load %arg7[%get3A_1038] {strides = array<i32>} : memref<10000xi32, #tpu.memory_space<vmem>>, vector<16xi32>,
    %get3A_1040 = vector.shape_cast %get3A_1039 : vector<16xi32> to vector<16xi32>
    %dma_wait3A_1041 = arith.constant 2 : i32
    %dma_wait3A_1042 = arith.constant 2 : i32
    %dma_wait3A_1043 = arith.constant 0 : i32
    %dma_wait3A_1044 = arith.constant 0 : i32
    %dma_wait3A_1045 = tpu.memref_slice %arg8[%dma_wait3A_1041, %dma_wait3A_1043, %dma_wait3A_1044] : memref<3x80x128xf32, #tpu.memory_space<vmem>> -> memref<1x80x128xf32, #tpu.memory_space<vmem>>
    %dma_wait3A_1046 = tpu.memref_squeeze %dma_wait3A_1045 : memref<1x80x128xf32, #tpu.memory_space<vmem>> -> memref<80x128xf32, #tpu.memory_space<vmem>>
    %dma_wait3A_1047 = arith.constant 64 : i32
    %dma_wait3A_1048 = arith.constant 0 : i32
    %dma_wait3A_1049 = tpu.memref_slice %dma_wait3A_1046[%dma_wait3A_1047, %dma_wait3A_1048] : memref<80x128xf32, #tpu.memory_space<vmem>> -> memref<16x128xf32, #tpu.memory_space<vmem>>
    %dma_wait3A_1050 = arith.constant 0 : i32
    %dma_wait3A_1051 = arith.constant 0 : i32
    %dma_wait3A_1052 = tpu.memref_slice %arg5[%dma_wait3A_1050, %dma_wait3A_1051] : memref<10000x128xf32, #tpu.memory_space<vmem_shared>> -> memref<10000x128xf32, #tpu.memory_space<vmem_shared>>
    %dma_wait3A_1053 = tpu.memref_slice %arg10[%dma_wait3A_1042] : memref<3x!tpu.dma_semaphore, #tpu.memory_space<semaphore_mem>> -> memref<1x!tpu.dma_semaphore, #tpu.memory_space<semaphore_mem>>
    %dma_wait3A_1054 = tpu.memref_squeeze %dma_wait3A_1053 : memref<1x!tpu.dma_semaphore, #tpu.memory_space<semaphore_mem>> -> memref<!tpu.dma_semaphore, #tpu.memory_space<semaphore_mem>>
    tpu.wait_indirect_dma semaphore(%dma_wait3A_1054 : memref<!tpu.dma_semaphore, #tpu.memory_space<semaphore_mem>>) src(%dma_wait3A_1049 : memref<16x128xf32, #tpu.memory_space<vmem>>) dst(%dma_wait3A_1052 : memref<10000x128xf32, #tpu.memory_space<vmem_shared>>)
    %get3A_1055 = arith.constant 9840 : index
    %get3A_1056 = tpu.vector_load %arg7[%get3A_1055] {strides = array<i32>} : memref<10000xi32, #tpu.memory_space<vmem>>, vector<16xi32>,
    %get3A_1057 = vector.shape_cast %get3A_1056 : vector<16xi32> to vector<16xi32>
    %dma_wait3A_1058 = arith.constant 0 : i32
    %dma_wait3A_1059 = arith.constant 0 : i32
    %dma_wait3A_1060 = arith.constant 0 : i32
    %dma_wait3A_1061 = arith.constant 0 : i32
    %dma_wait3A_1062 = tpu.memref_slice %arg8[%dma_wait3A_1058, %dma_wait3A_1060, %dma_wait3A_1061] : memref<3x80x128xf32, #tpu.memory_space<vmem>> -> memref<1x80x128xf32, #tpu.memory_space<vmem>>
    %dma_wait3A_1063 = tpu.memref_squeeze %dma_wait3A_1062 : memref<1x80x128xf32, #tpu.memory_space<vmem>> -> memref<80x128xf32, #tpu.memory_space<vmem>>
    %dma_wait3A_1064 = arith.constant 0 : i32
    %dma_wait3A_1065 = arith.constant 0 : i32
    %dma_wait3A_1066 = tpu.memref_slice %dma_wait3A_1063[%dma_wait3A_1064, %dma_wait3A_1065] : memref<80x128xf32, #tpu.memory_space<vmem>> -> memref<16x128xf32, #tpu.memory_space<vmem>>
    %dma_wait3A_1067 = arith.constant 0 : i32
    %dma_wait3A_1068 = arith.constant 0 : i32
    %dma_wait3A_1069 = tpu.memref_slice %arg5[%dma_wait3A_1067, %dma_wait3A_1068] : memref<10000x128xf32, #tpu.memory_space<vmem_shared>> -> memref<10000x128xf32, #tpu.memory_space<vmem_shared>>
    %dma_wait3A_1070 = tpu.memref_slice %arg10[%dma_wait3A_1059] : memref<3x!tpu.dma_semaphore, #tpu.memory_space<semaphore_mem>> -> memref<1x!tpu.dma_semaphore, #tpu.memory_space<semaphore_mem>>
    %dma_wait3A_1071 = tpu.memref_squeeze %dma_wait3A_1070 : memref<1x!tpu.dma_semaphore, #tpu.memory_space<semaphore_mem>> -> memref<!tpu.dma_semaphore, #tpu.memory_space<semaphore_mem>>
    tpu.wait_indirect_dma semaphore(%dma_wait3A_1071 : memref<!tpu.dma_semaphore, #tpu.memory_space<semaphore_mem>>) src(%dma_wait3A_1066 : memref<16x128xf32, #tpu.memory_space<vmem>>) dst(%dma_wait3A_1069 : memref<10000x128xf32, #tpu.memory_space<vmem_shared>>)
    %get3A_1072 = arith.constant 9856 : index
    %get3A_1073 = tpu.vector_load %arg7[%get3A_1072] {strides = array<i32>} : memref<10000xi32, #tpu.memory_space<vmem>>, vector<16xi32>,
    %get3A_1074 = vector.shape_cast %get3A_1073 : vector<16xi32> to vector<16xi32>
    %dma_wait3A_1075 = arith.constant 0 : i32
    %dma_wait3A_1076 = arith.constant 0 : i32
    %dma_wait3A_1077 = arith.constant 0 : i32
    %dma_wait3A_1078 = arith.constant 0 : i32
    %dma_wait3A_1079 = tpu.memref_slice %arg8[%dma_wait3A_1075, %dma_wait3A_1077, %dma_wait3A_1078] : memref<3x80x128xf32, #tpu.memory_space<vmem>> -> memref<1x80x128xf32, #tpu.memory_space<vmem>>
    %dma_wait3A_1080 = tpu.memref_squeeze %dma_wait3A_1079 : memref<1x80x128xf32, #tpu.memory_space<vmem>> -> memref<80x128xf32, #tpu.memory_space<vmem>>
    %dma_wait3A_1081 = arith.constant 16 : i32
    %dma_wait3A_1082 = arith.constant 0 : i32
    %dma_wait3A_1083 = tpu.memref_slice %dma_wait3A_1080[%dma_wait3A_1081, %dma_wait3A_1082] : memref<80x128xf32, #tpu.memory_space<vmem>> -> memref<16x128xf32, #tpu.memory_space<vmem>>
    %dma_wait3A_1084 = arith.constant 0 : i32
    %dma_wait3A_1085 = arith.constant 0 : i32
    %dma_wait3A_1086 = tpu.memref_slice %arg5[%dma_wait3A_1084, %dma_wait3A_1085] : memref<10000x128xf32, #tpu.memory_space<vmem_shared>> -> memref<10000x128xf32, #tpu.memory_space<vmem_shared>>
    %dma_wait3A_1087 = tpu.memref_slice %arg10[%dma_wait3A_1076] : memref<3x!tpu.dma_semaphore, #tpu.memory_space<semaphore_mem>> -> memref<1x!tpu.dma_semaphore, #tpu.memory_space<semaphore_mem>>
    %dma_wait3A_1088 = tpu.memref_squeeze %dma_wait3A_1087 : memref<1x!tpu.dma_semaphore, #tpu.memory_space<semaphore_mem>> -> memref<!tpu.dma_semaphore, #tpu.memory_space<semaphore_mem>>
    tpu.wait_indirect_dma semaphore(%dma_wait3A_1088 : memref<!tpu.dma_semaphore, #tpu.memory_space<semaphore_mem>>) src(%dma_wait3A_1083 : memref<16x128xf32, #tpu.memory_space<vmem>>) dst(%dma_wait3A_1086 : memref<10000x128xf32, #tpu.memory_space<vmem_shared>>)
    %get3A_1089 = arith.constant 9872 : index
    %get3A_1090 = tpu.vector_load %arg7[%get3A_1089] {strides = array<i32>} : memref<10000xi32, #tpu.memory_space<vmem>>, vector<16xi32>,
    %get3A_1091 = vector.shape_cast %get3A_1090 : vector<16xi32> to vector<16xi32>
    %dma_wait3A_1092 = arith.constant 0 : i32
    %dma_wait3A_1093 = arith.constant 0 : i32
    %dma_wait3A_1094 = arith.constant 0 : i32
    %dma_wait3A_1095 = arith.constant 0 : i32
    %dma_wait3A_1096 = tpu.memref_slice %arg8[%dma_wait3A_1092, %dma_wait3A_1094, %dma_wait3A_1095] : memref<3x80x128xf32, #tpu.memory_space<vmem>> -> memref<1x80x128xf32, #tpu.memory_space<vmem>>
    %dma_wait3A_1097 = tpu.memref_squeeze %dma_wait3A_1096 : memref<1x80x128xf32, #tpu.memory_space<vmem>> -> memref<80x128xf32, #tpu.memory_space<vmem>>
    %dma_wait3A_1098 = arith.constant 32 : i32
    %dma_wait3A_1099 = arith.constant 0 : i32
    %dma_wait3A_1100 = tpu.memref_slice %dma_wait3A_1097[%dma_wait3A_1098, %dma_wait3A_1099] : memref<80x128xf32, #tpu.memory_space<vmem>> -> memref<16x128xf32, #tpu.memory_space<vmem>>
    %dma_wait3A_1101 = arith.constant 0 : i32
    %dma_wait3A_1102 = arith.constant 0 : i32
    %dma_wait3A_1103 = tpu.memref_slice %arg5[%dma_wait3A_1101, %dma_wait3A_1102] : memref<10000x128xf32, #tpu.memory_space<vmem_shared>> -> memref<10000x128xf32, #tpu.memory_space<vmem_shared>>
    %dma_wait3A_1104 = tpu.memref_slice %arg10[%dma_wait3A_1093] : memref<3x!tpu.dma_semaphore, #tpu.memory_space<semaphore_mem>> -> memref<1x!tpu.dma_semaphore, #tpu.memory_space<semaphore_mem>>
    %dma_wait3A_1105 = tpu.memref_squeeze %dma_wait3A_1104 : memref<1x!tpu.dma_semaphore, #tpu.memory_space<semaphore_mem>> -> memref<!tpu.dma_semaphore, #tpu.memory_space<semaphore_mem>>
    tpu.wait_indirect_dma semaphore(%dma_wait3A_1105 : memref<!tpu.dma_semaphore, #tpu.memory_space<semaphore_mem>>) src(%dma_wait3A_1100 : memref<16x128xf32, #tpu.memory_space<vmem>>) dst(%dma_wait3A_1103 : memref<10000x128xf32, #tpu.memory_space<vmem_shared>>)
    %get3A_1106 = arith.constant 9888 : index
    %get3A_1107 = tpu.vector_load %arg7[%get3A_1106] {strides = array<i32>} : memref<10000xi32, #tpu.memory_space<vmem>>, vector<16xi32>,
    %get3A_1108 = vector.shape_cast %get3A_1107 : vector<16xi32> to vector<16xi32>
    %dma_wait3A_1109 = arith.constant 0 : i32
    %dma_wait3A_1110 = arith.constant 0 : i32
    %dma_wait3A_1111 = arith.constant 0 : i32
    %dma_wait3A_1112 = arith.constant 0 : i32
    %dma_wait3A_1113 = tpu.memref_slice %arg8[%dma_wait3A_1109, %dma_wait3A_1111, %dma_wait3A_1112] : memref<3x80x128xf32, #tpu.memory_space<vmem>> -> memref<1x80x128xf32, #tpu.memory_space<vmem>>
    %dma_wait3A_1114 = tpu.memref_squeeze %dma_wait3A_1113 : memref<1x80x128xf32, #tpu.memory_space<vmem>> -> memref<80x128xf32, #tpu.memory_space<vmem>>
    %dma_wait3A_1115 = arith.constant 48 : i32
    %dma_wait3A_1116 = arith.constant 0 : i32
    %dma_wait3A_1117 = tpu.memref_slice %dma_wait3A_1114[%dma_wait3A_1115, %dma_wait3A_1116] : memref<80x128xf32, #tpu.memory_space<vmem>> -> memref<16x128xf32, #tpu.memory_space<vmem>>
    %dma_wait3A_1118 = arith.constant 0 : i32
    %dma_wait3A_1119 = arith.constant 0 : i32
    %dma_wait3A_1120 = tpu.memref_slice %arg5[%dma_wait3A_1118, %dma_wait3A_1119] : memref<10000x128xf32, #tpu.memory_space<vmem_shared>> -> memref<10000x128xf32, #tpu.memory_space<vmem_shared>>
    %dma_wait3A_1121 = tpu.memref_slice %arg10[%dma_wait3A_1110] : memref<3x!tpu.dma_semaphore, #tpu.memory_space<semaphore_mem>> -> memref<1x!tpu.dma_semaphore, #tpu.memory_space<semaphore_mem>>
    %dma_wait3A_1122 = tpu.memref_squeeze %dma_wait3A_1121 : memref<1x!tpu.dma_semaphore, #tpu.memory_space<semaphore_mem>> -> memref<!tpu.dma_semaphore, #tpu.memory_space<semaphore_mem>>
    tpu.wait_indirect_dma semaphore(%dma_wait3A_1122 : memref<!tpu.dma_semaphore, #tpu.memory_space<semaphore_mem>>) src(%dma_wait3A_1117 : memref<16x128xf32, #tpu.memory_space<vmem>>) dst(%dma_wait3A_1120 : memref<10000x128xf32, #tpu.memory_space<vmem_shared>>)
    %get3A_1123 = arith.constant 9904 : index
    %get3A_1124 = tpu.vector_load %arg7[%get3A_1123] {strides = array<i32>} : memref<10000xi32, #tpu.memory_space<vmem>>, vector<16xi32>,
    %get3A_1125 = vector.shape_cast %get3A_1124 : vector<16xi32> to vector<16xi32>
    %dma_wait3A_1126 = arith.constant 0 : i32
    %dma_wait3A_1127 = arith.constant 0 : i32
    %dma_wait3A_1128 = arith.constant 0 : i32
    %dma_wait3A_1129 = arith.constant 0 : i32
    %dma_wait3A_1130 = tpu.memref_slice %arg8[%dma_wait3A_1126, %dma_wait3A_1128, %dma_wait3A_1129] : memref<3x80x128xf32, #tpu.memory_space<vmem>> -> memref<1x80x128xf32, #tpu.memory_space<vmem>>
    %dma_wait3A_1131 = tpu.memref_squeeze %dma_wait3A_1130 : memref<1x80x128xf32, #tpu.memory_space<vmem>> -> memref<80x128xf32, #tpu.memory_space<vmem>>
    %dma_wait3A_1132 = arith.constant 64 : i32
    %dma_wait3A_1133 = arith.constant 0 : i32
    %dma_wait3A_1134 = tpu.memref_slice %dma_wait3A_1131[%dma_wait3A_1132, %dma_wait3A_1133] : memref<80x128xf32, #tpu.memory_space<vmem>> -> memref<16x128xf32, #tpu.memory_space<vmem>>
    %dma_wait3A_1135 = arith.constant 0 : i32
    %dma_wait3A_1136 = arith.constant 0 : i32
    %dma_wait3A_1137 = tpu.memref_slice %arg5[%dma_wait3A_1135, %dma_wait3A_1136] : memref<10000x128xf32, #tpu.memory_space<vmem_shared>> -> memref<10000x128xf32, #tpu.memory_space<vmem_shared>>
    %dma_wait3A_1138 = tpu.memref_slice %arg10[%dma_wait3A_1127] : memref<3x!tpu.dma_semaphore, #tpu.memory_space<semaphore_mem>> -> memref<1x!tpu.dma_semaphore, #tpu.memory_space<semaphore_mem>>
    %dma_wait3A_1139 = tpu.memref_squeeze %dma_wait3A_1138 : memref<1x!tpu.dma_semaphore, #tpu.memory_space<semaphore_mem>> -> memref<!tpu.dma_semaphore, #tpu.memory_space<semaphore_mem>>
    tpu.wait_indirect_dma semaphore(%dma_wait3A_1139 : memref<!tpu.dma_semaphore, #tpu.memory_space<semaphore_mem>>) src(%dma_wait3A_1134 : memref<16x128xf32, #tpu.memory_space<vmem>>) dst(%dma_wait3A_1137 : memref<10000x128xf32, #tpu.memory_space<vmem_shared>>)
    %get3A_1140 = arith.constant 9920 : index
    %get3A_1141 = tpu.vector_load %arg7[%get3A_1140] {strides = array<i32>} : memref<10000xi32, #tpu.memory_space<vmem>>, vector<16xi32>,
    %get3A_1142 = vector.shape_cast %get3A_1141 : vector<16xi32> to vector<16xi32>
    %dma_wait3A_1143 = arith.constant 1 : i32
    %dma_wait3A_1144 = arith.constant 1 : i32
    %dma_wait3A_1145 = arith.constant 0 : i32
    %dma_wait3A_1146 = arith.constant 0 : i32
    %dma_wait3A_1147 = tpu.memref_slice %arg8[%dma_wait3A_1143, %dma_wait3A_1145, %dma_wait3A_1146] : memref<3x80x128xf32, #tpu.memory_space<vmem>> -> memref<1x80x128xf32, #tpu.memory_space<vmem>>
    %dma_wait3A_1148 = tpu.memref_squeeze %dma_wait3A_1147 : memref<1x80x128xf32, #tpu.memory_space<vmem>> -> memref<80x128xf32, #tpu.memory_space<vmem>>
    %dma_wait3A_1149 = arith.constant 0 : i32
    %dma_wait3A_1150 = arith.constant 0 : i32
    %dma_wait3A_1151 = tpu.memref_slice %dma_wait3A_1148[%dma_wait3A_1149, %dma_wait3A_1150] : memref<80x128xf32, #tpu.memory_space<vmem>> -> memref<16x128xf32, #tpu.memory_space<vmem>>
    %dma_wait3A_1152 = arith.constant 0 : i32
    %dma_wait3A_1153 = arith.constant 0 : i32
    %dma_wait3A_1154 = tpu.memref_slice %arg5[%dma_wait3A_1152, %dma_wait3A_1153] : memref<10000x128xf32, #tpu.memory_space<vmem_shared>> -> memref<10000x128xf32, #tpu.memory_space<vmem_shared>>
    %dma_wait3A_1155 = tpu.memref_slice %arg10[%dma_wait3A_1144] : memref<3x!tpu.dma_semaphore, #tpu.memory_space<semaphore_mem>> -> memref<1x!tpu.dma_semaphore, #tpu.memory_space<semaphore_mem>>
    %dma_wait3A_1156 = tpu.memref_squeeze %dma_wait3A_1155 : memref<1x!tpu.dma_semaphore, #tpu.memory_space<semaphore_mem>> -> memref<!tpu.dma_semaphore, #tpu.memory_space<semaphore_mem>>
    tpu.wait_indirect_dma semaphore(%dma_wait3A_1156 : memref<!tpu.dma_semaphore, #tpu.memory_space<semaphore_mem>>) src(%dma_wait3A_1151 : memref<16x128xf32, #tpu.memory_space<vmem>>) dst(%dma_wait3A_1154 : memref<10000x128xf32, #tpu.memory_space<vmem_shared>>)
    %get3A_1157 = arith.constant 9936 : index
    %get3A_1158 = tpu.vector_load %arg7[%get3A_1157] {strides = array<i32>} : memref<10000xi32, #tpu.memory_space<vmem>>, vector<16xi32>,
    %get3A_1159 = vector.shape_cast %get3A_1158 : vector<16xi32> to vector<16xi32>
    %dma_wait3A_1160 = arith.constant 1 : i32
    %dma_wait3A_1161 = arith.constant 1 : i32
    %dma_wait3A_1162 = arith.constant 0 : i32
    %dma_wait3A_1163 = arith.constant 0 : i32
    %dma_wait3A_1164 = tpu.memref_slice %arg8[%dma_wait3A_1160, %dma_wait3A_1162, %dma_wait3A_1163] : memref<3x80x128xf32, #tpu.memory_space<vmem>> -> memref<1x80x128xf32, #tpu.memory_space<vmem>>
    %dma_wait3A_1165 = tpu.memref_squeeze %dma_wait3A_1164 : memref<1x80x128xf32, #tpu.memory_space<vmem>> -> memref<80x128xf32, #tpu.memory_space<vmem>>
    %dma_wait3A_1166 = arith.constant 16 : i32
    %dma_wait3A_1167 = arith.constant 0 : i32
    %dma_wait3A_1168 = tpu.memref_slice %dma_wait3A_1165[%dma_wait3A_1166, %dma_wait3A_1167] : memref<80x128xf32, #tpu.memory_space<vmem>> -> memref<16x128xf32, #tpu.memory_space<vmem>>
    %dma_wait3A_1169 = arith.constant 0 : i32
    %dma_wait3A_1170 = arith.constant 0 : i32
    %dma_wait3A_1171 = tpu.memref_slice %arg5[%dma_wait3A_1169, %dma_wait3A_1170] : memref<10000x128xf32, #tpu.memory_space<vmem_shared>> -> memref<10000x128xf32, #tpu.memory_space<vmem_shared>>
    %dma_wait3A_1172 = tpu.memref_slice %arg10[%dma_wait3A_1161] : memref<3x!tpu.dma_semaphore, #tpu.memory_space<semaphore_mem>> -> memref<1x!tpu.dma_semaphore, #tpu.memory_space<semaphore_mem>>
    %dma_wait3A_1173 = tpu.memref_squeeze %dma_wait3A_1172 : memref<1x!tpu.dma_semaphore, #tpu.memory_space<semaphore_mem>> -> memref<!tpu.dma_semaphore, #tpu.memory_space<semaphore_mem>>
    tpu.wait_indirect_dma semaphore(%dma_wait3A_1173 : memref<!tpu.dma_semaphore, #tpu.memory_space<semaphore_mem>>) src(%dma_wait3A_1168 : memref<16x128xf32, #tpu.memory_space<vmem>>) dst(%dma_wait3A_1171 : memref<10000x128xf32, #tpu.memory_space<vmem_shared>>)
    %get3A_1174 = arith.constant 9952 : index
    %get3A_1175 = tpu.vector_load %arg7[%get3A_1174] {strides = array<i32>} : memref<10000xi32, #tpu.memory_space<vmem>>, vector<16xi32>,
    %get3A_1176 = vector.shape_cast %get3A_1175 : vector<16xi32> to vector<16xi32>
    %dma_wait3A_1177 = arith.constant 1 : i32
    %dma_wait3A_1178 = arith.constant 1 : i32
    %dma_wait3A_1179 = arith.constant 0 : i32
    %dma_wait3A_1180 = arith.constant 0 : i32
    %dma_wait3A_1181 = tpu.memref_slice %arg8[%dma_wait3A_1177, %dma_wait3A_1179, %dma_wait3A_1180] : memref<3x80x128xf32, #tpu.memory_space<vmem>> -> memref<1x80x128xf32, #tpu.memory_space<vmem>>
    %dma_wait3A_1182 = tpu.memref_squeeze %dma_wait3A_1181 : memref<1x80x128xf32, #tpu.memory_space<vmem>> -> memref<80x128xf32, #tpu.memory_space<vmem>>
    %dma_wait3A_1183 = arith.constant 32 : i32
    %dma_wait3A_1184 = arith.constant 0 : i32
    %dma_wait3A_1185 = tpu.memref_slice %dma_wait3A_1182[%dma_wait3A_1183, %dma_wait3A_1184] : memref<80x128xf32, #tpu.memory_space<vmem>> -> memref<16x128xf32, #tpu.memory_space<vmem>>
    %dma_wait3A_1186 = arith.constant 0 : i32
    %dma_wait3A_1187 = arith.constant 0 : i32
    %dma_wait3A_1188 = tpu.memref_slice %arg5[%dma_wait3A_1186, %dma_wait3A_1187] : memref<10000x128xf32, #tpu.memory_space<vmem_shared>> -> memref<10000x128xf32, #tpu.memory_space<vmem_shared>>
    %dma_wait3A_1189 = tpu.memref_slice %arg10[%dma_wait3A_1178] : memref<3x!tpu.dma_semaphore, #tpu.memory_space<semaphore_mem>> -> memref<1x!tpu.dma_semaphore, #tpu.memory_space<semaphore_mem>>
    %dma_wait3A_1190 = tpu.memref_squeeze %dma_wait3A_1189 : memref<1x!tpu.dma_semaphore, #tpu.memory_space<semaphore_mem>> -> memref<!tpu.dma_semaphore, #tpu.memory_space<semaphore_mem>>
    tpu.wait_indirect_dma semaphore(%dma_wait3A_1190 : memref<!tpu.dma_semaphore, #tpu.memory_space<semaphore_mem>>) src(%dma_wait3A_1185 : memref<16x128xf32, #tpu.memory_space<vmem>>) dst(%dma_wait3A_1188 : memref<10000x128xf32, #tpu.memory_space<vmem_shared>>)
    %get3A_1191 = arith.constant 9968 : index
    %get3A_1192 = tpu.vector_load %arg7[%get3A_1191] {strides = array<i32>} : memref<10000xi32, #tpu.memory_space<vmem>>, vector<16xi32>,
    %get3A_1193 = vector.shape_cast %get3A_1192 : vector<16xi32> to vector<16xi32>
    %dma_wait3A_1194 = arith.constant 1 : i32
    %dma_wait3A_1195 = arith.constant 1 : i32
    %dma_wait3A_1196 = arith.constant 0 : i32
    %dma_wait3A_1197 = arith.constant 0 : i32
    %dma_wait3A_1198 = tpu.memref_slice %arg8[%dma_wait3A_1194, %dma_wait3A_1196, %dma_wait3A_1197] : memref<3x80x128xf32, #tpu.memory_space<vmem>> -> memref<1x80x128xf32, #tpu.memory_space<vmem>>
    %dma_wait3A_1199 = tpu.memref_squeeze %dma_wait3A_1198 : memref<1x80x128xf32, #tpu.memory_space<vmem>> -> memref<80x128xf32, #tpu.memory_space<vmem>>
    %dma_wait3A_1200 = arith.constant 48 : i32
    %dma_wait3A_1201 = arith.constant 0 : i32
    %dma_wait3A_1202 = tpu.memref_slice %dma_wait3A_1199[%dma_wait3A_1200, %dma_wait3A_1201] : memref<80x128xf32, #tpu.memory_space<vmem>> -> memref<16x128xf32, #tpu.memory_space<vmem>>
    %dma_wait3A_1203 = arith.constant 0 : i32
    %dma_wait3A_1204 = arith.constant 0 : i32
    %dma_wait3A_1205 = tpu.memref_slice %arg5[%dma_wait3A_1203, %dma_wait3A_1204] : memref<10000x128xf32, #tpu.memory_space<vmem_shared>> -> memref<10000x128xf32, #tpu.memory_space<vmem_shared>>
    %dma_wait3A_1206 = tpu.memref_slice %arg10[%dma_wait3A_1195] : memref<3x!tpu.dma_semaphore, #tpu.memory_space<semaphore_mem>> -> memref<1x!tpu.dma_semaphore, #tpu.memory_space<semaphore_mem>>
    %dma_wait3A_1207 = tpu.memref_squeeze %dma_wait3A_1206 : memref<1x!tpu.dma_semaphore, #tpu.memory_space<semaphore_mem>> -> memref<!tpu.dma_semaphore, #tpu.memory_space<semaphore_mem>>
    tpu.wait_indirect_dma semaphore(%dma_wait3A_1207 : memref<!tpu.dma_semaphore, #tpu.memory_space<semaphore_mem>>) src(%dma_wait3A_1202 : memref<16x128xf32, #tpu.memory_space<vmem>>) dst(%dma_wait3A_1205 : memref<10000x128xf32, #tpu.memory_space<vmem_shared>>)
    %get3A_1208 = arith.constant 9984 : index
    %get3A_1209 = tpu.vector_load %arg7[%get3A_1208] {strides = array<i32>} : memref<10000xi32, #tpu.memory_space<vmem>>, vector<16xi32>,
    %get3A_1210 = vector.shape_cast %get3A_1209 : vector<16xi32> to vector<16xi32>
    %dma_wait3A_1211 = arith.constant 1 : i32
    %dma_wait3A_1212 = arith.constant 1 : i32
    %dma_wait3A_1213 = arith.constant 0 : i32
    %dma_wait3A_1214 = arith.constant 0 : i32
    %dma_wait3A_1215 = tpu.memref_slice %arg8[%dma_wait3A_1211, %dma_wait3A_1213, %dma_wait3A_1214] : memref<3x80x128xf32, #tpu.memory_space<vmem>> -> memref<1x80x128xf32, #tpu.memory_space<vmem>>
    %dma_wait3A_1216 = tpu.memref_squeeze %dma_wait3A_1215 : memref<1x80x128xf32, #tpu.memory_space<vmem>> -> memref<80x128xf32, #tpu.memory_space<vmem>>
    %dma_wait3A_1217 = arith.constant 64 : i32
    %dma_wait3A_1218 = arith.constant 0 : i32
    %dma_wait3A_1219 = tpu.memref_slice %dma_wait3A_1216[%dma_wait3A_1217, %dma_wait3A_1218] : memref<80x128xf32, #tpu.memory_space<vmem>> -> memref<16x128xf32, #tpu.memory_space<vmem>>
    %dma_wait3A_1220 = arith.constant 0 : i32
    %dma_wait3A_1221 = arith.constant 0 : i32
    %dma_wait3A_1222 = tpu.memref_slice %arg5[%dma_wait3A_1220, %dma_wait3A_1221] : memref<10000x128xf32, #tpu.memory_space<vmem_shared>> -> memref<10000x128xf32, #tpu.memory_space<vmem_shared>>
    %dma_wait3A_1223 = tpu.memref_slice %arg10[%dma_wait3A_1212] : memref<3x!tpu.dma_semaphore, #tpu.memory_space<semaphore_mem>> -> memref<1x!tpu.dma_semaphore, #tpu.memory_space<semaphore_mem>>
    %dma_wait3A_1224 = tpu.memref_squeeze %dma_wait3A_1223 : memref<1x!tpu.dma_semaphore, #tpu.memory_space<semaphore_mem>> -> memref<!tpu.dma_semaphore, #tpu.memory_space<semaphore_mem>>
    tpu.wait_indirect_dma semaphore(%dma_wait3A_1224 : memref<!tpu.dma_semaphore, #tpu.memory_space<semaphore_mem>>) src(%dma_wait3A_1219 : memref<16x128xf32, #tpu.memory_space<vmem>>) dst(%dma_wait3A_1222 : memref<10000x128xf32, #tpu.memory_space<vmem_shared>>)
    %barrier3A_1225 = arith.constant 0 : index
    tpu.barrier barrier_id(%barrier3A_1225)
    %lt3A_1226 = arith.constant 15 : i32
    %lt3A_1227 = arith.cmpi slt, %arg1, %lt3A_1226 : i32
    %convert_element_type3A_1228 = arith.extui %lt3A_1227 : i1 to i32
    %cond3A_1229 = arith.constant 0 : i32
    %cond3A_1230 = arith.cmpi ne, %convert_element_type3A_1228, %cond3A_1229 : i32
    scf.if %cond3A_1230 {
      %mul3A_1236 = arith.constant 632 : i32
      %mul3A_1237 = arith.muli %arg1, %mul3A_1236 : i32
      %mul3A_1238 = arith.constant 632 : i32
      %mul3A_1239 = arith.muli %arg1, %mul3A_1238 : i32
      "tpu.region"() ({
        %run_scoped3A = tpu.sem_alloc : memref<!tpu.dma_semaphore, #tpu.memory_space<semaphore_mem>>
        %dma_start3A_1240 = arith.constant 0 : i32
        %dma_start3A_1241 = arith.constant 0 : i32
        %dma_start3A_1242 = tpu.memref_slice %arg4[%arg0, %dma_start3A_1240, %dma_start3A_1241] : memref<2x10000x128xf32, #tpu.memory_space<hbm>> -> memref<1x10000x128xf32, #tpu.memory_space<hbm>>
        %dma_start3A_1243 = tpu.memref_squeeze %dma_start3A_1242 : memref<1x10000x128xf32, #tpu.memory_space<hbm>> -> memref<10000x128xf32, #tpu.memory_space<hbm>>
        %dma_start3A_1244 = arith.constant 0 : i32
        %dma_start3A_1245 = tpu.memref_slice %dma_start3A_1243[%mul3A_1239, %dma_start3A_1244] : memref<10000x128xf32, #tpu.memory_space<hbm>> -> memref<632x128xf32, #tpu.memory_space<hbm>>
        %dma_start3A_1246 = arith.constant 0 : i32
        %dma_start3A_1247 = tpu.memref_slice %arg5[%mul3A_1237, %dma_start3A_1246] : memref<10000x128xf32, #tpu.memory_space<vmem_shared>> -> memref<632x128xf32, #tpu.memory_space<vmem_shared>>
        tpu.enqueue_dma source(%dma_start3A_1247 : memref<632x128xf32, #tpu.memory_space<vmem_shared>>) target(%dma_start3A_1245 : memref<632x128xf32, #tpu.memory_space<hbm>>) target_semaphore(%run_scoped3A : memref<!tpu.dma_semaphore, #tpu.memory_space<semaphore_mem>>)
        %dma_wait3A_1248 = arith.constant 0 : i32
        %dma_wait3A_1249 = arith.constant 0 : i32
        %dma_wait3A_1250 = tpu.memref_slice %arg4[%arg0, %dma_wait3A_1248, %dma_wait3A_1249] : memref<2x10000x128xf32, #tpu.memory_space<hbm>> -> memref<1x10000x128xf32, #tpu.memory_space<hbm>>
        %dma_wait3A_1251 = tpu.memref_squeeze %dma_wait3A_1250 : memref<1x10000x128xf32, #tpu.memory_space<hbm>> -> memref<10000x128xf32, #tpu.memory_space<hbm>>
        %dma_wait3A_1252 = arith.constant 0 : i32
        %dma_wait3A_1253 = tpu.memref_slice %dma_wait3A_1251[%mul3A_1239, %dma_wait3A_1252] : memref<10000x128xf32, #tpu.memory_space<hbm>> -> memref<632x128xf32, #tpu.memory_space<hbm>>
        %dma_wait3A_1254 = arith.constant 0 : i32
        %dma_wait3A_1255 = tpu.memref_slice %arg5[%mul3A_1237, %dma_wait3A_1254] : memref<10000x128xf32, #tpu.memory_space<vmem_shared>> -> memref<632x128xf32, #tpu.memory_space<vmem_shared>>
        tpu.wait_dma2 semaphore(%run_scoped3A : memref<!tpu.dma_semaphore, #tpu.memory_space<semaphore_mem>>) src(%dma_wait3A_1255 : memref<632x128xf32, #tpu.memory_space<vmem_shared>>) dst(%dma_wait3A_1253 : memref<632x128xf32, #tpu.memory_space<hbm>>)
        tpu.yield
      }) : () -> ()
    } else {
    }
    %eq3A_1231 = arith.constant 15 : i32
    %eq3A_1232 = arith.cmpi eq, %arg1, %eq3A_1231 : i32
    %convert_element_type3A_1233 = arith.extui %eq3A_1232 : i1 to i32
    %cond3A_1234 = arith.constant 0 : i32
    %cond3A_1235 = arith.cmpi ne, %convert_element_type3A_1233, %cond3A_1234 : i32
    scf.if %cond3A_1235 {
      "tpu.region"() ({
        %run_scoped3A = tpu.sem_alloc : memref<!tpu.dma_semaphore, #tpu.memory_space<semaphore_mem>>
        %dma_start3A_1236 = arith.constant 0 : i32
        %dma_start3A_1237 = arith.constant 0 : i32
        %dma_start3A_1238 = tpu.memref_slice %arg4[%arg0, %dma_start3A_1236, %dma_start3A_1237] : memref<2x10000x128xf32, #tpu.memory_space<hbm>> -> memref<1x10000x128xf32, #tpu.memory_space<hbm>>
        %dma_start3A_1239 = tpu.memref_squeeze %dma_start3A_1238 : memref<1x10000x128xf32, #tpu.memory_space<hbm>> -> memref<10000x128xf32, #tpu.memory_space<hbm>>
        %dma_start3A_1240 = arith.constant 9480 : i32
        %dma_start3A_1241 = arith.constant 0 : i32
        %dma_start3A_1242 = tpu.memref_slice %dma_start3A_1239[%dma_start3A_1240, %dma_start3A_1241] : memref<10000x128xf32, #tpu.memory_space<hbm>> -> memref<520x128xf32, #tpu.memory_space<hbm>>
        %dma_start3A_1243 = arith.constant 9480 : i32
        %dma_start3A_1244 = arith.constant 0 : i32
        %dma_start3A_1245 = tpu.memref_slice %arg5[%dma_start3A_1243, %dma_start3A_1244] : memref<10000x128xf32, #tpu.memory_space<vmem_shared>> -> memref<520x128xf32, #tpu.memory_space<vmem_shared>>
        tpu.enqueue_dma source(%dma_start3A_1245 : memref<520x128xf32, #tpu.memory_space<vmem_shared>>) target(%dma_start3A_1242 : memref<520x128xf32, #tpu.memory_space<hbm>>) target_semaphore(%run_scoped3A : memref<!tpu.dma_semaphore, #tpu.memory_space<semaphore_mem>>)
        %dma_wait3A_1246 = arith.constant 0 : i32
        %dma_wait3A_1247 = arith.constant 0 : i32
        %dma_wait3A_1248 = tpu.memref_slice %arg4[%arg0, %dma_wait3A_1246, %dma_wait3A_1247] : memref<2x10000x128xf32, #tpu.memory_space<hbm>> -> memref<1x10000x128xf32, #tpu.memory_space<hbm>>
        %dma_wait3A_1249 = tpu.memref_squeeze %dma_wait3A_1248 : memref<1x10000x128xf32, #tpu.memory_space<hbm>> -> memref<10000x128xf32, #tpu.memory_space<hbm>>
        %dma_wait3A_1250 = arith.constant 9480 : i32
        %dma_wait3A_1251 = arith.constant 0 : i32
        %dma_wait3A_1252 = tpu.memref_slice %dma_wait3A_1249[%dma_wait3A_1250, %dma_wait3A_1251] : memref<10000x128xf32, #tpu.memory_space<hbm>> -> memref<520x128xf32, #tpu.memory_space<hbm>>
        %dma_wait3A_1253 = arith.constant 9480 : i32
        %dma_wait3A_1254 = arith.constant 0 : i32
        %dma_wait3A_1255 = tpu.memref_slice %arg5[%dma_wait3A_1253, %dma_wait3A_1254] : memref<10000x128xf32, #tpu.memory_space<vmem_shared>> -> memref<520x128xf32, #tpu.memory_space<vmem_shared>>
        tpu.wait_dma2 semaphore(%run_scoped3A : memref<!tpu.dma_semaphore, #tpu.memory_space<semaphore_mem>>) src(%dma_wait3A_1255 : memref<520x128xf32, #tpu.memory_space<vmem_shared>>) dst(%dma_wait3A_1252 : memref<520x128xf32, #tpu.memory_space<hbm>>)
        tpu.yield
      }) : () -> ()
    } else {
    }
    return
  }
}

module attributes {stable_mosaic.version = 14 : i64} {
  func.func @body(%arg0: memref<2x10000x128xf32, #tpu.memory_space<vmem>>, %arg1: memref<128x128xf32, #tpu.memory_space<vmem>>, %arg2: memref<1x128xf32, #tpu.memory_space<vmem>>, %arg3: memref<1x128xf32, #tpu.memory_space<vmem>>, %arg4: memref<1x128xf32, #tpu.memory_space<vmem>>, %arg5: memref<10000x128xf32, #tpu.memory_space<vmem>>) attributes {dimension_semantics = [], scalar_prefetch = 0 : i64, scratch_operands = 0 : i64, tpu.core_type = #tpu.core_type<tc>} {
    %get3A = arith.constant 0 : index
    %get3A_0 = arith.constant 0 : index
    %get3A_1 = arith.constant 0 : index
    %get3A_2 = vector.load %arg0[%get3A, %get3A_0, %get3A_1] : memref<2x10000x128xf32, #tpu.memory_space<vmem>>, vector<1x10000x128xf32>
    %get3A_3 = vector.shape_cast %get3A_2 : vector<1x10000x128xf32> to vector<10000x128xf32>
    %get3A_4 = arith.constant 1 : index
    %get3A_5 = arith.constant 0 : index
    %get3A_6 = arith.constant 0 : index
    %get3A_7 = vector.load %arg0[%get3A_4, %get3A_5, %get3A_6] : memref<2x10000x128xf32, #tpu.memory_space<vmem>>, vector<1x10000x128xf32>
    %get3A_8 = vector.shape_cast %get3A_7 : vector<1x10000x128xf32> to vector<10000x128xf32>
    %add3A = arith.addf %get3A_3, %get3A_8 : vector<10000x128xf32>
    %get3A_9 = arith.constant 0 : index
    %get3A_10 = arith.constant 0 : index
    %get3A_11 = vector.load %arg1[%get3A_9, %get3A_10] : memref<128x128xf32, #tpu.memory_space<vmem>>, vector<128x128xf32>
    %dot_general3A = arith.constant dense<0.000000e+00> : vector<10000x128xf32>
    %dot_general3A_12 = tpu.matmul %add3A, %get3A_11, %dot_general3A {dimension_numbers = #tpu.dot_dimension_numbers<[1], [0], [0], [1], [0, 0, 1, 1], [], []>, transpose_lhs_hint = false} : vector<10000x128xf32>, vector<128x128xf32>, vector<10000x128xf32> -> vector<10000x128xf32>
    %get3A_13 = arith.constant 0 : index
    %get3A_14 = arith.constant 0 : index
    %get3A_15 = vector.load %arg2[%get3A_13, %get3A_14] : memref<1x128xf32, #tpu.memory_space<vmem>>, vector<1x128xf32>
    %add3A_16 = vector.broadcast %get3A_15 : vector<1x128xf32> to vector<10000x128xf32>
    %add3A_17 = arith.addf %dot_general3A_12, %add3A_16 : vector<10000x128xf32>
    %reduce_sum3A = arith.constant dense<0.000000e+00> : vector<128xf32>
    %reduce_sum3A_18 = vector.multi_reduction <add>, %add3A_17, %reduce_sum3A [0] : vector<10000x128xf32> to vector<128xf32>
    %broadcast_in_dim3A = vector.shape_cast %reduce_sum3A_18 : vector<128xf32> to vector<1x128xf32>
    %div3A = arith.constant 1.000000e+04 : f32
    %div3A_19 = vector.broadcast %div3A : f32 to vector<1x128xf32>
    %div3A_20 = arith.divf %broadcast_in_dim3A, %div3A_19 : vector<1x128xf32>
    %sub3A = vector.broadcast %div3A_20 : vector<1x128xf32> to vector<10000x128xf32>
    %sub3A_21 = arith.subf %add3A_17, %sub3A : vector<10000x128xf32>
    %sub3A_22 = vector.broadcast %div3A_20 : vector<1x128xf32> to vector<10000x128xf32>
    %sub3A_23 = arith.subf %add3A_17, %sub3A_22 : vector<10000x128xf32>
    %mul3A = arith.mulf %sub3A_21, %sub3A_23 : vector<10000x128xf32>
    %reduce_sum3A_24 = arith.constant dense<0.000000e+00> : vector<128xf32>
    %reduce_sum3A_25 = vector.multi_reduction <add>, %mul3A, %reduce_sum3A_24 [0] : vector<10000x128xf32> to vector<128xf32>
    %broadcast_in_dim3A_26 = vector.shape_cast %reduce_sum3A_25 : vector<128xf32> to vector<1x128xf32>
    %div3A_27 = arith.constant 1.000000e+04 : f32
    %div3A_28 = vector.broadcast %div3A_27 : f32 to vector<1x128xf32>
    %div3A_29 = arith.divf %broadcast_in_dim3A_26, %div3A_28 : vector<1x128xf32>
    %sub3A_30 = vector.broadcast %div3A_20 : vector<1x128xf32> to vector<10000x128xf32>
    %sub3A_31 = arith.subf %add3A_17, %sub3A_30 : vector<10000x128xf32>
    %add3A_32 = arith.constant 9.99999974E-6 : f32
    %add3A_33 = vector.broadcast %add3A_32 : f32 to vector<1x128xf32>
    %add3A_34 = arith.addf %div3A_29, %add3A_33 : vector<1x128xf32>
    %rsqrt3A = math.rsqrt %add3A_34 : vector<1x128xf32>
    %mul3A_35 = vector.broadcast %rsqrt3A : vector<1x128xf32> to vector<10000x128xf32>
    %mul3A_36 = arith.mulf %sub3A_31, %mul3A_35 : vector<10000x128xf32>
    %get3A_37 = arith.constant 0 : index
    %get3A_38 = arith.constant 0 : index
    %get3A_39 = vector.load %arg3[%get3A_37, %get3A_38] : memref<1x128xf32, #tpu.memory_space<vmem>>, vector<1x128xf32>
    %mul3A_40 = vector.broadcast %get3A_39 : vector<1x128xf32> to vector<10000x128xf32>
    %mul3A_41 = arith.mulf %mul3A_36, %mul3A_40 : vector<10000x128xf32>
    %get3A_42 = arith.constant 0 : index
    %get3A_43 = arith.constant 0 : index
    %get3A_44 = vector.load %arg4[%get3A_42, %get3A_43] : memref<1x128xf32, #tpu.memory_space<vmem>>, vector<1x128xf32>
    %add3A_45 = vector.broadcast %get3A_44 : vector<1x128xf32> to vector<10000x128xf32>
    %add3A_46 = arith.addf %mul3A_41, %add3A_45 : vector<10000x128xf32>
    %max3A = arith.constant 0.000000e+00 : f32
    %max3A_47 = vector.broadcast %max3A : f32 to vector<10000x128xf32>
    %max3A_48 = arith.maximumf %add3A_46, %max3A_47 : vector<10000x128xf32>
    %swap3A = arith.constant 0 : index
    %swap3A_49 = arith.constant 0 : index
    %swap3A_50 = vector.load %arg5[%swap3A, %swap3A_49] : memref<10000x128xf32, #tpu.memory_space<vmem>>, vector<10000x128xf32>
    tpu.vector_store %arg5[%swap3A, %swap3A_49], %max3A_48 {strides = array<i32>} : memref<10000x128xf32, #tpu.memory_space<vmem>>, vector<10000x128xf32>,
    return
  }
}

</mosaic_0001>

<sc_bundles>
// kernel: kernel.4.cloned.1.call-start
scs
__scs_entry_jumppad:
0x0: {  	(pc) =	sbr.rel $0x88, $3  }
0x1: {  	(tag) =	ssettag $0x0;
	lr =	simm.s32 $0x1  }
0x2: {  	[smem:$0x3F9B] =	sst lr;
	_ =	strace $0xD0000000  }
0x3: {  	_ = 	snop  }
0x4: {  	_ = 	snop  }
0x5: {  	_ = 	snop  }
0x6: {  	_ = 	snop  }
0x7: {  	_ = 	snop  }
__scs_overlays_trampoline_lowered:
0x8: {  	[smem:$0x3FAA] =	sst s0  }
0x9: {  	[smem:$0x3FAB] =	sst s1  }
0xa: {  	[smem:$0x3FAC] =	sst s2  }
0xb: {  	[smem:$0x3FAD] =	sst s3  }
0xc: {  	[smem:$0x3FAE] =	sst s4  }
0xd: {  	[smem:$0x3FAF] =	sst s5  }
0xe: {  	[smem:$0x3FB0] =	sst s6  }
0xf: {  	[smem:$0x3FB1] =	sst s7  }
0x10: {  	[smem:$0x3FB2] =	sst s8  }
0x11: {  	[smem:$0x3FB3] =	sst s9;
	s0 =	simm.s32 @!p0 $0x0  }
0x12: {  	s1 =	sld [smem:$0x3F99];
	s0 =	simm.s32 @p0 $0x1  }
0x13: {  	[smem:$0x3FB4] =	sst s0;
	s0 =	simm.s32 @!p1 $0x0  }
0x14: {  	s2 =	sld [smem:$0x3F98];
	s0 =	simm.s32 @p1 $0x1  }
0x15: {  	[smem:$0x3FB5] =	sst s0;
	s0 =	simm.s32 @!p2 $0x0  }
0x16: {  	s3 =	sld [smem:$0x3FDB];
	s0 =	simm.s32 @p2 $0x1  }
0x17: {  	s4 =	simm.s32 $0x1BF5;
	[smem:$0x3FB7] =	sst s0  }
0x18: {  	s0 =	sld [smem:$0x3F9A];
	_ =	swait.ge [sflag:s4], $0x0  }
0x19: {  	s7 =	sld [smem:$0x3F9B]  }
0x1a: {  	s8 =	sadd.s32 $0xFFFFE003, lr  }
0x1b: {  	s9 =	sadd.s32 $0xFFFFFEF7, lr;
	s5 =	simm.s32 $0xFFFFFFFF;
	p2 =	slt.u32 s8, $0xFFFFF086  }
0x1c: {  	p1 =	slt.u32 s9, $0xF7A;
	s5 =	simm.s32 @!p2 $0x0  }
0x1d: {  	s5 =	simm.s32 @p1 $0x1;
	p0 =	seq.s32 s7, s2  }
0x1e: {  	s7 =	smul.u32 @!p0 $0xF7A, s2;
	p2 =	seq.s32 @!p0 s5, $0x0  }
0x1f: {  	s9 =	smul.u32 $0xF7A, s1;
	s8 =	simm.s32 @!p0 $0x1BF5;
	p2 =	por !p2, p0  }
0x20: {  	[sflag:s8] =	ssyncset.s32 @!p0 $0xFFFFF086;
	s6 =	sadd.s32 @!p0 s3, s7;
	s7 =	simm.s32 @!p0 $0x108  }
0x21: {  	s3 =	sadd.s32 s3, s9;
	s6 =	sadd.s32 @!p0 $0x88, s6;
	s7 =	simm.s32 @p2 $0x1082  }
0x22: {  	[simem:s7], [sflag:s8] =	dma.local @!p0 [hbm:s6], $0xF7A  }
0x23: {  	s9 =	sor.u32 $0xD0000000, s2;
	s6 =	simm.s32 $0x108;
	_ =	swait.ge @!p0 [sflag:s8], $0x0  }
0x24: {  	s3 =	sadd.s32 $0x88, s3;
	s6 =	simm.s32 @!p1 $0x1082;
	[sflag:s4] =	ssyncset.s32 $0xFFFFF086  }
0x25: {  	[simem:s6], [sflag:s4] =	dma.local [hbm:s3], $0xF7A  }
0x26: {  	[smem:$0x3F9B] =	sst s1;
	(tag) =	ssettag s2;
	_ =	strace s9  }
0x27: {  	s1 =	sld [smem:$0x3FAB]  }
0x28: {  	s2 =	sld [smem:$0x3FAC]  }
0x29: {  	s4 =	sld [smem:$0x3FAE]  }
0x2a: {  	p0 =	seq.s32 s5, $0x0;
	s5 =	sld [smem:$0x3FAF]  }
0x2b: {  	s6 =	sld [smem:$0x3FB0]  }
0x2c: {  	s7 =	sld [smem:$0x3FB1]  }
0x2d: {  	s3 =	simm.s32 $0x108;
	s8 =	sld [smem:$0x3FB2]  }
0x2e: {  	s3 =	simm.s32 @!p0 $0x1082;
	s9 =	sld [smem:$0x3FB3]  }
0x2f: {  	lr =	sadd.s32 s0, s3;
	s0 =	sld [smem:$0x3FAA]  }
0x30: {  	s3 =	sld [smem:$0x3FAD]  }
0x31: {  	[smem:$0x3FB6] =	sst s10  }
0x32: {  	s10 =	sld [smem:$0x3FB4];
	_ =	sdelay $0x3  }
0x33: {  	p0 =	seq.s32 s10, $0x1;
	s10 =	sld [smem:$0x3FB6];
	_ =	sdelay $0x3  }
0x34: {  	[smem:$0x3FB6] =	sst s10  }
0x35: {  	s10 =	sld [smem:$0x3FB5];
	_ =	sdelay $0x3  }
0x36: {  	p1 =	seq.s32 s10, $0x1;
	s10 =	sld [smem:$0x3FB6];
	_ =	sdelay $0x3  }
0x37: {  	[smem:$0x3FB6] =	sst s10  }
0x38: {  	s10 =	sld [smem:$0x3FB7]  }
0x39: {  	_ = 	snop;
	(pc) =	sbr.ind lr, $3  }
0x3a: {  	_ = 	snop  }
0x3b: {  	_ = 	snop  }
0x3c: {  	p2 =	seq.s32 s10, $0x1;
	s10 =	sld [smem:$0x3FB6]  }
0x3d: {  	_ =	shalt  }
0x3e: {  	_ =	shalt  }
0x3f: {  	_ =	shalt  }
0x40: {  	_ =	shalt  }
0x41: {  	_ =	shalt  }
0x42: {  	_ =	shalt  }
0x43: {  	_ =	shalt  }
0x44: {  	_ =	shalt  }
0x45: {  	_ =	shalt  }
0x46: {  	_ =	shalt  }
0x47: {  	_ =	shalt  }
0x48: {  	_ =	shalt  }
0x49: {  	_ =	shalt  }
0x4a: {  	_ =	shalt  }
0x4b: {  	_ =	shalt  }
0x4c: {  	_ =	shalt  }
0x4d: {  	_ =	shalt  }
0x4e: {  	_ =	shalt  }
0x4f: {  	_ =	shalt  }
0x50: {  	_ =	shalt  }
0x51: {  	_ =	shalt  }
0x52: {  	_ =	shalt  }
0x53: {  	_ =	shalt  }
0x54: {  	_ =	shalt  }
0x55: {  	_ =	shalt  }
0x56: {  	_ =	shalt  }
0x57: {  	_ =	shalt  }
0x58: {  	_ =	shalt  }
0x59: {  	_ =	shalt  }
0x5a: {  	_ =	shalt  }
0x5b: {  	_ =	shalt  }
0x5c: {  	_ =	shalt  }
0x5d: {  	_ =	shalt  }
0x5e: {  	_ =	shalt  }
0x5f: {  	_ =	shalt  }
0x60: {  	_ =	shalt  }
0x61: {  	_ =	shalt  }
0x62: {  	_ =	shalt  }
0x63: {  	_ =	shalt  }
0x64: {  	_ =	shalt  }
0x65: {  	_ =	shalt  }
0x66: {  	_ =	shalt  }
0x67: {  	_ =	shalt  }
0x68: {  	_ =	shalt  }
0x69: {  	_ =	shalt  }
0x6a: {  	_ =	shalt  }
0x6b: {  	_ =	shalt  }
0x6c: {  	_ =	shalt  }
0x6d: {  	_ =	shalt  }
0x6e: {  	_ =	shalt  }
0x6f: {  	_ =	shalt  }
0x70: {  	_ =	shalt  }
0x71: {  	_ =	shalt  }
0x72: {  	_ =	shalt  }
0x73: {  	_ =	shalt  }
0x74: {  	_ =	shalt  }
0x75: {  	_ =	shalt  }
0x76: {  	_ =	shalt  }
0x77: {  	_ =	shalt  }
0x78: {  	_ =	shalt  }
0x79: {  	_ =	shalt  }
0x7a: {  	_ =	shalt  }
0x7b: {  	_ =	shalt  }
0x7c: {  	_ =	shalt  }
0x7d: {  	_ =	shalt  }
0x7e: {  	_ =	shalt  }
0x7f: {  	_ =	shalt  }
0x80: {  	_ =	shalt  }
0x81: {  	_ =	shalt  }
0x82: {  	_ =	shalt  }
0x83: {  	_ =	shalt  }
0x84: {  	_ =	shalt  }
0x85: {  	_ =	shalt  }
0x86: {  	_ =	shalt  }
0x87: {  	_ =	shalt  }
.Lfunc_end0:
.L_simem_size_0:
called_computation_lowered:
.L_overlay_start_0:
0x88: {  	s2 =	sld [smem:$0x3FD9]  }
0x89: {  	s3 =	sld [smem:$0x3FFE];
	_ =	sdelay $0x1  }
0x8a: {  	s1 =	srdreg.scid  }
0x8b: {  	s0 =	sand.u32 $0x1, s1  }
0x8c: {  	s17 =	sshll.u32 s0, $0xA;
	s2 =	sadd.s32 s3, s2  }
0x8d: {  	s2 =	sadd.s32 s2, s17  }
0x8e: {  	[smem:$0x3FC2] =	sst s2  }
0x8f: {  	_ = 	snop  }
0x90: {  	s2 =	sld [smem:$0x3FC9]  }
0x91: {  	s18 =	sld [smem:$0x3FD0];
	(tm) =	ssettm $0x1  }
0x92: {  	s4 =	sld [smem:$0x3FFB];
	_ =	sdelay $0x3  }
0x93: {  	_ =	strace s4  }
0x94: {  	s4 =	sld [smem:$0x3FFC];
	_ =	sdelay $0x3  }
0x95: {  	_ =	strace s4  }
0x96: {  	s4 =	sld [smem:$0x3FFD];
	_ =	sdelay $0x3  }
0x97: {  	_ =	strace s4  }
0x98: {  	_ =	strace $0x8FFFFFFF  }
0x99: {  	s19 =	sld [smem:$0x3FDB];
	_ =	sdelay $0x1  }
0x9a: {  	s5 =	simm.s32 $_scs_section_size  }
0x9b: {  	s6 =	simm.s32 $_size__tile_overlayer_lowered;
	s7 =	simm.s32 $_tile_overlayer_lowered  }
0x9c: {  	s22 =	simm.s32 $0x1BFF;
	s21 =	sshll.u32 s7, $0x1;
	s4 =	sadd.s32 s5, s19  }
0x9d: {  	s8 =	simm.s32 $0x0;
	s20 =	sshll.u32 s6, $0x1;
	s6 =	sadd.s32 s21, s4  }
0x9e: {  	[timem:s8], [sflag:s22] =	dma.local [hbm:s6], s20  }
0x9f: {  	_ =	swait.ge [sflag:s22], s20  }
0xa0: {  	s5 =	ssub.s32 $0x0, s20;
	[sflag:s22] =	ssyncset.done $0x0  }
0xa1: {  	[sflag:s22] =	ssyncadd.s32 s5;
	_ =	sdelay $0x1  }
0xa2: {  	s23 =	simm.s32 $0x1B8B  }
0xa3: {  	_ =	swait.ge [sflag:s23], $0x1  }
0xa4: {  	[sflag:s23] =	ssyncset.done $0x0  }
0xa5: {  	s25 =	simm.s32 $0x1B8E;
	s24 =	sld [smem:$0x3FFE];
	[sflag:s23] =	ssyncadd.s32 $0xFFFFFFFF  }
0xa6: {  	s26 =	simm.s32 $execute0_lowered;
	[smem:$0x3FD2] =	sst s25  }
0xa7: {  	s6 =	sshll.u32 s26, $0x1;
	_ =	strace $0x80000046;
	[dreg:$0x1] =	wrdreg $0xFFFFFFFF  }
0xa8: {  	s28 =	simm.s32 $_size_execute0_lowered;
	s4 =	sadd.s32 s4, s6;
	[dreg:$0x0] =	wrdreg $0x0  }
0xa9: {  	s6 =	sshll.u32 s28, $0x1;
	[dreg:$0x2] =	wrdreg s4  }
0xaa: {  	[dreg:$0x3] =	wrdreg s6  }
0xab: {  	[dreg:$0x4] =	wrdreg $0xC0  }
0xac: {  	_ =	task [dreg:s8], $0x5FFFF  }
0xad: {  	[dreg:$0x1] =	wrdreg $0xFFFFFFFF  }
0xae: {  	[dreg:$0x0] =	wrdreg $0x60  }
0xaf: {  	[dreg:$0x2] =	wrdreg s2  }
0xb0: {  	[dreg:$0x3] =	wrdreg s18  }
0xb1: {  	[dreg:$0x4] =	wrdreg s24  }
0xb2: {  	[dreg:$0x5] =	wrdreg $0x0  }
0xb3: {  	[dreg:$0x6] =	wrdreg $0x9  }
0xb4: {  	_ =	task.clear_ibuf [dreg:s8], $0x7FFFF;
	_ =	strace $0x90000046  }
0xb5: {  	s29 =	simm.s32 $0x9;
	_ =	strace $0x80000048  }
0xb6: {  	_ =	swait.ge [sflag:s29], $0x1  }
0xb7: {  	[sflag:s29] =	ssyncadd.s32 $0xFFFFFFFF  }
0xb8: {  	_ =	strace $0x90000048  }
0xb9: {  	_ =	sfence  }
0xba: {  	s30 =	sld [smem:$0x0];
	_ =	sdelay $0x2  }
0xbb: {  	s31 =	sshll.u32 s1, $0xD;
	s1 =	sshrl.u32 s1, $0x2  }
0xbc: {  	s3 =	sand.u32 $0x4000, s31;
	s1 =	sadd.s32 s1, s30  }
0xbd: {  	s0 =	sor.u32 s3, s0;
	s1 =	sshll.u32 s1, $0x11  }
0xbe: {  	s0 =	sor.u32 s1, s0  }
0xbf: {  	s0 =	sadd.s32 $0x8F2B, s0  }
0xc0: {  	[sflag:s0] =	ssyncadd.remote.s32 $0x1  }
0xc1: {  	_ =	sfence.sel $0xFFFF  }
0xc2: {  	[dreg:$0x0] =	wrdreg $0xFFFFFFFF;
	(pc) =	sbr.abs _section_cstart, $3  }
0xc3: {  	[dreg:$0x1] =	wrdreg $0xFFFFFFFF  }
0xc4: {  	_ =	task.clear_ibuf [dreg:s8], $0x2FFFF;
	_ =	strace $0x9FFFFFFF  }
0xc5: {  	(tm) =	ssettm $0x7FFFFFFF  }
tec
execute0_lowered:
.L_overlay_start_1:
0x0: {  	(tag) =	ssettag $0x1  }
0x1: {  	s1 =	rddreg [dreg:$0x0]  }
0x2: {  	s0 =	rddreg [dreg:$0x1]  }
0x3: {  	s2 =	rddreg [dreg:$0x2]  }
0x4: {  	s3 =	rddreg [dreg:$0x3];
	s4 =	srdreg.scid  }
0x5: {  	s8 =	stileid.u32;
	s7 =	simm.s32 $0x0;
	s30 =	stileid.u32  }
0x6: {  	s31 =	simm.s32 $0x28;
	s29 =	simm.s32 $0x1A780;
	s28 =	simm.s32 $0x1E780  }
0x7: {  	s4 =	sand.u32 $0x1, s4;
	s5 =	sshll.u32 s8, $0x1;
	[smem:$0x7FF] =	sst s7  }
0x8: {  	s26 =	smul.u32 $0x4F000, s8;
	p1 =	sne.s32 s8, $0xF;
	s14 =	sadd.s32 $0x128400, s3  }
0x9: {  	s15 =	sadd.s32 $0x12AC00, s3;
	_ =	strace $0x80000047;
	[dreg:$0xd] =	wrdreg s14  }
0xa: {  	p2 =	seq.s32 s8, $0xF;
	s16 =	sadd.s32 $0x12D400, s3;
	[dreg:$0xe] =	wrdreg s15  }
0xb: {  	s17 =	sadd.s32 $0x12FC00, s3;
	s18 =	sadd.s32 $0x132400, s3;
	[dreg:$0xf] =	wrdreg s16  }
0xc: {  	s20 =	sadd.s32 $0x134C00, s3;
	s21 =	smul.u32 $0x2780, s8;
	[dreg:$0x10] =	wrdreg s17  }
0xd: {  	s22 =	sadd.s32 $0x137400, s3;
	s23 =	sadd.s32 $0x25080, s1;
	[dreg:$0x11] =	wrdreg s18  }
0xe: {  	s8 =	simm.s32 $0x4;
	s6 =	smul.u32 $0x27100, s4;
	[dreg:$0x13] =	wrdreg s20  }
0xf: {  	s5 =	sor.u32 s4, s5;
	s24 =	ssub.s32 $0x2, s4;
	[dreg:$0x16] =	wrdreg s22  }
0x10: {  	p0 =	seq.s32 s4, $0x0;
	[dreg:$0x17] =	wrdreg s23;
	s18 =	simm.s32 $0x13880  }
0x11: {  	s14 =	simm.s32 $0x1C380;
	s16 =	simm.s32 $0x1D780;
	s22 =	simm.s32 $0x19780  }
0x12: {  	s23 =	simm.s32 $0x19F80;
	s15 =	simm.s32 $0x1BF80;
	s17 =	simm.s32 $0x1C780  }
0x13: {  	s5 =	smul.u32 $0x2710, s5;
	s25 =	sshrl.u32 s24, $0x1;
	s7 =	sshrl.u32 s26, $0x2  }
0x14: {  	[dreg:$0x14] =	wrdreg s21;
	s26 =	sadd.s32 s1, s21;
	s2 =	sadd.s32 s6, s2  }
0x15: {  	s6 =	ssub.s32 s24, s25;
	[dreg:$0x1a] =	wrdreg s26;
	s24 =	sadd.s32 $0xE00, s2  }
0x16: {  	s5 =	sshrl.u32 s5, $0x3;
	s25 =	smax.u32 s6, $0x1;
	[dreg:$0x18] =	wrdreg s24  }
0x17: {  	s4 =	simm.s32 $0x5;
	s0 =	sadd.s32 s0, s5;
	[dreg:$0x19] =	wrdreg s25  }
0x18: {  	s20 =	simm.s32 $0x1F780;
	[dreg:$0x5] =	wrdreg s0;
	s0 =	sadd.s32 $0x9C40, s0  }
0x19: {  	p1 =	por !p0, !p1;
	[dreg:$0x6] =	wrdreg s0;
	s0 =	sadd.s32 s7, s3  }
0x1a: {  	p3 =	por !p0, !p2;
	s9 =	sadd.s32 $0x2800, s0;
	[dreg:$0x7] =	wrdreg s0  }
0x1b: {  	s21 =	simm.s32 $0x18F80;
	s10 =	sadd.s32 $0x5000, s0;
	[dreg:$0x8] =	wrdreg s9  }
0x1c: {  	p1 =	por !p1, !p1;
	s11 =	sadd.s32 $0x7800, s0;
	[dreg:$0x9] =	wrdreg s10  }
0x1d: {  	p3 =	por !p3, !p3;
	s12 =	sadd.s32 $0xA000, s0;
	[dreg:$0xa] =	wrdreg s11  }
0x1e: {  	s26 =	simm.s32 $0x1CF80;
	s13 =	sadd.s32 $0xC800, s0;
	[dreg:$0xb] =	wrdreg s12  }
0x1f: {  	s6 =	simm.s32 $0x3;
	s19 =	sadd.s32 $0xF000, s0;
	[dreg:$0xc] =	wrdreg s13  }
0x20: {  	s2 =	simm.s32 $0x6;
	s0 =	sadd.s32 $0x11800, s0;
	[dreg:$0x12] =	wrdreg s19  }
0x21: {  	s5 =	simm.s32 $0x1DF80;
	s25 =	simm.s32 $0x1EF80;
	[dreg:$0x15] =	wrdreg s0  }
0x22: {  	s0 =	simm.s32 $0x18780;
	s11 =	simm.s32 $0x1AF80;
	s19 =	simm.s32 $0x1  }
0x23: {  	vm0 =	vmmov $0xffff;
	v0 =	vimm.f32 $0.0e+00;
	s10 =	simm.s32 $0x2;
	s12 =	simm.s32 $0x1B780;
	s13 =	simm.s32 $0x0  }
.LBB2_1:
.Ltmp0:
0x24: {  	[dreg:$0x1b] =	wrdreg s13;
	(pc) =	sbr.rel @!p1 .LBB2_3-.Ltmp0, $4  }
0x25: {  	s7 =	simm.s32 $0x0;
	s9 =	rddreg [dreg:$0x5]  }
0x26: {  	[tilespmem:s18], [sflag:$0x8] =	stream.linear.gather [hbm4b:s9+s7], $0x2710, $0x38;
	[tilespmem:$0x1FF80] =	vst v63  }
0x27: {  	s24 =	rddreg [dreg:$0x6];
	s9 =	simm.s32 $0x16000  }
0x28: {  	[tilespmem:s9], [sflag:$0x8] =	stream.linear.gather [hbm4b:s24+s7], $0x2710, $0x38;
	[tilespmem:$0x1FF80] =	vst v63  }
.Ltmp1:
0x29: {  	(pc) =	sbr.rel .LBB2_9-.Ltmp1, $4  }
0x2a: {  	s7 =	sshll.u32 s30, $0x6;
	s13 =	rddreg [dreg:$0x7]  }
0x2b: {  	s9 =	rddreg [dreg:$0x1a];
	s7 =	sor.u32 $0x1C07, s7;
	s24 =	sshrl.u32 s13, $0x3  }
0x2c: {  	[spmem:s24], [sflag:s7] =	dma.local [hbm:s9], $0x2780  }
0x2d: {  	p4 =	por $0x0, $0x0;
	p5 =	por $0x0, $0x0;
	s9 =	simm.s32 $0x19B80  }
.LBB2_3:
.Ltmp2:
0x2e: {  	(pc) =	sbr.rel @!p3 .LBB2_5-.Ltmp2, $1  }
0x2f: {  	_ =	sdelay $0x3  }
.Ltmp3:
0x30: {  	(pc) =	sbr.rel .LBB2_9-.Ltmp3, $4  }
0x31: {  	s7 =	rddreg [dreg:$0xd]  }
0x32: {  	s13 =	rddreg [dreg:$0x17];
	s9 =	simm.s32 $0x1FC7;
	s7 =	sshrl.u32 s7, $0x3  }
0x33: {  	[spmem:s7], [sflag:s9] =	dma.local [hbm:s13], $0x2080  }
0x34: {  	p4 =	por $0x1, $0x1;
	p5 =	por $0x1, $0x1;
	s9 =	simm.s32 $0x19B80  }
.LBB2_5:
.Ltmp4:
0x35: {  	(pc) =	sbr.rel @p0 .LBB2_9-.Ltmp4, $3  }
0x36: {  	_ =	sdelay $0x1  }
0x37: {  	s24 =	simm.s32 $0x0  }
0x38: {  	p5 =	por $0x0, $0x0;
	p4 =	por p2, p2;
	s9 =	simm.s32 $0x19B80  }
0x39: {  	s7 =	sshra.s32 s24, $0x2;
	s24 =	sadd.s32 $0x200, s24  }
.LBB2_7:
0x3a: {  	p4 =	sne.s32 s24, $0x9E00;
	[tilespmem:s7+$0x187F0] =	vst v0  }
0x3b: {  	[tilespmem:s7+$0x18780] =	vst v0  }
0x3c: {  	[tilespmem:s7+$0x18790] =	vst v0  }
.Ltmp5:
0x3d: {  	[tilespmem:s7+$0x187A0] =	vst v0;
	(pc) =	sbr.rel @p4 .LBB2_7-.Ltmp5, $4  }
0x3e: {  	[tilespmem:s7+$0x187B0] =	vst v0  }
0x3f: {  	[tilespmem:s7+$0x187C0] =	vst v0  }
0x40: {  	[tilespmem:s7+$0x187D0] =	vst v0  }
0x41: {  	[tilespmem:s7+$0x187E0] =	vst v0;
	s7 =	sshra.s32 s24, $0x2;
	s24 =	sadd.s32 $0x200, s24  }
0x42: {  	[tilespmem:s7+$0x187F0] =	vst v0  }
0x43: {  	[tilespmem:s7+$0x18780] =	vst v0  }
0x44: {  	[tilespmem:s7+$0x18790] =	vst v0  }
0x45: {  	[tilespmem:s7+$0x187A0] =	vst v0  }
0x46: {  	[tilespmem:s7+$0x187B0] =	vst v0  }
0x47: {  	[tilespmem:s7+$0x187C0] =	vst v0  }
0x48: {  	[tilespmem:s7+$0x187D0] =	vst v0  }
0x49: {  	[tilespmem:s7+$0x187E0] =	vst v0;
	s7 =	simm.s32 @p2 $0x18780;
	s13 =	rddreg [dreg:$0xd];
	s24 =	simm.s32 @p2 $0x9  }
0x4a: {  	[spmem:s13] =	stream.linear.scatter @p2 [tilespmem:s7], [sflag:$0x9], $0x2800, $0x38;
	[tilespmem:$0x1FF80] =	vst v63  }
0x4b: {  	_ =	swait.ge @p2 [sflag:s24], $0x2800  }
0x4c: {  	[sflag:s24] =	ssyncset.done @p2 $0x0  }
0x4d: {  	s13 =	rddreg [dreg:$0xe];
	[sflag:s24] =	ssyncadd.s32 @p2 $0xFFFFD800  }
0x4e: {  	[spmem:s13] =	stream.linear.scatter @p2 [tilespmem:s7], [sflag:$0x9], $0x2800, $0x38;
	[tilespmem:$0x1FF80] =	vst v63  }
0x4f: {  	_ =	swait.ge @p2 [sflag:s24], $0x2800  }
0x50: {  	[sflag:s24] =	ssyncset.done @p2 $0x0  }
0x51: {  	s13 =	rddreg [dreg:$0xf];
	[sflag:s24] =	ssyncadd.s32 @p2 $0xFFFFD800  }
0x52: {  	[spmem:s13] =	stream.linear.scatter @p2 [tilespmem:s7], [sflag:$0x9], $0x2800, $0x38;
	[tilespmem:$0x1FF80] =	vst v63  }
0x53: {  	_ =	swait.ge @p2 [sflag:s24], $0x2800  }
0x54: {  	[sflag:s24] =	ssyncset.done @p2 $0x0  }
0x55: {  	s13 =	rddreg [dreg:$0x10];
	[sflag:s24] =	ssyncadd.s32 @p2 $0xFFFFD800  }
0x56: {  	[spmem:s13] =	stream.linear.scatter @p2 [tilespmem:s7], [sflag:$0x9], $0x2800, $0x38;
	[tilespmem:$0x1FF80] =	vst v63  }
0x57: {  	_ =	swait.ge @p2 [sflag:s24], $0x2800  }
0x58: {  	[sflag:s24] =	ssyncset.done @p2 $0x0  }
0x59: {  	s13 =	rddreg [dreg:$0x11];
	[sflag:s24] =	ssyncadd.s32 @p2 $0xFFFFD800  }
0x5a: {  	[spmem:s13] =	stream.linear.scatter @p2 [tilespmem:s7], [sflag:$0x9], $0x2800, $0x38;
	[tilespmem:$0x1FF80] =	vst v63  }
0x5b: {  	_ =	swait.ge @p2 [sflag:s24], $0x2800  }
0x5c: {  	[sflag:s24] =	ssyncset.done @p2 $0x0  }
0x5d: {  	s13 =	rddreg [dreg:$0x13];
	[sflag:s24] =	ssyncadd.s32 @p2 $0xFFFFD800  }
0x5e: {  	[spmem:s13] =	stream.linear.scatter @p2 [tilespmem:s7], [sflag:$0x9], $0x2800, $0x38;
	[tilespmem:$0x1FF80] =	vst v63  }
0x5f: {  	_ =	swait.ge @p2 [sflag:s24], $0x2800  }
0x60: {  	[sflag:s24] =	ssyncset.done @p2 $0x0  }
0x61: {  	s13 =	rddreg [dreg:$0x16];
	[sflag:s24] =	ssyncadd.s32 @p2 $0xFFFFD800  }
0x62: {  	[spmem:s13] =	stream.linear.scatter @p2 [tilespmem:s7], [sflag:$0x9], $0x1400, $0x38;
	[tilespmem:$0x1FF80] =	vst v63  }
0x63: {  	_ =	swait.ge @p2 [sflag:s24], $0x1400  }
0x64: {  	s7 =	simm.s32 @!p2 $0x18780;
	[sflag:s24] =	ssyncset.done @p2 $0x0  }
0x65: {  	s13 =	rddreg [dreg:$0x7];
	[sflag:s24] =	ssyncadd.s32 @p2 $0xFFFFEC00;
	s24 =	simm.s32 @!p2 $0x9  }
0x66: {  	[spmem:s13] =	stream.linear.scatter @!p2 [tilespmem:s7], [sflag:$0x9], $0x2800, $0x38;
	[tilespmem:$0x1FF80] =	vst v63  }
0x67: {  	_ =	swait.ge @!p2 [sflag:s24], $0x2800  }
0x68: {  	[sflag:s24] =	ssyncset.done @!p2 $0x0  }
0x69: {  	s13 =	rddreg [dreg:$0x8];
	[sflag:s24] =	ssyncadd.s32 @!p2 $0xFFFFD800  }
0x6a: {  	[spmem:s13] =	stream.linear.scatter @!p2 [tilespmem:s7], [sflag:$0x9], $0x2800, $0x38;
	[tilespmem:$0x1FF80] =	vst v63  }
0x6b: {  	_ =	swait.ge @!p2 [sflag:s24], $0x2800  }
0x6c: {  	[sflag:s24] =	ssyncset.done @!p2 $0x0  }
0x6d: {  	s13 =	rddreg [dreg:$0x9];
	[sflag:s24] =	ssyncadd.s32 @!p2 $0xFFFFD800  }
0x6e: {  	[spmem:s13] =	stream.linear.scatter @!p2 [tilespmem:s7], [sflag:$0x9], $0x2800, $0x38;
	[tilespmem:$0x1FF80] =	vst v63  }
0x6f: {  	_ =	swait.ge @!p2 [sflag:s24], $0x2800  }
0x70: {  	[sflag:s24] =	ssyncset.done @!p2 $0x0  }
0x71: {  	s13 =	rddreg [dreg:$0xa];
	[sflag:s24] =	ssyncadd.s32 @!p2 $0xFFFFD800  }
0x72: {  	[spmem:s13] =	stream.linear.scatter @!p2 [tilespmem:s7], [sflag:$0x9], $0x2800, $0x38;
	[tilespmem:$0x1FF80] =	vst v63  }
0x73: {  	_ =	swait.ge @!p2 [sflag:s24], $0x2800  }
0x74: {  	[sflag:s24] =	ssyncset.done @!p2 $0x0  }
0x75: {  	s13 =	rddreg [dreg:$0xb];
	[sflag:s24] =	ssyncadd.s32 @!p2 $0xFFFFD800  }
0x76: {  	[spmem:s13] =	stream.linear.scatter @!p2 [tilespmem:s7], [sflag:$0x9], $0x2800, $0x38;
	[tilespmem:$0x1FF80] =	vst v63  }
0x77: {  	_ =	swait.ge @!p2 [sflag:s24], $0x2800  }
0x78: {  	[sflag:s24] =	ssyncset.done @!p2 $0x0  }
0x79: {  	s13 =	rddreg [dreg:$0xc];
	[sflag:s24] =	ssyncadd.s32 @!p2 $0xFFFFD800  }
0x7a: {  	[spmem:s13] =	stream.linear.scatter @!p2 [tilespmem:s7], [sflag:$0x9], $0x2800, $0x38;
	[tilespmem:$0x1FF80] =	vst v63  }
0x7b: {  	_ =	swait.ge @!p2 [sflag:s24], $0x2800  }
0x7c: {  	[sflag:s24] =	ssyncset.done @!p2 $0x0  }
0x7d: {  	s13 =	rddreg [dreg:$0x12];
	[sflag:s24] =	ssyncadd.s32 @!p2 $0xFFFFD800  }
0x7e: {  	[spmem:s13] =	stream.linear.scatter @!p2 [tilespmem:s7], [sflag:$0x9], $0x2800, $0x38;
	[tilespmem:$0x1FF80] =	vst v63  }
0x7f: {  	_ =	swait.ge @!p2 [sflag:s24], $0x2800  }
0x80: {  	[sflag:s24] =	ssyncset.done @!p2 $0x0  }
0x81: {  	s13 =	rddreg [dreg:$0x15];
	[sflag:s24] =	ssyncadd.s32 @!p2 $0xFFFFD800  }
0x82: {  	[spmem:s13] =	stream.linear.scatter @!p2 [tilespmem:s7], [sflag:$0x9], $0x2400, $0x38;
	[tilespmem:$0x1FF80] =	vst v63  }
0x83: {  	p5 =	por @p2 $0x0, $0x0;
	_ =	swait.ge @!p2 [sflag:s24], $0x2400  }
0x84: {  	p4 =	por @p2 $0x1, $0x1;
	p6 =	por @!p2 $0x0, $0x0;
	[sflag:s24] =	ssyncset.done @!p2 $0x0  }
0x85: {  	p4 =	por @!p2 p6, p6;
	p5 =	por @!p2 p6, p6;
	[sflag:s24] =	ssyncadd.s32 @!p2 $0xFFFFDC00  }
.LBB2_9:
0x86: {  	s7 =	simm.s32 $0x8  }
0x87: {  	_ =	swait.ge [sflag:s7], $0x2710  }
0x88: {  	[sflag:s7] =	ssyncset.done $0x0  }
0x89: {  	[sflag:s7] =	ssyncadd.s32 $0xFFFFD8F0  }
0x8a: {  	_ =	swait.ge [sflag:s7], $0x2710  }
0x8b: {  	[sflag:s7] =	ssyncset.done $0x0  }
0x8c: {  	[sflag:s7] =	ssyncadd.s32 $0xFFFFD8F0  }
0x8d: {  	[tilespmem:s0], [sflag:$0x1] =	stream.indirect.gather [hbm4b:s1+s31], $0x80, s18, s31, $0xb8;
	[tilespmem:$0x1FF80] =	vst v63  }
0x8e: {  	s30 =	simm.s32 $0x138A8  }
0x8f: {  	[tilespmem:s9], [sflag:$0x1] =	stream.indirect.gather [hbm4b:s1+s31], $0x80, s30, s31, $0xb8;
	[tilespmem:$0x1FF80] =	vst v63  }
0x90: {  	s13 =	simm.s32 $0x138D0  }
0x91: {  	[tilespmem:s11], [sflag:$0x2] =	stream.indirect.gather [hbm4b:s1+s31], $0x80, s13, s31, $0xb8;
	[tilespmem:$0x1FF80] =	vst v63  }
0x92: {  	s18 =	simm.s32 $0x138F8  }
0x93: {  	[tilespmem:s14], [sflag:$0x2] =	stream.indirect.gather [hbm4b:s1+s31], $0x80, s18, s31, $0xb8;
	[tilespmem:$0x1FF80] =	vst v63  }
0x94: {  	s24 =	simm.s32 $0x13920  }
0x95: {  	[tilespmem:s16], [sflag:$0x3] =	stream.indirect.gather [hbm4b:s1+s31], $0x80, s24, s31, $0xb8;
	[tilespmem:$0x1FF80] =	vst v63  }
0x96: {  	s7 =	simm.s32 @p1 $0x7;
	s30 =	simm.s32 $0x13948;
	s18 =	simm.s32 $0x1EB80  }
0x97: {  	[tilespmem:s18], [sflag:$0x3] =	stream.indirect.gather [hbm4b:s1+s31], $0x80, s30, s31, $0xb8;
	[tilespmem:$0x1FF80] =	vst v63  }
0x98: {  	_ =	swait.ge @p1 [sflag:s7], $0x2780  }
0x99: {  	[sflag:s7] =	ssyncset.done @p1 $0x0  }
0x9a: {  	[sflag:s7] =	ssyncadd.s32 @p1 $0xFFFFD880;
	s7 =	simm.s32 @p5 $0x7  }
0x9b: {  	_ =	swait.ge @p5 [sflag:s7], $0x2080  }
0x9c: {  	[sflag:s7] =	ssyncset.done @p5 $0x0  }
0x9d: {  	[sflag:s7] =	ssyncadd.s32 @p5 $0xFFFFDF80  }
0x9e: {  	[bflag:$0x0] =	sbarrier.arrive $0xFFFF  }
0x9f: {  	_ =	swait.ge [sflag:s19], $0x1400  }
0xa0: {  	[sflag:s19] =	ssyncset.done $0x0  }
0xa1: {  	[sflag:s19] =	ssyncadd.s32 $0xFFFFEC00  }
0xa2: {  	_ =	swait.ge [sflag:s19], $0x1400  }
0xa3: {  	[sflag:s19] =	ssyncset.done $0x0  }
0xa4: {  	[sflag:s19] =	ssyncadd.s32 $0xFFFFEC00  }
0xa5: {  	v1 =	vld [tilespmem:$0x16000];
	_ =	sdelay $0x7  }
0xa6: {  	[spmem:s3] =	stream.indirect_vreg.scatter.add.f32 [tilespmem:s0], [sflag:$0x4], $0x80, v1, vm0, $0xb8;
	[tilespmem:$0x1FF80] =	vst v63  }
0xa7: {  	v1 =	vld [tilespmem:$0x16010];
	_ =	sdelay $0x7  }
0xa8: {  	[spmem:s3] =	stream.indirect_vreg.scatter.add.f32 [tilespmem:s21], [sflag:$0x4], $0x80, v1, vm0, $0xb8;
	[tilespmem:$0x1FF80] =	vst v63  }
0xa9: {  	v1 =	vld [tilespmem:$0x16020];
	_ =	sdelay $0x7  }
0xaa: {  	[spmem:s3] =	stream.indirect_vreg.scatter.add.f32 [tilespmem:s22], [sflag:$0x4], $0x80, v1, vm0, $0xb8;
	[tilespmem:$0x1FF80] =	vst v63  }
0xab: {  	v1 =	vld [tilespmem:$0x16030];
	_ =	sdelay $0x7  }
0xac: {  	[spmem:s3] =	stream.indirect_vreg.scatter.add.f32 [tilespmem:s23], [sflag:$0x4], $0x80, v1, vm0, $0xb8;
	[tilespmem:$0x1FF80] =	vst v63  }
0xad: {  	v1 =	vld [tilespmem:$0x16040];
	_ =	sdelay $0x6  }
0xae: {  	s24 =	simm.s32 $0xF0;
	s7 =	simm.s32 $0x0  }
0xaf: {  	[spmem:s3] =	stream.indirect_vreg.scatter.add.f32 [tilespmem:s29], [sflag:$0x4], $0x80, v1, vm0, $0xb8;
	[tilespmem:$0x1FF80] =	vst v63  }
.LBB2_10:
0xb0: {  	_ =	swait.ge [sflag:s8], $0x800  }
0xb1: {  	[sflag:s8] =	ssyncset.done $0x0  }
0xb2: {  	[sflag:s8] =	ssyncadd.s32 $0xFFFFF800  }
0xb3: {  	_ =	swait.ge [sflag:s8], $0x800  }
0xb4: {  	[sflag:s8] =	ssyncset.done $0x0  }
0xb5: {  	[sflag:s8] =	ssyncadd.s32 $0xFFFFF800  }
0xb6: {  	_ =	swait.ge [sflag:s8], $0x800  }
0xb7: {  	[sflag:s8] =	ssyncset.done $0x0  }
0xb8: {  	[sflag:s8] =	ssyncadd.s32 $0xFFFFF800  }
0xb9: {  	_ =	swait.ge [sflag:s8], $0x800  }
0xba: {  	[sflag:s8] =	ssyncset.done $0x0  }
0xbb: {  	[sflag:s8] =	ssyncadd.s32 $0xFFFFF800  }
0xbc: {  	_ =	swait.ge [sflag:s8], $0x800  }
0xbd: {  	s30 =	sshra.s32 s7, $0x2;
	[sflag:s8] =	ssyncset.done $0x0  }
0xbe: {  	s13 =	sadd.s32 $0x13970, s30;
	[sflag:s8] =	ssyncadd.s32 $0xFFFFF800  }
0xbf: {  	[tilespmem:s0], [sflag:$0x1] =	stream.indirect.gather [hbm4b:s1+s31], $0x80, s13, s31, $0xb8;
	[tilespmem:$0x1FF80] =	vst v63  }
0xc0: {  	s13 =	sadd.s32 $0x13998, s30  }
0xc1: {  	[tilespmem:s9], [sflag:$0x1] =	stream.indirect.gather [hbm4b:s1+s31], $0x80, s13, s31, $0xb8;
	[tilespmem:$0x1FF80] =	vst v63  }
0xc2: {  	_ =	swait.ge [sflag:s10], $0x1400  }
0xc3: {  	[sflag:s10] =	ssyncset.done $0x0  }
0xc4: {  	[sflag:s10] =	ssyncadd.s32 $0xFFFFEC00  }
0xc5: {  	_ =	swait.ge [sflag:s10], $0x1400  }
0xc6: {  	[sflag:s10] =	ssyncset.done $0x0  }
0xc7: {  	[sflag:s10] =	ssyncadd.s32 $0xFFFFEC00  }
0xc8: {  	v1 =	vld [tilespmem:s30+$0x16050];
	_ =	sdelay $0x7  }
0xc9: {  	[spmem:s3] =	stream.indirect_vreg.scatter.add.f32 [tilespmem:s11], [sflag:$0x5], $0x80, v1, vm0, $0xb8;
	[tilespmem:$0x1FF80] =	vst v63  }
0xca: {  	v1 =	vld [tilespmem:s30+$0x16060];
	_ =	sdelay $0x6  }
0xcb: {  	s13 =	sand.u32 $0x3FF0, s24  }
0xcc: {  	[spmem:s3] =	stream.indirect_vreg.scatter.add.f32 [tilespmem:s12], [sflag:$0x5], $0x80, v1, vm0, $0xb8;
	[tilespmem:$0x1FF80] =	vst v63  }
0xcd: {  	v1 =	vld [tilespmem:s13+$0x15F80];
	_ =	sdelay $0x7  }
0xce: {  	[spmem:s3] =	stream.indirect_vreg.scatter.add.f32 [tilespmem:s15], [sflag:$0x5], $0x80, v1, vm0, $0xb8;
	[tilespmem:$0x1FF80] =	vst v63  }
0xcf: {  	v1 =	vld [tilespmem:s30+$0x16080];
	_ =	sdelay $0x7  }
0xd0: {  	[spmem:s3] =	stream.indirect_vreg.scatter.add.f32 [tilespmem:s17], [sflag:$0x5], $0x80, v1, vm0, $0xb8;
	[tilespmem:$0x1FF80] =	vst v63  }
0xd1: {  	v1 =	vld [tilespmem:s30+$0x16090];
	_ =	sdelay $0x7  }
0xd2: {  	[spmem:s3] =	stream.indirect_vreg.scatter.add.f32 [tilespmem:s26], [sflag:$0x5], $0x80, v1, vm0, $0xb8;
	[tilespmem:$0x1FF80] =	vst v63  }
0xd3: {  	_ =	swait.ge [sflag:s4], $0x800  }
0xd4: {  	[sflag:s4] =	ssyncset.done $0x0  }
0xd5: {  	[sflag:s4] =	ssyncadd.s32 $0xFFFFF800  }
0xd6: {  	_ =	swait.ge [sflag:s4], $0x800  }
0xd7: {  	[sflag:s4] =	ssyncset.done $0x0  }
0xd8: {  	[sflag:s4] =	ssyncadd.s32 $0xFFFFF800  }
0xd9: {  	_ =	swait.ge [sflag:s4], $0x800  }
0xda: {  	[sflag:s4] =	ssyncset.done $0x0  }
0xdb: {  	[sflag:s4] =	ssyncadd.s32 $0xFFFFF800  }
0xdc: {  	_ =	swait.ge [sflag:s4], $0x800  }
0xdd: {  	[sflag:s4] =	ssyncset.done $0x0  }
0xde: {  	[sflag:s4] =	ssyncadd.s32 $0xFFFFF800  }
0xdf: {  	_ =	swait.ge [sflag:s4], $0x800  }
0xe0: {  	[sflag:s4] =	ssyncset.done $0x0  }
0xe1: {  	s13 =	sadd.s32 $0x139C0, s30;
	[sflag:s4] =	ssyncadd.s32 $0xFFFFF800  }
0xe2: {  	[tilespmem:s11], [sflag:$0x2] =	stream.indirect.gather [hbm4b:s1+s31], $0x80, s13, s31, $0xb8;
	[tilespmem:$0x1FF80] =	vst v63  }
0xe3: {  	s13 =	sadd.s32 $0x139E8, s30  }
0xe4: {  	[tilespmem:s14], [sflag:$0x2] =	stream.indirect.gather [hbm4b:s1+s31], $0x80, s13, s31, $0xb8;
	[tilespmem:$0x1FF80] =	vst v63  }
0xe5: {  	_ =	swait.ge [sflag:s6], $0x1400  }
0xe6: {  	[sflag:s6] =	ssyncset.done $0x0  }
0xe7: {  	[sflag:s6] =	ssyncadd.s32 $0xFFFFEC00  }
0xe8: {  	_ =	swait.ge [sflag:s6], $0x1400  }
0xe9: {  	[sflag:s6] =	ssyncset.done $0x0  }
0xea: {  	[sflag:s6] =	ssyncadd.s32 $0xFFFFEC00  }
0xeb: {  	v1 =	vld [tilespmem:s30+$0x160A0];
	_ =	sdelay $0x7  }
0xec: {  	[spmem:s3] =	stream.indirect_vreg.scatter.add.f32 [tilespmem:s16], [sflag:$0x6], $0x80, v1, vm0, $0xb8;
	[tilespmem:$0x1FF80] =	vst v63  }
0xed: {  	v1 =	vld [tilespmem:s30+$0x160B0];
	_ =	sdelay $0x7  }
0xee: {  	[spmem:s3] =	stream.indirect_vreg.scatter.add.f32 [tilespmem:s5], [sflag:$0x6], $0x80, v1, vm0, $0xb8;
	[tilespmem:$0x1FF80] =	vst v63  }
0xef: {  	v1 =	vld [tilespmem:s30+$0x160C0];
	_ =	sdelay $0x7  }
0xf0: {  	[spmem:s3] =	stream.indirect_vreg.scatter.add.f32 [tilespmem:s28], [sflag:$0x6], $0x80, v1, vm0, $0xb8;
	[tilespmem:$0x1FF80] =	vst v63  }
0xf1: {  	v1 =	vld [tilespmem:s30+$0x160D0];
	_ =	sdelay $0x7  }
0xf2: {  	[spmem:s3] =	stream.indirect_vreg.scatter.add.f32 [tilespmem:s25], [sflag:$0x6], $0x80, v1, vm0, $0xb8;
	[tilespmem:$0x1FF80] =	vst v63  }
0xf3: {  	v1 =	vld [tilespmem:s30+$0x160E0];
	_ =	sdelay $0x7  }
0xf4: {  	[spmem:s3] =	stream.indirect_vreg.scatter.add.f32 [tilespmem:s20], [sflag:$0x6], $0x80, v1, vm0, $0xb8;
	[tilespmem:$0x1FF80] =	vst v63  }
0xf5: {  	_ =	swait.ge [sflag:s2], $0x800  }
0xf6: {  	[sflag:s2] =	ssyncset.done $0x0  }
0xf7: {  	[sflag:s2] =	ssyncadd.s32 $0xFFFFF800  }
0xf8: {  	_ =	swait.ge [sflag:s2], $0x800  }
0xf9: {  	[sflag:s2] =	ssyncset.done $0x0  }
0xfa: {  	[sflag:s2] =	ssyncadd.s32 $0xFFFFF800  }
0xfb: {  	_ =	swait.ge [sflag:s2], $0x800  }
0xfc: {  	[sflag:s2] =	ssyncset.done $0x0  }
0xfd: {  	[sflag:s2] =	ssyncadd.s32 $0xFFFFF800  }
0xfe: {  	_ =	swait.ge [sflag:s2], $0x800  }
0xff: {  	[sflag:s2] =	ssyncset.done $0x0  }
0x100: {  	[sflag:s2] =	ssyncadd.s32 $0xFFFFF800  }
0x101: {  	_ =	swait.ge [sflag:s2], $0x800  }
0x102: {  	[sflag:s2] =	ssyncset.done $0x0  }
0x103: {  	s13 =	sadd.s32 $0x13A10, s30;
	[sflag:s2] =	ssyncadd.s32 $0xFFFFF800  }
0x104: {  	[tilespmem:s16], [sflag:$0x3] =	stream.indirect.gather [hbm4b:s1+s31], $0x80, s13, s31, $0xb8;
	[tilespmem:$0x1FF80] =	vst v63  }
0x105: {  	s13 =	sadd.s32 $0x13A38, s30  }
0x106: {  	[tilespmem:s18], [sflag:$0x3] =	stream.indirect.gather [hbm4b:s1+s31], $0x80, s13, s31, $0xb8;
	[tilespmem:$0x1FF80] =	vst v63  }
0x107: {  	_ =	swait.ge [sflag:s19], $0x1400  }
0x108: {  	[sflag:s19] =	ssyncset.done $0x0  }
0x109: {  	[sflag:s19] =	ssyncadd.s32 $0xFFFFEC00  }
0x10a: {  	_ =	swait.ge [sflag:s19], $0x1400  }
0x10b: {  	[sflag:s19] =	ssyncset.done $0x0  }
0x10c: {  	[sflag:s19] =	ssyncadd.s32 $0xFFFFEC00  }
0x10d: {  	v1 =	vld [tilespmem:s30+$0x160F0];
	_ =	sdelay $0x7  }
0x10e: {  	[spmem:s3] =	stream.indirect_vreg.scatter.add.f32 [tilespmem:s0], [sflag:$0x4], $0x80, v1, vm0, $0xb8;
	[tilespmem:$0x1FF80] =	vst v63  }
0x10f: {  	v1 =	vld [tilespmem:s30+$0x16100];
	_ =	sdelay $0x7  }
0x110: {  	[spmem:s3] =	stream.indirect_vreg.scatter.add.f32 [tilespmem:s21], [sflag:$0x4], $0x80, v1, vm0, $0xb8;
	[tilespmem:$0x1FF80] =	vst v63  }
0x111: {  	v1 =	vld [tilespmem:s30+$0x16110];
	_ =	sdelay $0x7  }
0x112: {  	[spmem:s3] =	stream.indirect_vreg.scatter.add.f32 [tilespmem:s22], [sflag:$0x4], $0x80, v1, vm0, $0xb8;
	[tilespmem:$0x1FF80] =	vst v63  }
0x113: {  	v1 =	vld [tilespmem:s30+$0x16120];
	_ =	sdelay $0x7  }
0x114: {  	[spmem:s3] =	stream.indirect_vreg.scatter.add.f32 [tilespmem:s23], [sflag:$0x4], $0x80, v1, vm0, $0xb8;
	[tilespmem:$0x1FF80] =	vst v63  }
0x115: {  	v1 =	vld [tilespmem:s30+$0x16130];
	_ =	sdelay $0x2  }
0x116: {  	p5 =	sne.s32 s7, $0x9240  }
.Ltmp6:
0x117: {  	_ = 	snop;
	(pc) =	sbr.rel @p5 .LBB2_10-.Ltmp6, $3  }
0x118: {  	_ =	sdelay $0x1  }
0x119: {  	s7 =	sadd.s32 $0x3C0, s7;
	s24 =	sadd.s32 $0xF0, s24  }
0x11a: {  	[spmem:s3] =	stream.indirect_vreg.scatter.add.f32 [tilespmem:s29], [sflag:$0x4], $0x80, v1, vm0, $0xb8;
	[tilespmem:$0x1FF80] =	vst v63  }
0x11b: {  	_ =	swait.ge [sflag:s8], $0x800  }
0x11c: {  	[sflag:s8] =	ssyncset.done $0x0  }
0x11d: {  	[sflag:s8] =	ssyncadd.s32 $0xFFFFF800  }
0x11e: {  	_ =	swait.ge [sflag:s8], $0x800  }
0x11f: {  	[sflag:s8] =	ssyncset.done $0x0  }
0x120: {  	[sflag:s8] =	ssyncadd.s32 $0xFFFFF800  }
0x121: {  	_ =	swait.ge [sflag:s8], $0x800  }
0x122: {  	[sflag:s8] =	ssyncset.done $0x0  }
0x123: {  	[sflag:s8] =	ssyncadd.s32 $0xFFFFF800  }
0x124: {  	_ =	swait.ge [sflag:s8], $0x800  }
0x125: {  	[sflag:s8] =	ssyncset.done $0x0  }
0x126: {  	[sflag:s8] =	ssyncadd.s32 $0xFFFFF800  }
0x127: {  	_ =	swait.ge [sflag:s8], $0x800  }
0x128: {  	[sflag:s8] =	ssyncset.done $0x0  }
0x129: {  	s7 =	simm.s32 $0x15EF0;
	[sflag:s8] =	ssyncadd.s32 $0xFFFFF800  }
0x12a: {  	[tilespmem:s0], [sflag:$0x1] =	stream.indirect.gather [hbm4b:s1+s31], $0x80, s7, s31, $0xb8;
	[tilespmem:$0x1FF80] =	vst v63  }
0x12b: {  	s24 =	simm.s32 $0x15F18  }
0x12c: {  	[tilespmem:s9], [sflag:$0x1] =	stream.indirect.gather [hbm4b:s1+s31], $0x80, s24, s31, $0xb8;
	[tilespmem:$0x1FF80] =	vst v63  }
0x12d: {  	_ =	swait.ge [sflag:s10], $0x1400  }
0x12e: {  	[sflag:s10] =	ssyncset.done $0x0  }
0x12f: {  	[sflag:s10] =	ssyncadd.s32 $0xFFFFEC00  }
0x130: {  	_ =	swait.ge [sflag:s10], $0x1400  }
0x131: {  	[sflag:s10] =	ssyncset.done $0x0  }
0x132: {  	[sflag:s10] =	ssyncadd.s32 $0xFFFFEC00  }
0x133: {  	v1 =	vld [tilespmem:$0x185D0];
	_ =	sdelay $0x7  }
0x134: {  	[spmem:s3] =	stream.indirect_vreg.scatter.add.f32 [tilespmem:s11], [sflag:$0x5], $0x80, v1, vm0, $0xb8;
	[tilespmem:$0x1FF80] =	vst v63  }
0x135: {  	v1 =	vld [tilespmem:$0x185E0];
	_ =	sdelay $0x7  }
0x136: {  	[spmem:s3] =	stream.indirect_vreg.scatter.add.f32 [tilespmem:s12], [sflag:$0x5], $0x80, v1, vm0, $0xb8;
	[tilespmem:$0x1FF80] =	vst v63  }
0x137: {  	v1 =	vld [tilespmem:$0x185F0];
	_ =	sdelay $0x7  }
0x138: {  	[spmem:s3] =	stream.indirect_vreg.scatter.add.f32 [tilespmem:s15], [sflag:$0x5], $0x80, v1, vm0, $0xb8;
	[tilespmem:$0x1FF80] =	vst v63  }
0x139: {  	v1 =	vld [tilespmem:$0x18600];
	_ =	sdelay $0x7  }
0x13a: {  	[spmem:s3] =	stream.indirect_vreg.scatter.add.f32 [tilespmem:s17], [sflag:$0x5], $0x80, v1, vm0, $0xb8;
	[tilespmem:$0x1FF80] =	vst v63  }
0x13b: {  	v1 =	vld [tilespmem:$0x18610];
	_ =	sdelay $0x7  }
0x13c: {  	[spmem:s3] =	stream.indirect_vreg.scatter.add.f32 [tilespmem:s26], [sflag:$0x5], $0x80, v1, vm0, $0xb8;
	[tilespmem:$0x1FF80] =	vst v63  }
0x13d: {  	_ =	swait.ge [sflag:s4], $0x800  }
0x13e: {  	[sflag:s4] =	ssyncset.done $0x0  }
0x13f: {  	[sflag:s4] =	ssyncadd.s32 $0xFFFFF800  }
0x140: {  	_ =	swait.ge [sflag:s4], $0x800  }
0x141: {  	[sflag:s4] =	ssyncset.done $0x0  }
0x142: {  	[sflag:s4] =	ssyncadd.s32 $0xFFFFF800  }
0x143: {  	_ =	swait.ge [sflag:s4], $0x800  }
0x144: {  	[sflag:s4] =	ssyncset.done $0x0  }
0x145: {  	[sflag:s4] =	ssyncadd.s32 $0xFFFFF800  }
0x146: {  	_ =	swait.ge [sflag:s4], $0x800  }
0x147: {  	[sflag:s4] =	ssyncset.done $0x0  }
0x148: {  	[sflag:s4] =	ssyncadd.s32 $0xFFFFF800  }
0x149: {  	_ =	swait.ge [sflag:s4], $0x800  }
0x14a: {  	[sflag:s4] =	ssyncset.done $0x0  }
0x14b: {  	s9 =	simm.s32 $0x15F40;
	[sflag:s4] =	ssyncadd.s32 $0xFFFFF800  }
0x14c: {  	[tilespmem:s11], [sflag:$0x2] =	stream.indirect.gather [hbm4b:s1+s31], $0x80, s9, s31, $0xb8;
	[tilespmem:$0x1FF80] =	vst v63  }
0x14d: {  	s13 =	simm.s32 $0x15F68  }
0x14e: {  	[tilespmem:s14], [sflag:$0x2] =	stream.indirect.gather [hbm4b:s1+s31], $0x80, s13, s31, $0xb8;
	[tilespmem:$0x1FF80] =	vst v63  }
0x14f: {  	_ =	swait.ge [sflag:s6], $0x1400  }
0x150: {  	[sflag:s6] =	ssyncset.done $0x0  }
0x151: {  	[sflag:s6] =	ssyncadd.s32 $0xFFFFEC00  }
0x152: {  	_ =	swait.ge [sflag:s6], $0x1400  }
0x153: {  	[sflag:s6] =	ssyncset.done $0x0  }
0x154: {  	[sflag:s6] =	ssyncadd.s32 $0xFFFFEC00  }
0x155: {  	v1 =	vld [tilespmem:$0x18620];
	_ =	sdelay $0x7  }
0x156: {  	[spmem:s3] =	stream.indirect_vreg.scatter.add.f32 [tilespmem:s16], [sflag:$0x6], $0x80, v1, vm0, $0xb8;
	[tilespmem:$0x1FF80] =	vst v63  }
0x157: {  	v1 =	vld [tilespmem:$0x18630];
	_ =	sdelay $0x7  }
0x158: {  	[spmem:s3] =	stream.indirect_vreg.scatter.add.f32 [tilespmem:s5], [sflag:$0x6], $0x80, v1, vm0, $0xb8;
	[tilespmem:$0x1FF80] =	vst v63  }
0x159: {  	v1 =	vld [tilespmem:$0x18640];
	_ =	sdelay $0x7  }
0x15a: {  	[spmem:s3] =	stream.indirect_vreg.scatter.add.f32 [tilespmem:s28], [sflag:$0x6], $0x80, v1, vm0, $0xb8;
	[tilespmem:$0x1FF80] =	vst v63  }
0x15b: {  	v1 =	vld [tilespmem:$0x18650];
	_ =	sdelay $0x7  }
0x15c: {  	[spmem:s3] =	stream.indirect_vreg.scatter.add.f32 [tilespmem:s25], [sflag:$0x6], $0x80, v1, vm0, $0xb8;
	[tilespmem:$0x1FF80] =	vst v63  }
0x15d: {  	v1 =	vld [tilespmem:$0x18660];
	_ =	sdelay $0x7  }
0x15e: {  	[spmem:s3] =	stream.indirect_vreg.scatter.add.f32 [tilespmem:s20], [sflag:$0x6], $0x80, v1, vm0, $0xb8;
	[tilespmem:$0x1FF80] =	vst v63  }
0x15f: {  	_ =	swait.ge [sflag:s19], $0x1400  }
0x160: {  	[sflag:s19] =	ssyncset.done $0x0  }
0x161: {  	[sflag:s19] =	ssyncadd.s32 $0xFFFFEC00  }
0x162: {  	_ =	swait.ge [sflag:s19], $0x1400  }
0x163: {  	[sflag:s19] =	ssyncset.done $0x0  }
0x164: {  	[sflag:s19] =	ssyncadd.s32 $0xFFFFEC00  }
0x165: {  	v1 =	vld [tilespmem:$0x18670];
	_ =	sdelay $0x7  }
0x166: {  	[spmem:s3] =	stream.indirect_vreg.scatter.add.f32 [tilespmem:s0], [sflag:$0x4], $0x80, v1, vm0, $0xb8;
	[tilespmem:$0x1FF80] =	vst v63  }
0x167: {  	v1 =	vld [tilespmem:$0x18680];
	_ =	sdelay $0x7  }
0x168: {  	[spmem:s3] =	stream.indirect_vreg.scatter.add.f32 [tilespmem:s21], [sflag:$0x4], $0x80, v1, vm0, $0xb8;
	[tilespmem:$0x1FF80] =	vst v63  }
0x169: {  	v1 =	vld [tilespmem:$0x18690];
	_ =	sdelay $0x7  }
0x16a: {  	[spmem:s3] =	stream.indirect_vreg.scatter.add.f32 [tilespmem:s22], [sflag:$0x4], $0x80, v1, vm0, $0xb8;
	[tilespmem:$0x1FF80] =	vst v63  }
0x16b: {  	v1 =	vld [tilespmem:$0x186A0];
	_ =	sdelay $0x7  }
0x16c: {  	[spmem:s3] =	stream.indirect_vreg.scatter.add.f32 [tilespmem:s23], [sflag:$0x4], $0x80, v1, vm0, $0xb8;
	[tilespmem:$0x1FF80] =	vst v63  }
0x16d: {  	v1 =	vld [tilespmem:$0x186B0];
	_ =	sdelay $0x7  }
0x16e: {  	[spmem:s3] =	stream.indirect_vreg.scatter.add.f32 [tilespmem:s29], [sflag:$0x4], $0x80, v1, vm0, $0xb8;
	[tilespmem:$0x1FF80] =	vst v63  }
0x16f: {  	_ =	swait.ge [sflag:s10], $0x1400  }
0x170: {  	[sflag:s10] =	ssyncset.done $0x0  }
0x171: {  	[sflag:s10] =	ssyncadd.s32 $0xFFFFEC00  }
0x172: {  	_ =	swait.ge [sflag:s10], $0x1400  }
0x173: {  	[sflag:s10] =	ssyncset.done $0x0  }
0x174: {  	[sflag:s10] =	ssyncadd.s32 $0xFFFFEC00  }
0x175: {  	v1 =	vld [tilespmem:$0x186C0];
	_ =	sdelay $0x7  }
0x176: {  	[spmem:s3] =	stream.indirect_vreg.scatter.add.f32 [tilespmem:s11], [sflag:$0x5], $0x80, v1, vm0, $0xb8;
	[tilespmem:$0x1FF80] =	vst v63  }
0x177: {  	v1 =	vld [tilespmem:$0x186D0];
	_ =	sdelay $0x7  }
0x178: {  	[spmem:s3] =	stream.indirect_vreg.scatter.add.f32 [tilespmem:s12], [sflag:$0x5], $0x80, v1, vm0, $0xb8;
	[tilespmem:$0x1FF80] =	vst v63  }
0x179: {  	v1 =	vld [tilespmem:$0x186E0];
	_ =	sdelay $0x7  }
0x17a: {  	[spmem:s3] =	stream.indirect_vreg.scatter.add.f32 [tilespmem:s15], [sflag:$0x5], $0x80, v1, vm0, $0xb8;
	[tilespmem:$0x1FF80] =	vst v63  }
0x17b: {  	v1 =	vld [tilespmem:$0x186F0];
	_ =	sdelay $0x7  }
0x17c: {  	[spmem:s3] =	stream.indirect_vreg.scatter.add.f32 [tilespmem:s17], [sflag:$0x5], $0x80, v1, vm0, $0xb8;
	[tilespmem:$0x1FF80] =	vst v63  }
0x17d: {  	v1 =	vld [tilespmem:$0x18700];
	_ =	sdelay $0x7  }
0x17e: {  	[spmem:s3] =	stream.indirect_vreg.scatter.add.f32 [tilespmem:s26], [sflag:$0x5], $0x80, v1, vm0, $0xb8;
	[tilespmem:$0x1FF80] =	vst v63  }
0x17f: {  	_ =	swait.ge [sflag:s2], $0x800  }
0x180: {  	[sflag:s2] =	ssyncset.done $0x0  }
0x181: {  	[sflag:s2] =	ssyncadd.s32 $0xFFFFF800  }
0x182: {  	_ =	swait.ge [sflag:s2], $0x800  }
0x183: {  	[sflag:s2] =	ssyncset.done $0x0  }
0x184: {  	[sflag:s2] =	ssyncadd.s32 $0xFFFFF800  }
0x185: {  	_ =	swait.ge [sflag:s2], $0x800  }
0x186: {  	[sflag:s2] =	ssyncset.done $0x0  }
0x187: {  	[sflag:s2] =	ssyncadd.s32 $0xFFFFF800  }
0x188: {  	_ =	swait.ge [sflag:s2], $0x800  }
0x189: {  	[sflag:s2] =	ssyncset.done $0x0  }
0x18a: {  	[sflag:s2] =	ssyncadd.s32 $0xFFFFF800  }
0x18b: {  	_ =	swait.ge [sflag:s2], $0x800  }
0x18c: {  	[sflag:s2] =	ssyncset.done $0x0  }
0x18d: {  	[sflag:s2] =	ssyncadd.s32 $0xFFFFF800  }
0x18e: {  	_ =	swait.ge [sflag:s8], $0x800  }
0x18f: {  	[sflag:s8] =	ssyncset.done $0x0  }
0x190: {  	[sflag:s8] =	ssyncadd.s32 $0xFFFFF800  }
0x191: {  	_ =	swait.ge [sflag:s8], $0x800  }
0x192: {  	[sflag:s8] =	ssyncset.done $0x0  }
0x193: {  	[sflag:s8] =	ssyncadd.s32 $0xFFFFF800  }
0x194: {  	_ =	swait.ge [sflag:s8], $0x800  }
0x195: {  	[sflag:s8] =	ssyncset.done $0x0  }
0x196: {  	[sflag:s8] =	ssyncadd.s32 $0xFFFFF800  }
0x197: {  	_ =	swait.ge [sflag:s8], $0x800  }
0x198: {  	[sflag:s8] =	ssyncset.done $0x0  }
0x199: {  	[sflag:s8] =	ssyncadd.s32 $0xFFFFF800  }
0x19a: {  	_ =	swait.ge [sflag:s8], $0x800  }
0x19b: {  	[sflag:s8] =	ssyncset.done $0x0  }
0x19c: {  	[sflag:s8] =	ssyncadd.s32 $0xFFFFF800  }
0x19d: {  	_ =	swait.ge [sflag:s4], $0x800  }
0x19e: {  	[sflag:s4] =	ssyncset.done $0x0  }
0x19f: {  	[sflag:s4] =	ssyncadd.s32 $0xFFFFF800  }
0x1a0: {  	_ =	swait.ge [sflag:s4], $0x800  }
0x1a1: {  	[sflag:s4] =	ssyncset.done $0x0  }
0x1a2: {  	[sflag:s4] =	ssyncadd.s32 $0xFFFFF800  }
0x1a3: {  	_ =	swait.ge [sflag:s4], $0x800  }
0x1a4: {  	[sflag:s4] =	ssyncset.done $0x0  }
0x1a5: {  	[sflag:s4] =	ssyncadd.s32 $0xFFFFF800  }
0x1a6: {  	_ =	swait.ge [sflag:s4], $0x800  }
0x1a7: {  	[sflag:s4] =	ssyncset.done $0x0  }
0x1a8: {  	[sflag:s4] =	ssyncadd.s32 $0xFFFFF800  }
0x1a9: {  	_ =	swait.ge [sflag:s4], $0x800  }
0x1aa: {  	[sflag:s4] =	ssyncset.done $0x0  }
0x1ab: {  	[sflag:s4] =	ssyncadd.s32 $0xFFFFF800  }
0x1ac: {  	[bflag:$0x0] =	sbarrier.arrive $0xFFFF  }
0x1ad: {  	s13 =	rddreg [dreg:$0x14]  }
0x1ae: {  	s18 =	stileid.u32;
	s9 =	rddreg [dreg:$0x18]  }
0x1af: {  	s7 =	sshll.u32 @!p2 s18, $0x6;
	s24 =	rddreg [dreg:$0x7]  }
0x1b0: {  	s7 =	sor.u32 @!p2 $0x1C09, s7;
	s13 =	sadd.s32 @!p2 s13, s9;
	s24 =	sshrl.u32 @!p2 s24, $0x3  }
0x1b1: {  	[hbm:s13], [sflag:s7] =	dma.local @!p2 [spmem:s24], $0x2780  }
0x1b2: {  	s7 =	simm.s32 @!p2 $0x9  }
0x1b3: {  	_ =	swait.ge @!p2 [sflag:s7], $0x2780  }
0x1b4: {  	[sflag:s7] =	ssyncset.done @!p2 $0x0  }
0x1b5: {  	[sflag:s7] =	ssyncadd.s32 @!p2 $0xFFFFD880;
	s7 =	sshll.u32 @p4 s18, $0x6;
	s18 =	rddreg [dreg:$0xd]  }
0x1b6: {  	s13 =	sadd.s32 @p4 $0x25080, s9;
	s7 =	sor.u32 @p4 $0x1C09, s7;
	s24 =	sshrl.u32 @p4 s18, $0x3  }
0x1b7: {  	[hbm:s13], [sflag:s7] =	dma.local @p4 [spmem:s24], $0x2080  }
0x1b8: {  	s7 =	simm.s32 @p4 $0x9  }
0x1b9: {  	_ =	swait.ge @p4 [sflag:s7], $0x2080  }
0x1ba: {  	s18 =	rddreg [dreg:$0x1b]  }
0x1bb: {  	s24 =	rddreg [dreg:$0x19];
	s13 =	sadd.s32 $0x1, s18  }
0x1bc: {  	p5 =	sne.s32 s13, s24  }
.Ltmp7:
0x1bd: {  	_ = 	snop;
	(pc) =	sbr.rel @p5 .LBB2_1-.Ltmp7, $3  }
0x1be: {  	_ =	sdelay $0x1  }
0x1bf: {  	[sflag:s7] =	ssyncset.done @p4 $0x0  }
0x1c0: {  	s30 =	stileid.u32;
	[sflag:s7] =	ssyncadd.s32 @p4 $0xFFFFDF80;
	s18 =	simm.s32 $0x13880  }
0x1c1: {  	_ =	sfence.sel $0x180000  }
0x1c2: {  	[bflag:$0x0] =	sbarrier.arrive $0xFFFF  }
0x1c3: {  	_ =	strace $0x90000047  }
0x1c4: {  	[bflag:$0x2] =	sbarrier.arrive $0xFFFF  }
0x1c5: {  	p0 =	sne.s32 s30, $0x0;
	s0 =	rddreg [dreg:$0x4]  }
0x1c6: {  	s0 =	sadd.s32 @!p0 $0x100000, s0  }
0x1c7: {  	[sflag:s0] =	ssyncadd.tile.s32 @!p0 $0x1;
	_ =	shalt  }
.Lfunc_end2:
_tile_overlayer_lowered:
.L_overlay_start_2:
0x1c8: {  	(tag) =	ssettag $0x2  }
0x1c9: {  	s0 =	rddreg [dreg:$0x0];
	s2 =	stileid.u32  }
0x1ca: {  	s1 =	rddreg [dreg:$0x1];
	p0 =	sne.s32 s2, $0x0  }
0x1cb: {  	s3 =	rddreg [dreg:$0x2];
	[bflag:$0x3] =	sbarrier.arrive $0xFFFF;
	s2 =	simm.s32 @!p0 $0x1C09  }
0x1cc: {  	[timem:s3], [sflag:s2] =	dma.local @!p0 [hbm:s0], s1  }
0x1cd: {  	s0 =	simm.s32 @!p0 $0x9  }
0x1ce: {  	_ =	swait.ge @!p0 [sflag:s0], s1  }
0x1cf: {  	s1 =	ssub.s32 @!p0 $0x0, s1;
	[sflag:s0] =	ssyncset.done @!p0 $0x0  }
0x1d0: {  	[sflag:s0] =	ssyncadd.s32 @!p0 s1  }
0x1d1: {  	[bflag:$0x3] =	sbarrier.arrive $0xFFFF  }
0x1d2: {  	_ =	shalt  }

</sc_bundles>
